<compile_context>
chip_gen: v7x
topology: tpu7x:2x2x1
jax: 0.10.2.dev20260603
libtpu: 0.0.44.dev20260713+nightly
codegen_flags: <defaults>
</compile_context>

<pallas_src>
import functools

import jax
import jax.numpy as jnp
from jax import lax
from jax.experimental import pallas as pl
from jax.experimental.pallas import tpu as pltpu
from jax.experimental.pallas import tpu_sc as plsc


def _mm_body(rp, d_out, x_ref, w_ref, b_ref, o_ref):
    res = jnp.dot(x_ref[...], w_ref[...], preferred_element_type=jnp.float32)
    for k in range(rp):
        o_ref[k] = res[:, k * d_out:(k + 1) * d_out] + b_ref[k, 0][None, :]


def kernel(x, edge_index, etypes, history_map, history_buffer, history_size, W, loop_w, b):
    N, D_IN = x.shape
    R = W.shape[0]
    E = etypes.shape[0]
    H, D_OUT = history_buffer.shape
    RP = R + 1

    NC, NS = 2, 16
    CH = 128
    NBUF = 2
    TM = 2000
    NLOC = N // NC
    NACC = NLOC + 8
    TRASH = NLOC
    MT = 5120

    src = edge_index[0]
    dst = edge_index[1]

    Wflat = jnp.transpose(
        jnp.concatenate([W, loop_w[None]], axis=0), (1, 0, 2)
    ).reshape(D_IN, RP * D_OUT)
    bias3 = jnp.zeros((RP, 1, D_OUT), jnp.float32).at[R, 0].set(b)
    xw = pl.pallas_call(
        functools.partial(_mm_body, RP, D_OUT),
        grid=(N // TM,),
        in_specs=[
            pl.BlockSpec((TM, D_IN), lambda i: (i, 0)),
            pl.BlockSpec((D_IN, RP * D_OUT), lambda i: (0, 0)),
            pl.BlockSpec((RP, 1, D_OUT), lambda i: (0, 0, 0)),
        ],
        out_specs=pl.BlockSpec((RP, TM, D_OUT), lambda i: (0, i, 0)),
        out_shape=jax.ShapeDtypeStruct((RP, N, D_OUT), jnp.float32),
    )(x, Wflat, bias3)
    xw_flat = xw.reshape((RP * N, D_OUT))

    nch = -(-(-(-E // (NS * CH))) // NBUF) * NBUF
    ncw = nch * CH
    Epad = ncw * NS
    pad = Epad - E
    gidx = etypes * N + src
    gidx_p = jnp.concatenate([gidx, jnp.zeros((pad,), jnp.int32)]).reshape(NS, ncw)
    dst_p = jnp.concatenate([dst, jnp.full((pad,), -1, jnp.int32)]).reshape(NS, ncw)
    hm_eff = jnp.where(history_size != 0, history_map, -1)
    mp_pad = jnp.concatenate(
        [hm_eff, jnp.full((NLOC + MT - N,), -1, jnp.int32)])
    ZCH = 320
    ZST = 312
    zeros_blk = jnp.zeros((ZCH, D_OUT), jnp.float32)
    G16 = ncw // 16
    HB = 448

    mesh = plsc.VectorSubcoreMesh(
        core_axis_name="c", subcore_axis_name="s", num_cores=NC, num_subcores=NS
    )

    @functools.partial(
        pl.kernel,
        out_type=jax.ShapeDtypeStruct((N, D_OUT), jnp.float32),
        mesh=mesh,
        compiler_params=pltpu.CompilerParams(needs_layout_passes=False),
        scratch_types=[
            pltpu.VMEM((ncw + CH,), jnp.int32),
            pltpu.VMEM((ncw + CH,), jnp.int32),
            pltpu.VMEM((MT,), jnp.int32),
            pltpu.VMEM((NBUF, CH), jnp.int32),
            pltpu.VMEM((NBUF, CH, D_OUT), jnp.float32),
            pltpu.VMEM((HB,), jnp.int32),
            pltpu.VMEM((HB,), jnp.int32),
            pltpu.VMEM_SHARED((NACC, D_OUT), jnp.float32),
            pltpu.SemaphoreType.DMA,
            pltpu.SemaphoreType.DMA,
            pltpu.SemaphoreType.DMA,
        ]
        + [pltpu.SemaphoreType.DMA] * (2 * NBUF),
    )
    def edge_agg(xw_hbm, gidx_hbm, dst_hbm, mp_hbm, z_hbm, hist_hbm, out_hbm,
                 gi_v, di_v, map_v, dstg_v, rows_v, hi_v, ho_v, acc_sh,
                 si0, si1, si2, *sems):
        sg = sems[:NBUF]
        ss = sems[NBUF:]
        c = lax.axis_index("c")
        s = lax.axis_index("s")
        lo = c * NLOC
        cp0 = pltpu.async_copy(gidx_hbm.at[s], gi_v.at[pl.ds(0, ncw)], si0)
        cp1 = pltpu.async_copy(dst_hbm.at[s], di_v.at[pl.ds(0, ncw)], si1)
        cp2 = pltpu.async_copy(mp_hbm.at[pl.ds(lo, MT)], map_v, si2)
        zbase = ZST * s
        pltpu.sync_copy(z_hbm, acc_sh.at[pl.ds(zbase, ZCH)])
        cp0.wait()
        cp1.wait()
        cp2.wait()

        def comp(g, off):
            d = di_v[pl.ds(g * 16, 16)]
            gx = gi_v[pl.ds(g * 16, 16)]
            dl = d - lo
            inr = (dl >= 0) & (dl < NLOC)
            dls = jnp.where(inr, dl, 0)
            hv = plsc.load_gather(map_v, [dls])
            keep = inr & (hv == -1)
            plsc.store_compressed(di_v.at[pl.ds(off, 16)], dl, mask=keep)
            plsc.store_compressed(gi_v.at[pl.ds(off, 16)], gx, mask=keep)
            return off + jnp.sum(keep.astype(jnp.int32))

        off = lax.fori_loop(0, G16, comp, jnp.int32(0))
        for k in range(CH // 16):
            gi_v[pl.ds(off + k * 16, 16)] = jnp.zeros((16,), jnp.int32)
            di_v[pl.ds(off + k * 16, 16)] = jnp.full((16,), TRASH, jnp.int32)
        ncc = (off + CH - 1) // CH
        plsc.subcore_barrier()

        def fire_gather(j, bslot):
            pltpu.async_copy(xw_hbm.at[gi_v.at[pl.ds(j * CH, CH)]],
                             rows_v.at[bslot], sg[bslot])

        def fire_scatter(j, bslot):
            for k in range(CH // 16):
                dstg_v[bslot, pl.ds(k * 16, 16)] = di_v[pl.ds(j * CH + k * 16, 16)]
            pltpu.async_copy(rows_v.at[bslot], acc_sh.at[dstg_v.at[bslot]],
                             ss[bslot], add=True)

        def wait_g(bslot):
            pltpu.make_async_copy(xw_hbm.at[pl.ds(0, CH)], rows_v.at[bslot],
                                  sg[bslot]).wait()

        def wait_s(bslot):
            pltpu.make_async_copy(xw_hbm.at[pl.ds(0, CH)], rows_v.at[bslot],
                                  ss[bslot]).wait()

        for bslot in range(NBUF):
            @pl.when(bslot < ncc)
            def _(bslot=bslot):
                fire_gather(bslot, bslot)

        def body(blk, carry):
            for bslot in range(NBUF):
                j = (blk - 1) * NBUF + bslot

                @pl.when(j < ncc)
                def _(j=j, bslot=bslot):
                    wait_g(bslot)
                    fire_scatter(j, bslot)
            for bslot in range(NBUF):
                j = blk * NBUF + bslot

                @pl.when(j < ncc)
                def _(j=j, bslot=bslot):
                    wait_s(bslot)
                    fire_gather(j, bslot)
            return carry

        nb = (ncc + NBUF - 1) // NBUF
        lax.fori_loop(1, nb, body, jnp.int32(0))
        base = (nb - 1) * NBUF
        for bslot in range(NBUF):
            j = base + bslot

            @pl.when((j >= 0) & (j < ncc))
            def _(j=j, bslot=bslot):
                wait_g(bslot)
                fire_scatter(j, bslot)
        for bslot in range(NBUF):
            j = base + bslot

            @pl.when((j >= 0) & (j < ncc))
            def _(j=j, bslot=bslot):
                wait_s(bslot)
        plsc.subcore_barrier()

        g0 = lo + zbase
        for q in range(ZCH // 80):
            pltpu.sync_copy(acc_sh.at[pl.ds(zbase + 80 * q, 80)],
                            rows_v.at[0, pl.ds(0, 80)])
            pltpu.sync_copy(xw_hbm.at[pl.ds(R * N + g0 + 80 * q, 80)],
                            rows_v.at[1, pl.ds(0, 80)])

            def addrow(i, carry):
                for l in range(D_OUT // 16):
                    rows_v[0, i, pl.ds(l * 16, 16)] = (
                        rows_v[0, i, pl.ds(l * 16, 16)]
                        + rows_v[1, i, pl.ds(l * 16, 16)]
                    )
                return carry

            lax.fori_loop(0, 80, addrow, jnp.int32(0))
            pltpu.sync_copy(rows_v.at[0, pl.ds(0, 80)],
                            out_hbm.at[pl.ds(g0 + 80 * q, 80)])
        plsc.subcore_barrier()

        def hcomp(g, cnt):
            m = map_v[pl.ds(zbase + g * 16, 16)]
            rowv = g0 + g * 16 + lax.iota(jnp.int32, 16)
            vm = m != -1
            plsc.store_compressed(hi_v.at[pl.ds(cnt, 16)], m, mask=vm)
            plsc.store_compressed(ho_v.at[pl.ds(cnt, 16)], rowv, mask=vm)
            return cnt + jnp.sum(vm.astype(jnp.int32))

        cnt = lax.fori_loop(0, ZCH // 16, hcomp, jnp.int32(0))

        @pl.when(cnt > 0)
        def _():
            lasth = hi_v[pl.ds(cnt - 1, 16)][0]
            lasto = ho_v[pl.ds(cnt - 1, 16)][0]
            for k in range(CH // 16):
                hi_v[pl.ds(cnt + k * 16, 16)] = jnp.full((16,), 0, jnp.int32) + lasth
                ho_v[pl.ds(cnt + k * 16, 16)] = jnp.full((16,), 0, jnp.int32) + lasto

            def hbody(j, carry):
                cph = pltpu.async_copy(
                    hist_hbm.at[hi_v.at[pl.ds(j * CH, CH)]], rows_v.at[0], sg[0])
                cph.wait()
                for k in range(CH // 16):
                    dstg_v[0, pl.ds(k * 16, 16)] = ho_v[pl.ds(j * CH + k * 16, 16)]
                pltpu.async_copy(rows_v.at[0], out_hbm.at[dstg_v.at[0]],
                                 ss[0]).wait()
                return carry

            nhc = (cnt + CH - 1) // CH
            lax.fori_loop(0, nhc, hbody, jnp.int32(0))

    out = edge_agg(xw_flat, gidx_p, dst_p, mp_pad, zeros_blk, history_buffer)
    return (out, out)

# --- scband reference (transcript-rebuilt; emitter-appended) ---
"""Pipeline reference for scband-dglrgcnhistory-39522289058162 (READ-ONLY COPY).

The authoritative reference and input builder live on the scoring server;
editing this copy changes nothing except your own understanding.
"""

import jax, jax.numpy as jnp
import numpy as np

N = 10000
E = 320000
D_IN = 128
D_OUT = 128
R = 8
H = 5000


def setup_inputs(seed: int = 0) -> dict:
    key = jax.random.key(seed)
    ks = jax.random.split(key, 9)
    x = jax.random.normal(ks[0], (N, D_IN), dtype=jnp.float32)
    edge_index = jax.random.randint(ks[1], (2, E), 0, N)
    etypes = jax.random.randint(ks[2], (E,), 0, R)
    raw = jax.random.randint(ks[3], (N,), 0, 2 * H)
    history_map = jnp.where(raw < H, raw, -1)  # ~50% valid, rest -1 (no history)
    history_buffer = jax.random.normal(ks[4], (H, D_OUT), dtype=jnp.float32)
    # RelGraphConv parameters (regularizer=None): per-relation weight, self-loop weight, bias
    W = jax.random.normal(ks[5], (R, D_IN, D_OUT), dtype=jnp.float32) / np.sqrt(D_IN)
    loop_w = jax.random.normal(ks[6], (D_IN, D_OUT), dtype=jnp.float32) / np.sqrt(D_IN)
    b = jnp.zeros((D_OUT,), dtype=jnp.float32)
    return {
        "x": x,
        "edge_index": edge_index,
        "etypes": etypes,
        "history_map": history_map,
        "history_buffer": history_buffer,
        "history_size": 1,
        "W": W,
        "loop_w": loop_w,
        "b": b,
    }


def reference(x, edge_index, etypes, history_map, history_buffer, history_size, W, loop_w, b):
    src = edge_index[0]
    dst = edge_index[1]
    # RelGraphConv (low-mem formulation): transform x by every relation weight,
    # then gather the (etype, src) row per edge. Mathematically identical to
    # per-edge msg = x[src] @ W[etype].
    xW = jnp.einsum("ni,rio->rno", x, W)          # [R, N, D_OUT]
    msg = xW[etypes, src]                          # [E, D_OUT] gather
    agg = jax.ops.segment_sum(msg, dst, num_segments=x.shape[0])  # scatter-add
    out = agg + x @ loop_w + b                     # self-loop + bias
    his = out
    # overwrite rows that have a cached history entry
    valid = (history_map != -1) & (history_size != 0)
    safe_idx = jnp.where(history_map != -1, history_map, 0)
    out = jnp.where(valid[:, None], history_buffer[safe_idx], out)
    # torch version mutates in place so `his` aliases the mutated output
    return (out, out)

if __name__ == "__main__":
    import jax
    _d = setup_inputs()
    print(jax.jit(kernel)(*tuple(_d.values())))

</pallas_src>

<mosaic_0001>
#map = affine_map<(d0, d1) -> (0, 0)>
#map1 = affine_map<(d0, d1) -> (0)>
module attributes {stable_mosaic.version = 14 : i64} {
  func.func @edge_agg(%arg0: i32, %arg1: i32, %arg2: memref<90000x128xf32, #tpu.memory_space<hbm>>, %arg3: memref<16x20224xi32, #tpu.memory_space<hbm>>, %arg4: memref<16x20224xi32, #tpu.memory_space<hbm>>, %arg5: memref<10120xi32, #tpu.memory_space<hbm>>, %arg6: memref<320x128xf32, #tpu.memory_space<hbm>>, %arg7: memref<5000x128xf32, #tpu.memory_space<hbm>>, %arg8: memref<10000x128xf32, #tpu.memory_space<hbm>>, %arg9: memref<20352xi32, #tpu.memory_space<vmem>>, %arg10: memref<20352xi32, #tpu.memory_space<vmem>>, %arg11: memref<5120xi32, #tpu.memory_space<vmem>>, %arg12: memref<2x128xi32, #tpu.memory_space<vmem>>, %arg13: memref<2x128x128xf32, #tpu.memory_space<vmem>>, %arg14: memref<448xi32, #tpu.memory_space<vmem>>, %arg15: memref<448xi32, #tpu.memory_space<vmem>>, %arg16: memref<5008x128xf32, #tpu.memory_space<vmem_shared>>, %arg17: memref<!tpu.dma_semaphore, #tpu.memory_space<semaphore_mem>>, %arg18: memref<!tpu.dma_semaphore, #tpu.memory_space<semaphore_mem>>, %arg19: memref<!tpu.dma_semaphore, #tpu.memory_space<semaphore_mem>>, %arg20: memref<!tpu.dma_semaphore, #tpu.memory_space<semaphore_mem>>, %arg21: memref<!tpu.dma_semaphore, #tpu.memory_space<semaphore_mem>>, %arg22: memref<!tpu.dma_semaphore, #tpu.memory_space<semaphore_mem>>, %arg23: memref<!tpu.dma_semaphore, #tpu.memory_space<semaphore_mem>>) attributes {dimension_semantics = [#tpu.dimension_semantics<core_parallel>, #tpu.dimension_semantics<subcore_parallel>], iteration_bounds = array<i64: 2, 16>, scalar_prefetch = 0 : i64, scratch_operands = 15 : i64, tpu.core_type = #tpu.core_type<sc_vector_subcore>, window_params = [{transform_indices = #map}, {transform_indices = #map}, {transform_indices = #map}, {transform_indices = #map1}, {transform_indices = #map}, {transform_indices = #map}, {transform_indices = #map}]} {
    %mul3A = arith.constant 5000 : i32
    %mul3A_0 = arith.muli %arg0, %mul3A : i32
    %dma_start3A = arith.constant 0 : i32
    %dma_start3A_1 = tpu.memref_slice %arg9[%dma_start3A] : memref<20352xi32, #tpu.memory_space<vmem>> -> memref<20224xi32, #tpu.memory_space<vmem>>
    %dma_start3A_2 = arith.constant 0 : i32
    %dma_start3A_3 = tpu.memref_slice %arg3[%arg1, %dma_start3A_2] : memref<16x20224xi32, #tpu.memory_space<hbm>> -> memref<1x20224xi32, #tpu.memory_space<hbm>>
    %dma_start3A_4 = tpu.memref_squeeze %dma_start3A_3 : memref<1x20224xi32, #tpu.memory_space<hbm>> -> memref<20224xi32, #tpu.memory_space<hbm>>
    %dma_start3A_5 = arith.constant 0 : i32
    %dma_start3A_6 = tpu.memref_slice %arg9[%dma_start3A_5] : memref<20352xi32, #tpu.memory_space<vmem>> -> memref<20224xi32, #tpu.memory_space<vmem>>
    %dma_start3A_7 = arith.constant 0 : i32
    %dma_start3A_8 = tpu.memref_slice %arg3[%arg1, %dma_start3A_7] : memref<16x20224xi32, #tpu.memory_space<hbm>> -> memref<1x20224xi32, #tpu.memory_space<hbm>>
    %dma_start3A_9 = tpu.memref_squeeze %dma_start3A_8 : memref<1x20224xi32, #tpu.memory_space<hbm>> -> memref<20224xi32, #tpu.memory_space<hbm>>
    tpu.enqueue_dma source(%dma_start3A_9 : memref<20224xi32, #tpu.memory_space<hbm>>) target(%dma_start3A_6 : memref<20224xi32, #tpu.memory_space<vmem>>) target_semaphore(%arg17 : memref<!tpu.dma_semaphore, #tpu.memory_space<semaphore_mem>>)
    %dma_start3A_10 = arith.constant 0 : i32
    %dma_start3A_11 = tpu.memref_slice %arg10[%dma_start3A_10] : memref<20352xi32, #tpu.memory_space<vmem>> -> memref<20224xi32, #tpu.memory_space<vmem>>
    %dma_start3A_12 = arith.constant 0 : i32
    %dma_start3A_13 = tpu.memref_slice %arg4[%arg1, %dma_start3A_12] : memref<16x20224xi32, #tpu.memory_space<hbm>> -> memref<1x20224xi32, #tpu.memory_space<hbm>>
    %dma_start3A_14 = tpu.memref_squeeze %dma_start3A_13 : memref<1x20224xi32, #tpu.memory_space<hbm>> -> memref<20224xi32, #tpu.memory_space<hbm>>
    %dma_start3A_15 = arith.constant 0 : i32
    %dma_start3A_16 = tpu.memref_slice %arg10[%dma_start3A_15] : memref<20352xi32, #tpu.memory_space<vmem>> -> memref<20224xi32, #tpu.memory_space<vmem>>
    %dma_start3A_17 = arith.constant 0 : i32
    %dma_start3A_18 = tpu.memref_slice %arg4[%arg1, %dma_start3A_17] : memref<16x20224xi32, #tpu.memory_space<hbm>> -> memref<1x20224xi32, #tpu.memory_space<hbm>>
    %dma_start3A_19 = tpu.memref_squeeze %dma_start3A_18 : memref<1x20224xi32, #tpu.memory_space<hbm>> -> memref<20224xi32, #tpu.memory_space<hbm>>
    tpu.enqueue_dma source(%dma_start3A_19 : memref<20224xi32, #tpu.memory_space<hbm>>) target(%dma_start3A_16 : memref<20224xi32, #tpu.memory_space<vmem>>) target_semaphore(%arg18 : memref<!tpu.dma_semaphore, #tpu.memory_space<semaphore_mem>>)
    %dma_start3A_20 = tpu.memref_slice %arg5[%mul3A_0] : memref<10120xi32, #tpu.memory_space<hbm>> -> memref<5120xi32, #tpu.memory_space<hbm>>
    %dma_start3A_21 = tpu.memref_slice %arg5[%mul3A_0] : memref<10120xi32, #tpu.memory_space<hbm>> -> memref<5120xi32, #tpu.memory_space<hbm>>
    tpu.enqueue_dma source(%dma_start3A_21 : memref<5120xi32, #tpu.memory_space<hbm>>) target(%arg11 : memref<5120xi32, #tpu.memory_space<vmem>>) target_semaphore(%arg19 : memref<!tpu.dma_semaphore, #tpu.memory_space<semaphore_mem>>)
    %mul3A_22 = arith.constant 312 : i32
    %mul3A_23 = arith.muli %mul3A_22, %arg1 : i32
    "tpu.region"() ({
      %run_scoped3A_328 = tpu.sem_alloc : memref<!tpu.dma_semaphore, #tpu.memory_space<semaphore_mem>>
      %dma_start3A_329 = arith.constant 0 : i32
      %dma_start3A_330 = tpu.memref_slice %arg16[%mul3A_23, %dma_start3A_329] : memref<5008x128xf32, #tpu.memory_space<vmem_shared>> -> memref<320x128xf32, #tpu.memory_space<vmem_shared>>
      tpu.enqueue_dma source(%arg6 : memref<320x128xf32, #tpu.memory_space<hbm>>) target(%dma_start3A_330 : memref<320x128xf32, #tpu.memory_space<vmem_shared>>) target_semaphore(%run_scoped3A_328 : memref<!tpu.dma_semaphore, #tpu.memory_space<semaphore_mem>>)
      %dma_wait3A_331 = arith.constant 0 : i32
      %dma_wait3A_332 = tpu.memref_slice %arg16[%mul3A_23, %dma_wait3A_331] : memref<5008x128xf32, #tpu.memory_space<vmem_shared>> -> memref<320x128xf32, #tpu.memory_space<vmem_shared>>
      tpu.wait_dma2 semaphore(%run_scoped3A_328 : memref<!tpu.dma_semaphore, #tpu.memory_space<semaphore_mem>>) src(%arg6 : memref<320x128xf32, #tpu.memory_space<hbm>>) dst(%dma_wait3A_332 : memref<320x128xf32, #tpu.memory_space<vmem_shared>>)
      tpu.yield
    }) : () -> ()
    %dma_wait3A = arith.constant 0 : i32
    %dma_wait3A_24 = tpu.memref_slice %arg9[%dma_wait3A] : memref<20352xi32, #tpu.memory_space<vmem>> -> memref<20224xi32, #tpu.memory_space<vmem>>
    %dma_wait3A_25 = arith.constant 0 : i32
    %dma_wait3A_26 = tpu.memref_slice %arg3[%arg1, %dma_wait3A_25] : memref<16x20224xi32, #tpu.memory_space<hbm>> -> memref<1x20224xi32, #tpu.memory_space<hbm>>
    %dma_wait3A_27 = tpu.memref_squeeze %dma_wait3A_26 : memref<1x20224xi32, #tpu.memory_space<hbm>> -> memref<20224xi32, #tpu.memory_space<hbm>>
    %dma_wait3A_28 = arith.constant 0 : i32
    %dma_wait3A_29 = tpu.memref_slice %arg9[%dma_wait3A_28] : memref<20352xi32, #tpu.memory_space<vmem>> -> memref<20224xi32, #tpu.memory_space<vmem>>
    %dma_wait3A_30 = arith.constant 0 : i32
    %dma_wait3A_31 = tpu.memref_slice %arg3[%arg1, %dma_wait3A_30] : memref<16x20224xi32, #tpu.memory_space<hbm>> -> memref<1x20224xi32, #tpu.memory_space<hbm>>
    %dma_wait3A_32 = tpu.memref_squeeze %dma_wait3A_31 : memref<1x20224xi32, #tpu.memory_space<hbm>> -> memref<20224xi32, #tpu.memory_space<hbm>>
    tpu.wait_dma2 semaphore(%arg17 : memref<!tpu.dma_semaphore, #tpu.memory_space<semaphore_mem>>) src(%dma_wait3A_32 : memref<20224xi32, #tpu.memory_space<hbm>>) dst(%dma_wait3A_29 : memref<20224xi32, #tpu.memory_space<vmem>>)
    %dma_wait3A_33 = arith.constant 0 : i32
    %dma_wait3A_34 = tpu.memref_slice %arg10[%dma_wait3A_33] : memref<20352xi32, #tpu.memory_space<vmem>> -> memref<20224xi32, #tpu.memory_space<vmem>>
    %dma_wait3A_35 = arith.constant 0 : i32
    %dma_wait3A_36 = tpu.memref_slice %arg4[%arg1, %dma_wait3A_35] : memref<16x20224xi32, #tpu.memory_space<hbm>> -> memref<1x20224xi32, #tpu.memory_space<hbm>>
    %dma_wait3A_37 = tpu.memref_squeeze %dma_wait3A_36 : memref<1x20224xi32, #tpu.memory_space<hbm>> -> memref<20224xi32, #tpu.memory_space<hbm>>
    %dma_wait3A_38 = arith.constant 0 : i32
    %dma_wait3A_39 = tpu.memref_slice %arg10[%dma_wait3A_38] : memref<20352xi32, #tpu.memory_space<vmem>> -> memref<20224xi32, #tpu.memory_space<vmem>>
    %dma_wait3A_40 = arith.constant 0 : i32
    %dma_wait3A_41 = tpu.memref_slice %arg4[%arg1, %dma_wait3A_40] : memref<16x20224xi32, #tpu.memory_space<hbm>> -> memref<1x20224xi32, #tpu.memory_space<hbm>>
    %dma_wait3A_42 = tpu.memref_squeeze %dma_wait3A_41 : memref<1x20224xi32, #tpu.memory_space<hbm>> -> memref<20224xi32, #tpu.memory_space<hbm>>
    tpu.wait_dma2 semaphore(%arg18 : memref<!tpu.dma_semaphore, #tpu.memory_space<semaphore_mem>>) src(%dma_wait3A_42 : memref<20224xi32, #tpu.memory_space<hbm>>) dst(%dma_wait3A_39 : memref<20224xi32, #tpu.memory_space<vmem>>)
    %dma_wait3A_43 = tpu.memref_slice %arg5[%mul3A_0] : memref<10120xi32, #tpu.memory_space<hbm>> -> memref<5120xi32, #tpu.memory_space<hbm>>
    %dma_wait3A_44 = tpu.memref_slice %arg5[%mul3A_0] : memref<10120xi32, #tpu.memory_space<hbm>> -> memref<5120xi32, #tpu.memory_space<hbm>>
    tpu.wait_dma2 semaphore(%arg19 : memref<!tpu.dma_semaphore, #tpu.memory_space<semaphore_mem>>) src(%dma_wait3A_44 : memref<5120xi32, #tpu.memory_space<hbm>>) dst(%arg11 : memref<5120xi32, #tpu.memory_space<vmem>>)
    %scan3A = arith.constant 0 : i32
    %scan3A_45 = arith.constant 0 : i32
    %scan3A_46 = arith.constant 1264 : i32
    %scan3A_47 = arith.addi %scan3A_45, %scan3A_46 : i32
    %scan3A_48 = arith.constant 1 : i32
    %scan3A_49 = scf.for %scan3A_328 = %scan3A_45 to %scan3A_47 step %scan3A_48 iter_args(%scan3A_329 = %scan3A) -> (i32)  : i32 {
      %mul3A_330 = arith.constant 16 : i32
      %mul3A_331 = arith.muli %scan3A_328, %mul3A_330 : i32
      %get3A = arith.index_cast %mul3A_331 : i32 to index
      %get3A_332 = tpu.vector_load %arg10[%get3A] {strides = array<i32>} : memref<20352xi32, #tpu.memory_space<vmem>>, vector<16xi32>,
      %mul3A_333 = arith.constant 16 : i32
      %mul3A_334 = arith.muli %scan3A_328, %mul3A_333 : i32
      %get3A_335 = arith.index_cast %mul3A_334 : i32 to index
      %get3A_336 = tpu.vector_load %arg9[%get3A_335] {strides = array<i32>} : memref<20352xi32, #tpu.memory_space<vmem>>, vector<16xi32>,
      %sub3A_337 = vector.broadcast %mul3A_0 : i32 to vector<16xi32>
      %sub3A_338 = arith.subi %get3A_332, %sub3A_337 : vector<16xi32>
      %ge3A_339 = arith.constant 0 : i32
      %ge3A_340 = vector.broadcast %ge3A_339 : i32 to vector<16xi32>
      %ge3A_341 = arith.cmpi sge, %sub3A_338, %ge3A_340 : vector<16xi32>
      %lt3A_342 = arith.constant 5000 : i32
      %lt3A_343 = vector.broadcast %lt3A_342 : i32 to vector<16xi32>
      %lt3A_344 = arith.cmpi slt, %sub3A_338, %lt3A_343 : vector<16xi32>
      %and3A_345 = arith.andi %ge3A_341, %lt3A_344 : vector<16xi1>
      %jit3A_346 = arith.constant 0 : i32
      %broadcast_in_dim3A_347 = vector.broadcast %jit3A_346 : i32 to vector<16xi32>
      %select_n3A_348 = arith.select %and3A_345, %sub3A_338, %broadcast_in_dim3A_347 : vector<16xi1>, vector<16xi32>
      %gather3A = tpu.vector_load_idx %arg11[%select_n3A_348] : memref<5120xi32, #tpu.memory_space<vmem>>[vector<16xi32>], vector<16xi32>,
      %eq3A = arith.constant -1 : i32
      %eq3A_349 = vector.broadcast %eq3A : i32 to vector<16xi32>
      %eq3A_350 = arith.cmpi eq, %gather3A, %eq3A_349 : vector<16xi32>
      %and3A_351 = arith.andi %and3A_345, %eq3A_350 : vector<16xi1>
      %swap3A_352 = arith.index_cast %scan3A_329 : i32 to index
      %swap3A_353 = tpu.vector_load %arg10[%swap3A_352] masked %and3A_351 {strides = array<i32>} : memref<20352xi32, #tpu.memory_space<vmem>>, vector<16xi32>, vector<16xi1>
      tpu.vector_store %arg10[%swap3A_352], %sub3A_338 masked %and3A_351 {strides = array<i32>} : memref<20352xi32, #tpu.memory_space<vmem>>, vector<16xi32>, vector<16xi1>
      %swap3A_354 = arith.index_cast %scan3A_329 : i32 to index
      %swap3A_355 = tpu.vector_load %arg9[%swap3A_354] masked %and3A_351 {strides = array<i32>} : memref<20352xi32, #tpu.memory_space<vmem>>, vector<16xi32>, vector<16xi1>
      tpu.vector_store %arg9[%swap3A_354], %get3A_336 masked %and3A_351 {strides = array<i32>} : memref<20352xi32, #tpu.memory_space<vmem>>, vector<16xi32>, vector<16xi1>
      %convert_element_type3A_356 = arith.extui %and3A_351 : vector<16xi1> to vector<16xi32>
      %reduce_sum3A = arith.constant true
      %reduce_sum3A_357 = vector.broadcast %reduce_sum3A : i1 to vector<16xi1>
      %reduce_sum3A_358 = tpu.scan <sum>, %convert_element_type3A_356 masked %reduce_sum3A_357 : vector<16xi32>, vector<16xi1> -> vector<16xi32>
      %reduce_sum3A_359 = vector.extract %reduce_sum3A_358[15] : i32 from vector<16xi32>
      %add3A_360 = arith.addi %scan3A_329, %reduce_sum3A_359 : i32
      scf.yield %add3A_360 : i32
    }
    %scan3A_50 = arith.constant 1264 : i32
    %broadcast_in_dim3A = arith.constant 0 : i32
    %broadcast_in_dim3A_51 = vector.broadcast %broadcast_in_dim3A : i32 to vector<16xi32>
    %add3A = arith.constant 0 : i32
    %add3A_52 = arith.addi %scan3A_49, %add3A : i32
    %swap3A = arith.index_cast %add3A_52 : i32 to index
    %swap3A_53 = tpu.vector_load %arg9[%swap3A] {strides = array<i32>} : memref<20352xi32, #tpu.memory_space<vmem>>, vector<16xi32>,
    tpu.vector_store %arg9[%swap3A], %broadcast_in_dim3A_51 {strides = array<i32>} : memref<20352xi32, #tpu.memory_space<vmem>>, vector<16xi32>,
    %broadcast_in_dim3A_54 = arith.constant 5000 : i32
    %broadcast_in_dim3A_55 = vector.broadcast %broadcast_in_dim3A_54 : i32 to vector<16xi32>
    %add3A_56 = arith.constant 0 : i32
    %add3A_57 = arith.addi %scan3A_49, %add3A_56 : i32
    %swap3A_58 = arith.index_cast %add3A_57 : i32 to index
    %swap3A_59 = tpu.vector_load %arg10[%swap3A_58] {strides = array<i32>} : memref<20352xi32, #tpu.memory_space<vmem>>, vector<16xi32>,
    tpu.vector_store %arg10[%swap3A_58], %broadcast_in_dim3A_55 {strides = array<i32>} : memref<20352xi32, #tpu.memory_space<vmem>>, vector<16xi32>,
    %broadcast_in_dim3A_60 = arith.constant 0 : i32
    %broadcast_in_dim3A_61 = vector.broadcast %broadcast_in_dim3A_60 : i32 to vector<16xi32>
    %add3A_62 = arith.constant 16 : i32
    %add3A_63 = arith.addi %scan3A_49, %add3A_62 : i32
    %swap3A_64 = arith.index_cast %add3A_63 : i32 to index
    %swap3A_65 = tpu.vector_load %arg9[%swap3A_64] {strides = array<i32>} : memref<20352xi32, #tpu.memory_space<vmem>>, vector<16xi32>,
    tpu.vector_store %arg9[%swap3A_64], %broadcast_in_dim3A_61 {strides = array<i32>} : memref<20352xi32, #tpu.memory_space<vmem>>, vector<16xi32>,
    %broadcast_in_dim3A_66 = arith.constant 5000 : i32
    %broadcast_in_dim3A_67 = vector.broadcast %broadcast_in_dim3A_66 : i32 to vector<16xi32>
    %add3A_68 = arith.constant 16 : i32
    %add3A_69 = arith.addi %scan3A_49, %add3A_68 : i32
    %swap3A_70 = arith.index_cast %add3A_69 : i32 to index
    %swap3A_71 = tpu.vector_load %arg10[%swap3A_70] {strides = array<i32>} : memref<20352xi32, #tpu.memory_space<vmem>>, vector<16xi32>,
    tpu.vector_store %arg10[%swap3A_70], %broadcast_in_dim3A_67 {strides = array<i32>} : memref<20352xi32, #tpu.memory_space<vmem>>, vector<16xi32>,
    %broadcast_in_dim3A_72 = arith.constant 0 : i32
    %broadcast_in_dim3A_73 = vector.broadcast %broadcast_in_dim3A_72 : i32 to vector<16xi32>
    %add3A_74 = arith.constant 32 : i32
    %add3A_75 = arith.addi %scan3A_49, %add3A_74 : i32
    %swap3A_76 = arith.index_cast %add3A_75 : i32 to index
    %swap3A_77 = tpu.vector_load %arg9[%swap3A_76] {strides = array<i32>} : memref<20352xi32, #tpu.memory_space<vmem>>, vector<16xi32>,
    tpu.vector_store %arg9[%swap3A_76], %broadcast_in_dim3A_73 {strides = array<i32>} : memref<20352xi32, #tpu.memory_space<vmem>>, vector<16xi32>,
    %broadcast_in_dim3A_78 = arith.constant 5000 : i32
    %broadcast_in_dim3A_79 = vector.broadcast %broadcast_in_dim3A_78 : i32 to vector<16xi32>
    %add3A_80 = arith.constant 32 : i32
    %add3A_81 = arith.addi %scan3A_49, %add3A_80 : i32
    %swap3A_82 = arith.index_cast %add3A_81 : i32 to index
    %swap3A_83 = tpu.vector_load %arg10[%swap3A_82] {strides = array<i32>} : memref<20352xi32, #tpu.memory_space<vmem>>, vector<16xi32>,
    tpu.vector_store %arg10[%swap3A_82], %broadcast_in_dim3A_79 {strides = array<i32>} : memref<20352xi32, #tpu.memory_space<vmem>>, vector<16xi32>,
    %broadcast_in_dim3A_84 = arith.constant 0 : i32
    %broadcast_in_dim3A_85 = vector.broadcast %broadcast_in_dim3A_84 : i32 to vector<16xi32>
    %add3A_86 = arith.constant 48 : i32
    %add3A_87 = arith.addi %scan3A_49, %add3A_86 : i32
    %swap3A_88 = arith.index_cast %add3A_87 : i32 to index
    %swap3A_89 = tpu.vector_load %arg9[%swap3A_88] {strides = array<i32>} : memref<20352xi32, #tpu.memory_space<vmem>>, vector<16xi32>,
    tpu.vector_store %arg9[%swap3A_88], %broadcast_in_dim3A_85 {strides = array<i32>} : memref<20352xi32, #tpu.memory_space<vmem>>, vector<16xi32>,
    %broadcast_in_dim3A_90 = arith.constant 5000 : i32
    %broadcast_in_dim3A_91 = vector.broadcast %broadcast_in_dim3A_90 : i32 to vector<16xi32>
    %add3A_92 = arith.constant 48 : i32
    %add3A_93 = arith.addi %scan3A_49, %add3A_92 : i32
    %swap3A_94 = arith.index_cast %add3A_93 : i32 to index
    %swap3A_95 = tpu.vector_load %arg10[%swap3A_94] {strides = array<i32>} : memref<20352xi32, #tpu.memory_space<vmem>>, vector<16xi32>,
    tpu.vector_store %arg10[%swap3A_94], %broadcast_in_dim3A_91 {strides = array<i32>} : memref<20352xi32, #tpu.memory_space<vmem>>, vector<16xi32>,
    %broadcast_in_dim3A_96 = arith.constant 0 : i32
    %broadcast_in_dim3A_97 = vector.broadcast %broadcast_in_dim3A_96 : i32 to vector<16xi32>
    %add3A_98 = arith.constant 64 : i32
    %add3A_99 = arith.addi %scan3A_49, %add3A_98 : i32
    %swap3A_100 = arith.index_cast %add3A_99 : i32 to index
    %swap3A_101 = tpu.vector_load %arg9[%swap3A_100] {strides = array<i32>} : memref<20352xi32, #tpu.memory_space<vmem>>, vector<16xi32>,
    tpu.vector_store %arg9[%swap3A_100], %broadcast_in_dim3A_97 {strides = array<i32>} : memref<20352xi32, #tpu.memory_space<vmem>>, vector<16xi32>,
    %broadcast_in_dim3A_102 = arith.constant 5000 : i32
    %broadcast_in_dim3A_103 = vector.broadcast %broadcast_in_dim3A_102 : i32 to vector<16xi32>
    %add3A_104 = arith.constant 64 : i32
    %add3A_105 = arith.addi %scan3A_49, %add3A_104 : i32
    %swap3A_106 = arith.index_cast %add3A_105 : i32 to index
    %swap3A_107 = tpu.vector_load %arg10[%swap3A_106] {strides = array<i32>} : memref<20352xi32, #tpu.memory_space<vmem>>, vector<16xi32>,
    tpu.vector_store %arg10[%swap3A_106], %broadcast_in_dim3A_103 {strides = array<i32>} : memref<20352xi32, #tpu.memory_space<vmem>>, vector<16xi32>,
    %broadcast_in_dim3A_108 = arith.constant 0 : i32
    %broadcast_in_dim3A_109 = vector.broadcast %broadcast_in_dim3A_108 : i32 to vector<16xi32>
    %add3A_110 = arith.constant 80 : i32
    %add3A_111 = arith.addi %scan3A_49, %add3A_110 : i32
    %swap3A_112 = arith.index_cast %add3A_111 : i32 to index
    %swap3A_113 = tpu.vector_load %arg9[%swap3A_112] {strides = array<i32>} : memref<20352xi32, #tpu.memory_space<vmem>>, vector<16xi32>,
    tpu.vector_store %arg9[%swap3A_112], %broadcast_in_dim3A_109 {strides = array<i32>} : memref<20352xi32, #tpu.memory_space<vmem>>, vector<16xi32>,
    %broadcast_in_dim3A_114 = arith.constant 5000 : i32
    %broadcast_in_dim3A_115 = vector.broadcast %broadcast_in_dim3A_114 : i32 to vector<16xi32>
    %add3A_116 = arith.constant 80 : i32
    %add3A_117 = arith.addi %scan3A_49, %add3A_116 : i32
    %swap3A_118 = arith.index_cast %add3A_117 : i32 to index
    %swap3A_119 = tpu.vector_load %arg10[%swap3A_118] {strides = array<i32>} : memref<20352xi32, #tpu.memory_space<vmem>>, vector<16xi32>,
    tpu.vector_store %arg10[%swap3A_118], %broadcast_in_dim3A_115 {strides = array<i32>} : memref<20352xi32, #tpu.memory_space<vmem>>, vector<16xi32>,
    %broadcast_in_dim3A_120 = arith.constant 0 : i32
    %broadcast_in_dim3A_121 = vector.broadcast %broadcast_in_dim3A_120 : i32 to vector<16xi32>
    %add3A_122 = arith.constant 96 : i32
    %add3A_123 = arith.addi %scan3A_49, %add3A_122 : i32
    %swap3A_124 = arith.index_cast %add3A_123 : i32 to index
    %swap3A_125 = tpu.vector_load %arg9[%swap3A_124] {strides = array<i32>} : memref<20352xi32, #tpu.memory_space<vmem>>, vector<16xi32>,
    tpu.vector_store %arg9[%swap3A_124], %broadcast_in_dim3A_121 {strides = array<i32>} : memref<20352xi32, #tpu.memory_space<vmem>>, vector<16xi32>,
    %broadcast_in_dim3A_126 = arith.constant 5000 : i32
    %broadcast_in_dim3A_127 = vector.broadcast %broadcast_in_dim3A_126 : i32 to vector<16xi32>
    %add3A_128 = arith.constant 96 : i32
    %add3A_129 = arith.addi %scan3A_49, %add3A_128 : i32
    %swap3A_130 = arith.index_cast %add3A_129 : i32 to index
    %swap3A_131 = tpu.vector_load %arg10[%swap3A_130] {strides = array<i32>} : memref<20352xi32, #tpu.memory_space<vmem>>, vector<16xi32>,
    tpu.vector_store %arg10[%swap3A_130], %broadcast_in_dim3A_127 {strides = array<i32>} : memref<20352xi32, #tpu.memory_space<vmem>>, vector<16xi32>,
    %broadcast_in_dim3A_132 = arith.constant 0 : i32
    %broadcast_in_dim3A_133 = vector.broadcast %broadcast_in_dim3A_132 : i32 to vector<16xi32>
    %add3A_134 = arith.constant 112 : i32
    %add3A_135 = arith.addi %scan3A_49, %add3A_134 : i32
    %swap3A_136 = arith.index_cast %add3A_135 : i32 to index
    %swap3A_137 = tpu.vector_load %arg9[%swap3A_136] {strides = array<i32>} : memref<20352xi32, #tpu.memory_space<vmem>>, vector<16xi32>,
    tpu.vector_store %arg9[%swap3A_136], %broadcast_in_dim3A_133 {strides = array<i32>} : memref<20352xi32, #tpu.memory_space<vmem>>, vector<16xi32>,
    %broadcast_in_dim3A_138 = arith.constant 5000 : i32
    %broadcast_in_dim3A_139 = vector.broadcast %broadcast_in_dim3A_138 : i32 to vector<16xi32>
    %add3A_140 = arith.constant 112 : i32
    %add3A_141 = arith.addi %scan3A_49, %add3A_140 : i32
    %swap3A_142 = arith.index_cast %add3A_141 : i32 to index
    %swap3A_143 = tpu.vector_load %arg10[%swap3A_142] {strides = array<i32>} : memref<20352xi32, #tpu.memory_space<vmem>>, vector<16xi32>,
    tpu.vector_store %arg10[%swap3A_142], %broadcast_in_dim3A_139 {strides = array<i32>} : memref<20352xi32, #tpu.memory_space<vmem>>, vector<16xi32>,
    %add3A_144 = arith.constant 128 : i32
    %add3A_145 = arith.addi %scan3A_49, %add3A_144 : i32
    %sub3A = arith.constant 1 : i32
    %sub3A_146 = arith.subi %add3A_145, %sub3A : i32
    %jit3A = arith.constant 128 : i32
    %div3A = arith.divsi %sub3A_146, %jit3A : i32
    %sign3A = arith.constant 0 : i32
    %sign3A_147 = arith.cmpi sgt, %sub3A_146, %sign3A : i32
    %sign3A_148 = arith.extui %sign3A_147 : i1 to i32
    %sign3A_149 = arith.constant 0 : i32
    %sign3A_150 = arith.cmpi slt, %sub3A_146, %sign3A_149 : i32
    %sign3A_151 = arith.extui %sign3A_150 : i1 to i32
    %sign3A_152 = arith.subi %sign3A_148, %sign3A_151 : i32
    %sign3A_153 = arith.constant 0 : i32
    %sign3A_154 = arith.cmpi sgt, %jit3A, %sign3A_153 : i32
    %sign3A_155 = arith.extui %sign3A_154 : i1 to i32
    %sign3A_156 = arith.constant 0 : i32
    %sign3A_157 = arith.cmpi slt, %jit3A, %sign3A_156 : i32
    %sign3A_158 = arith.extui %sign3A_157 : i1 to i32
    %sign3A_159 = arith.subi %sign3A_155, %sign3A_158 : i32
    %ne3A = arith.cmpi ne, %sign3A_152, %sign3A_159 : i32
    %rem3A = arith.remsi %sub3A_146, %jit3A : i32
    %ne3A_160 = arith.constant 0 : i32
    %ne3A_161 = arith.cmpi ne, %rem3A, %ne3A_160 : i32
    %and3A = arith.andi %ne3A, %ne3A_161 : i1
    %sub3A_162 = arith.constant 1 : i32
    %sub3A_163 = arith.subi %div3A, %sub3A_162 : i32
    %select_n3A = arith.select %and3A, %sub3A_163, %div3A : i32
    %barrier3A = arith.constant 0 : index
    tpu.barrier barrier_id(%barrier3A)
    %gt3A = arith.constant 0 : i32
    %gt3A_164 = arith.cmpi sgt, %select_n3A, %gt3A : i32
    %convert_element_type3A = arith.extui %gt3A_164 : i1 to i32
    %cond3A = arith.constant 0 : i32
    %cond3A_165 = arith.cmpi ne, %convert_element_type3A, %cond3A : i32
    scf.if %cond3A_165 {
      %dma_start3A_328 = arith.constant 0 : i32
      %dma_start3A_329 = arith.constant 0 : i32
      %dma_start3A_330 = arith.constant 0 : i32
      %dma_start3A_331 = tpu.memref_slice %arg13[%dma_start3A_328, %dma_start3A_329, %dma_start3A_330] : memref<2x128x128xf32, #tpu.memory_space<vmem>> -> memref<1x128x128xf32, #tpu.memory_space<vmem>>
      %dma_start3A_332 = tpu.memref_squeeze %dma_start3A_331 : memref<1x128x128xf32, #tpu.memory_space<vmem>> -> memref<128x128xf32, #tpu.memory_space<vmem>>
      %dma_start3A_333 = arith.constant 0 : i32
      %dma_start3A_334 = tpu.memref_slice %arg9[%dma_start3A_333] : memref<20352xi32, #tpu.memory_space<vmem>> -> memref<128xi32, #tpu.memory_space<vmem>>
      %dma_start3A_335 = arith.constant 0 : i32
      %dma_start3A_336 = arith.constant 0 : i32
      %dma_start3A_337 = tpu.memref_slice %arg2[%dma_start3A_335, %dma_start3A_336] : memref<90000x128xf32, #tpu.memory_space<hbm>> -> memref<90000x128xf32, #tpu.memory_space<hbm>>
      tpu.enqueue_indirect_dma source(%dma_start3A_337 : memref<90000x128xf32, #tpu.memory_space<hbm>>) target(%dma_start3A_332 : memref<128x128xf32, #tpu.memory_space<vmem>>) offsets(%dma_start3A_334 : memref<128xi32, #tpu.memory_space<vmem>>) semaphore(%arg20 : memref<!tpu.dma_semaphore, #tpu.memory_space<semaphore_mem>>)
    } else {
    }
    %gt3A_166 = arith.constant 1 : i32
    %gt3A_167 = arith.cmpi sgt, %select_n3A, %gt3A_166 : i32
    %convert_element_type3A_168 = arith.extui %gt3A_167 : i1 to i32
    %cond3A_169 = arith.constant 0 : i32
    %cond3A_170 = arith.cmpi ne, %convert_element_type3A_168, %cond3A_169 : i32
    scf.if %cond3A_170 {
      %dma_start3A_328 = arith.constant 1 : i32
      %dma_start3A_329 = arith.constant 0 : i32
      %dma_start3A_330 = arith.constant 0 : i32
      %dma_start3A_331 = tpu.memref_slice %arg13[%dma_start3A_328, %dma_start3A_329, %dma_start3A_330] : memref<2x128x128xf32, #tpu.memory_space<vmem>> -> memref<1x128x128xf32, #tpu.memory_space<vmem>>
      %dma_start3A_332 = tpu.memref_squeeze %dma_start3A_331 : memref<1x128x128xf32, #tpu.memory_space<vmem>> -> memref<128x128xf32, #tpu.memory_space<vmem>>
      %dma_start3A_333 = arith.constant 128 : i32
      %dma_start3A_334 = tpu.memref_slice %arg9[%dma_start3A_333] : memref<20352xi32, #tpu.memory_space<vmem>> -> memref<128xi32, #tpu.memory_space<vmem>>
      %dma_start3A_335 = arith.constant 0 : i32
      %dma_start3A_336 = arith.constant 0 : i32
      %dma_start3A_337 = tpu.memref_slice %arg2[%dma_start3A_335, %dma_start3A_336] : memref<90000x128xf32, #tpu.memory_space<hbm>> -> memref<90000x128xf32, #tpu.memory_space<hbm>>
      tpu.enqueue_indirect_dma source(%dma_start3A_337 : memref<90000x128xf32, #tpu.memory_space<hbm>>) target(%dma_start3A_332 : memref<128x128xf32, #tpu.memory_space<vmem>>) offsets(%dma_start3A_334 : memref<128xi32, #tpu.memory_space<vmem>>) semaphore(%arg21 : memref<!tpu.dma_semaphore, #tpu.memory_space<semaphore_mem>>)
    } else {
    }
    %add3A_171 = arith.constant 2 : i32
    %add3A_172 = arith.addi %select_n3A, %add3A_171 : i32
    %sub3A_173 = arith.constant 1 : i32
    %sub3A_174 = arith.subi %add3A_172, %sub3A_173 : i32
    %jit3A_175 = arith.constant 2 : i32
    %div3A_176 = arith.divsi %sub3A_174, %jit3A_175 : i32
    %sign3A_177 = arith.constant 0 : i32
    %sign3A_178 = arith.cmpi sgt, %sub3A_174, %sign3A_177 : i32
    %sign3A_179 = arith.extui %sign3A_178 : i1 to i32
    %sign3A_180 = arith.constant 0 : i32
    %sign3A_181 = arith.cmpi slt, %sub3A_174, %sign3A_180 : i32
    %sign3A_182 = arith.extui %sign3A_181 : i1 to i32
    %sign3A_183 = arith.subi %sign3A_179, %sign3A_182 : i32
    %sign3A_184 = arith.constant 0 : i32
    %sign3A_185 = arith.cmpi sgt, %jit3A_175, %sign3A_184 : i32
    %sign3A_186 = arith.extui %sign3A_185 : i1 to i32
    %sign3A_187 = arith.constant 0 : i32
    %sign3A_188 = arith.cmpi slt, %jit3A_175, %sign3A_187 : i32
    %sign3A_189 = arith.extui %sign3A_188 : i1 to i32
    %sign3A_190 = arith.subi %sign3A_186, %sign3A_189 : i32
    %ne3A_191 = arith.cmpi ne, %sign3A_183, %sign3A_190 : i32
    %rem3A_192 = arith.remsi %sub3A_174, %jit3A_175 : i32
    %ne3A_193 = arith.constant 0 : i32
    %ne3A_194 = arith.cmpi ne, %rem3A_192, %ne3A_193 : i32
    %and3A_195 = arith.andi %ne3A_191, %ne3A_194 : i1
    %sub3A_196 = arith.constant 1 : i32
    %sub3A_197 = arith.subi %div3A_176, %sub3A_196 : i32
    %select_n3A_198 = arith.select %and3A_195, %sub3A_197, %div3A_176 : i32
    %while3A = arith.constant 0 : i32
    %while3A_199 = arith.constant 1 : i32
    %while3A_200 = arith.subi %select_n3A_198, %while3A_199 : i32
    %while3A_201 = arith.addi %while3A_199, %while3A_200 : i32
    %while3A_202 = arith.constant 1 : i32
    %while3A_203 = arith.divsi %while3A_200, %while3A_202 : i32
    %while3A_204 = arith.muli %while3A_203, %while3A_202 : i32
    %while3A_205 = arith.addi %while3A_199, %while3A_204 : i32
    %while3A_206 = arith.constant 1 : i32
    scf.for %while3A_328 = %while3A_199 to %while3A_205 step %while3A_206  : i32 {
      %sub3A_329 = arith.constant 1 : i32
      %sub3A_330 = arith.subi %while3A_328, %sub3A_329 : i32
      %mul3A_331 = arith.constant 2 : i32
      %mul3A_332 = arith.muli %sub3A_330, %mul3A_331 : i32
      %add3A_333 = arith.constant 0 : i32
      %add3A_334 = arith.addi %mul3A_332, %add3A_333 : i32
      %lt3A_335 = arith.cmpi slt, %add3A_334, %select_n3A : i32
      %convert_element_type3A_336 = arith.extui %lt3A_335 : i1 to i32
      %cond3A_337 = arith.constant 0 : i32
      %cond3A_338 = arith.cmpi ne, %convert_element_type3A_336, %cond3A_337 : i32
      scf.if %cond3A_338 {
        %dma_wait3A_365 = arith.constant 0 : i32
        %dma_wait3A_366 = arith.constant 0 : i32
        %dma_wait3A_367 = arith.constant 0 : i32
        %dma_wait3A_368 = tpu.memref_slice %arg13[%dma_wait3A_365, %dma_wait3A_366, %dma_wait3A_367] : memref<2x128x128xf32, #tpu.memory_space<vmem>> -> memref<1x128x128xf32, #tpu.memory_space<vmem>>
        %dma_wait3A_369 = tpu.memref_squeeze %dma_wait3A_368 : memref<1x128x128xf32, #tpu.memory_space<vmem>> -> memref<128x128xf32, #tpu.memory_space<vmem>>
        %dma_wait3A_370 = arith.constant 0 : i32
        %dma_wait3A_371 = arith.constant 0 : i32
        %dma_wait3A_372 = tpu.memref_slice %arg2[%dma_wait3A_370, %dma_wait3A_371] : memref<90000x128xf32, #tpu.memory_space<hbm>> -> memref<128x128xf32, #tpu.memory_space<hbm>>
        %dma_wait3A_373 = arith.constant 0 : i32
        %dma_wait3A_374 = arith.constant 0 : i32
        %dma_wait3A_375 = tpu.memref_slice %arg13[%dma_wait3A_365, %dma_wait3A_373, %dma_wait3A_374] : memref<2x128x128xf32, #tpu.memory_space<vmem>> -> memref<1x128x128xf32, #tpu.memory_space<vmem>>
        %dma_wait3A_376 = tpu.memref_squeeze %dma_wait3A_375 : memref<1x128x128xf32, #tpu.memory_space<vmem>> -> memref<128x128xf32, #tpu.memory_space<vmem>>
        %dma_wait3A_377 = arith.constant 0 : i32
        %dma_wait3A_378 = arith.constant 0 : i32
        %dma_wait3A_379 = tpu.memref_slice %arg2[%dma_wait3A_377, %dma_wait3A_378] : memref<90000x128xf32, #tpu.memory_space<hbm>> -> memref<128x128xf32, #tpu.memory_space<hbm>>
        tpu.wait_dma2 semaphore(%arg20 : memref<!tpu.dma_semaphore, #tpu.memory_space<semaphore_mem>>) src(%dma_wait3A_379 : memref<128x128xf32, #tpu.memory_space<hbm>>) dst(%dma_wait3A_376 : memref<128x128xf32, #tpu.memory_space<vmem>>)
        %mul3A_380 = arith.constant 128 : i32
        %mul3A_381 = arith.muli %add3A_334, %mul3A_380 : i32
        %add3A_382 = arith.constant 0 : i32
        %add3A_383 = arith.addi %mul3A_381, %add3A_382 : i32
        %get3A = arith.index_cast %add3A_383 : i32 to index
        %get3A_384 = tpu.vector_load %arg10[%get3A] {strides = array<i32>} : memref<20352xi32, #tpu.memory_space<vmem>>, vector<16xi32>,
        %swap3A_385 = arith.constant 0 : i32
        %swap3A_386 = arith.index_cast %swap3A_385 : i32 to index
        %swap3A_387 = arith.constant 0 : index
        %swap3A_388 = tpu.vector_load %arg12[%swap3A_386, %swap3A_387] {strides = array<i32>} : memref<2x128xi32, #tpu.memory_space<vmem>>, vector<16xi32>,
        tpu.vector_store %arg12[%swap3A_386, %swap3A_387], %get3A_384 {strides = array<i32>} : memref<2x128xi32, #tpu.memory_space<vmem>>, vector<16xi32>,
        %mul3A_389 = arith.constant 128 : i32
        %mul3A_390 = arith.muli %add3A_334, %mul3A_389 : i32
        %add3A_391 = arith.constant 16 : i32
        %add3A_392 = arith.addi %mul3A_390, %add3A_391 : i32
        %get3A_393 = arith.index_cast %add3A_392 : i32 to index
        %get3A_394 = tpu.vector_load %arg10[%get3A_393] {strides = array<i32>} : memref<20352xi32, #tpu.memory_space<vmem>>, vector<16xi32>,
        %swap3A_395 = arith.constant 0 : i32
        %swap3A_396 = arith.index_cast %swap3A_395 : i32 to index
        %swap3A_397 = arith.constant 16 : index
        %swap3A_398 = tpu.vector_load %arg12[%swap3A_396, %swap3A_397] {strides = array<i32>} : memref<2x128xi32, #tpu.memory_space<vmem>>, vector<16xi32>,
        tpu.vector_store %arg12[%swap3A_396, %swap3A_397], %get3A_394 {strides = array<i32>} : memref<2x128xi32, #tpu.memory_space<vmem>>, vector<16xi32>,
        %mul3A_399 = arith.constant 128 : i32
        %mul3A_400 = arith.muli %add3A_334, %mul3A_399 : i32
        %add3A_401 = arith.constant 32 : i32
        %add3A_402 = arith.addi %mul3A_400, %add3A_401 : i32
        %get3A_403 = arith.index_cast %add3A_402 : i32 to index
        %get3A_404 = tpu.vector_load %arg10[%get3A_403] {strides = array<i32>} : memref<20352xi32, #tpu.memory_space<vmem>>, vector<16xi32>,
        %swap3A_405 = arith.constant 0 : i32
        %swap3A_406 = arith.index_cast %swap3A_405 : i32 to index
        %swap3A_407 = arith.constant 32 : index
        %swap3A_408 = tpu.vector_load %arg12[%swap3A_406, %swap3A_407] {strides = array<i32>} : memref<2x128xi32, #tpu.memory_space<vmem>>, vector<16xi32>,
        tpu.vector_store %arg12[%swap3A_406, %swap3A_407], %get3A_404 {strides = array<i32>} : memref<2x128xi32, #tpu.memory_space<vmem>>, vector<16xi32>,
        %mul3A_409 = arith.constant 128 : i32
        %mul3A_410 = arith.muli %add3A_334, %mul3A_409 : i32
        %add3A_411 = arith.constant 48 : i32
        %add3A_412 = arith.addi %mul3A_410, %add3A_411 : i32
        %get3A_413 = arith.index_cast %add3A_412 : i32 to index
        %get3A_414 = tpu.vector_load %arg10[%get3A_413] {strides = array<i32>} : memref<20352xi32, #tpu.memory_space<vmem>>, vector<16xi32>,
        %swap3A_415 = arith.constant 0 : i32
        %swap3A_416 = arith.index_cast %swap3A_415 : i32 to index
        %swap3A_417 = arith.constant 48 : index
        %swap3A_418 = tpu.vector_load %arg12[%swap3A_416, %swap3A_417] {strides = array<i32>} : memref<2x128xi32, #tpu.memory_space<vmem>>, vector<16xi32>,
        tpu.vector_store %arg12[%swap3A_416, %swap3A_417], %get3A_414 {strides = array<i32>} : memref<2x128xi32, #tpu.memory_space<vmem>>, vector<16xi32>,
        %mul3A_419 = arith.constant 128 : i32
        %mul3A_420 = arith.muli %add3A_334, %mul3A_419 : i32
        %add3A_421 = arith.constant 64 : i32
        %add3A_422 = arith.addi %mul3A_420, %add3A_421 : i32
        %get3A_423 = arith.index_cast %add3A_422 : i32 to index
        %get3A_424 = tpu.vector_load %arg10[%get3A_423] {strides = array<i32>} : memref<20352xi32, #tpu.memory_space<vmem>>, vector<16xi32>,
        %swap3A_425 = arith.constant 0 : i32
        %swap3A_426 = arith.index_cast %swap3A_425 : i32 to index
        %swap3A_427 = arith.constant 64 : index
        %swap3A_428 = tpu.vector_load %arg12[%swap3A_426, %swap3A_427] {strides = array<i32>} : memref<2x128xi32, #tpu.memory_space<vmem>>, vector<16xi32>,
        tpu.vector_store %arg12[%swap3A_426, %swap3A_427], %get3A_424 {strides = array<i32>} : memref<2x128xi32, #tpu.memory_space<vmem>>, vector<16xi32>,
        %mul3A_429 = arith.constant 128 : i32
        %mul3A_430 = arith.muli %add3A_334, %mul3A_429 : i32
        %add3A_431 = arith.constant 80 : i32
        %add3A_432 = arith.addi %mul3A_430, %add3A_431 : i32
        %get3A_433 = arith.index_cast %add3A_432 : i32 to index
        %get3A_434 = tpu.vector_load %arg10[%get3A_433] {strides = array<i32>} : memref<20352xi32, #tpu.memory_space<vmem>>, vector<16xi32>,
        %swap3A_435 = arith.constant 0 : i32
        %swap3A_436 = arith.index_cast %swap3A_435 : i32 to index
        %swap3A_437 = arith.constant 80 : index
        %swap3A_438 = tpu.vector_load %arg12[%swap3A_436, %swap3A_437] {strides = array<i32>} : memref<2x128xi32, #tpu.memory_space<vmem>>, vector<16xi32>,
        tpu.vector_store %arg12[%swap3A_436, %swap3A_437], %get3A_434 {strides = array<i32>} : memref<2x128xi32, #tpu.memory_space<vmem>>, vector<16xi32>,
        %mul3A_439 = arith.constant 128 : i32
        %mul3A_440 = arith.muli %add3A_334, %mul3A_439 : i32
        %add3A_441 = arith.constant 96 : i32
        %add3A_442 = arith.addi %mul3A_440, %add3A_441 : i32
        %get3A_443 = arith.index_cast %add3A_442 : i32 to index
        %get3A_444 = tpu.vector_load %arg10[%get3A_443] {strides = array<i32>} : memref<20352xi32, #tpu.memory_space<vmem>>, vector<16xi32>,
        %swap3A_445 = arith.constant 0 : i32
        %swap3A_446 = arith.index_cast %swap3A_445 : i32 to index
        %swap3A_447 = arith.constant 96 : index
        %swap3A_448 = tpu.vector_load %arg12[%swap3A_446, %swap3A_447] {strides = array<i32>} : memref<2x128xi32, #tpu.memory_space<vmem>>, vector<16xi32>,
        tpu.vector_store %arg12[%swap3A_446, %swap3A_447], %get3A_444 {strides = array<i32>} : memref<2x128xi32, #tpu.memory_space<vmem>>, vector<16xi32>,
        %mul3A_449 = arith.constant 128 : i32
        %mul3A_450 = arith.muli %add3A_334, %mul3A_449 : i32
        %add3A_451 = arith.constant 112 : i32
        %add3A_452 = arith.addi %mul3A_450, %add3A_451 : i32
        %get3A_453 = arith.index_cast %add3A_452 : i32 to index
        %get3A_454 = tpu.vector_load %arg10[%get3A_453] {strides = array<i32>} : memref<20352xi32, #tpu.memory_space<vmem>>, vector<16xi32>,
        %swap3A_455 = arith.constant 0 : i32
        %swap3A_456 = arith.index_cast %swap3A_455 : i32 to index
        %swap3A_457 = arith.constant 112 : index
        %swap3A_458 = tpu.vector_load %arg12[%swap3A_456, %swap3A_457] {strides = array<i32>} : memref<2x128xi32, #tpu.memory_space<vmem>>, vector<16xi32>,
        tpu.vector_store %arg12[%swap3A_456, %swap3A_457], %get3A_454 {strides = array<i32>} : memref<2x128xi32, #tpu.memory_space<vmem>>, vector<16xi32>,
        %dma_start3A_459 = arith.constant 0 : i32
        %dma_start3A_460 = arith.constant 0 : i32
        %dma_start3A_461 = arith.constant 0 : i32
        %dma_start3A_462 = arith.constant 0 : i32
        %dma_start3A_463 = tpu.memref_slice %arg13[%dma_start3A_459, %dma_start3A_461, %dma_start3A_462] : memref<2x128x128xf32, #tpu.memory_space<vmem>> -> memref<1x128x128xf32, #tpu.memory_space<vmem>>
        %dma_start3A_464 = tpu.memref_squeeze %dma_start3A_463 : memref<1x128x128xf32, #tpu.memory_space<vmem>> -> memref<128x128xf32, #tpu.memory_space<vmem>>
        %dma_start3A_465 = arith.constant 0 : i32
        %dma_start3A_466 = tpu.memref_slice %arg12[%dma_start3A_460, %dma_start3A_465] : memref<2x128xi32, #tpu.memory_space<vmem>> -> memref<1x128xi32, #tpu.memory_space<vmem>>
        %dma_start3A_467 = tpu.memref_squeeze %dma_start3A_466 : memref<1x128xi32, #tpu.memory_space<vmem>> -> memref<128xi32, #tpu.memory_space<vmem>>
        %dma_start3A_468 = arith.constant 0 : i32
        %dma_start3A_469 = arith.constant 0 : i32
        %dma_start3A_470 = tpu.memref_slice %arg16[%dma_start3A_468, %dma_start3A_469] : memref<5008x128xf32, #tpu.memory_space<vmem_shared>> -> memref<5008x128xf32, #tpu.memory_space<vmem_shared>>
        tpu.enqueue_indirect_dma source(%dma_start3A_464 : memref<128x128xf32, #tpu.memory_space<vmem>>) target(%dma_start3A_470 : memref<5008x128xf32, #tpu.memory_space<vmem_shared>>) offsets(%dma_start3A_467 : memref<128xi32, #tpu.memory_space<vmem>>) semaphore(%arg22 : memref<!tpu.dma_semaphore, #tpu.memory_space<semaphore_mem>>) {add = true}
      } else {
      }
      %sub3A_339 = arith.constant 1 : i32
      %sub3A_340 = arith.subi %while3A_328, %sub3A_339 : i32
      %mul3A_341 = arith.constant 2 : i32
      %mul3A_342 = arith.muli %sub3A_340, %mul3A_341 : i32
      %add3A_343 = arith.constant 1 : i32
      %add3A_344 = arith.addi %mul3A_342, %add3A_343 : i32
      %lt3A_345 = arith.cmpi slt, %add3A_344, %select_n3A : i32
      %convert_element_type3A_346 = arith.extui %lt3A_345 : i1 to i32
      %cond3A_347 = arith.constant 0 : i32
      %cond3A_348 = arith.cmpi ne, %convert_element_type3A_346, %cond3A_347 : i32
      scf.if %cond3A_348 {
        %dma_wait3A_365 = arith.constant 1 : i32
        %dma_wait3A_366 = arith.constant 0 : i32
        %dma_wait3A_367 = arith.constant 0 : i32
        %dma_wait3A_368 = tpu.memref_slice %arg13[%dma_wait3A_365, %dma_wait3A_366, %dma_wait3A_367] : memref<2x128x128xf32, #tpu.memory_space<vmem>> -> memref<1x128x128xf32, #tpu.memory_space<vmem>>
        %dma_wait3A_369 = tpu.memref_squeeze %dma_wait3A_368 : memref<1x128x128xf32, #tpu.memory_space<vmem>> -> memref<128x128xf32, #tpu.memory_space<vmem>>
        %dma_wait3A_370 = arith.constant 0 : i32
        %dma_wait3A_371 = arith.constant 0 : i32
        %dma_wait3A_372 = tpu.memref_slice %arg2[%dma_wait3A_370, %dma_wait3A_371] : memref<90000x128xf32, #tpu.memory_space<hbm>> -> memref<128x128xf32, #tpu.memory_space<hbm>>
        %dma_wait3A_373 = arith.constant 0 : i32
        %dma_wait3A_374 = arith.constant 0 : i32
        %dma_wait3A_375 = tpu.memref_slice %arg13[%dma_wait3A_365, %dma_wait3A_373, %dma_wait3A_374] : memref<2x128x128xf32, #tpu.memory_space<vmem>> -> memref<1x128x128xf32, #tpu.memory_space<vmem>>
        %dma_wait3A_376 = tpu.memref_squeeze %dma_wait3A_375 : memref<1x128x128xf32, #tpu.memory_space<vmem>> -> memref<128x128xf32, #tpu.memory_space<vmem>>
        %dma_wait3A_377 = arith.constant 0 : i32
        %dma_wait3A_378 = arith.constant 0 : i32
        %dma_wait3A_379 = tpu.memref_slice %arg2[%dma_wait3A_377, %dma_wait3A_378] : memref<90000x128xf32, #tpu.memory_space<hbm>> -> memref<128x128xf32, #tpu.memory_space<hbm>>
        tpu.wait_dma2 semaphore(%arg21 : memref<!tpu.dma_semaphore, #tpu.memory_space<semaphore_mem>>) src(%dma_wait3A_379 : memref<128x128xf32, #tpu.memory_space<hbm>>) dst(%dma_wait3A_376 : memref<128x128xf32, #tpu.memory_space<vmem>>)
        %mul3A_380 = arith.constant 128 : i32
        %mul3A_381 = arith.muli %add3A_344, %mul3A_380 : i32
        %add3A_382 = arith.constant 0 : i32
        %add3A_383 = arith.addi %mul3A_381, %add3A_382 : i32
        %get3A = arith.index_cast %add3A_383 : i32 to index
        %get3A_384 = tpu.vector_load %arg10[%get3A] {strides = array<i32>} : memref<20352xi32, #tpu.memory_space<vmem>>, vector<16xi32>,
        %swap3A_385 = arith.constant 1 : i32
        %swap3A_386 = arith.index_cast %swap3A_385 : i32 to index
        %swap3A_387 = arith.constant 0 : index
        %swap3A_388 = tpu.vector_load %arg12[%swap3A_386, %swap3A_387] {strides = array<i32>} : memref<2x128xi32, #tpu.memory_space<vmem>>, vector<16xi32>,
        tpu.vector_store %arg12[%swap3A_386, %swap3A_387], %get3A_384 {strides = array<i32>} : memref<2x128xi32, #tpu.memory_space<vmem>>, vector<16xi32>,
        %mul3A_389 = arith.constant 128 : i32
        %mul3A_390 = arith.muli %add3A_344, %mul3A_389 : i32
        %add3A_391 = arith.constant 16 : i32
        %add3A_392 = arith.addi %mul3A_390, %add3A_391 : i32
        %get3A_393 = arith.index_cast %add3A_392 : i32 to index
        %get3A_394 = tpu.vector_load %arg10[%get3A_393] {strides = array<i32>} : memref<20352xi32, #tpu.memory_space<vmem>>, vector<16xi32>,
        %swap3A_395 = arith.constant 1 : i32
        %swap3A_396 = arith.index_cast %swap3A_395 : i32 to index
        %swap3A_397 = arith.constant 16 : index
        %swap3A_398 = tpu.vector_load %arg12[%swap3A_396, %swap3A_397] {strides = array<i32>} : memref<2x128xi32, #tpu.memory_space<vmem>>, vector<16xi32>,
        tpu.vector_store %arg12[%swap3A_396, %swap3A_397], %get3A_394 {strides = array<i32>} : memref<2x128xi32, #tpu.memory_space<vmem>>, vector<16xi32>,
        %mul3A_399 = arith.constant 128 : i32
        %mul3A_400 = arith.muli %add3A_344, %mul3A_399 : i32
        %add3A_401 = arith.constant 32 : i32
        %add3A_402 = arith.addi %mul3A_400, %add3A_401 : i32
        %get3A_403 = arith.index_cast %add3A_402 : i32 to index
        %get3A_404 = tpu.vector_load %arg10[%get3A_403] {strides = array<i32>} : memref<20352xi32, #tpu.memory_space<vmem>>, vector<16xi32>,
        %swap3A_405 = arith.constant 1 : i32
        %swap3A_406 = arith.index_cast %swap3A_405 : i32 to index
        %swap3A_407 = arith.constant 32 : index
        %swap3A_408 = tpu.vector_load %arg12[%swap3A_406, %swap3A_407] {strides = array<i32>} : memref<2x128xi32, #tpu.memory_space<vmem>>, vector<16xi32>,
        tpu.vector_store %arg12[%swap3A_406, %swap3A_407], %get3A_404 {strides = array<i32>} : memref<2x128xi32, #tpu.memory_space<vmem>>, vector<16xi32>,
        %mul3A_409 = arith.constant 128 : i32
        %mul3A_410 = arith.muli %add3A_344, %mul3A_409 : i32
        %add3A_411 = arith.constant 48 : i32
        %add3A_412 = arith.addi %mul3A_410, %add3A_411 : i32
        %get3A_413 = arith.index_cast %add3A_412 : i32 to index
        %get3A_414 = tpu.vector_load %arg10[%get3A_413] {strides = array<i32>} : memref<20352xi32, #tpu.memory_space<vmem>>, vector<16xi32>,
        %swap3A_415 = arith.constant 1 : i32
        %swap3A_416 = arith.index_cast %swap3A_415 : i32 to index
        %swap3A_417 = arith.constant 48 : index
        %swap3A_418 = tpu.vector_load %arg12[%swap3A_416, %swap3A_417] {strides = array<i32>} : memref<2x128xi32, #tpu.memory_space<vmem>>, vector<16xi32>,
        tpu.vector_store %arg12[%swap3A_416, %swap3A_417], %get3A_414 {strides = array<i32>} : memref<2x128xi32, #tpu.memory_space<vmem>>, vector<16xi32>,
        %mul3A_419 = arith.constant 128 : i32
        %mul3A_420 = arith.muli %add3A_344, %mul3A_419 : i32
        %add3A_421 = arith.constant 64 : i32
        %add3A_422 = arith.addi %mul3A_420, %add3A_421 : i32
        %get3A_423 = arith.index_cast %add3A_422 : i32 to index
        %get3A_424 = tpu.vector_load %arg10[%get3A_423] {strides = array<i32>} : memref<20352xi32, #tpu.memory_space<vmem>>, vector<16xi32>,
        %swap3A_425 = arith.constant 1 : i32
        %swap3A_426 = arith.index_cast %swap3A_425 : i32 to index
        %swap3A_427 = arith.constant 64 : index
        %swap3A_428 = tpu.vector_load %arg12[%swap3A_426, %swap3A_427] {strides = array<i32>} : memref<2x128xi32, #tpu.memory_space<vmem>>, vector<16xi32>,
        tpu.vector_store %arg12[%swap3A_426, %swap3A_427], %get3A_424 {strides = array<i32>} : memref<2x128xi32, #tpu.memory_space<vmem>>, vector<16xi32>,
        %mul3A_429 = arith.constant 128 : i32
        %mul3A_430 = arith.muli %add3A_344, %mul3A_429 : i32
        %add3A_431 = arith.constant 80 : i32
        %add3A_432 = arith.addi %mul3A_430, %add3A_431 : i32
        %get3A_433 = arith.index_cast %add3A_432 : i32 to index
        %get3A_434 = tpu.vector_load %arg10[%get3A_433] {strides = array<i32>} : memref<20352xi32, #tpu.memory_space<vmem>>, vector<16xi32>,
        %swap3A_435 = arith.constant 1 : i32
        %swap3A_436 = arith.index_cast %swap3A_435 : i32 to index
        %swap3A_437 = arith.constant 80 : index
        %swap3A_438 = tpu.vector_load %arg12[%swap3A_436, %swap3A_437] {strides = array<i32>} : memref<2x128xi32, #tpu.memory_space<vmem>>, vector<16xi32>,
        tpu.vector_store %arg12[%swap3A_436, %swap3A_437], %get3A_434 {strides = array<i32>} : memref<2x128xi32, #tpu.memory_space<vmem>>, vector<16xi32>,
        %mul3A_439 = arith.constant 128 : i32
        %mul3A_440 = arith.muli %add3A_344, %mul3A_439 : i32
        %add3A_441 = arith.constant 96 : i32
        %add3A_442 = arith.addi %mul3A_440, %add3A_441 : i32
        %get3A_443 = arith.index_cast %add3A_442 : i32 to index
        %get3A_444 = tpu.vector_load %arg10[%get3A_443] {strides = array<i32>} : memref<20352xi32, #tpu.memory_space<vmem>>, vector<16xi32>,
        %swap3A_445 = arith.constant 1 : i32
        %swap3A_446 = arith.index_cast %swap3A_445 : i32 to index
        %swap3A_447 = arith.constant 96 : index
        %swap3A_448 = tpu.vector_load %arg12[%swap3A_446, %swap3A_447] {strides = array<i32>} : memref<2x128xi32, #tpu.memory_space<vmem>>, vector<16xi32>,
        tpu.vector_store %arg12[%swap3A_446, %swap3A_447], %get3A_444 {strides = array<i32>} : memref<2x128xi32, #tpu.memory_space<vmem>>, vector<16xi32>,
        %mul3A_449 = arith.constant 128 : i32
        %mul3A_450 = arith.muli %add3A_344, %mul3A_449 : i32
        %add3A_451 = arith.constant 112 : i32
        %add3A_452 = arith.addi %mul3A_450, %add3A_451 : i32
        %get3A_453 = arith.index_cast %add3A_452 : i32 to index
        %get3A_454 = tpu.vector_load %arg10[%get3A_453] {strides = array<i32>} : memref<20352xi32, #tpu.memory_space<vmem>>, vector<16xi32>,
        %swap3A_455 = arith.constant 1 : i32
        %swap3A_456 = arith.index_cast %swap3A_455 : i32 to index
        %swap3A_457 = arith.constant 112 : index
        %swap3A_458 = tpu.vector_load %arg12[%swap3A_456, %swap3A_457] {strides = array<i32>} : memref<2x128xi32, #tpu.memory_space<vmem>>, vector<16xi32>,
        tpu.vector_store %arg12[%swap3A_456, %swap3A_457], %get3A_454 {strides = array<i32>} : memref<2x128xi32, #tpu.memory_space<vmem>>, vector<16xi32>,
        %dma_start3A_459 = arith.constant 1 : i32
        %dma_start3A_460 = arith.constant 1 : i32
        %dma_start3A_461 = arith.constant 0 : i32
        %dma_start3A_462 = arith.constant 0 : i32
        %dma_start3A_463 = tpu.memref_slice %arg13[%dma_start3A_459, %dma_start3A_461, %dma_start3A_462] : memref<2x128x128xf32, #tpu.memory_space<vmem>> -> memref<1x128x128xf32, #tpu.memory_space<vmem>>
        %dma_start3A_464 = tpu.memref_squeeze %dma_start3A_463 : memref<1x128x128xf32, #tpu.memory_space<vmem>> -> memref<128x128xf32, #tpu.memory_space<vmem>>
        %dma_start3A_465 = arith.constant 0 : i32
        %dma_start3A_466 = tpu.memref_slice %arg12[%dma_start3A_460, %dma_start3A_465] : memref<2x128xi32, #tpu.memory_space<vmem>> -> memref<1x128xi32, #tpu.memory_space<vmem>>
        %dma_start3A_467 = tpu.memref_squeeze %dma_start3A_466 : memref<1x128xi32, #tpu.memory_space<vmem>> -> memref<128xi32, #tpu.memory_space<vmem>>
        %dma_start3A_468 = arith.constant 0 : i32
        %dma_start3A_469 = arith.constant 0 : i32
        %dma_start3A_470 = tpu.memref_slice %arg16[%dma_start3A_468, %dma_start3A_469] : memref<5008x128xf32, #tpu.memory_space<vmem_shared>> -> memref<5008x128xf32, #tpu.memory_space<vmem_shared>>
        tpu.enqueue_indirect_dma source(%dma_start3A_464 : memref<128x128xf32, #tpu.memory_space<vmem>>) target(%dma_start3A_470 : memref<5008x128xf32, #tpu.memory_space<vmem_shared>>) offsets(%dma_start3A_467 : memref<128xi32, #tpu.memory_space<vmem>>) semaphore(%arg23 : memref<!tpu.dma_semaphore, #tpu.memory_space<semaphore_mem>>) {add = true}
      } else {
      }
      %mul3A_349 = arith.constant 2 : i32
      %mul3A_350 = arith.muli %while3A_328, %mul3A_349 : i32
      %add3A_351 = arith.constant 0 : i32
      %add3A_352 = arith.addi %mul3A_350, %add3A_351 : i32
      %lt3A_353 = arith.cmpi slt, %add3A_352, %select_n3A : i32
      %convert_element_type3A_354 = arith.extui %lt3A_353 : i1 to i32
      %cond3A_355 = arith.constant 0 : i32
      %cond3A_356 = arith.cmpi ne, %convert_element_type3A_354, %cond3A_355 : i32
      scf.if %cond3A_356 {
        %dma_wait3A_365 = arith.constant 0 : i32
        %dma_wait3A_366 = arith.constant 0 : i32
        %dma_wait3A_367 = arith.constant 0 : i32
        %dma_wait3A_368 = tpu.memref_slice %arg13[%dma_wait3A_365, %dma_wait3A_366, %dma_wait3A_367] : memref<2x128x128xf32, #tpu.memory_space<vmem>> -> memref<1x128x128xf32, #tpu.memory_space<vmem>>
        %dma_wait3A_369 = tpu.memref_squeeze %dma_wait3A_368 : memref<1x128x128xf32, #tpu.memory_space<vmem>> -> memref<128x128xf32, #tpu.memory_space<vmem>>
        %dma_wait3A_370 = arith.constant 0 : i32
        %dma_wait3A_371 = arith.constant 0 : i32
        %dma_wait3A_372 = tpu.memref_slice %arg2[%dma_wait3A_370, %dma_wait3A_371] : memref<90000x128xf32, #tpu.memory_space<hbm>> -> memref<128x128xf32, #tpu.memory_space<hbm>>
        %dma_wait3A_373 = arith.constant 0 : i32
        %dma_wait3A_374 = arith.constant 0 : i32
        %dma_wait3A_375 = tpu.memref_slice %arg13[%dma_wait3A_365, %dma_wait3A_373, %dma_wait3A_374] : memref<2x128x128xf32, #tpu.memory_space<vmem>> -> memref<1x128x128xf32, #tpu.memory_space<vmem>>
        %dma_wait3A_376 = tpu.memref_squeeze %dma_wait3A_375 : memref<1x128x128xf32, #tpu.memory_space<vmem>> -> memref<128x128xf32, #tpu.memory_space<vmem>>
        %dma_wait3A_377 = arith.constant 0 : i32
        %dma_wait3A_378 = arith.constant 0 : i32
        %dma_wait3A_379 = tpu.memref_slice %arg2[%dma_wait3A_377, %dma_wait3A_378] : memref<90000x128xf32, #tpu.memory_space<hbm>> -> memref<128x128xf32, #tpu.memory_space<hbm>>
        tpu.wait_dma2 semaphore(%arg22 : memref<!tpu.dma_semaphore, #tpu.memory_space<semaphore_mem>>) src(%dma_wait3A_379 : memref<128x128xf32, #tpu.memory_space<hbm>>) dst(%dma_wait3A_376 : memref<128x128xf32, #tpu.memory_space<vmem>>)
        %mul3A_380 = arith.constant 128 : i32
        %mul3A_381 = arith.muli %add3A_352, %mul3A_380 : i32
        %dma_start3A_382 = arith.constant 0 : i32
        %dma_start3A_383 = arith.constant 0 : i32
        %dma_start3A_384 = arith.constant 0 : i32
        %dma_start3A_385 = tpu.memref_slice %arg13[%dma_start3A_382, %dma_start3A_383, %dma_start3A_384] : memref<2x128x128xf32, #tpu.memory_space<vmem>> -> memref<1x128x128xf32, #tpu.memory_space<vmem>>
        %dma_start3A_386 = tpu.memref_squeeze %dma_start3A_385 : memref<1x128x128xf32, #tpu.memory_space<vmem>> -> memref<128x128xf32, #tpu.memory_space<vmem>>
        %dma_start3A_387 = tpu.memref_slice %arg9[%mul3A_381] : memref<20352xi32, #tpu.memory_space<vmem>> -> memref<128xi32, #tpu.memory_space<vmem>>
        %dma_start3A_388 = arith.constant 0 : i32
        %dma_start3A_389 = arith.constant 0 : i32
        %dma_start3A_390 = tpu.memref_slice %arg2[%dma_start3A_388, %dma_start3A_389] : memref<90000x128xf32, #tpu.memory_space<hbm>> -> memref<90000x128xf32, #tpu.memory_space<hbm>>
        tpu.enqueue_indirect_dma source(%dma_start3A_390 : memref<90000x128xf32, #tpu.memory_space<hbm>>) target(%dma_start3A_386 : memref<128x128xf32, #tpu.memory_space<vmem>>) offsets(%dma_start3A_387 : memref<128xi32, #tpu.memory_space<vmem>>) semaphore(%arg20 : memref<!tpu.dma_semaphore, #tpu.memory_space<semaphore_mem>>)
      } else {
      }
      %mul3A_357 = arith.constant 2 : i32
      %mul3A_358 = arith.muli %while3A_328, %mul3A_357 : i32
      %add3A_359 = arith.constant 1 : i32
      %add3A_360 = arith.addi %mul3A_358, %add3A_359 : i32
      %lt3A_361 = arith.cmpi slt, %add3A_360, %select_n3A : i32
      %convert_element_type3A_362 = arith.extui %lt3A_361 : i1 to i32
      %cond3A_363 = arith.constant 0 : i32
      %cond3A_364 = arith.cmpi ne, %convert_element_type3A_362, %cond3A_363 : i32
      scf.if %cond3A_364 {
        %dma_wait3A_365 = arith.constant 1 : i32
        %dma_wait3A_366 = arith.constant 0 : i32
        %dma_wait3A_367 = arith.constant 0 : i32
        %dma_wait3A_368 = tpu.memref_slice %arg13[%dma_wait3A_365, %dma_wait3A_366, %dma_wait3A_367] : memref<2x128x128xf32, #tpu.memory_space<vmem>> -> memref<1x128x128xf32, #tpu.memory_space<vmem>>
        %dma_wait3A_369 = tpu.memref_squeeze %dma_wait3A_368 : memref<1x128x128xf32, #tpu.memory_space<vmem>> -> memref<128x128xf32, #tpu.memory_space<vmem>>
        %dma_wait3A_370 = arith.constant 0 : i32
        %dma_wait3A_371 = arith.constant 0 : i32
        %dma_wait3A_372 = tpu.memref_slice %arg2[%dma_wait3A_370, %dma_wait3A_371] : memref<90000x128xf32, #tpu.memory_space<hbm>> -> memref<128x128xf32, #tpu.memory_space<hbm>>
        %dma_wait3A_373 = arith.constant 0 : i32
        %dma_wait3A_374 = arith.constant 0 : i32
        %dma_wait3A_375 = tpu.memref_slice %arg13[%dma_wait3A_365, %dma_wait3A_373, %dma_wait3A_374] : memref<2x128x128xf32, #tpu.memory_space<vmem>> -> memref<1x128x128xf32, #tpu.memory_space<vmem>>
        %dma_wait3A_376 = tpu.memref_squeeze %dma_wait3A_375 : memref<1x128x128xf32, #tpu.memory_space<vmem>> -> memref<128x128xf32, #tpu.memory_space<vmem>>
        %dma_wait3A_377 = arith.constant 0 : i32
        %dma_wait3A_378 = arith.constant 0 : i32
        %dma_wait3A_379 = tpu.memref_slice %arg2[%dma_wait3A_377, %dma_wait3A_378] : memref<90000x128xf32, #tpu.memory_space<hbm>> -> memref<128x128xf32, #tpu.memory_space<hbm>>
        tpu.wait_dma2 semaphore(%arg23 : memref<!tpu.dma_semaphore, #tpu.memory_space<semaphore_mem>>) src(%dma_wait3A_379 : memref<128x128xf32, #tpu.memory_space<hbm>>) dst(%dma_wait3A_376 : memref<128x128xf32, #tpu.memory_space<vmem>>)
        %mul3A_380 = arith.constant 128 : i32
        %mul3A_381 = arith.muli %add3A_360, %mul3A_380 : i32
        %dma_start3A_382 = arith.constant 1 : i32
        %dma_start3A_383 = arith.constant 0 : i32
        %dma_start3A_384 = arith.constant 0 : i32
        %dma_start3A_385 = tpu.memref_slice %arg13[%dma_start3A_382, %dma_start3A_383, %dma_start3A_384] : memref<2x128x128xf32, #tpu.memory_space<vmem>> -> memref<1x128x128xf32, #tpu.memory_space<vmem>>
        %dma_start3A_386 = tpu.memref_squeeze %dma_start3A_385 : memref<1x128x128xf32, #tpu.memory_space<vmem>> -> memref<128x128xf32, #tpu.memory_space<vmem>>
        %dma_start3A_387 = tpu.memref_slice %arg9[%mul3A_381] : memref<20352xi32, #tpu.memory_space<vmem>> -> memref<128xi32, #tpu.memory_space<vmem>>
        %dma_start3A_388 = arith.constant 0 : i32
        %dma_start3A_389 = arith.constant 0 : i32
        %dma_start3A_390 = tpu.memref_slice %arg2[%dma_start3A_388, %dma_start3A_389] : memref<90000x128xf32, #tpu.memory_space<hbm>> -> memref<90000x128xf32, #tpu.memory_space<hbm>>
        tpu.enqueue_indirect_dma source(%dma_start3A_390 : memref<90000x128xf32, #tpu.memory_space<hbm>>) target(%dma_start3A_386 : memref<128x128xf32, #tpu.memory_space<vmem>>) offsets(%dma_start3A_387 : memref<128xi32, #tpu.memory_space<vmem>>) semaphore(%arg21 : memref<!tpu.dma_semaphore, #tpu.memory_space<semaphore_mem>>)
      } else {
      }
    }
    %while3A_207 = arith.constant 1 : i32
    scf.for %while3A_328 = %while3A_205 to %while3A_201 step %while3A_207  : i32 {
      %sub3A_329 = arith.constant 1 : i32
      %sub3A_330 = arith.subi %while3A_328, %sub3A_329 : i32
      %mul3A_331 = arith.constant 2 : i32
      %mul3A_332 = arith.muli %sub3A_330, %mul3A_331 : i32
      %add3A_333 = arith.constant 0 : i32
      %add3A_334 = arith.addi %mul3A_332, %add3A_333 : i32
      %lt3A_335 = arith.cmpi slt, %add3A_334, %select_n3A : i32
      %convert_element_type3A_336 = arith.extui %lt3A_335 : i1 to i32
      %cond3A_337 = arith.constant 0 : i32
      %cond3A_338 = arith.cmpi ne, %convert_element_type3A_336, %cond3A_337 : i32
      scf.if %cond3A_338 {
        %dma_wait3A_365 = arith.constant 0 : i32
        %dma_wait3A_366 = arith.constant 0 : i32
        %dma_wait3A_367 = arith.constant 0 : i32
        %dma_wait3A_368 = tpu.memref_slice %arg13[%dma_wait3A_365, %dma_wait3A_366, %dma_wait3A_367] : memref<2x128x128xf32, #tpu.memory_space<vmem>> -> memref<1x128x128xf32, #tpu.memory_space<vmem>>
        %dma_wait3A_369 = tpu.memref_squeeze %dma_wait3A_368 : memref<1x128x128xf32, #tpu.memory_space<vmem>> -> memref<128x128xf32, #tpu.memory_space<vmem>>
        %dma_wait3A_370 = arith.constant 0 : i32
        %dma_wait3A_371 = arith.constant 0 : i32
        %dma_wait3A_372 = tpu.memref_slice %arg2[%dma_wait3A_370, %dma_wait3A_371] : memref<90000x128xf32, #tpu.memory_space<hbm>> -> memref<128x128xf32, #tpu.memory_space<hbm>>
        %dma_wait3A_373 = arith.constant 0 : i32
        %dma_wait3A_374 = arith.constant 0 : i32
        %dma_wait3A_375 = tpu.memref_slice %arg13[%dma_wait3A_365, %dma_wait3A_373, %dma_wait3A_374] : memref<2x128x128xf32, #tpu.memory_space<vmem>> -> memref<1x128x128xf32, #tpu.memory_space<vmem>>
        %dma_wait3A_376 = tpu.memref_squeeze %dma_wait3A_375 : memref<1x128x128xf32, #tpu.memory_space<vmem>> -> memref<128x128xf32, #tpu.memory_space<vmem>>
        %dma_wait3A_377 = arith.constant 0 : i32
        %dma_wait3A_378 = arith.constant 0 : i32
        %dma_wait3A_379 = tpu.memref_slice %arg2[%dma_wait3A_377, %dma_wait3A_378] : memref<90000x128xf32, #tpu.memory_space<hbm>> -> memref<128x128xf32, #tpu.memory_space<hbm>>
        tpu.wait_dma2 semaphore(%arg20 : memref<!tpu.dma_semaphore, #tpu.memory_space<semaphore_mem>>) src(%dma_wait3A_379 : memref<128x128xf32, #tpu.memory_space<hbm>>) dst(%dma_wait3A_376 : memref<128x128xf32, #tpu.memory_space<vmem>>)
        %mul3A_380 = arith.constant 128 : i32
        %mul3A_381 = arith.muli %add3A_334, %mul3A_380 : i32
        %add3A_382 = arith.constant 0 : i32
        %add3A_383 = arith.addi %mul3A_381, %add3A_382 : i32
        %get3A = arith.index_cast %add3A_383 : i32 to index
        %get3A_384 = tpu.vector_load %arg10[%get3A] {strides = array<i32>} : memref<20352xi32, #tpu.memory_space<vmem>>, vector<16xi32>,
        %swap3A_385 = arith.constant 0 : i32
        %swap3A_386 = arith.index_cast %swap3A_385 : i32 to index
        %swap3A_387 = arith.constant 0 : index
        %swap3A_388 = tpu.vector_load %arg12[%swap3A_386, %swap3A_387] {strides = array<i32>} : memref<2x128xi32, #tpu.memory_space<vmem>>, vector<16xi32>,
        tpu.vector_store %arg12[%swap3A_386, %swap3A_387], %get3A_384 {strides = array<i32>} : memref<2x128xi32, #tpu.memory_space<vmem>>, vector<16xi32>,
        %mul3A_389 = arith.constant 128 : i32
        %mul3A_390 = arith.muli %add3A_334, %mul3A_389 : i32
        %add3A_391 = arith.constant 16 : i32
        %add3A_392 = arith.addi %mul3A_390, %add3A_391 : i32
        %get3A_393 = arith.index_cast %add3A_392 : i32 to index
        %get3A_394 = tpu.vector_load %arg10[%get3A_393] {strides = array<i32>} : memref<20352xi32, #tpu.memory_space<vmem>>, vector<16xi32>,
        %swap3A_395 = arith.constant 0 : i32
        %swap3A_396 = arith.index_cast %swap3A_395 : i32 to index
        %swap3A_397 = arith.constant 16 : index
        %swap3A_398 = tpu.vector_load %arg12[%swap3A_396, %swap3A_397] {strides = array<i32>} : memref<2x128xi32, #tpu.memory_space<vmem>>, vector<16xi32>,
        tpu.vector_store %arg12[%swap3A_396, %swap3A_397], %get3A_394 {strides = array<i32>} : memref<2x128xi32, #tpu.memory_space<vmem>>, vector<16xi32>,
        %mul3A_399 = arith.constant 128 : i32
        %mul3A_400 = arith.muli %add3A_334, %mul3A_399 : i32
        %add3A_401 = arith.constant 32 : i32
        %add3A_402 = arith.addi %mul3A_400, %add3A_401 : i32
        %get3A_403 = arith.index_cast %add3A_402 : i32 to index
        %get3A_404 = tpu.vector_load %arg10[%get3A_403] {strides = array<i32>} : memref<20352xi32, #tpu.memory_space<vmem>>, vector<16xi32>,
        %swap3A_405 = arith.constant 0 : i32
        %swap3A_406 = arith.index_cast %swap3A_405 : i32 to index
        %swap3A_407 = arith.constant 32 : index
        %swap3A_408 = tpu.vector_load %arg12[%swap3A_406, %swap3A_407] {strides = array<i32>} : memref<2x128xi32, #tpu.memory_space<vmem>>, vector<16xi32>,
        tpu.vector_store %arg12[%swap3A_406, %swap3A_407], %get3A_404 {strides = array<i32>} : memref<2x128xi32, #tpu.memory_space<vmem>>, vector<16xi32>,
        %mul3A_409 = arith.constant 128 : i32
        %mul3A_410 = arith.muli %add3A_334, %mul3A_409 : i32
        %add3A_411 = arith.constant 48 : i32
        %add3A_412 = arith.addi %mul3A_410, %add3A_411 : i32
        %get3A_413 = arith.index_cast %add3A_412 : i32 to index
        %get3A_414 = tpu.vector_load %arg10[%get3A_413] {strides = array<i32>} : memref<20352xi32, #tpu.memory_space<vmem>>, vector<16xi32>,
        %swap3A_415 = arith.constant 0 : i32
        %swap3A_416 = arith.index_cast %swap3A_415 : i32 to index
        %swap3A_417 = arith.constant 48 : index
        %swap3A_418 = tpu.vector_load %arg12[%swap3A_416, %swap3A_417] {strides = array<i32>} : memref<2x128xi32, #tpu.memory_space<vmem>>, vector<16xi32>,
        tpu.vector_store %arg12[%swap3A_416, %swap3A_417], %get3A_414 {strides = array<i32>} : memref<2x128xi32, #tpu.memory_space<vmem>>, vector<16xi32>,
        %mul3A_419 = arith.constant 128 : i32
        %mul3A_420 = arith.muli %add3A_334, %mul3A_419 : i32
        %add3A_421 = arith.constant 64 : i32
        %add3A_422 = arith.addi %mul3A_420, %add3A_421 : i32
        %get3A_423 = arith.index_cast %add3A_422 : i32 to index
        %get3A_424 = tpu.vector_load %arg10[%get3A_423] {strides = array<i32>} : memref<20352xi32, #tpu.memory_space<vmem>>, vector<16xi32>,
        %swap3A_425 = arith.constant 0 : i32
        %swap3A_426 = arith.index_cast %swap3A_425 : i32 to index
        %swap3A_427 = arith.constant 64 : index
        %swap3A_428 = tpu.vector_load %arg12[%swap3A_426, %swap3A_427] {strides = array<i32>} : memref<2x128xi32, #tpu.memory_space<vmem>>, vector<16xi32>,
        tpu.vector_store %arg12[%swap3A_426, %swap3A_427], %get3A_424 {strides = array<i32>} : memref<2x128xi32, #tpu.memory_space<vmem>>, vector<16xi32>,
        %mul3A_429 = arith.constant 128 : i32
        %mul3A_430 = arith.muli %add3A_334, %mul3A_429 : i32
        %add3A_431 = arith.constant 80 : i32
        %add3A_432 = arith.addi %mul3A_430, %add3A_431 : i32
        %get3A_433 = arith.index_cast %add3A_432 : i32 to index
        %get3A_434 = tpu.vector_load %arg10[%get3A_433] {strides = array<i32>} : memref<20352xi32, #tpu.memory_space<vmem>>, vector<16xi32>,
        %swap3A_435 = arith.constant 0 : i32
        %swap3A_436 = arith.index_cast %swap3A_435 : i32 to index
        %swap3A_437 = arith.constant 80 : index
        %swap3A_438 = tpu.vector_load %arg12[%swap3A_436, %swap3A_437] {strides = array<i32>} : memref<2x128xi32, #tpu.memory_space<vmem>>, vector<16xi32>,
        tpu.vector_store %arg12[%swap3A_436, %swap3A_437], %get3A_434 {strides = array<i32>} : memref<2x128xi32, #tpu.memory_space<vmem>>, vector<16xi32>,
        %mul3A_439 = arith.constant 128 : i32
        %mul3A_440 = arith.muli %add3A_334, %mul3A_439 : i32
        %add3A_441 = arith.constant 96 : i32
        %add3A_442 = arith.addi %mul3A_440, %add3A_441 : i32
        %get3A_443 = arith.index_cast %add3A_442 : i32 to index
        %get3A_444 = tpu.vector_load %arg10[%get3A_443] {strides = array<i32>} : memref<20352xi32, #tpu.memory_space<vmem>>, vector<16xi32>,
        %swap3A_445 = arith.constant 0 : i32
        %swap3A_446 = arith.index_cast %swap3A_445 : i32 to index
        %swap3A_447 = arith.constant 96 : index
        %swap3A_448 = tpu.vector_load %arg12[%swap3A_446, %swap3A_447] {strides = array<i32>} : memref<2x128xi32, #tpu.memory_space<vmem>>, vector<16xi32>,
        tpu.vector_store %arg12[%swap3A_446, %swap3A_447], %get3A_444 {strides = array<i32>} : memref<2x128xi32, #tpu.memory_space<vmem>>, vector<16xi32>,
        %mul3A_449 = arith.constant 128 : i32
        %mul3A_450 = arith.muli %add3A_334, %mul3A_449 : i32
        %add3A_451 = arith.constant 112 : i32
        %add3A_452 = arith.addi %mul3A_450, %add3A_451 : i32
        %get3A_453 = arith.index_cast %add3A_452 : i32 to index
        %get3A_454 = tpu.vector_load %arg10[%get3A_453] {strides = array<i32>} : memref<20352xi32, #tpu.memory_space<vmem>>, vector<16xi32>,
        %swap3A_455 = arith.constant 0 : i32
        %swap3A_456 = arith.index_cast %swap3A_455 : i32 to index
        %swap3A_457 = arith.constant 112 : index
        %swap3A_458 = tpu.vector_load %arg12[%swap3A_456, %swap3A_457] {strides = array<i32>} : memref<2x128xi32, #tpu.memory_space<vmem>>, vector<16xi32>,
        tpu.vector_store %arg12[%swap3A_456, %swap3A_457], %get3A_454 {strides = array<i32>} : memref<2x128xi32, #tpu.memory_space<vmem>>, vector<16xi32>,
        %dma_start3A_459 = arith.constant 0 : i32
        %dma_start3A_460 = arith.constant 0 : i32
        %dma_start3A_461 = arith.constant 0 : i32
        %dma_start3A_462 = arith.constant 0 : i32
        %dma_start3A_463 = tpu.memref_slice %arg13[%dma_start3A_459, %dma_start3A_461, %dma_start3A_462] : memref<2x128x128xf32, #tpu.memory_space<vmem>> -> memref<1x128x128xf32, #tpu.memory_space<vmem>>
        %dma_start3A_464 = tpu.memref_squeeze %dma_start3A_463 : memref<1x128x128xf32, #tpu.memory_space<vmem>> -> memref<128x128xf32, #tpu.memory_space<vmem>>
        %dma_start3A_465 = arith.constant 0 : i32
        %dma_start3A_466 = tpu.memref_slice %arg12[%dma_start3A_460, %dma_start3A_465] : memref<2x128xi32, #tpu.memory_space<vmem>> -> memref<1x128xi32, #tpu.memory_space<vmem>>
        %dma_start3A_467 = tpu.memref_squeeze %dma_start3A_466 : memref<1x128xi32, #tpu.memory_space<vmem>> -> memref<128xi32, #tpu.memory_space<vmem>>
        %dma_start3A_468 = arith.constant 0 : i32
        %dma_start3A_469 = arith.constant 0 : i32
        %dma_start3A_470 = tpu.memref_slice %arg16[%dma_start3A_468, %dma_start3A_469] : memref<5008x128xf32, #tpu.memory_space<vmem_shared>> -> memref<5008x128xf32, #tpu.memory_space<vmem_shared>>
        tpu.enqueue_indirect_dma source(%dma_start3A_464 : memref<128x128xf32, #tpu.memory_space<vmem>>) target(%dma_start3A_470 : memref<5008x128xf32, #tpu.memory_space<vmem_shared>>) offsets(%dma_start3A_467 : memref<128xi32, #tpu.memory_space<vmem>>) semaphore(%arg22 : memref<!tpu.dma_semaphore, #tpu.memory_space<semaphore_mem>>) {add = true}
      } else {
      }
      %sub3A_339 = arith.constant 1 : i32
      %sub3A_340 = arith.subi %while3A_328, %sub3A_339 : i32
      %mul3A_341 = arith.constant 2 : i32
      %mul3A_342 = arith.muli %sub3A_340, %mul3A_341 : i32
      %add3A_343 = arith.constant 1 : i32
      %add3A_344 = arith.addi %mul3A_342, %add3A_343 : i32
      %lt3A_345 = arith.cmpi slt, %add3A_344, %select_n3A : i32
      %convert_element_type3A_346 = arith.extui %lt3A_345 : i1 to i32
      %cond3A_347 = arith.constant 0 : i32
      %cond3A_348 = arith.cmpi ne, %convert_element_type3A_346, %cond3A_347 : i32
      scf.if %cond3A_348 {
        %dma_wait3A_365 = arith.constant 1 : i32
        %dma_wait3A_366 = arith.constant 0 : i32
        %dma_wait3A_367 = arith.constant 0 : i32
        %dma_wait3A_368 = tpu.memref_slice %arg13[%dma_wait3A_365, %dma_wait3A_366, %dma_wait3A_367] : memref<2x128x128xf32, #tpu.memory_space<vmem>> -> memref<1x128x128xf32, #tpu.memory_space<vmem>>
        %dma_wait3A_369 = tpu.memref_squeeze %dma_wait3A_368 : memref<1x128x128xf32, #tpu.memory_space<vmem>> -> memref<128x128xf32, #tpu.memory_space<vmem>>
        %dma_wait3A_370 = arith.constant 0 : i32
        %dma_wait3A_371 = arith.constant 0 : i32
        %dma_wait3A_372 = tpu.memref_slice %arg2[%dma_wait3A_370, %dma_wait3A_371] : memref<90000x128xf32, #tpu.memory_space<hbm>> -> memref<128x128xf32, #tpu.memory_space<hbm>>
        %dma_wait3A_373 = arith.constant 0 : i32
        %dma_wait3A_374 = arith.constant 0 : i32
        %dma_wait3A_375 = tpu.memref_slice %arg13[%dma_wait3A_365, %dma_wait3A_373, %dma_wait3A_374] : memref<2x128x128xf32, #tpu.memory_space<vmem>> -> memref<1x128x128xf32, #tpu.memory_space<vmem>>
        %dma_wait3A_376 = tpu.memref_squeeze %dma_wait3A_375 : memref<1x128x128xf32, #tpu.memory_space<vmem>> -> memref<128x128xf32, #tpu.memory_space<vmem>>
        %dma_wait3A_377 = arith.constant 0 : i32
        %dma_wait3A_378 = arith.constant 0 : i32
        %dma_wait3A_379 = tpu.memref_slice %arg2[%dma_wait3A_377, %dma_wait3A_378] : memref<90000x128xf32, #tpu.memory_space<hbm>> -> memref<128x128xf32, #tpu.memory_space<hbm>>
        tpu.wait_dma2 semaphore(%arg21 : memref<!tpu.dma_semaphore, #tpu.memory_space<semaphore_mem>>) src(%dma_wait3A_379 : memref<128x128xf32, #tpu.memory_space<hbm>>) dst(%dma_wait3A_376 : memref<128x128xf32, #tpu.memory_space<vmem>>)
        %mul3A_380 = arith.constant 128 : i32
        %mul3A_381 = arith.muli %add3A_344, %mul3A_380 : i32
        %add3A_382 = arith.constant 0 : i32
        %add3A_383 = arith.addi %mul3A_381, %add3A_382 : i32
        %get3A = arith.index_cast %add3A_383 : i32 to index
        %get3A_384 = tpu.vector_load %arg10[%get3A] {strides = array<i32>} : memref<20352xi32, #tpu.memory_space<vmem>>, vector<16xi32>,
        %swap3A_385 = arith.constant 1 : i32
        %swap3A_386 = arith.index_cast %swap3A_385 : i32 to index
        %swap3A_387 = arith.constant 0 : index
        %swap3A_388 = tpu.vector_load %arg12[%swap3A_386, %swap3A_387] {strides = array<i32>} : memref<2x128xi32, #tpu.memory_space<vmem>>, vector<16xi32>,
        tpu.vector_store %arg12[%swap3A_386, %swap3A_387], %get3A_384 {strides = array<i32>} : memref<2x128xi32, #tpu.memory_space<vmem>>, vector<16xi32>,
        %mul3A_389 = arith.constant 128 : i32
        %mul3A_390 = arith.muli %add3A_344, %mul3A_389 : i32
        %add3A_391 = arith.constant 16 : i32
        %add3A_392 = arith.addi %mul3A_390, %add3A_391 : i32
        %get3A_393 = arith.index_cast %add3A_392 : i32 to index
        %get3A_394 = tpu.vector_load %arg10[%get3A_393] {strides = array<i32>} : memref<20352xi32, #tpu.memory_space<vmem>>, vector<16xi32>,
        %swap3A_395 = arith.constant 1 : i32
        %swap3A_396 = arith.index_cast %swap3A_395 : i32 to index
        %swap3A_397 = arith.constant 16 : index
        %swap3A_398 = tpu.vector_load %arg12[%swap3A_396, %swap3A_397] {strides = array<i32>} : memref<2x128xi32, #tpu.memory_space<vmem>>, vector<16xi32>,
        tpu.vector_store %arg12[%swap3A_396, %swap3A_397], %get3A_394 {strides = array<i32>} : memref<2x128xi32, #tpu.memory_space<vmem>>, vector<16xi32>,
        %mul3A_399 = arith.constant 128 : i32
        %mul3A_400 = arith.muli %add3A_344, %mul3A_399 : i32
        %add3A_401 = arith.constant 32 : i32
        %add3A_402 = arith.addi %mul3A_400, %add3A_401 : i32
        %get3A_403 = arith.index_cast %add3A_402 : i32 to index
        %get3A_404 = tpu.vector_load %arg10[%get3A_403] {strides = array<i32>} : memref<20352xi32, #tpu.memory_space<vmem>>, vector<16xi32>,
        %swap3A_405 = arith.constant 1 : i32
        %swap3A_406 = arith.index_cast %swap3A_405 : i32 to index
        %swap3A_407 = arith.constant 32 : index
        %swap3A_408 = tpu.vector_load %arg12[%swap3A_406, %swap3A_407] {strides = array<i32>} : memref<2x128xi32, #tpu.memory_space<vmem>>, vector<16xi32>,
        tpu.vector_store %arg12[%swap3A_406, %swap3A_407], %get3A_404 {strides = array<i32>} : memref<2x128xi32, #tpu.memory_space<vmem>>, vector<16xi32>,
        %mul3A_409 = arith.constant 128 : i32
        %mul3A_410 = arith.muli %add3A_344, %mul3A_409 : i32
        %add3A_411 = arith.constant 48 : i32
        %add3A_412 = arith.addi %mul3A_410, %add3A_411 : i32
        %get3A_413 = arith.index_cast %add3A_412 : i32 to index
        %get3A_414 = tpu.vector_load %arg10[%get3A_413] {strides = array<i32>} : memref<20352xi32, #tpu.memory_space<vmem>>, vector<16xi32>,
        %swap3A_415 = arith.constant 1 : i32
        %swap3A_416 = arith.index_cast %swap3A_415 : i32 to index
        %swap3A_417 = arith.constant 48 : index
        %swap3A_418 = tpu.vector_load %arg12[%swap3A_416, %swap3A_417] {strides = array<i32>} : memref<2x128xi32, #tpu.memory_space<vmem>>, vector<16xi32>,
        tpu.vector_store %arg12[%swap3A_416, %swap3A_417], %get3A_414 {strides = array<i32>} : memref<2x128xi32, #tpu.memory_space<vmem>>, vector<16xi32>,
        %mul3A_419 = arith.constant 128 : i32
        %mul3A_420 = arith.muli %add3A_344, %mul3A_419 : i32
        %add3A_421 = arith.constant 64 : i32
        %add3A_422 = arith.addi %mul3A_420, %add3A_421 : i32
        %get3A_423 = arith.index_cast %add3A_422 : i32 to index
        %get3A_424 = tpu.vector_load %arg10[%get3A_423] {strides = array<i32>} : memref<20352xi32, #tpu.memory_space<vmem>>, vector<16xi32>,
        %swap3A_425 = arith.constant 1 : i32
        %swap3A_426 = arith.index_cast %swap3A_425 : i32 to index
        %swap3A_427 = arith.constant 64 : index
        %swap3A_428 = tpu.vector_load %arg12[%swap3A_426, %swap3A_427] {strides = array<i32>} : memref<2x128xi32, #tpu.memory_space<vmem>>, vector<16xi32>,
        tpu.vector_store %arg12[%swap3A_426, %swap3A_427], %get3A_424 {strides = array<i32>} : memref<2x128xi32, #tpu.memory_space<vmem>>, vector<16xi32>,
        %mul3A_429 = arith.constant 128 : i32
        %mul3A_430 = arith.muli %add3A_344, %mul3A_429 : i32
        %add3A_431 = arith.constant 80 : i32
        %add3A_432 = arith.addi %mul3A_430, %add3A_431 : i32
        %get3A_433 = arith.index_cast %add3A_432 : i32 to index
        %get3A_434 = tpu.vector_load %arg10[%get3A_433] {strides = array<i32>} : memref<20352xi32, #tpu.memory_space<vmem>>, vector<16xi32>,
        %swap3A_435 = arith.constant 1 : i32
        %swap3A_436 = arith.index_cast %swap3A_435 : i32 to index
        %swap3A_437 = arith.constant 80 : index
        %swap3A_438 = tpu.vector_load %arg12[%swap3A_436, %swap3A_437] {strides = array<i32>} : memref<2x128xi32, #tpu.memory_space<vmem>>, vector<16xi32>,
        tpu.vector_store %arg12[%swap3A_436, %swap3A_437], %get3A_434 {strides = array<i32>} : memref<2x128xi32, #tpu.memory_space<vmem>>, vector<16xi32>,
        %mul3A_439 = arith.constant 128 : i32
        %mul3A_440 = arith.muli %add3A_344, %mul3A_439 : i32
        %add3A_441 = arith.constant 96 : i32
        %add3A_442 = arith.addi %mul3A_440, %add3A_441 : i32
        %get3A_443 = arith.index_cast %add3A_442 : i32 to index
        %get3A_444 = tpu.vector_load %arg10[%get3A_443] {strides = array<i32>} : memref<20352xi32, #tpu.memory_space<vmem>>, vector<16xi32>,
        %swap3A_445 = arith.constant 1 : i32
        %swap3A_446 = arith.index_cast %swap3A_445 : i32 to index
        %swap3A_447 = arith.constant 96 : index
        %swap3A_448 = tpu.vector_load %arg12[%swap3A_446, %swap3A_447] {strides = array<i32>} : memref<2x128xi32, #tpu.memory_space<vmem>>, vector<16xi32>,
        tpu.vector_store %arg12[%swap3A_446, %swap3A_447], %get3A_444 {strides = array<i32>} : memref<2x128xi32, #tpu.memory_space<vmem>>, vector<16xi32>,
        %mul3A_449 = arith.constant 128 : i32
        %mul3A_450 = arith.muli %add3A_344, %mul3A_449 : i32
        %add3A_451 = arith.constant 112 : i32
        %add3A_452 = arith.addi %mul3A_450, %add3A_451 : i32
        %get3A_453 = arith.index_cast %add3A_452 : i32 to index
        %get3A_454 = tpu.vector_load %arg10[%get3A_453] {strides = array<i32>} : memref<20352xi32, #tpu.memory_space<vmem>>, vector<16xi32>,
        %swap3A_455 = arith.constant 1 : i32
        %swap3A_456 = arith.index_cast %swap3A_455 : i32 to index
        %swap3A_457 = arith.constant 112 : index
        %swap3A_458 = tpu.vector_load %arg12[%swap3A_456, %swap3A_457] {strides = array<i32>} : memref<2x128xi32, #tpu.memory_space<vmem>>, vector<16xi32>,
        tpu.vector_store %arg12[%swap3A_456, %swap3A_457], %get3A_454 {strides = array<i32>} : memref<2x128xi32, #tpu.memory_space<vmem>>, vector<16xi32>,
        %dma_start3A_459 = arith.constant 1 : i32
        %dma_start3A_460 = arith.constant 1 : i32
        %dma_start3A_461 = arith.constant 0 : i32
        %dma_start3A_462 = arith.constant 0 : i32
        %dma_start3A_463 = tpu.memref_slice %arg13[%dma_start3A_459, %dma_start3A_461, %dma_start3A_462] : memref<2x128x128xf32, #tpu.memory_space<vmem>> -> memref<1x128x128xf32, #tpu.memory_space<vmem>>
        %dma_start3A_464 = tpu.memref_squeeze %dma_start3A_463 : memref<1x128x128xf32, #tpu.memory_space<vmem>> -> memref<128x128xf32, #tpu.memory_space<vmem>>
        %dma_start3A_465 = arith.constant 0 : i32
        %dma_start3A_466 = tpu.memref_slice %arg12[%dma_start3A_460, %dma_start3A_465] : memref<2x128xi32, #tpu.memory_space<vmem>> -> memref<1x128xi32, #tpu.memory_space<vmem>>
        %dma_start3A_467 = tpu.memref_squeeze %dma_start3A_466 : memref<1x128xi32, #tpu.memory_space<vmem>> -> memref<128xi32, #tpu.memory_space<vmem>>
        %dma_start3A_468 = arith.constant 0 : i32
        %dma_start3A_469 = arith.constant 0 : i32
        %dma_start3A_470 = tpu.memref_slice %arg16[%dma_start3A_468, %dma_start3A_469] : memref<5008x128xf32, #tpu.memory_space<vmem_shared>> -> memref<5008x128xf32, #tpu.memory_space<vmem_shared>>
        tpu.enqueue_indirect_dma source(%dma_start3A_464 : memref<128x128xf32, #tpu.memory_space<vmem>>) target(%dma_start3A_470 : memref<5008x128xf32, #tpu.memory_space<vmem_shared>>) offsets(%dma_start3A_467 : memref<128xi32, #tpu.memory_space<vmem>>) semaphore(%arg23 : memref<!tpu.dma_semaphore, #tpu.memory_space<semaphore_mem>>) {add = true}
      } else {
      }
      %mul3A_349 = arith.constant 2 : i32
      %mul3A_350 = arith.muli %while3A_328, %mul3A_349 : i32
      %add3A_351 = arith.constant 0 : i32
      %add3A_352 = arith.addi %mul3A_350, %add3A_351 : i32
      %lt3A_353 = arith.cmpi slt, %add3A_352, %select_n3A : i32
      %convert_element_type3A_354 = arith.extui %lt3A_353 : i1 to i32
      %cond3A_355 = arith.constant 0 : i32
      %cond3A_356 = arith.cmpi ne, %convert_element_type3A_354, %cond3A_355 : i32
      scf.if %cond3A_356 {
        %dma_wait3A_365 = arith.constant 0 : i32
        %dma_wait3A_366 = arith.constant 0 : i32
        %dma_wait3A_367 = arith.constant 0 : i32
        %dma_wait3A_368 = tpu.memref_slice %arg13[%dma_wait3A_365, %dma_wait3A_366, %dma_wait3A_367] : memref<2x128x128xf32, #tpu.memory_space<vmem>> -> memref<1x128x128xf32, #tpu.memory_space<vmem>>
        %dma_wait3A_369 = tpu.memref_squeeze %dma_wait3A_368 : memref<1x128x128xf32, #tpu.memory_space<vmem>> -> memref<128x128xf32, #tpu.memory_space<vmem>>
        %dma_wait3A_370 = arith.constant 0 : i32
        %dma_wait3A_371 = arith.constant 0 : i32
        %dma_wait3A_372 = tpu.memref_slice %arg2[%dma_wait3A_370, %dma_wait3A_371] : memref<90000x128xf32, #tpu.memory_space<hbm>> -> memref<128x128xf32, #tpu.memory_space<hbm>>
        %dma_wait3A_373 = arith.constant 0 : i32
        %dma_wait3A_374 = arith.constant 0 : i32
        %dma_wait3A_375 = tpu.memref_slice %arg13[%dma_wait3A_365, %dma_wait3A_373, %dma_wait3A_374] : memref<2x128x128xf32, #tpu.memory_space<vmem>> -> memref<1x128x128xf32, #tpu.memory_space<vmem>>
        %dma_wait3A_376 = tpu.memref_squeeze %dma_wait3A_375 : memref<1x128x128xf32, #tpu.memory_space<vmem>> -> memref<128x128xf32, #tpu.memory_space<vmem>>
        %dma_wait3A_377 = arith.constant 0 : i32
        %dma_wait3A_378 = arith.constant 0 : i32
        %dma_wait3A_379 = tpu.memref_slice %arg2[%dma_wait3A_377, %dma_wait3A_378] : memref<90000x128xf32, #tpu.memory_space<hbm>> -> memref<128x128xf32, #tpu.memory_space<hbm>>
        tpu.wait_dma2 semaphore(%arg22 : memref<!tpu.dma_semaphore, #tpu.memory_space<semaphore_mem>>) src(%dma_wait3A_379 : memref<128x128xf32, #tpu.memory_space<hbm>>) dst(%dma_wait3A_376 : memref<128x128xf32, #tpu.memory_space<vmem>>)
        %mul3A_380 = arith.constant 128 : i32
        %mul3A_381 = arith.muli %add3A_352, %mul3A_380 : i32
        %dma_start3A_382 = arith.constant 0 : i32
        %dma_start3A_383 = arith.constant 0 : i32
        %dma_start3A_384 = arith.constant 0 : i32
        %dma_start3A_385 = tpu.memref_slice %arg13[%dma_start3A_382, %dma_start3A_383, %dma_start3A_384] : memref<2x128x128xf32, #tpu.memory_space<vmem>> -> memref<1x128x128xf32, #tpu.memory_space<vmem>>
        %dma_start3A_386 = tpu.memref_squeeze %dma_start3A_385 : memref<1x128x128xf32, #tpu.memory_space<vmem>> -> memref<128x128xf32, #tpu.memory_space<vmem>>
        %dma_start3A_387 = tpu.memref_slice %arg9[%mul3A_381] : memref<20352xi32, #tpu.memory_space<vmem>> -> memref<128xi32, #tpu.memory_space<vmem>>
        %dma_start3A_388 = arith.constant 0 : i32
        %dma_start3A_389 = arith.constant 0 : i32
        %dma_start3A_390 = tpu.memref_slice %arg2[%dma_start3A_388, %dma_start3A_389] : memref<90000x128xf32, #tpu.memory_space<hbm>> -> memref<90000x128xf32, #tpu.memory_space<hbm>>
        tpu.enqueue_indirect_dma source(%dma_start3A_390 : memref<90000x128xf32, #tpu.memory_space<hbm>>) target(%dma_start3A_386 : memref<128x128xf32, #tpu.memory_space<vmem>>) offsets(%dma_start3A_387 : memref<128xi32, #tpu.memory_space<vmem>>) semaphore(%arg20 : memref<!tpu.dma_semaphore, #tpu.memory_space<semaphore_mem>>)
      } else {
      }
      %mul3A_357 = arith.constant 2 : i32
      %mul3A_358 = arith.muli %while3A_328, %mul3A_357 : i32
      %add3A_359 = arith.constant 1 : i32
      %add3A_360 = arith.addi %mul3A_358, %add3A_359 : i32
      %lt3A_361 = arith.cmpi slt, %add3A_360, %select_n3A : i32
      %convert_element_type3A_362 = arith.extui %lt3A_361 : i1 to i32
      %cond3A_363 = arith.constant 0 : i32
      %cond3A_364 = arith.cmpi ne, %convert_element_type3A_362, %cond3A_363 : i32
      scf.if %cond3A_364 {
        %dma_wait3A_365 = arith.constant 1 : i32
        %dma_wait3A_366 = arith.constant 0 : i32
        %dma_wait3A_367 = arith.constant 0 : i32
        %dma_wait3A_368 = tpu.memref_slice %arg13[%dma_wait3A_365, %dma_wait3A_366, %dma_wait3A_367] : memref<2x128x128xf32, #tpu.memory_space<vmem>> -> memref<1x128x128xf32, #tpu.memory_space<vmem>>
        %dma_wait3A_369 = tpu.memref_squeeze %dma_wait3A_368 : memref<1x128x128xf32, #tpu.memory_space<vmem>> -> memref<128x128xf32, #tpu.memory_space<vmem>>
        %dma_wait3A_370 = arith.constant 0 : i32
        %dma_wait3A_371 = arith.constant 0 : i32
        %dma_wait3A_372 = tpu.memref_slice %arg2[%dma_wait3A_370, %dma_wait3A_371] : memref<90000x128xf32, #tpu.memory_space<hbm>> -> memref<128x128xf32, #tpu.memory_space<hbm>>
        %dma_wait3A_373 = arith.constant 0 : i32
        %dma_wait3A_374 = arith.constant 0 : i32
        %dma_wait3A_375 = tpu.memref_slice %arg13[%dma_wait3A_365, %dma_wait3A_373, %dma_wait3A_374] : memref<2x128x128xf32, #tpu.memory_space<vmem>> -> memref<1x128x128xf32, #tpu.memory_space<vmem>>
        %dma_wait3A_376 = tpu.memref_squeeze %dma_wait3A_375 : memref<1x128x128xf32, #tpu.memory_space<vmem>> -> memref<128x128xf32, #tpu.memory_space<vmem>>
        %dma_wait3A_377 = arith.constant 0 : i32
        %dma_wait3A_378 = arith.constant 0 : i32
        %dma_wait3A_379 = tpu.memref_slice %arg2[%dma_wait3A_377, %dma_wait3A_378] : memref<90000x128xf32, #tpu.memory_space<hbm>> -> memref<128x128xf32, #tpu.memory_space<hbm>>
        tpu.wait_dma2 semaphore(%arg23 : memref<!tpu.dma_semaphore, #tpu.memory_space<semaphore_mem>>) src(%dma_wait3A_379 : memref<128x128xf32, #tpu.memory_space<hbm>>) dst(%dma_wait3A_376 : memref<128x128xf32, #tpu.memory_space<vmem>>)
        %mul3A_380 = arith.constant 128 : i32
        %mul3A_381 = arith.muli %add3A_360, %mul3A_380 : i32
        %dma_start3A_382 = arith.constant 1 : i32
        %dma_start3A_383 = arith.constant 0 : i32
        %dma_start3A_384 = arith.constant 0 : i32
        %dma_start3A_385 = tpu.memref_slice %arg13[%dma_start3A_382, %dma_start3A_383, %dma_start3A_384] : memref<2x128x128xf32, #tpu.memory_space<vmem>> -> memref<1x128x128xf32, #tpu.memory_space<vmem>>
        %dma_start3A_386 = tpu.memref_squeeze %dma_start3A_385 : memref<1x128x128xf32, #tpu.memory_space<vmem>> -> memref<128x128xf32, #tpu.memory_space<vmem>>
        %dma_start3A_387 = tpu.memref_slice %arg9[%mul3A_381] : memref<20352xi32, #tpu.memory_space<vmem>> -> memref<128xi32, #tpu.memory_space<vmem>>
        %dma_start3A_388 = arith.constant 0 : i32
        %dma_start3A_389 = arith.constant 0 : i32
        %dma_start3A_390 = tpu.memref_slice %arg2[%dma_start3A_388, %dma_start3A_389] : memref<90000x128xf32, #tpu.memory_space<hbm>> -> memref<90000x128xf32, #tpu.memory_space<hbm>>
        tpu.enqueue_indirect_dma source(%dma_start3A_390 : memref<90000x128xf32, #tpu.memory_space<hbm>>) target(%dma_start3A_386 : memref<128x128xf32, #tpu.memory_space<vmem>>) offsets(%dma_start3A_387 : memref<128xi32, #tpu.memory_space<vmem>>) semaphore(%arg21 : memref<!tpu.dma_semaphore, #tpu.memory_space<semaphore_mem>>)
      } else {
      }
    }
    %sub3A_208 = arith.constant 1 : i32
    %sub3A_209 = arith.subi %select_n3A_198, %sub3A_208 : i32
    %mul3A_210 = arith.constant 2 : i32
    %mul3A_211 = arith.muli %sub3A_209, %mul3A_210 : i32
    %add3A_212 = arith.constant 0 : i32
    %add3A_213 = arith.addi %mul3A_211, %add3A_212 : i32
    %ge3A = arith.constant 0 : i32
    %ge3A_214 = arith.cmpi sge, %add3A_213, %ge3A : i32
    %lt3A = arith.cmpi slt, %add3A_213, %select_n3A : i32
    %and3A_215 = arith.andi %ge3A_214, %lt3A : i1
    %convert_element_type3A_216 = arith.extui %and3A_215 : i1 to i32
    %cond3A_217 = arith.constant 0 : i32
    %cond3A_218 = arith.cmpi ne, %convert_element_type3A_216, %cond3A_217 : i32
    scf.if %cond3A_218 {
      %dma_wait3A_328 = arith.constant 0 : i32
      %dma_wait3A_329 = arith.constant 0 : i32
      %dma_wait3A_330 = arith.constant 0 : i32
      %dma_wait3A_331 = tpu.memref_slice %arg13[%dma_wait3A_328, %dma_wait3A_329, %dma_wait3A_330] : memref<2x128x128xf32, #tpu.memory_space<vmem>> -> memref<1x128x128xf32, #tpu.memory_space<vmem>>
      %dma_wait3A_332 = tpu.memref_squeeze %dma_wait3A_331 : memref<1x128x128xf32, #tpu.memory_space<vmem>> -> memref<128x128xf32, #tpu.memory_space<vmem>>
      %dma_wait3A_333 = arith.constant 0 : i32
      %dma_wait3A_334 = arith.constant 0 : i32
      %dma_wait3A_335 = tpu.memref_slice %arg2[%dma_wait3A_333, %dma_wait3A_334] : memref<90000x128xf32, #tpu.memory_space<hbm>> -> memref<128x128xf32, #tpu.memory_space<hbm>>
      %dma_wait3A_336 = arith.constant 0 : i32
      %dma_wait3A_337 = arith.constant 0 : i32
      %dma_wait3A_338 = tpu.memref_slice %arg13[%dma_wait3A_328, %dma_wait3A_336, %dma_wait3A_337] : memref<2x128x128xf32, #tpu.memory_space<vmem>> -> memref<1x128x128xf32, #tpu.memory_space<vmem>>
      %dma_wait3A_339 = tpu.memref_squeeze %dma_wait3A_338 : memref<1x128x128xf32, #tpu.memory_space<vmem>> -> memref<128x128xf32, #tpu.memory_space<vmem>>
      %dma_wait3A_340 = arith.constant 0 : i32
      %dma_wait3A_341 = arith.constant 0 : i32
      %dma_wait3A_342 = tpu.memref_slice %arg2[%dma_wait3A_340, %dma_wait3A_341] : memref<90000x128xf32, #tpu.memory_space<hbm>> -> memref<128x128xf32, #tpu.memory_space<hbm>>
      tpu.wait_dma2 semaphore(%arg20 : memref<!tpu.dma_semaphore, #tpu.memory_space<semaphore_mem>>) src(%dma_wait3A_342 : memref<128x128xf32, #tpu.memory_space<hbm>>) dst(%dma_wait3A_339 : memref<128x128xf32, #tpu.memory_space<vmem>>)
      %mul3A_343 = arith.constant 128 : i32
      %mul3A_344 = arith.muli %add3A_213, %mul3A_343 : i32
      %add3A_345 = arith.constant 0 : i32
      %add3A_346 = arith.addi %mul3A_344, %add3A_345 : i32
      %get3A = arith.index_cast %add3A_346 : i32 to index
      %get3A_347 = tpu.vector_load %arg10[%get3A] {strides = array<i32>} : memref<20352xi32, #tpu.memory_space<vmem>>, vector<16xi32>,
      %swap3A_348 = arith.constant 0 : i32
      %swap3A_349 = arith.index_cast %swap3A_348 : i32 to index
      %swap3A_350 = arith.constant 0 : index
      %swap3A_351 = tpu.vector_load %arg12[%swap3A_349, %swap3A_350] {strides = array<i32>} : memref<2x128xi32, #tpu.memory_space<vmem>>, vector<16xi32>,
      tpu.vector_store %arg12[%swap3A_349, %swap3A_350], %get3A_347 {strides = array<i32>} : memref<2x128xi32, #tpu.memory_space<vmem>>, vector<16xi32>,
      %mul3A_352 = arith.constant 128 : i32
      %mul3A_353 = arith.muli %add3A_213, %mul3A_352 : i32
      %add3A_354 = arith.constant 16 : i32
      %add3A_355 = arith.addi %mul3A_353, %add3A_354 : i32
      %get3A_356 = arith.index_cast %add3A_355 : i32 to index
      %get3A_357 = tpu.vector_load %arg10[%get3A_356] {strides = array<i32>} : memref<20352xi32, #tpu.memory_space<vmem>>, vector<16xi32>,
      %swap3A_358 = arith.constant 0 : i32
      %swap3A_359 = arith.index_cast %swap3A_358 : i32 to index
      %swap3A_360 = arith.constant 16 : index
      %swap3A_361 = tpu.vector_load %arg12[%swap3A_359, %swap3A_360] {strides = array<i32>} : memref<2x128xi32, #tpu.memory_space<vmem>>, vector<16xi32>,
      tpu.vector_store %arg12[%swap3A_359, %swap3A_360], %get3A_357 {strides = array<i32>} : memref<2x128xi32, #tpu.memory_space<vmem>>, vector<16xi32>,
      %mul3A_362 = arith.constant 128 : i32
      %mul3A_363 = arith.muli %add3A_213, %mul3A_362 : i32
      %add3A_364 = arith.constant 32 : i32
      %add3A_365 = arith.addi %mul3A_363, %add3A_364 : i32
      %get3A_366 = arith.index_cast %add3A_365 : i32 to index
      %get3A_367 = tpu.vector_load %arg10[%get3A_366] {strides = array<i32>} : memref<20352xi32, #tpu.memory_space<vmem>>, vector<16xi32>,
      %swap3A_368 = arith.constant 0 : i32
      %swap3A_369 = arith.index_cast %swap3A_368 : i32 to index
      %swap3A_370 = arith.constant 32 : index
      %swap3A_371 = tpu.vector_load %arg12[%swap3A_369, %swap3A_370] {strides = array<i32>} : memref<2x128xi32, #tpu.memory_space<vmem>>, vector<16xi32>,
      tpu.vector_store %arg12[%swap3A_369, %swap3A_370], %get3A_367 {strides = array<i32>} : memref<2x128xi32, #tpu.memory_space<vmem>>, vector<16xi32>,
      %mul3A_372 = arith.constant 128 : i32
      %mul3A_373 = arith.muli %add3A_213, %mul3A_372 : i32
      %add3A_374 = arith.constant 48 : i32
      %add3A_375 = arith.addi %mul3A_373, %add3A_374 : i32
      %get3A_376 = arith.index_cast %add3A_375 : i32 to index
      %get3A_377 = tpu.vector_load %arg10[%get3A_376] {strides = array<i32>} : memref<20352xi32, #tpu.memory_space<vmem>>, vector<16xi32>,
      %swap3A_378 = arith.constant 0 : i32
      %swap3A_379 = arith.index_cast %swap3A_378 : i32 to index
      %swap3A_380 = arith.constant 48 : index
      %swap3A_381 = tpu.vector_load %arg12[%swap3A_379, %swap3A_380] {strides = array<i32>} : memref<2x128xi32, #tpu.memory_space<vmem>>, vector<16xi32>,
      tpu.vector_store %arg12[%swap3A_379, %swap3A_380], %get3A_377 {strides = array<i32>} : memref<2x128xi32, #tpu.memory_space<vmem>>, vector<16xi32>,
      %mul3A_382 = arith.constant 128 : i32
      %mul3A_383 = arith.muli %add3A_213, %mul3A_382 : i32
      %add3A_384 = arith.constant 64 : i32
      %add3A_385 = arith.addi %mul3A_383, %add3A_384 : i32
      %get3A_386 = arith.index_cast %add3A_385 : i32 to index
      %get3A_387 = tpu.vector_load %arg10[%get3A_386] {strides = array<i32>} : memref<20352xi32, #tpu.memory_space<vmem>>, vector<16xi32>,
      %swap3A_388 = arith.constant 0 : i32
      %swap3A_389 = arith.index_cast %swap3A_388 : i32 to index
      %swap3A_390 = arith.constant 64 : index
      %swap3A_391 = tpu.vector_load %arg12[%swap3A_389, %swap3A_390] {strides = array<i32>} : memref<2x128xi32, #tpu.memory_space<vmem>>, vector<16xi32>,
      tpu.vector_store %arg12[%swap3A_389, %swap3A_390], %get3A_387 {strides = array<i32>} : memref<2x128xi32, #tpu.memory_space<vmem>>, vector<16xi32>,
      %mul3A_392 = arith.constant 128 : i32
      %mul3A_393 = arith.muli %add3A_213, %mul3A_392 : i32
      %add3A_394 = arith.constant 80 : i32
      %add3A_395 = arith.addi %mul3A_393, %add3A_394 : i32
      %get3A_396 = arith.index_cast %add3A_395 : i32 to index
      %get3A_397 = tpu.vector_load %arg10[%get3A_396] {strides = array<i32>} : memref<20352xi32, #tpu.memory_space<vmem>>, vector<16xi32>,
      %swap3A_398 = arith.constant 0 : i32
      %swap3A_399 = arith.index_cast %swap3A_398 : i32 to index
      %swap3A_400 = arith.constant 80 : index
      %swap3A_401 = tpu.vector_load %arg12[%swap3A_399, %swap3A_400] {strides = array<i32>} : memref<2x128xi32, #tpu.memory_space<vmem>>, vector<16xi32>,
      tpu.vector_store %arg12[%swap3A_399, %swap3A_400], %get3A_397 {strides = array<i32>} : memref<2x128xi32, #tpu.memory_space<vmem>>, vector<16xi32>,
      %mul3A_402 = arith.constant 128 : i32
      %mul3A_403 = arith.muli %add3A_213, %mul3A_402 : i32
      %add3A_404 = arith.constant 96 : i32
      %add3A_405 = arith.addi %mul3A_403, %add3A_404 : i32
      %get3A_406 = arith.index_cast %add3A_405 : i32 to index
      %get3A_407 = tpu.vector_load %arg10[%get3A_406] {strides = array<i32>} : memref<20352xi32, #tpu.memory_space<vmem>>, vector<16xi32>,
      %swap3A_408 = arith.constant 0 : i32
      %swap3A_409 = arith.index_cast %swap3A_408 : i32 to index
      %swap3A_410 = arith.constant 96 : index
      %swap3A_411 = tpu.vector_load %arg12[%swap3A_409, %swap3A_410] {strides = array<i32>} : memref<2x128xi32, #tpu.memory_space<vmem>>, vector<16xi32>,
      tpu.vector_store %arg12[%swap3A_409, %swap3A_410], %get3A_407 {strides = array<i32>} : memref<2x128xi32, #tpu.memory_space<vmem>>, vector<16xi32>,
      %mul3A_412 = arith.constant 128 : i32
      %mul3A_413 = arith.muli %add3A_213, %mul3A_412 : i32
      %add3A_414 = arith.constant 112 : i32
      %add3A_415 = arith.addi %mul3A_413, %add3A_414 : i32
      %get3A_416 = arith.index_cast %add3A_415 : i32 to index
      %get3A_417 = tpu.vector_load %arg10[%get3A_416] {strides = array<i32>} : memref<20352xi32, #tpu.memory_space<vmem>>, vector<16xi32>,
      %swap3A_418 = arith.constant 0 : i32
      %swap3A_419 = arith.index_cast %swap3A_418 : i32 to index
      %swap3A_420 = arith.constant 112 : index
      %swap3A_421 = tpu.vector_load %arg12[%swap3A_419, %swap3A_420] {strides = array<i32>} : memref<2x128xi32, #tpu.memory_space<vmem>>, vector<16xi32>,
      tpu.vector_store %arg12[%swap3A_419, %swap3A_420], %get3A_417 {strides = array<i32>} : memref<2x128xi32, #tpu.memory_space<vmem>>, vector<16xi32>,
      %dma_start3A_422 = arith.constant 0 : i32
      %dma_start3A_423 = arith.constant 0 : i32
      %dma_start3A_424 = arith.constant 0 : i32
      %dma_start3A_425 = arith.constant 0 : i32
      %dma_start3A_426 = tpu.memref_slice %arg13[%dma_start3A_422, %dma_start3A_424, %dma_start3A_425] : memref<2x128x128xf32, #tpu.memory_space<vmem>> -> memref<1x128x128xf32, #tpu.memory_space<vmem>>
      %dma_start3A_427 = tpu.memref_squeeze %dma_start3A_426 : memref<1x128x128xf32, #tpu.memory_space<vmem>> -> memref<128x128xf32, #tpu.memory_space<vmem>>
      %dma_start3A_428 = arith.constant 0 : i32
      %dma_start3A_429 = tpu.memref_slice %arg12[%dma_start3A_423, %dma_start3A_428] : memref<2x128xi32, #tpu.memory_space<vmem>> -> memref<1x128xi32, #tpu.memory_space<vmem>>
      %dma_start3A_430 = tpu.memref_squeeze %dma_start3A_429 : memref<1x128xi32, #tpu.memory_space<vmem>> -> memref<128xi32, #tpu.memory_space<vmem>>
      %dma_start3A_431 = arith.constant 0 : i32
      %dma_start3A_432 = arith.constant 0 : i32
      %dma_start3A_433 = tpu.memref_slice %arg16[%dma_start3A_431, %dma_start3A_432] : memref<5008x128xf32, #tpu.memory_space<vmem_shared>> -> memref<5008x128xf32, #tpu.memory_space<vmem_shared>>
      tpu.enqueue_indirect_dma source(%dma_start3A_427 : memref<128x128xf32, #tpu.memory_space<vmem>>) target(%dma_start3A_433 : memref<5008x128xf32, #tpu.memory_space<vmem_shared>>) offsets(%dma_start3A_430 : memref<128xi32, #tpu.memory_space<vmem>>) semaphore(%arg22 : memref<!tpu.dma_semaphore, #tpu.memory_space<semaphore_mem>>) {add = true}
    } else {
    }
    %add3A_219 = arith.constant 1 : i32
    %add3A_220 = arith.addi %mul3A_211, %add3A_219 : i32
    %ge3A_221 = arith.constant 0 : i32
    %ge3A_222 = arith.cmpi sge, %add3A_220, %ge3A_221 : i32
    %lt3A_223 = arith.cmpi slt, %add3A_220, %select_n3A : i32
    %and3A_224 = arith.andi %ge3A_222, %lt3A_223 : i1
    %convert_element_type3A_225 = arith.extui %and3A_224 : i1 to i32
    %cond3A_226 = arith.constant 0 : i32
    %cond3A_227 = arith.cmpi ne, %convert_element_type3A_225, %cond3A_226 : i32
    scf.if %cond3A_227 {
      %dma_wait3A_328 = arith.constant 1 : i32
      %dma_wait3A_329 = arith.constant 0 : i32
      %dma_wait3A_330 = arith.constant 0 : i32
      %dma_wait3A_331 = tpu.memref_slice %arg13[%dma_wait3A_328, %dma_wait3A_329, %dma_wait3A_330] : memref<2x128x128xf32, #tpu.memory_space<vmem>> -> memref<1x128x128xf32, #tpu.memory_space<vmem>>
      %dma_wait3A_332 = tpu.memref_squeeze %dma_wait3A_331 : memref<1x128x128xf32, #tpu.memory_space<vmem>> -> memref<128x128xf32, #tpu.memory_space<vmem>>
      %dma_wait3A_333 = arith.constant 0 : i32
      %dma_wait3A_334 = arith.constant 0 : i32
      %dma_wait3A_335 = tpu.memref_slice %arg2[%dma_wait3A_333, %dma_wait3A_334] : memref<90000x128xf32, #tpu.memory_space<hbm>> -> memref<128x128xf32, #tpu.memory_space<hbm>>
      %dma_wait3A_336 = arith.constant 0 : i32
      %dma_wait3A_337 = arith.constant 0 : i32
      %dma_wait3A_338 = tpu.memref_slice %arg13[%dma_wait3A_328, %dma_wait3A_336, %dma_wait3A_337] : memref<2x128x128xf32, #tpu.memory_space<vmem>> -> memref<1x128x128xf32, #tpu.memory_space<vmem>>
      %dma_wait3A_339 = tpu.memref_squeeze %dma_wait3A_338 : memref<1x128x128xf32, #tpu.memory_space<vmem>> -> memref<128x128xf32, #tpu.memory_space<vmem>>
      %dma_wait3A_340 = arith.constant 0 : i32
      %dma_wait3A_341 = arith.constant 0 : i32
      %dma_wait3A_342 = tpu.memref_slice %arg2[%dma_wait3A_340, %dma_wait3A_341] : memref<90000x128xf32, #tpu.memory_space<hbm>> -> memref<128x128xf32, #tpu.memory_space<hbm>>
      tpu.wait_dma2 semaphore(%arg21 : memref<!tpu.dma_semaphore, #tpu.memory_space<semaphore_mem>>) src(%dma_wait3A_342 : memref<128x128xf32, #tpu.memory_space<hbm>>) dst(%dma_wait3A_339 : memref<128x128xf32, #tpu.memory_space<vmem>>)
      %mul3A_343 = arith.constant 128 : i32
      %mul3A_344 = arith.muli %add3A_220, %mul3A_343 : i32
      %add3A_345 = arith.constant 0 : i32
      %add3A_346 = arith.addi %mul3A_344, %add3A_345 : i32
      %get3A = arith.index_cast %add3A_346 : i32 to index
      %get3A_347 = tpu.vector_load %arg10[%get3A] {strides = array<i32>} : memref<20352xi32, #tpu.memory_space<vmem>>, vector<16xi32>,
      %swap3A_348 = arith.constant 1 : i32
      %swap3A_349 = arith.index_cast %swap3A_348 : i32 to index
      %swap3A_350 = arith.constant 0 : index
      %swap3A_351 = tpu.vector_load %arg12[%swap3A_349, %swap3A_350] {strides = array<i32>} : memref<2x128xi32, #tpu.memory_space<vmem>>, vector<16xi32>,
      tpu.vector_store %arg12[%swap3A_349, %swap3A_350], %get3A_347 {strides = array<i32>} : memref<2x128xi32, #tpu.memory_space<vmem>>, vector<16xi32>,
      %mul3A_352 = arith.constant 128 : i32
      %mul3A_353 = arith.muli %add3A_220, %mul3A_352 : i32
      %add3A_354 = arith.constant 16 : i32
      %add3A_355 = arith.addi %mul3A_353, %add3A_354 : i32
      %get3A_356 = arith.index_cast %add3A_355 : i32 to index
      %get3A_357 = tpu.vector_load %arg10[%get3A_356] {strides = array<i32>} : memref<20352xi32, #tpu.memory_space<vmem>>, vector<16xi32>,
      %swap3A_358 = arith.constant 1 : i32
      %swap3A_359 = arith.index_cast %swap3A_358 : i32 to index
      %swap3A_360 = arith.constant 16 : index
      %swap3A_361 = tpu.vector_load %arg12[%swap3A_359, %swap3A_360] {strides = array<i32>} : memref<2x128xi32, #tpu.memory_space<vmem>>, vector<16xi32>,
      tpu.vector_store %arg12[%swap3A_359, %swap3A_360], %get3A_357 {strides = array<i32>} : memref<2x128xi32, #tpu.memory_space<vmem>>, vector<16xi32>,
      %mul3A_362 = arith.constant 128 : i32
      %mul3A_363 = arith.muli %add3A_220, %mul3A_362 : i32
      %add3A_364 = arith.constant 32 : i32
      %add3A_365 = arith.addi %mul3A_363, %add3A_364 : i32
      %get3A_366 = arith.index_cast %add3A_365 : i32 to index
      %get3A_367 = tpu.vector_load %arg10[%get3A_366] {strides = array<i32>} : memref<20352xi32, #tpu.memory_space<vmem>>, vector<16xi32>,
      %swap3A_368 = arith.constant 1 : i32
      %swap3A_369 = arith.index_cast %swap3A_368 : i32 to index
      %swap3A_370 = arith.constant 32 : index
      %swap3A_371 = tpu.vector_load %arg12[%swap3A_369, %swap3A_370] {strides = array<i32>} : memref<2x128xi32, #tpu.memory_space<vmem>>, vector<16xi32>,
      tpu.vector_store %arg12[%swap3A_369, %swap3A_370], %get3A_367 {strides = array<i32>} : memref<2x128xi32, #tpu.memory_space<vmem>>, vector<16xi32>,
      %mul3A_372 = arith.constant 128 : i32
      %mul3A_373 = arith.muli %add3A_220, %mul3A_372 : i32
      %add3A_374 = arith.constant 48 : i32
      %add3A_375 = arith.addi %mul3A_373, %add3A_374 : i32
      %get3A_376 = arith.index_cast %add3A_375 : i32 to index
      %get3A_377 = tpu.vector_load %arg10[%get3A_376] {strides = array<i32>} : memref<20352xi32, #tpu.memory_space<vmem>>, vector<16xi32>,
      %swap3A_378 = arith.constant 1 : i32
      %swap3A_379 = arith.index_cast %swap3A_378 : i32 to index
      %swap3A_380 = arith.constant 48 : index
      %swap3A_381 = tpu.vector_load %arg12[%swap3A_379, %swap3A_380] {strides = array<i32>} : memref<2x128xi32, #tpu.memory_space<vmem>>, vector<16xi32>,
      tpu.vector_store %arg12[%swap3A_379, %swap3A_380], %get3A_377 {strides = array<i32>} : memref<2x128xi32, #tpu.memory_space<vmem>>, vector<16xi32>,
      %mul3A_382 = arith.constant 128 : i32
      %mul3A_383 = arith.muli %add3A_220, %mul3A_382 : i32
      %add3A_384 = arith.constant 64 : i32
      %add3A_385 = arith.addi %mul3A_383, %add3A_384 : i32
      %get3A_386 = arith.index_cast %add3A_385 : i32 to index
      %get3A_387 = tpu.vector_load %arg10[%get3A_386] {strides = array<i32>} : memref<20352xi32, #tpu.memory_space<vmem>>, vector<16xi32>,
      %swap3A_388 = arith.constant 1 : i32
      %swap3A_389 = arith.index_cast %swap3A_388 : i32 to index
      %swap3A_390 = arith.constant 64 : index
      %swap3A_391 = tpu.vector_load %arg12[%swap3A_389, %swap3A_390] {strides = array<i32>} : memref<2x128xi32, #tpu.memory_space<vmem>>, vector<16xi32>,
      tpu.vector_store %arg12[%swap3A_389, %swap3A_390], %get3A_387 {strides = array<i32>} : memref<2x128xi32, #tpu.memory_space<vmem>>, vector<16xi32>,
      %mul3A_392 = arith.constant 128 : i32
      %mul3A_393 = arith.muli %add3A_220, %mul3A_392 : i32
      %add3A_394 = arith.constant 80 : i32
      %add3A_395 = arith.addi %mul3A_393, %add3A_394 : i32
      %get3A_396 = arith.index_cast %add3A_395 : i32 to index
      %get3A_397 = tpu.vector_load %arg10[%get3A_396] {strides = array<i32>} : memref<20352xi32, #tpu.memory_space<vmem>>, vector<16xi32>,
      %swap3A_398 = arith.constant 1 : i32
      %swap3A_399 = arith.index_cast %swap3A_398 : i32 to index
      %swap3A_400 = arith.constant 80 : index
      %swap3A_401 = tpu.vector_load %arg12[%swap3A_399, %swap3A_400] {strides = array<i32>} : memref<2x128xi32, #tpu.memory_space<vmem>>, vector<16xi32>,
      tpu.vector_store %arg12[%swap3A_399, %swap3A_400], %get3A_397 {strides = array<i32>} : memref<2x128xi32, #tpu.memory_space<vmem>>, vector<16xi32>,
      %mul3A_402 = arith.constant 128 : i32
      %mul3A_403 = arith.muli %add3A_220, %mul3A_402 : i32
      %add3A_404 = arith.constant 96 : i32
      %add3A_405 = arith.addi %mul3A_403, %add3A_404 : i32
      %get3A_406 = arith.index_cast %add3A_405 : i32 to index
      %get3A_407 = tpu.vector_load %arg10[%get3A_406] {strides = array<i32>} : memref<20352xi32, #tpu.memory_space<vmem>>, vector<16xi32>,
      %swap3A_408 = arith.constant 1 : i32
      %swap3A_409 = arith.index_cast %swap3A_408 : i32 to index
      %swap3A_410 = arith.constant 96 : index
      %swap3A_411 = tpu.vector_load %arg12[%swap3A_409, %swap3A_410] {strides = array<i32>} : memref<2x128xi32, #tpu.memory_space<vmem>>, vector<16xi32>,
      tpu.vector_store %arg12[%swap3A_409, %swap3A_410], %get3A_407 {strides = array<i32>} : memref<2x128xi32, #tpu.memory_space<vmem>>, vector<16xi32>,
      %mul3A_412 = arith.constant 128 : i32
      %mul3A_413 = arith.muli %add3A_220, %mul3A_412 : i32
      %add3A_414 = arith.constant 112 : i32
      %add3A_415 = arith.addi %mul3A_413, %add3A_414 : i32
      %get3A_416 = arith.index_cast %add3A_415 : i32 to index
      %get3A_417 = tpu.vector_load %arg10[%get3A_416] {strides = array<i32>} : memref<20352xi32, #tpu.memory_space<vmem>>, vector<16xi32>,
      %swap3A_418 = arith.constant 1 : i32
      %swap3A_419 = arith.index_cast %swap3A_418 : i32 to index
      %swap3A_420 = arith.constant 112 : index
      %swap3A_421 = tpu.vector_load %arg12[%swap3A_419, %swap3A_420] {strides = array<i32>} : memref<2x128xi32, #tpu.memory_space<vmem>>, vector<16xi32>,
      tpu.vector_store %arg12[%swap3A_419, %swap3A_420], %get3A_417 {strides = array<i32>} : memref<2x128xi32, #tpu.memory_space<vmem>>, vector<16xi32>,
      %dma_start3A_422 = arith.constant 1 : i32
      %dma_start3A_423 = arith.constant 1 : i32
      %dma_start3A_424 = arith.constant 0 : i32
      %dma_start3A_425 = arith.constant 0 : i32
      %dma_start3A_426 = tpu.memref_slice %arg13[%dma_start3A_422, %dma_start3A_424, %dma_start3A_425] : memref<2x128x128xf32, #tpu.memory_space<vmem>> -> memref<1x128x128xf32, #tpu.memory_space<vmem>>
      %dma_start3A_427 = tpu.memref_squeeze %dma_start3A_426 : memref<1x128x128xf32, #tpu.memory_space<vmem>> -> memref<128x128xf32, #tpu.memory_space<vmem>>
      %dma_start3A_428 = arith.constant 0 : i32
      %dma_start3A_429 = tpu.memref_slice %arg12[%dma_start3A_423, %dma_start3A_428] : memref<2x128xi32, #tpu.memory_space<vmem>> -> memref<1x128xi32, #tpu.memory_space<vmem>>
      %dma_start3A_430 = tpu.memref_squeeze %dma_start3A_429 : memref<1x128xi32, #tpu.memory_space<vmem>> -> memref<128xi32, #tpu.memory_space<vmem>>
      %dma_start3A_431 = arith.constant 0 : i32
      %dma_start3A_432 = arith.constant 0 : i32
      %dma_start3A_433 = tpu.memref_slice %arg16[%dma_start3A_431, %dma_start3A_432] : memref<5008x128xf32, #tpu.memory_space<vmem_shared>> -> memref<5008x128xf32, #tpu.memory_space<vmem_shared>>
      tpu.enqueue_indirect_dma source(%dma_start3A_427 : memref<128x128xf32, #tpu.memory_space<vmem>>) target(%dma_start3A_433 : memref<5008x128xf32, #tpu.memory_space<vmem_shared>>) offsets(%dma_start3A_430 : memref<128xi32, #tpu.memory_space<vmem>>) semaphore(%arg23 : memref<!tpu.dma_semaphore, #tpu.memory_space<semaphore_mem>>) {add = true}
    } else {
    }
    %add3A_228 = arith.constant 0 : i32
    %add3A_229 = arith.addi %mul3A_211, %add3A_228 : i32
    %ge3A_230 = arith.constant 0 : i32
    %ge3A_231 = arith.cmpi sge, %add3A_229, %ge3A_230 : i32
    %lt3A_232 = arith.cmpi slt, %add3A_229, %select_n3A : i32
    %and3A_233 = arith.andi %ge3A_231, %lt3A_232 : i1
    %convert_element_type3A_234 = arith.extui %and3A_233 : i1 to i32
    %cond3A_235 = arith.constant 0 : i32
    %cond3A_236 = arith.cmpi ne, %convert_element_type3A_234, %cond3A_235 : i32
    scf.if %cond3A_236 {
      %dma_wait3A_328 = arith.constant 0 : i32
      %dma_wait3A_329 = arith.constant 0 : i32
      %dma_wait3A_330 = arith.constant 0 : i32
      %dma_wait3A_331 = tpu.memref_slice %arg13[%dma_wait3A_328, %dma_wait3A_329, %dma_wait3A_330] : memref<2x128x128xf32, #tpu.memory_space<vmem>> -> memref<1x128x128xf32, #tpu.memory_space<vmem>>
      %dma_wait3A_332 = tpu.memref_squeeze %dma_wait3A_331 : memref<1x128x128xf32, #tpu.memory_space<vmem>> -> memref<128x128xf32, #tpu.memory_space<vmem>>
      %dma_wait3A_333 = arith.constant 0 : i32
      %dma_wait3A_334 = arith.constant 0 : i32
      %dma_wait3A_335 = tpu.memref_slice %arg2[%dma_wait3A_333, %dma_wait3A_334] : memref<90000x128xf32, #tpu.memory_space<hbm>> -> memref<128x128xf32, #tpu.memory_space<hbm>>
      %dma_wait3A_336 = arith.constant 0 : i32
      %dma_wait3A_337 = arith.constant 0 : i32
      %dma_wait3A_338 = tpu.memref_slice %arg13[%dma_wait3A_328, %dma_wait3A_336, %dma_wait3A_337] : memref<2x128x128xf32, #tpu.memory_space<vmem>> -> memref<1x128x128xf32, #tpu.memory_space<vmem>>
      %dma_wait3A_339 = tpu.memref_squeeze %dma_wait3A_338 : memref<1x128x128xf32, #tpu.memory_space<vmem>> -> memref<128x128xf32, #tpu.memory_space<vmem>>
      %dma_wait3A_340 = arith.constant 0 : i32
      %dma_wait3A_341 = arith.constant 0 : i32
      %dma_wait3A_342 = tpu.memref_slice %arg2[%dma_wait3A_340, %dma_wait3A_341] : memref<90000x128xf32, #tpu.memory_space<hbm>> -> memref<128x128xf32, #tpu.memory_space<hbm>>
      tpu.wait_dma2 semaphore(%arg22 : memref<!tpu.dma_semaphore, #tpu.memory_space<semaphore_mem>>) src(%dma_wait3A_342 : memref<128x128xf32, #tpu.memory_space<hbm>>) dst(%dma_wait3A_339 : memref<128x128xf32, #tpu.memory_space<vmem>>)
    } else {
    }
    %add3A_237 = arith.constant 1 : i32
    %add3A_238 = arith.addi %mul3A_211, %add3A_237 : i32
    %ge3A_239 = arith.constant 0 : i32
    %ge3A_240 = arith.cmpi sge, %add3A_238, %ge3A_239 : i32
    %lt3A_241 = arith.cmpi slt, %add3A_238, %select_n3A : i32
    %and3A_242 = arith.andi %ge3A_240, %lt3A_241 : i1
    %convert_element_type3A_243 = arith.extui %and3A_242 : i1 to i32
    %cond3A_244 = arith.constant 0 : i32
    %cond3A_245 = arith.cmpi ne, %convert_element_type3A_243, %cond3A_244 : i32
    scf.if %cond3A_245 {
      %dma_wait3A_328 = arith.constant 1 : i32
      %dma_wait3A_329 = arith.constant 0 : i32
      %dma_wait3A_330 = arith.constant 0 : i32
      %dma_wait3A_331 = tpu.memref_slice %arg13[%dma_wait3A_328, %dma_wait3A_329, %dma_wait3A_330] : memref<2x128x128xf32, #tpu.memory_space<vmem>> -> memref<1x128x128xf32, #tpu.memory_space<vmem>>
      %dma_wait3A_332 = tpu.memref_squeeze %dma_wait3A_331 : memref<1x128x128xf32, #tpu.memory_space<vmem>> -> memref<128x128xf32, #tpu.memory_space<vmem>>
      %dma_wait3A_333 = arith.constant 0 : i32
      %dma_wait3A_334 = arith.constant 0 : i32
      %dma_wait3A_335 = tpu.memref_slice %arg2[%dma_wait3A_333, %dma_wait3A_334] : memref<90000x128xf32, #tpu.memory_space<hbm>> -> memref<128x128xf32, #tpu.memory_space<hbm>>
      %dma_wait3A_336 = arith.constant 0 : i32
      %dma_wait3A_337 = arith.constant 0 : i32
      %dma_wait3A_338 = tpu.memref_slice %arg13[%dma_wait3A_328, %dma_wait3A_336, %dma_wait3A_337] : memref<2x128x128xf32, #tpu.memory_space<vmem>> -> memref<1x128x128xf32, #tpu.memory_space<vmem>>
      %dma_wait3A_339 = tpu.memref_squeeze %dma_wait3A_338 : memref<1x128x128xf32, #tpu.memory_space<vmem>> -> memref<128x128xf32, #tpu.memory_space<vmem>>
      %dma_wait3A_340 = arith.constant 0 : i32
      %dma_wait3A_341 = arith.constant 0 : i32
      %dma_wait3A_342 = tpu.memref_slice %arg2[%dma_wait3A_340, %dma_wait3A_341] : memref<90000x128xf32, #tpu.memory_space<hbm>> -> memref<128x128xf32, #tpu.memory_space<hbm>>
      tpu.wait_dma2 semaphore(%arg23 : memref<!tpu.dma_semaphore, #tpu.memory_space<semaphore_mem>>) src(%dma_wait3A_342 : memref<128x128xf32, #tpu.memory_space<hbm>>) dst(%dma_wait3A_339 : memref<128x128xf32, #tpu.memory_space<vmem>>)
    } else {
    }
    %barrier3A_246 = arith.constant 0 : index
    tpu.barrier barrier_id(%barrier3A_246)
    %add3A_247 = arith.addi %mul3A_0, %mul3A_23 : i32
    %add3A_248 = arith.constant 0 : i32
    %add3A_249 = arith.addi %mul3A_23, %add3A_248 : i32
    %run_scoped3A = arith.constant 0 : i32
    "tpu.region"() ({
      %run_scoped3A_328 = tpu.sem_alloc : memref<!tpu.dma_semaphore, #tpu.memory_space<semaphore_mem>>
      %dma_start3A_329 = arith.constant 0 : i32
      %dma_start3A_330 = arith.constant 0 : i32
      %dma_start3A_331 = tpu.memref_slice %arg13[%run_scoped3A, %dma_start3A_329, %dma_start3A_330] : memref<2x128x128xf32, #tpu.memory_space<vmem>> -> memref<1x80x128xf32, #tpu.memory_space<vmem>>
      %dma_start3A_332 = tpu.memref_squeeze %dma_start3A_331 : memref<1x80x128xf32, #tpu.memory_space<vmem>> -> memref<80x128xf32, #tpu.memory_space<vmem>>
      %dma_start3A_333 = arith.constant 0 : i32
      %dma_start3A_334 = tpu.memref_slice %arg16[%add3A_249, %dma_start3A_333] : memref<5008x128xf32, #tpu.memory_space<vmem_shared>> -> memref<80x128xf32, #tpu.memory_space<vmem_shared>>
      %dma_start3A_335 = arith.constant 0 : i32
      %dma_start3A_336 = arith.constant 0 : i32
      %dma_start3A_337 = tpu.memref_slice %arg13[%run_scoped3A, %dma_start3A_335, %dma_start3A_336] : memref<2x128x128xf32, #tpu.memory_space<vmem>> -> memref<1x80x128xf32, #tpu.memory_space<vmem>>
      %dma_start3A_338 = tpu.memref_squeeze %dma_start3A_337 : memref<1x80x128xf32, #tpu.memory_space<vmem>> -> memref<80x128xf32, #tpu.memory_space<vmem>>
      %dma_start3A_339 = arith.constant 0 : i32
      %dma_start3A_340 = tpu.memref_slice %arg16[%add3A_249, %dma_start3A_339] : memref<5008x128xf32, #tpu.memory_space<vmem_shared>> -> memref<80x128xf32, #tpu.memory_space<vmem_shared>>
      tpu.enqueue_dma source(%dma_start3A_340 : memref<80x128xf32, #tpu.memory_space<vmem_shared>>) target(%dma_start3A_338 : memref<80x128xf32, #tpu.memory_space<vmem>>) target_semaphore(%run_scoped3A_328 : memref<!tpu.dma_semaphore, #tpu.memory_space<semaphore_mem>>)
      %dma_wait3A_341 = arith.constant 0 : i32
      %dma_wait3A_342 = arith.constant 0 : i32
      %dma_wait3A_343 = tpu.memref_slice %arg13[%run_scoped3A, %dma_wait3A_341, %dma_wait3A_342] : memref<2x128x128xf32, #tpu.memory_space<vmem>> -> memref<1x80x128xf32, #tpu.memory_space<vmem>>
      %dma_wait3A_344 = tpu.memref_squeeze %dma_wait3A_343 : memref<1x80x128xf32, #tpu.memory_space<vmem>> -> memref<80x128xf32, #tpu.memory_space<vmem>>
      %dma_wait3A_345 = arith.constant 0 : i32
      %dma_wait3A_346 = tpu.memref_slice %arg16[%add3A_249, %dma_wait3A_345] : memref<5008x128xf32, #tpu.memory_space<vmem_shared>> -> memref<80x128xf32, #tpu.memory_space<vmem_shared>>
      %dma_wait3A_347 = arith.constant 0 : i32
      %dma_wait3A_348 = arith.constant 0 : i32
      %dma_wait3A_349 = tpu.memref_slice %arg13[%run_scoped3A, %dma_wait3A_347, %dma_wait3A_348] : memref<2x128x128xf32, #tpu.memory_space<vmem>> -> memref<1x80x128xf32, #tpu.memory_space<vmem>>
      %dma_wait3A_350 = tpu.memref_squeeze %dma_wait3A_349 : memref<1x80x128xf32, #tpu.memory_space<vmem>> -> memref<80x128xf32, #tpu.memory_space<vmem>>
      %dma_wait3A_351 = arith.constant 0 : i32
      %dma_wait3A_352 = tpu.memref_slice %arg16[%add3A_249, %dma_wait3A_351] : memref<5008x128xf32, #tpu.memory_space<vmem_shared>> -> memref<80x128xf32, #tpu.memory_space<vmem_shared>>
      tpu.wait_dma2 semaphore(%run_scoped3A_328 : memref<!tpu.dma_semaphore, #tpu.memory_space<semaphore_mem>>) src(%dma_wait3A_352 : memref<80x128xf32, #tpu.memory_space<vmem_shared>>) dst(%dma_wait3A_350 : memref<80x128xf32, #tpu.memory_space<vmem>>)
      tpu.yield
    }) : () -> ()
    %add3A_250 = arith.constant 80000 : i32
    %add3A_251 = arith.addi %add3A_250, %add3A_247 : i32
    %add3A_252 = arith.constant 0 : i32
    %add3A_253 = arith.addi %add3A_251, %add3A_252 : i32
    %run_scoped3A_254 = arith.constant 1 : i32
    "tpu.region"() ({
      %run_scoped3A_328 = tpu.sem_alloc : memref<!tpu.dma_semaphore, #tpu.memory_space<semaphore_mem>>
      %dma_start3A_329 = arith.constant 0 : i32
      %dma_start3A_330 = arith.constant 0 : i32
      %dma_start3A_331 = tpu.memref_slice %arg13[%run_scoped3A_254, %dma_start3A_329, %dma_start3A_330] : memref<2x128x128xf32, #tpu.memory_space<vmem>> -> memref<1x80x128xf32, #tpu.memory_space<vmem>>
      %dma_start3A_332 = tpu.memref_squeeze %dma_start3A_331 : memref<1x80x128xf32, #tpu.memory_space<vmem>> -> memref<80x128xf32, #tpu.memory_space<vmem>>
      %dma_start3A_333 = arith.constant 0 : i32
      %dma_start3A_334 = tpu.memref_slice %arg2[%add3A_253, %dma_start3A_333] : memref<90000x128xf32, #tpu.memory_space<hbm>> -> memref<80x128xf32, #tpu.memory_space<hbm>>
      %dma_start3A_335 = arith.constant 0 : i32
      %dma_start3A_336 = arith.constant 0 : i32
      %dma_start3A_337 = tpu.memref_slice %arg13[%run_scoped3A_254, %dma_start3A_335, %dma_start3A_336] : memref<2x128x128xf32, #tpu.memory_space<vmem>> -> memref<1x80x128xf32, #tpu.memory_space<vmem>>
      %dma_start3A_338 = tpu.memref_squeeze %dma_start3A_337 : memref<1x80x128xf32, #tpu.memory_space<vmem>> -> memref<80x128xf32, #tpu.memory_space<vmem>>
      %dma_start3A_339 = arith.constant 0 : i32
      %dma_start3A_340 = tpu.memref_slice %arg2[%add3A_253, %dma_start3A_339] : memref<90000x128xf32, #tpu.memory_space<hbm>> -> memref<80x128xf32, #tpu.memory_space<hbm>>
      tpu.enqueue_dma source(%dma_start3A_340 : memref<80x128xf32, #tpu.memory_space<hbm>>) target(%dma_start3A_338 : memref<80x128xf32, #tpu.memory_space<vmem>>) target_semaphore(%run_scoped3A_328 : memref<!tpu.dma_semaphore, #tpu.memory_space<semaphore_mem>>)
      %dma_wait3A_341 = arith.constant 0 : i32
      %dma_wait3A_342 = arith.constant 0 : i32
      %dma_wait3A_343 = tpu.memref_slice %arg13[%run_scoped3A_254, %dma_wait3A_341, %dma_wait3A_342] : memref<2x128x128xf32, #tpu.memory_space<vmem>> -> memref<1x80x128xf32, #tpu.memory_space<vmem>>
      %dma_wait3A_344 = tpu.memref_squeeze %dma_wait3A_343 : memref<1x80x128xf32, #tpu.memory_space<vmem>> -> memref<80x128xf32, #tpu.memory_space<vmem>>
      %dma_wait3A_345 = arith.constant 0 : i32
      %dma_wait3A_346 = tpu.memref_slice %arg2[%add3A_253, %dma_wait3A_345] : memref<90000x128xf32, #tpu.memory_space<hbm>> -> memref<80x128xf32, #tpu.memory_space<hbm>>
      %dma_wait3A_347 = arith.constant 0 : i32
      %dma_wait3A_348 = arith.constant 0 : i32
      %dma_wait3A_349 = tpu.memref_slice %arg13[%run_scoped3A_254, %dma_wait3A_347, %dma_wait3A_348] : memref<2x128x128xf32, #tpu.memory_space<vmem>> -> memref<1x80x128xf32, #tpu.memory_space<vmem>>
      %dma_wait3A_350 = tpu.memref_squeeze %dma_wait3A_349 : memref<1x80x128xf32, #tpu.memory_space<vmem>> -> memref<80x128xf32, #tpu.memory_space<vmem>>
      %dma_wait3A_351 = arith.constant 0 : i32
      %dma_wait3A_352 = tpu.memref_slice %arg2[%add3A_253, %dma_wait3A_351] : memref<90000x128xf32, #tpu.memory_space<hbm>> -> memref<80x128xf32, #tpu.memory_space<hbm>>
      tpu.wait_dma2 semaphore(%run_scoped3A_328 : memref<!tpu.dma_semaphore, #tpu.memory_space<semaphore_mem>>) src(%dma_wait3A_352 : memref<80x128xf32, #tpu.memory_space<hbm>>) dst(%dma_wait3A_350 : memref<80x128xf32, #tpu.memory_space<vmem>>)
      tpu.yield
    }) : () -> ()
    %scan3A_255 = arith.constant 0 : i32
    %scan3A_256 = arith.constant 0 : i32
    %scan3A_257 = arith.constant 80 : i32
    %scan3A_258 = arith.addi %scan3A_256, %scan3A_257 : i32
    %scan3A_259 = arith.constant 1 : i32
    scf.for %scan3A_328 = %scan3A_256 to %scan3A_258 step %scan3A_259  : i32 {
      %get3A = arith.constant 0 : i32
      %get3A_329 = arith.index_cast %get3A : i32 to index
      %get3A_330 = arith.index_cast %scan3A_328 : i32 to index
      %get3A_331 = arith.constant 0 : index
      %get3A_332 = tpu.vector_load %arg13[%get3A_329, %get3A_330, %get3A_331] {strides = array<i32>} : memref<2x128x128xf32, #tpu.memory_space<vmem>>, vector<16xf32>,
      %get3A_333 = arith.constant 1 : i32
      %get3A_334 = arith.index_cast %get3A_333 : i32 to index
      %get3A_335 = arith.index_cast %scan3A_328 : i32 to index
      %get3A_336 = arith.constant 0 : index
      %get3A_337 = tpu.vector_load %arg13[%get3A_334, %get3A_335, %get3A_336] {strides = array<i32>} : memref<2x128x128xf32, #tpu.memory_space<vmem>>, vector<16xf32>,
      %add3A_338 = arith.addf %get3A_332, %get3A_337 : vector<16xf32>
      %swap3A_339 = arith.constant 0 : i32
      %swap3A_340 = arith.index_cast %swap3A_339 : i32 to index
      %swap3A_341 = arith.index_cast %scan3A_328 : i32 to index
      %swap3A_342 = arith.constant 0 : index
      %swap3A_343 = tpu.vector_load %arg13[%swap3A_340, %swap3A_341, %swap3A_342] {strides = array<i32>} : memref<2x128x128xf32, #tpu.memory_space<vmem>>, vector<16xf32>,
      tpu.vector_store %arg13[%swap3A_340, %swap3A_341, %swap3A_342], %add3A_338 {strides = array<i32>} : memref<2x128x128xf32, #tpu.memory_space<vmem>>, vector<16xf32>,
      %get3A_344 = arith.constant 0 : i32
      %get3A_345 = arith.index_cast %get3A_344 : i32 to index
      %get3A_346 = arith.index_cast %scan3A_328 : i32 to index
      %get3A_347 = arith.constant 16 : index
      %get3A_348 = tpu.vector_load %arg13[%get3A_345, %get3A_346, %get3A_347] {strides = array<i32>} : memref<2x128x128xf32, #tpu.memory_space<vmem>>, vector<16xf32>,
      %get3A_349 = arith.constant 1 : i32
      %get3A_350 = arith.index_cast %get3A_349 : i32 to index
      %get3A_351 = arith.index_cast %scan3A_328 : i32 to index
      %get3A_352 = arith.constant 16 : index
      %get3A_353 = tpu.vector_load %arg13[%get3A_350, %get3A_351, %get3A_352] {strides = array<i32>} : memref<2x128x128xf32, #tpu.memory_space<vmem>>, vector<16xf32>,
      %add3A_354 = arith.addf %get3A_348, %get3A_353 : vector<16xf32>
      %swap3A_355 = arith.constant 0 : i32
      %swap3A_356 = arith.index_cast %swap3A_355 : i32 to index
      %swap3A_357 = arith.index_cast %scan3A_328 : i32 to index
      %swap3A_358 = arith.constant 16 : index
      %swap3A_359 = tpu.vector_load %arg13[%swap3A_356, %swap3A_357, %swap3A_358] {strides = array<i32>} : memref<2x128x128xf32, #tpu.memory_space<vmem>>, vector<16xf32>,
      tpu.vector_store %arg13[%swap3A_356, %swap3A_357, %swap3A_358], %add3A_354 {strides = array<i32>} : memref<2x128x128xf32, #tpu.memory_space<vmem>>, vector<16xf32>,
      %get3A_360 = arith.constant 0 : i32
      %get3A_361 = arith.index_cast %get3A_360 : i32 to index
      %get3A_362 = arith.index_cast %scan3A_328 : i32 to index
      %get3A_363 = arith.constant 32 : index
      %get3A_364 = tpu.vector_load %arg13[%get3A_361, %get3A_362, %get3A_363] {strides = array<i32>} : memref<2x128x128xf32, #tpu.memory_space<vmem>>, vector<16xf32>,
      %get3A_365 = arith.constant 1 : i32
      %get3A_366 = arith.index_cast %get3A_365 : i32 to index
      %get3A_367 = arith.index_cast %scan3A_328 : i32 to index
      %get3A_368 = arith.constant 32 : index
      %get3A_369 = tpu.vector_load %arg13[%get3A_366, %get3A_367, %get3A_368] {strides = array<i32>} : memref<2x128x128xf32, #tpu.memory_space<vmem>>, vector<16xf32>,
      %add3A_370 = arith.addf %get3A_364, %get3A_369 : vector<16xf32>
      %swap3A_371 = arith.constant 0 : i32
      %swap3A_372 = arith.index_cast %swap3A_371 : i32 to index
      %swap3A_373 = arith.index_cast %scan3A_328 : i32 to index
      %swap3A_374 = arith.constant 32 : index
      %swap3A_375 = tpu.vector_load %arg13[%swap3A_372, %swap3A_373, %swap3A_374] {strides = array<i32>} : memref<2x128x128xf32, #tpu.memory_space<vmem>>, vector<16xf32>,
      tpu.vector_store %arg13[%swap3A_372, %swap3A_373, %swap3A_374], %add3A_370 {strides = array<i32>} : memref<2x128x128xf32, #tpu.memory_space<vmem>>, vector<16xf32>,
      %get3A_376 = arith.constant 0 : i32
      %get3A_377 = arith.index_cast %get3A_376 : i32 to index
      %get3A_378 = arith.index_cast %scan3A_328 : i32 to index
      %get3A_379 = arith.constant 48 : index
      %get3A_380 = tpu.vector_load %arg13[%get3A_377, %get3A_378, %get3A_379] {strides = array<i32>} : memref<2x128x128xf32, #tpu.memory_space<vmem>>, vector<16xf32>,
      %get3A_381 = arith.constant 1 : i32
      %get3A_382 = arith.index_cast %get3A_381 : i32 to index
      %get3A_383 = arith.index_cast %scan3A_328 : i32 to index
      %get3A_384 = arith.constant 48 : index
      %get3A_385 = tpu.vector_load %arg13[%get3A_382, %get3A_383, %get3A_384] {strides = array<i32>} : memref<2x128x128xf32, #tpu.memory_space<vmem>>, vector<16xf32>,
      %add3A_386 = arith.addf %get3A_380, %get3A_385 : vector<16xf32>
      %swap3A_387 = arith.constant 0 : i32
      %swap3A_388 = arith.index_cast %swap3A_387 : i32 to index
      %swap3A_389 = arith.index_cast %scan3A_328 : i32 to index
      %swap3A_390 = arith.constant 48 : index
      %swap3A_391 = tpu.vector_load %arg13[%swap3A_388, %swap3A_389, %swap3A_390] {strides = array<i32>} : memref<2x128x128xf32, #tpu.memory_space<vmem>>, vector<16xf32>,
      tpu.vector_store %arg13[%swap3A_388, %swap3A_389, %swap3A_390], %add3A_386 {strides = array<i32>} : memref<2x128x128xf32, #tpu.memory_space<vmem>>, vector<16xf32>,
      %get3A_392 = arith.constant 0 : i32
      %get3A_393 = arith.index_cast %get3A_392 : i32 to index
      %get3A_394 = arith.index_cast %scan3A_328 : i32 to index
      %get3A_395 = arith.constant 64 : index
      %get3A_396 = tpu.vector_load %arg13[%get3A_393, %get3A_394, %get3A_395] {strides = array<i32>} : memref<2x128x128xf32, #tpu.memory_space<vmem>>, vector<16xf32>,
      %get3A_397 = arith.constant 1 : i32
      %get3A_398 = arith.index_cast %get3A_397 : i32 to index
      %get3A_399 = arith.index_cast %scan3A_328 : i32 to index
      %get3A_400 = arith.constant 64 : index
      %get3A_401 = tpu.vector_load %arg13[%get3A_398, %get3A_399, %get3A_400] {strides = array<i32>} : memref<2x128x128xf32, #tpu.memory_space<vmem>>, vector<16xf32>,
      %add3A_402 = arith.addf %get3A_396, %get3A_401 : vector<16xf32>
      %swap3A_403 = arith.constant 0 : i32
      %swap3A_404 = arith.index_cast %swap3A_403 : i32 to index
      %swap3A_405 = arith.index_cast %scan3A_328 : i32 to index
      %swap3A_406 = arith.constant 64 : index
      %swap3A_407 = tpu.vector_load %arg13[%swap3A_404, %swap3A_405, %swap3A_406] {strides = array<i32>} : memref<2x128x128xf32, #tpu.memory_space<vmem>>, vector<16xf32>,
      tpu.vector_store %arg13[%swap3A_404, %swap3A_405, %swap3A_406], %add3A_402 {strides = array<i32>} : memref<2x128x128xf32, #tpu.memory_space<vmem>>, vector<16xf32>,
      %get3A_408 = arith.constant 0 : i32
      %get3A_409 = arith.index_cast %get3A_408 : i32 to index
      %get3A_410 = arith.index_cast %scan3A_328 : i32 to index
      %get3A_411 = arith.constant 80 : index
      %get3A_412 = tpu.vector_load %arg13[%get3A_409, %get3A_410, %get3A_411] {strides = array<i32>} : memref<2x128x128xf32, #tpu.memory_space<vmem>>, vector<16xf32>,
      %get3A_413 = arith.constant 1 : i32
      %get3A_414 = arith.index_cast %get3A_413 : i32 to index
      %get3A_415 = arith.index_cast %scan3A_328 : i32 to index
      %get3A_416 = arith.constant 80 : index
      %get3A_417 = tpu.vector_load %arg13[%get3A_414, %get3A_415, %get3A_416] {strides = array<i32>} : memref<2x128x128xf32, #tpu.memory_space<vmem>>, vector<16xf32>,
      %add3A_418 = arith.addf %get3A_412, %get3A_417 : vector<16xf32>
      %swap3A_419 = arith.constant 0 : i32
      %swap3A_420 = arith.index_cast %swap3A_419 : i32 to index
      %swap3A_421 = arith.index_cast %scan3A_328 : i32 to index
      %swap3A_422 = arith.constant 80 : index
      %swap3A_423 = tpu.vector_load %arg13[%swap3A_420, %swap3A_421, %swap3A_422] {strides = array<i32>} : memref<2x128x128xf32, #tpu.memory_space<vmem>>, vector<16xf32>,
      tpu.vector_store %arg13[%swap3A_420, %swap3A_421, %swap3A_422], %add3A_418 {strides = array<i32>} : memref<2x128x128xf32, #tpu.memory_space<vmem>>, vector<16xf32>,
      %get3A_424 = arith.constant 0 : i32
      %get3A_425 = arith.index_cast %get3A_424 : i32 to index
      %get3A_426 = arith.index_cast %scan3A_328 : i32 to index
      %get3A_427 = arith.constant 96 : index
      %get3A_428 = tpu.vector_load %arg13[%get3A_425, %get3A_426, %get3A_427] {strides = array<i32>} : memref<2x128x128xf32, #tpu.memory_space<vmem>>, vector<16xf32>,
      %get3A_429 = arith.constant 1 : i32
      %get3A_430 = arith.index_cast %get3A_429 : i32 to index
      %get3A_431 = arith.index_cast %scan3A_328 : i32 to index
      %get3A_432 = arith.constant 96 : index
      %get3A_433 = tpu.vector_load %arg13[%get3A_430, %get3A_431, %get3A_432] {strides = array<i32>} : memref<2x128x128xf32, #tpu.memory_space<vmem>>, vector<16xf32>,
      %add3A_434 = arith.addf %get3A_428, %get3A_433 : vector<16xf32>
      %swap3A_435 = arith.constant 0 : i32
      %swap3A_436 = arith.index_cast %swap3A_435 : i32 to index
      %swap3A_437 = arith.index_cast %scan3A_328 : i32 to index
      %swap3A_438 = arith.constant 96 : index
      %swap3A_439 = tpu.vector_load %arg13[%swap3A_436, %swap3A_437, %swap3A_438] {strides = array<i32>} : memref<2x128x128xf32, #tpu.memory_space<vmem>>, vector<16xf32>,
      tpu.vector_store %arg13[%swap3A_436, %swap3A_437, %swap3A_438], %add3A_434 {strides = array<i32>} : memref<2x128x128xf32, #tpu.memory_space<vmem>>, vector<16xf32>,
      %get3A_440 = arith.constant 0 : i32
      %get3A_441 = arith.index_cast %get3A_440 : i32 to index
      %get3A_442 = arith.index_cast %scan3A_328 : i32 to index
      %get3A_443 = arith.constant 112 : index
      %get3A_444 = tpu.vector_load %arg13[%get3A_441, %get3A_442, %get3A_443] {strides = array<i32>} : memref<2x128x128xf32, #tpu.memory_space<vmem>>, vector<16xf32>,
      %get3A_445 = arith.constant 1 : i32
      %get3A_446 = arith.index_cast %get3A_445 : i32 to index
      %get3A_447 = arith.index_cast %scan3A_328 : i32 to index
      %get3A_448 = arith.constant 112 : index
      %get3A_449 = tpu.vector_load %arg13[%get3A_446, %get3A_447, %get3A_448] {strides = array<i32>} : memref<2x128x128xf32, #tpu.memory_space<vmem>>, vector<16xf32>,
      %add3A_450 = arith.addf %get3A_444, %get3A_449 : vector<16xf32>
      %swap3A_451 = arith.constant 0 : i32
      %swap3A_452 = arith.index_cast %swap3A_451 : i32 to index
      %swap3A_453 = arith.index_cast %scan3A_328 : i32 to index
      %swap3A_454 = arith.constant 112 : index
      %swap3A_455 = tpu.vector_load %arg13[%swap3A_452, %swap3A_453, %swap3A_454] {strides = array<i32>} : memref<2x128x128xf32, #tpu.memory_space<vmem>>, vector<16xf32>,
      tpu.vector_store %arg13[%swap3A_452, %swap3A_453, %swap3A_454], %add3A_450 {strides = array<i32>} : memref<2x128x128xf32, #tpu.memory_space<vmem>>, vector<16xf32>,
    }
    %scan3A_260 = arith.constant 80 : i32
    %add3A_261 = arith.constant 0 : i32
    %add3A_262 = arith.addi %add3A_247, %add3A_261 : i32
    %run_scoped3A_263 = arith.constant 0 : i32
    "tpu.region"() ({
      %run_scoped3A_328 = tpu.sem_alloc : memref<!tpu.dma_semaphore, #tpu.memory_space<semaphore_mem>>
      %dma_start3A_329 = arith.constant 0 : i32
      %dma_start3A_330 = arith.constant 0 : i32
      %dma_start3A_331 = tpu.memref_slice %arg13[%run_scoped3A_263, %dma_start3A_329, %dma_start3A_330] : memref<2x128x128xf32, #tpu.memory_space<vmem>> -> memref<1x80x128xf32, #tpu.memory_space<vmem>>
      %dma_start3A_332 = tpu.memref_squeeze %dma_start3A_331 : memref<1x80x128xf32, #tpu.memory_space<vmem>> -> memref<80x128xf32, #tpu.memory_space<vmem>>
      %dma_start3A_333 = arith.constant 0 : i32
      %dma_start3A_334 = tpu.memref_slice %arg8[%add3A_262, %dma_start3A_333] : memref<10000x128xf32, #tpu.memory_space<hbm>> -> memref<80x128xf32, #tpu.memory_space<hbm>>
      %dma_start3A_335 = arith.constant 0 : i32
      %dma_start3A_336 = tpu.memref_slice %arg8[%add3A_262, %dma_start3A_335] : memref<10000x128xf32, #tpu.memory_space<hbm>> -> memref<80x128xf32, #tpu.memory_space<hbm>>
      %dma_start3A_337 = arith.constant 0 : i32
      %dma_start3A_338 = arith.constant 0 : i32
      %dma_start3A_339 = tpu.memref_slice %arg13[%run_scoped3A_263, %dma_start3A_337, %dma_start3A_338] : memref<2x128x128xf32, #tpu.memory_space<vmem>> -> memref<1x80x128xf32, #tpu.memory_space<vmem>>
      %dma_start3A_340 = tpu.memref_squeeze %dma_start3A_339 : memref<1x80x128xf32, #tpu.memory_space<vmem>> -> memref<80x128xf32, #tpu.memory_space<vmem>>
      tpu.enqueue_dma source(%dma_start3A_340 : memref<80x128xf32, #tpu.memory_space<vmem>>) target(%dma_start3A_336 : memref<80x128xf32, #tpu.memory_space<hbm>>) target_semaphore(%run_scoped3A_328 : memref<!tpu.dma_semaphore, #tpu.memory_space<semaphore_mem>>)
      %dma_wait3A_341 = arith.constant 0 : i32
      %dma_wait3A_342 = arith.constant 0 : i32
      %dma_wait3A_343 = tpu.memref_slice %arg13[%run_scoped3A_263, %dma_wait3A_341, %dma_wait3A_342] : memref<2x128x128xf32, #tpu.memory_space<vmem>> -> memref<1x80x128xf32, #tpu.memory_space<vmem>>
      %dma_wait3A_344 = tpu.memref_squeeze %dma_wait3A_343 : memref<1x80x128xf32, #tpu.memory_space<vmem>> -> memref<80x128xf32, #tpu.memory_space<vmem>>
      %dma_wait3A_345 = arith.constant 0 : i32
      %dma_wait3A_346 = tpu.memref_slice %arg8[%add3A_262, %dma_wait3A_345] : memref<10000x128xf32, #tpu.memory_space<hbm>> -> memref<80x128xf32, #tpu.memory_space<hbm>>
      %dma_wait3A_347 = arith.constant 0 : i32
      %dma_wait3A_348 = tpu.memref_slice %arg8[%add3A_262, %dma_wait3A_347] : memref<10000x128xf32, #tpu.memory_space<hbm>> -> memref<80x128xf32, #tpu.memory_space<hbm>>
      %dma_wait3A_349 = arith.constant 0 : i32
      %dma_wait3A_350 = arith.constant 0 : i32
      %dma_wait3A_351 = tpu.memref_slice %arg13[%run_scoped3A_263, %dma_wait3A_349, %dma_wait3A_350] : memref<2x128x128xf32, #tpu.memory_space<vmem>> -> memref<1x80x128xf32, #tpu.memory_space<vmem>>
      %dma_wait3A_352 = tpu.memref_squeeze %dma_wait3A_351 : memref<1x80x128xf32, #tpu.memory_space<vmem>> -> memref<80x128xf32, #tpu.memory_space<vmem>>
      tpu.wait_dma2 semaphore(%run_scoped3A_328 : memref<!tpu.dma_semaphore, #tpu.memory_space<semaphore_mem>>) src(%dma_wait3A_352 : memref<80x128xf32, #tpu.memory_space<vmem>>) dst(%dma_wait3A_348 : memref<80x128xf32, #tpu.memory_space<hbm>>)
      tpu.yield
    }) : () -> ()
    %add3A_264 = arith.constant 80 : i32
    %add3A_265 = arith.addi %mul3A_23, %add3A_264 : i32
    %run_scoped3A_266 = arith.constant 0 : i32
    "tpu.region"() ({
      %run_scoped3A_328 = tpu.sem_alloc : memref<!tpu.dma_semaphore, #tpu.memory_space<semaphore_mem>>
      %dma_start3A_329 = arith.constant 0 : i32
      %dma_start3A_330 = arith.constant 0 : i32
      %dma_start3A_331 = tpu.memref_slice %arg13[%run_scoped3A_266, %dma_start3A_329, %dma_start3A_330] : memref<2x128x128xf32, #tpu.memory_space<vmem>> -> memref<1x80x128xf32, #tpu.memory_space<vmem>>
      %dma_start3A_332 = tpu.memref_squeeze %dma_start3A_331 : memref<1x80x128xf32, #tpu.memory_space<vmem>> -> memref<80x128xf32, #tpu.memory_space<vmem>>
      %dma_start3A_333 = arith.constant 0 : i32
      %dma_start3A_334 = tpu.memref_slice %arg16[%add3A_265, %dma_start3A_333] : memref<5008x128xf32, #tpu.memory_space<vmem_shared>> -> memref<80x128xf32, #tpu.memory_space<vmem_shared>>
      %dma_start3A_335 = arith.constant 0 : i32
      %dma_start3A_336 = arith.constant 0 : i32
      %dma_start3A_337 = tpu.memref_slice %arg13[%run_scoped3A_266, %dma_start3A_335, %dma_start3A_336] : memref<2x128x128xf32, #tpu.memory_space<vmem>> -> memref<1x80x128xf32, #tpu.memory_space<vmem>>
      %dma_start3A_338 = tpu.memref_squeeze %dma_start3A_337 : memref<1x80x128xf32, #tpu.memory_space<vmem>> -> memref<80x128xf32, #tpu.memory_space<vmem>>
      %dma_start3A_339 = arith.constant 0 : i32
      %dma_start3A_340 = tpu.memref_slice %arg16[%add3A_265, %dma_start3A_339] : memref<5008x128xf32, #tpu.memory_space<vmem_shared>> -> memref<80x128xf32, #tpu.memory_space<vmem_shared>>
      tpu.enqueue_dma source(%dma_start3A_340 : memref<80x128xf32, #tpu.memory_space<vmem_shared>>) target(%dma_start3A_338 : memref<80x128xf32, #tpu.memory_space<vmem>>) target_semaphore(%run_scoped3A_328 : memref<!tpu.dma_semaphore, #tpu.memory_space<semaphore_mem>>)
      %dma_wait3A_341 = arith.constant 0 : i32
      %dma_wait3A_342 = arith.constant 0 : i32
      %dma_wait3A_343 = tpu.memref_slice %arg13[%run_scoped3A_266, %dma_wait3A_341, %dma_wait3A_342] : memref<2x128x128xf32, #tpu.memory_space<vmem>> -> memref<1x80x128xf32, #tpu.memory_space<vmem>>
      %dma_wait3A_344 = tpu.memref_squeeze %dma_wait3A_343 : memref<1x80x128xf32, #tpu.memory_space<vmem>> -> memref<80x128xf32, #tpu.memory_space<vmem>>
      %dma_wait3A_345 = arith.constant 0 : i32
      %dma_wait3A_346 = tpu.memref_slice %arg16[%add3A_265, %dma_wait3A_345] : memref<5008x128xf32, #tpu.memory_space<vmem_shared>> -> memref<80x128xf32, #tpu.memory_space<vmem_shared>>
      %dma_wait3A_347 = arith.constant 0 : i32
      %dma_wait3A_348 = arith.constant 0 : i32
      %dma_wait3A_349 = tpu.memref_slice %arg13[%run_scoped3A_266, %dma_wait3A_347, %dma_wait3A_348] : memref<2x128x128xf32, #tpu.memory_space<vmem>> -> memref<1x80x128xf32, #tpu.memory_space<vmem>>
      %dma_wait3A_350 = tpu.memref_squeeze %dma_wait3A_349 : memref<1x80x128xf32, #tpu.memory_space<vmem>> -> memref<80x128xf32, #tpu.memory_space<vmem>>
      %dma_wait3A_351 = arith.constant 0 : i32
      %dma_wait3A_352 = tpu.memref_slice %arg16[%add3A_265, %dma_wait3A_351] : memref<5008x128xf32, #tpu.memory_space<vmem_shared>> -> memref<80x128xf32, #tpu.memory_space<vmem_shared>>
      tpu.wait_dma2 semaphore(%run_scoped3A_328 : memref<!tpu.dma_semaphore, #tpu.memory_space<semaphore_mem>>) src(%dma_wait3A_352 : memref<80x128xf32, #tpu.memory_space<vmem_shared>>) dst(%dma_wait3A_350 : memref<80x128xf32, #tpu.memory_space<vmem>>)
      tpu.yield
    }) : () -> ()
    %add3A_267 = arith.constant 80000 : i32
    %add3A_268 = arith.addi %add3A_267, %add3A_247 : i32
    %add3A_269 = arith.constant 80 : i32
    %add3A_270 = arith.addi %add3A_268, %add3A_269 : i32
    %run_scoped3A_271 = arith.constant 1 : i32
    "tpu.region"() ({
      %run_scoped3A_328 = tpu.sem_alloc : memref<!tpu.dma_semaphore, #tpu.memory_space<semaphore_mem>>
      %dma_start3A_329 = arith.constant 0 : i32
      %dma_start3A_330 = arith.constant 0 : i32
      %dma_start3A_331 = tpu.memref_slice %arg13[%run_scoped3A_271, %dma_start3A_329, %dma_start3A_330] : memref<2x128x128xf32, #tpu.memory_space<vmem>> -> memref<1x80x128xf32, #tpu.memory_space<vmem>>
      %dma_start3A_332 = tpu.memref_squeeze %dma_start3A_331 : memref<1x80x128xf32, #tpu.memory_space<vmem>> -> memref<80x128xf32, #tpu.memory_space<vmem>>
      %dma_start3A_333 = arith.constant 0 : i32
      %dma_start3A_334 = tpu.memref_slice %arg2[%add3A_270, %dma_start3A_333] : memref<90000x128xf32, #tpu.memory_space<hbm>> -> memref<80x128xf32, #tpu.memory_space<hbm>>
      %dma_start3A_335 = arith.constant 0 : i32
      %dma_start3A_336 = arith.constant 0 : i32
      %dma_start3A_337 = tpu.memref_slice %arg13[%run_scoped3A_271, %dma_start3A_335, %dma_start3A_336] : memref<2x128x128xf32, #tpu.memory_space<vmem>> -> memref<1x80x128xf32, #tpu.memory_space<vmem>>
      %dma_start3A_338 = tpu.memref_squeeze %dma_start3A_337 : memref<1x80x128xf32, #tpu.memory_space<vmem>> -> memref<80x128xf32, #tpu.memory_space<vmem>>
      %dma_start3A_339 = arith.constant 0 : i32
      %dma_start3A_340 = tpu.memref_slice %arg2[%add3A_270, %dma_start3A_339] : memref<90000x128xf32, #tpu.memory_space<hbm>> -> memref<80x128xf32, #tpu.memory_space<hbm>>
      tpu.enqueue_dma source(%dma_start3A_340 : memref<80x128xf32, #tpu.memory_space<hbm>>) target(%dma_start3A_338 : memref<80x128xf32, #tpu.memory_space<vmem>>) target_semaphore(%run_scoped3A_328 : memref<!tpu.dma_semaphore, #tpu.memory_space<semaphore_mem>>)
      %dma_wait3A_341 = arith.constant 0 : i32
      %dma_wait3A_342 = arith.constant 0 : i32
      %dma_wait3A_343 = tpu.memref_slice %arg13[%run_scoped3A_271, %dma_wait3A_341, %dma_wait3A_342] : memref<2x128x128xf32, #tpu.memory_space<vmem>> -> memref<1x80x128xf32, #tpu.memory_space<vmem>>
      %dma_wait3A_344 = tpu.memref_squeeze %dma_wait3A_343 : memref<1x80x128xf32, #tpu.memory_space<vmem>> -> memref<80x128xf32, #tpu.memory_space<vmem>>
      %dma_wait3A_345 = arith.constant 0 : i32
      %dma_wait3A_346 = tpu.memref_slice %arg2[%add3A_270, %dma_wait3A_345] : memref<90000x128xf32, #tpu.memory_space<hbm>> -> memref<80x128xf32, #tpu.memory_space<hbm>>
      %dma_wait3A_347 = arith.constant 0 : i32
      %dma_wait3A_348 = arith.constant 0 : i32
      %dma_wait3A_349 = tpu.memref_slice %arg13[%run_scoped3A_271, %dma_wait3A_347, %dma_wait3A_348] : memref<2x128x128xf32, #tpu.memory_space<vmem>> -> memref<1x80x128xf32, #tpu.memory_space<vmem>>
      %dma_wait3A_350 = tpu.memref_squeeze %dma_wait3A_349 : memref<1x80x128xf32, #tpu.memory_space<vmem>> -> memref<80x128xf32, #tpu.memory_space<vmem>>
      %dma_wait3A_351 = arith.constant 0 : i32
      %dma_wait3A_352 = tpu.memref_slice %arg2[%add3A_270, %dma_wait3A_351] : memref<90000x128xf32, #tpu.memory_space<hbm>> -> memref<80x128xf32, #tpu.memory_space<hbm>>
      tpu.wait_dma2 semaphore(%run_scoped3A_328 : memref<!tpu.dma_semaphore, #tpu.memory_space<semaphore_mem>>) src(%dma_wait3A_352 : memref<80x128xf32, #tpu.memory_space<hbm>>) dst(%dma_wait3A_350 : memref<80x128xf32, #tpu.memory_space<vmem>>)
      tpu.yield
    }) : () -> ()
    %scan3A_272 = arith.constant 0 : i32
    %scan3A_273 = arith.constant 0 : i32
    %scan3A_274 = arith.constant 80 : i32
    %scan3A_275 = arith.addi %scan3A_273, %scan3A_274 : i32
    %scan3A_276 = arith.constant 1 : i32
    scf.for %scan3A_328 = %scan3A_273 to %scan3A_275 step %scan3A_276  : i32 {
      %get3A = arith.constant 0 : i32
      %get3A_329 = arith.index_cast %get3A : i32 to index
      %get3A_330 = arith.index_cast %scan3A_328 : i32 to index
      %get3A_331 = arith.constant 0 : index
      %get3A_332 = tpu.vector_load %arg13[%get3A_329, %get3A_330, %get3A_331] {strides = array<i32>} : memref<2x128x128xf32, #tpu.memory_space<vmem>>, vector<16xf32>,
      %get3A_333 = arith.constant 1 : i32
      %get3A_334 = arith.index_cast %get3A_333 : i32 to index
      %get3A_335 = arith.index_cast %scan3A_328 : i32 to index
      %get3A_336 = arith.constant 0 : index
      %get3A_337 = tpu.vector_load %arg13[%get3A_334, %get3A_335, %get3A_336] {strides = array<i32>} : memref<2x128x128xf32, #tpu.memory_space<vmem>>, vector<16xf32>,
      %add3A_338 = arith.addf %get3A_332, %get3A_337 : vector<16xf32>
      %swap3A_339 = arith.constant 0 : i32
      %swap3A_340 = arith.index_cast %swap3A_339 : i32 to index
      %swap3A_341 = arith.index_cast %scan3A_328 : i32 to index
      %swap3A_342 = arith.constant 0 : index
      %swap3A_343 = tpu.vector_load %arg13[%swap3A_340, %swap3A_341, %swap3A_342] {strides = array<i32>} : memref<2x128x128xf32, #tpu.memory_space<vmem>>, vector<16xf32>,
      tpu.vector_store %arg13[%swap3A_340, %swap3A_341, %swap3A_342], %add3A_338 {strides = array<i32>} : memref<2x128x128xf32, #tpu.memory_space<vmem>>, vector<16xf32>,
      %get3A_344 = arith.constant 0 : i32
      %get3A_345 = arith.index_cast %get3A_344 : i32 to index
      %get3A_346 = arith.index_cast %scan3A_328 : i32 to index
      %get3A_347 = arith.constant 16 : index
      %get3A_348 = tpu.vector_load %arg13[%get3A_345, %get3A_346, %get3A_347] {strides = array<i32>} : memref<2x128x128xf32, #tpu.memory_space<vmem>>, vector<16xf32>,
      %get3A_349 = arith.constant 1 : i32
      %get3A_350 = arith.index_cast %get3A_349 : i32 to index
      %get3A_351 = arith.index_cast %scan3A_328 : i32 to index
      %get3A_352 = arith.constant 16 : index
      %get3A_353 = tpu.vector_load %arg13[%get3A_350, %get3A_351, %get3A_352] {strides = array<i32>} : memref<2x128x128xf32, #tpu.memory_space<vmem>>, vector<16xf32>,
      %add3A_354 = arith.addf %get3A_348, %get3A_353 : vector<16xf32>
      %swap3A_355 = arith.constant 0 : i32
      %swap3A_356 = arith.index_cast %swap3A_355 : i32 to index
      %swap3A_357 = arith.index_cast %scan3A_328 : i32 to index
      %swap3A_358 = arith.constant 16 : index
      %swap3A_359 = tpu.vector_load %arg13[%swap3A_356, %swap3A_357, %swap3A_358] {strides = array<i32>} : memref<2x128x128xf32, #tpu.memory_space<vmem>>, vector<16xf32>,
      tpu.vector_store %arg13[%swap3A_356, %swap3A_357, %swap3A_358], %add3A_354 {strides = array<i32>} : memref<2x128x128xf32, #tpu.memory_space<vmem>>, vector<16xf32>,
      %get3A_360 = arith.constant 0 : i32
      %get3A_361 = arith.index_cast %get3A_360 : i32 to index
      %get3A_362 = arith.index_cast %scan3A_328 : i32 to index
      %get3A_363 = arith.constant 32 : index
      %get3A_364 = tpu.vector_load %arg13[%get3A_361, %get3A_362, %get3A_363] {strides = array<i32>} : memref<2x128x128xf32, #tpu.memory_space<vmem>>, vector<16xf32>,
      %get3A_365 = arith.constant 1 : i32
      %get3A_366 = arith.index_cast %get3A_365 : i32 to index
      %get3A_367 = arith.index_cast %scan3A_328 : i32 to index
      %get3A_368 = arith.constant 32 : index
      %get3A_369 = tpu.vector_load %arg13[%get3A_366, %get3A_367, %get3A_368] {strides = array<i32>} : memref<2x128x128xf32, #tpu.memory_space<vmem>>, vector<16xf32>,
      %add3A_370 = arith.addf %get3A_364, %get3A_369 : vector<16xf32>
      %swap3A_371 = arith.constant 0 : i32
      %swap3A_372 = arith.index_cast %swap3A_371 : i32 to index
      %swap3A_373 = arith.index_cast %scan3A_328 : i32 to index
      %swap3A_374 = arith.constant 32 : index
      %swap3A_375 = tpu.vector_load %arg13[%swap3A_372, %swap3A_373, %swap3A_374] {strides = array<i32>} : memref<2x128x128xf32, #tpu.memory_space<vmem>>, vector<16xf32>,
      tpu.vector_store %arg13[%swap3A_372, %swap3A_373, %swap3A_374], %add3A_370 {strides = array<i32>} : memref<2x128x128xf32, #tpu.memory_space<vmem>>, vector<16xf32>,
      %get3A_376 = arith.constant 0 : i32
      %get3A_377 = arith.index_cast %get3A_376 : i32 to index
      %get3A_378 = arith.index_cast %scan3A_328 : i32 to index
      %get3A_379 = arith.constant 48 : index
      %get3A_380 = tpu.vector_load %arg13[%get3A_377, %get3A_378, %get3A_379] {strides = array<i32>} : memref<2x128x128xf32, #tpu.memory_space<vmem>>, vector<16xf32>,
      %get3A_381 = arith.constant 1 : i32
      %get3A_382 = arith.index_cast %get3A_381 : i32 to index
      %get3A_383 = arith.index_cast %scan3A_328 : i32 to index
      %get3A_384 = arith.constant 48 : index
      %get3A_385 = tpu.vector_load %arg13[%get3A_382, %get3A_383, %get3A_384] {strides = array<i32>} : memref<2x128x128xf32, #tpu.memory_space<vmem>>, vector<16xf32>,
      %add3A_386 = arith.addf %get3A_380, %get3A_385 : vector<16xf32>
      %swap3A_387 = arith.constant 0 : i32
      %swap3A_388 = arith.index_cast %swap3A_387 : i32 to index
      %swap3A_389 = arith.index_cast %scan3A_328 : i32 to index
      %swap3A_390 = arith.constant 48 : index
      %swap3A_391 = tpu.vector_load %arg13[%swap3A_388, %swap3A_389, %swap3A_390] {strides = array<i32>} : memref<2x128x128xf32, #tpu.memory_space<vmem>>, vector<16xf32>,
      tpu.vector_store %arg13[%swap3A_388, %swap3A_389, %swap3A_390], %add3A_386 {strides = array<i32>} : memref<2x128x128xf32, #tpu.memory_space<vmem>>, vector<16xf32>,
      %get3A_392 = arith.constant 0 : i32
      %get3A_393 = arith.index_cast %get3A_392 : i32 to index
      %get3A_394 = arith.index_cast %scan3A_328 : i32 to index
      %get3A_395 = arith.constant 64 : index
      %get3A_396 = tpu.vector_load %arg13[%get3A_393, %get3A_394, %get3A_395] {strides = array<i32>} : memref<2x128x128xf32, #tpu.memory_space<vmem>>, vector<16xf32>,
      %get3A_397 = arith.constant 1 : i32
      %get3A_398 = arith.index_cast %get3A_397 : i32 to index
      %get3A_399 = arith.index_cast %scan3A_328 : i32 to index
      %get3A_400 = arith.constant 64 : index
      %get3A_401 = tpu.vector_load %arg13[%get3A_398, %get3A_399, %get3A_400] {strides = array<i32>} : memref<2x128x128xf32, #tpu.memory_space<vmem>>, vector<16xf32>,
      %add3A_402 = arith.addf %get3A_396, %get3A_401 : vector<16xf32>
      %swap3A_403 = arith.constant 0 : i32
      %swap3A_404 = arith.index_cast %swap3A_403 : i32 to index
      %swap3A_405 = arith.index_cast %scan3A_328 : i32 to index
      %swap3A_406 = arith.constant 64 : index
      %swap3A_407 = tpu.vector_load %arg13[%swap3A_404, %swap3A_405, %swap3A_406] {strides = array<i32>} : memref<2x128x128xf32, #tpu.memory_space<vmem>>, vector<16xf32>,
      tpu.vector_store %arg13[%swap3A_404, %swap3A_405, %swap3A_406], %add3A_402 {strides = array<i32>} : memref<2x128x128xf32, #tpu.memory_space<vmem>>, vector<16xf32>,
      %get3A_408 = arith.constant 0 : i32
      %get3A_409 = arith.index_cast %get3A_408 : i32 to index
      %get3A_410 = arith.index_cast %scan3A_328 : i32 to index
      %get3A_411 = arith.constant 80 : index
      %get3A_412 = tpu.vector_load %arg13[%get3A_409, %get3A_410, %get3A_411] {strides = array<i32>} : memref<2x128x128xf32, #tpu.memory_space<vmem>>, vector<16xf32>,
      %get3A_413 = arith.constant 1 : i32
      %get3A_414 = arith.index_cast %get3A_413 : i32 to index
      %get3A_415 = arith.index_cast %scan3A_328 : i32 to index
      %get3A_416 = arith.constant 80 : index
      %get3A_417 = tpu.vector_load %arg13[%get3A_414, %get3A_415, %get3A_416] {strides = array<i32>} : memref<2x128x128xf32, #tpu.memory_space<vmem>>, vector<16xf32>,
      %add3A_418 = arith.addf %get3A_412, %get3A_417 : vector<16xf32>
      %swap3A_419 = arith.constant 0 : i32
      %swap3A_420 = arith.index_cast %swap3A_419 : i32 to index
      %swap3A_421 = arith.index_cast %scan3A_328 : i32 to index
      %swap3A_422 = arith.constant 80 : index
      %swap3A_423 = tpu.vector_load %arg13[%swap3A_420, %swap3A_421, %swap3A_422] {strides = array<i32>} : memref<2x128x128xf32, #tpu.memory_space<vmem>>, vector<16xf32>,
      tpu.vector_store %arg13[%swap3A_420, %swap3A_421, %swap3A_422], %add3A_418 {strides = array<i32>} : memref<2x128x128xf32, #tpu.memory_space<vmem>>, vector<16xf32>,
      %get3A_424 = arith.constant 0 : i32
      %get3A_425 = arith.index_cast %get3A_424 : i32 to index
      %get3A_426 = arith.index_cast %scan3A_328 : i32 to index
      %get3A_427 = arith.constant 96 : index
      %get3A_428 = tpu.vector_load %arg13[%get3A_425, %get3A_426, %get3A_427] {strides = array<i32>} : memref<2x128x128xf32, #tpu.memory_space<vmem>>, vector<16xf32>,
      %get3A_429 = arith.constant 1 : i32
      %get3A_430 = arith.index_cast %get3A_429 : i32 to index
      %get3A_431 = arith.index_cast %scan3A_328 : i32 to index
      %get3A_432 = arith.constant 96 : index
      %get3A_433 = tpu.vector_load %arg13[%get3A_430, %get3A_431, %get3A_432] {strides = array<i32>} : memref<2x128x128xf32, #tpu.memory_space<vmem>>, vector<16xf32>,
      %add3A_434 = arith.addf %get3A_428, %get3A_433 : vector<16xf32>
      %swap3A_435 = arith.constant 0 : i32
      %swap3A_436 = arith.index_cast %swap3A_435 : i32 to index
      %swap3A_437 = arith.index_cast %scan3A_328 : i32 to index
      %swap3A_438 = arith.constant 96 : index
      %swap3A_439 = tpu.vector_load %arg13[%swap3A_436, %swap3A_437, %swap3A_438] {strides = array<i32>} : memref<2x128x128xf32, #tpu.memory_space<vmem>>, vector<16xf32>,
      tpu.vector_store %arg13[%swap3A_436, %swap3A_437, %swap3A_438], %add3A_434 {strides = array<i32>} : memref<2x128x128xf32, #tpu.memory_space<vmem>>, vector<16xf32>,
      %get3A_440 = arith.constant 0 : i32
      %get3A_441 = arith.index_cast %get3A_440 : i32 to index
      %get3A_442 = arith.index_cast %scan3A_328 : i32 to index
      %get3A_443 = arith.constant 112 : index
      %get3A_444 = tpu.vector_load %arg13[%get3A_441, %get3A_442, %get3A_443] {strides = array<i32>} : memref<2x128x128xf32, #tpu.memory_space<vmem>>, vector<16xf32>,
      %get3A_445 = arith.constant 1 : i32
      %get3A_446 = arith.index_cast %get3A_445 : i32 to index
      %get3A_447 = arith.index_cast %scan3A_328 : i32 to index
      %get3A_448 = arith.constant 112 : index
      %get3A_449 = tpu.vector_load %arg13[%get3A_446, %get3A_447, %get3A_448] {strides = array<i32>} : memref<2x128x128xf32, #tpu.memory_space<vmem>>, vector<16xf32>,
      %add3A_450 = arith.addf %get3A_444, %get3A_449 : vector<16xf32>
      %swap3A_451 = arith.constant 0 : i32
      %swap3A_452 = arith.index_cast %swap3A_451 : i32 to index
      %swap3A_453 = arith.index_cast %scan3A_328 : i32 to index
      %swap3A_454 = arith.constant 112 : index
      %swap3A_455 = tpu.vector_load %arg13[%swap3A_452, %swap3A_453, %swap3A_454] {strides = array<i32>} : memref<2x128x128xf32, #tpu.memory_space<vmem>>, vector<16xf32>,
      tpu.vector_store %arg13[%swap3A_452, %swap3A_453, %swap3A_454], %add3A_450 {strides = array<i32>} : memref<2x128x128xf32, #tpu.memory_space<vmem>>, vector<16xf32>,
    }
    %scan3A_277 = arith.constant 80 : i32
    %add3A_278 = arith.constant 80 : i32
    %add3A_279 = arith.addi %add3A_247, %add3A_278 : i32
    %run_scoped3A_280 = arith.constant 0 : i32
    "tpu.region"() ({
      %run_scoped3A_328 = tpu.sem_alloc : memref<!tpu.dma_semaphore, #tpu.memory_space<semaphore_mem>>
      %dma_start3A_329 = arith.constant 0 : i32
      %dma_start3A_330 = arith.constant 0 : i32
      %dma_start3A_331 = tpu.memref_slice %arg13[%run_scoped3A_280, %dma_start3A_329, %dma_start3A_330] : memref<2x128x128xf32, #tpu.memory_space<vmem>> -> memref<1x80x128xf32, #tpu.memory_space<vmem>>
      %dma_start3A_332 = tpu.memref_squeeze %dma_start3A_331 : memref<1x80x128xf32, #tpu.memory_space<vmem>> -> memref<80x128xf32, #tpu.memory_space<vmem>>
      %dma_start3A_333 = arith.constant 0 : i32
      %dma_start3A_334 = tpu.memref_slice %arg8[%add3A_279, %dma_start3A_333] : memref<10000x128xf32, #tpu.memory_space<hbm>> -> memref<80x128xf32, #tpu.memory_space<hbm>>
      %dma_start3A_335 = arith.constant 0 : i32
      %dma_start3A_336 = tpu.memref_slice %arg8[%add3A_279, %dma_start3A_335] : memref<10000x128xf32, #tpu.memory_space<hbm>> -> memref<80x128xf32, #tpu.memory_space<hbm>>
      %dma_start3A_337 = arith.constant 0 : i32
      %dma_start3A_338 = arith.constant 0 : i32
      %dma_start3A_339 = tpu.memref_slice %arg13[%run_scoped3A_280, %dma_start3A_337, %dma_start3A_338] : memref<2x128x128xf32, #tpu.memory_space<vmem>> -> memref<1x80x128xf32, #tpu.memory_space<vmem>>
      %dma_start3A_340 = tpu.memref_squeeze %dma_start3A_339 : memref<1x80x128xf32, #tpu.memory_space<vmem>> -> memref<80x128xf32, #tpu.memory_space<vmem>>
      tpu.enqueue_dma source(%dma_start3A_340 : memref<80x128xf32, #tpu.memory_space<vmem>>) target(%dma_start3A_336 : memref<80x128xf32, #tpu.memory_space<hbm>>) target_semaphore(%run_scoped3A_328 : memref<!tpu.dma_semaphore, #tpu.memory_space<semaphore_mem>>)
      %dma_wait3A_341 = arith.constant 0 : i32
      %dma_wait3A_342 = arith.constant 0 : i32
      %dma_wait3A_343 = tpu.memref_slice %arg13[%run_scoped3A_280, %dma_wait3A_341, %dma_wait3A_342] : memref<2x128x128xf32, #tpu.memory_space<vmem>> -> memref<1x80x128xf32, #tpu.memory_space<vmem>>
      %dma_wait3A_344 = tpu.memref_squeeze %dma_wait3A_343 : memref<1x80x128xf32, #tpu.memory_space<vmem>> -> memref<80x128xf32, #tpu.memory_space<vmem>>
      %dma_wait3A_345 = arith.constant 0 : i32
      %dma_wait3A_346 = tpu.memref_slice %arg8[%add3A_279, %dma_wait3A_345] : memref<10000x128xf32, #tpu.memory_space<hbm>> -> memref<80x128xf32, #tpu.memory_space<hbm>>
      %dma_wait3A_347 = arith.constant 0 : i32
      %dma_wait3A_348 = tpu.memref_slice %arg8[%add3A_279, %dma_wait3A_347] : memref<10000x128xf32, #tpu.memory_space<hbm>> -> memref<80x128xf32, #tpu.memory_space<hbm>>
      %dma_wait3A_349 = arith.constant 0 : i32
      %dma_wait3A_350 = arith.constant 0 : i32
      %dma_wait3A_351 = tpu.memref_slice %arg13[%run_scoped3A_280, %dma_wait3A_349, %dma_wait3A_350] : memref<2x128x128xf32, #tpu.memory_space<vmem>> -> memref<1x80x128xf32, #tpu.memory_space<vmem>>
      %dma_wait3A_352 = tpu.memref_squeeze %dma_wait3A_351 : memref<1x80x128xf32, #tpu.memory_space<vmem>> -> memref<80x128xf32, #tpu.memory_space<vmem>>
      tpu.wait_dma2 semaphore(%run_scoped3A_328 : memref<!tpu.dma_semaphore, #tpu.memory_space<semaphore_mem>>) src(%dma_wait3A_352 : memref<80x128xf32, #tpu.memory_space<vmem>>) dst(%dma_wait3A_348 : memref<80x128xf32, #tpu.memory_space<hbm>>)
      tpu.yield
    }) : () -> ()
    %add3A_281 = arith.constant 160 : i32
    %add3A_282 = arith.addi %mul3A_23, %add3A_281 : i32
    %run_scoped3A_283 = arith.constant 0 : i32
    "tpu.region"() ({
      %run_scoped3A_328 = tpu.sem_alloc : memref<!tpu.dma_semaphore, #tpu.memory_space<semaphore_mem>>
      %dma_start3A_329 = arith.constant 0 : i32
      %dma_start3A_330 = arith.constant 0 : i32
      %dma_start3A_331 = tpu.memref_slice %arg13[%run_scoped3A_283, %dma_start3A_329, %dma_start3A_330] : memref<2x128x128xf32, #tpu.memory_space<vmem>> -> memref<1x80x128xf32, #tpu.memory_space<vmem>>
      %dma_start3A_332 = tpu.memref_squeeze %dma_start3A_331 : memref<1x80x128xf32, #tpu.memory_space<vmem>> -> memref<80x128xf32, #tpu.memory_space<vmem>>
      %dma_start3A_333 = arith.constant 0 : i32
      %dma_start3A_334 = tpu.memref_slice %arg16[%add3A_282, %dma_start3A_333] : memref<5008x128xf32, #tpu.memory_space<vmem_shared>> -> memref<80x128xf32, #tpu.memory_space<vmem_shared>>
      %dma_start3A_335 = arith.constant 0 : i32
      %dma_start3A_336 = arith.constant 0 : i32
      %dma_start3A_337 = tpu.memref_slice %arg13[%run_scoped3A_283, %dma_start3A_335, %dma_start3A_336] : memref<2x128x128xf32, #tpu.memory_space<vmem>> -> memref<1x80x128xf32, #tpu.memory_space<vmem>>
      %dma_start3A_338 = tpu.memref_squeeze %dma_start3A_337 : memref<1x80x128xf32, #tpu.memory_space<vmem>> -> memref<80x128xf32, #tpu.memory_space<vmem>>
      %dma_start3A_339 = arith.constant 0 : i32
      %dma_start3A_340 = tpu.memref_slice %arg16[%add3A_282, %dma_start3A_339] : memref<5008x128xf32, #tpu.memory_space<vmem_shared>> -> memref<80x128xf32, #tpu.memory_space<vmem_shared>>
      tpu.enqueue_dma source(%dma_start3A_340 : memref<80x128xf32, #tpu.memory_space<vmem_shared>>) target(%dma_start3A_338 : memref<80x128xf32, #tpu.memory_space<vmem>>) target_semaphore(%run_scoped3A_328 : memref<!tpu.dma_semaphore, #tpu.memory_space<semaphore_mem>>)
      %dma_wait3A_341 = arith.constant 0 : i32
      %dma_wait3A_342 = arith.constant 0 : i32
      %dma_wait3A_343 = tpu.memref_slice %arg13[%run_scoped3A_283, %dma_wait3A_341, %dma_wait3A_342] : memref<2x128x128xf32, #tpu.memory_space<vmem>> -> memref<1x80x128xf32, #tpu.memory_space<vmem>>
      %dma_wait3A_344 = tpu.memref_squeeze %dma_wait3A_343 : memref<1x80x128xf32, #tpu.memory_space<vmem>> -> memref<80x128xf32, #tpu.memory_space<vmem>>
      %dma_wait3A_345 = arith.constant 0 : i32
      %dma_wait3A_346 = tpu.memref_slice %arg16[%add3A_282, %dma_wait3A_345] : memref<5008x128xf32, #tpu.memory_space<vmem_shared>> -> memref<80x128xf32, #tpu.memory_space<vmem_shared>>
      %dma_wait3A_347 = arith.constant 0 : i32
      %dma_wait3A_348 = arith.constant 0 : i32
      %dma_wait3A_349 = tpu.memref_slice %arg13[%run_scoped3A_283, %dma_wait3A_347, %dma_wait3A_348] : memref<2x128x128xf32, #tpu.memory_space<vmem>> -> memref<1x80x128xf32, #tpu.memory_space<vmem>>
      %dma_wait3A_350 = tpu.memref_squeeze %dma_wait3A_349 : memref<1x80x128xf32, #tpu.memory_space<vmem>> -> memref<80x128xf32, #tpu.memory_space<vmem>>
      %dma_wait3A_351 = arith.constant 0 : i32
      %dma_wait3A_352 = tpu.memref_slice %arg16[%add3A_282, %dma_wait3A_351] : memref<5008x128xf32, #tpu.memory_space<vmem_shared>> -> memref<80x128xf32, #tpu.memory_space<vmem_shared>>
      tpu.wait_dma2 semaphore(%run_scoped3A_328 : memref<!tpu.dma_semaphore, #tpu.memory_space<semaphore_mem>>) src(%dma_wait3A_352 : memref<80x128xf32, #tpu.memory_space<vmem_shared>>) dst(%dma_wait3A_350 : memref<80x128xf32, #tpu.memory_space<vmem>>)
      tpu.yield
    }) : () -> ()
    %add3A_284 = arith.constant 80000 : i32
    %add3A_285 = arith.addi %add3A_284, %add3A_247 : i32
    %add3A_286 = arith.constant 160 : i32
    %add3A_287 = arith.addi %add3A_285, %add3A_286 : i32
    %run_scoped3A_288 = arith.constant 1 : i32
    "tpu.region"() ({
      %run_scoped3A_328 = tpu.sem_alloc : memref<!tpu.dma_semaphore, #tpu.memory_space<semaphore_mem>>
      %dma_start3A_329 = arith.constant 0 : i32
      %dma_start3A_330 = arith.constant 0 : i32
      %dma_start3A_331 = tpu.memref_slice %arg13[%run_scoped3A_288, %dma_start3A_329, %dma_start3A_330] : memref<2x128x128xf32, #tpu.memory_space<vmem>> -> memref<1x80x128xf32, #tpu.memory_space<vmem>>
      %dma_start3A_332 = tpu.memref_squeeze %dma_start3A_331 : memref<1x80x128xf32, #tpu.memory_space<vmem>> -> memref<80x128xf32, #tpu.memory_space<vmem>>
      %dma_start3A_333 = arith.constant 0 : i32
      %dma_start3A_334 = tpu.memref_slice %arg2[%add3A_287, %dma_start3A_333] : memref<90000x128xf32, #tpu.memory_space<hbm>> -> memref<80x128xf32, #tpu.memory_space<hbm>>
      %dma_start3A_335 = arith.constant 0 : i32
      %dma_start3A_336 = arith.constant 0 : i32
      %dma_start3A_337 = tpu.memref_slice %arg13[%run_scoped3A_288, %dma_start3A_335, %dma_start3A_336] : memref<2x128x128xf32, #tpu.memory_space<vmem>> -> memref<1x80x128xf32, #tpu.memory_space<vmem>>
      %dma_start3A_338 = tpu.memref_squeeze %dma_start3A_337 : memref<1x80x128xf32, #tpu.memory_space<vmem>> -> memref<80x128xf32, #tpu.memory_space<vmem>>
      %dma_start3A_339 = arith.constant 0 : i32
      %dma_start3A_340 = tpu.memref_slice %arg2[%add3A_287, %dma_start3A_339] : memref<90000x128xf32, #tpu.memory_space<hbm>> -> memref<80x128xf32, #tpu.memory_space<hbm>>
      tpu.enqueue_dma source(%dma_start3A_340 : memref<80x128xf32, #tpu.memory_space<hbm>>) target(%dma_start3A_338 : memref<80x128xf32, #tpu.memory_space<vmem>>) target_semaphore(%run_scoped3A_328 : memref<!tpu.dma_semaphore, #tpu.memory_space<semaphore_mem>>)
      %dma_wait3A_341 = arith.constant 0 : i32
      %dma_wait3A_342 = arith.constant 0 : i32
      %dma_wait3A_343 = tpu.memref_slice %arg13[%run_scoped3A_288, %dma_wait3A_341, %dma_wait3A_342] : memref<2x128x128xf32, #tpu.memory_space<vmem>> -> memref<1x80x128xf32, #tpu.memory_space<vmem>>
      %dma_wait3A_344 = tpu.memref_squeeze %dma_wait3A_343 : memref<1x80x128xf32, #tpu.memory_space<vmem>> -> memref<80x128xf32, #tpu.memory_space<vmem>>
      %dma_wait3A_345 = arith.constant 0 : i32
      %dma_wait3A_346 = tpu.memref_slice %arg2[%add3A_287, %dma_wait3A_345] : memref<90000x128xf32, #tpu.memory_space<hbm>> -> memref<80x128xf32, #tpu.memory_space<hbm>>
      %dma_wait3A_347 = arith.constant 0 : i32
      %dma_wait3A_348 = arith.constant 0 : i32
      %dma_wait3A_349 = tpu.memref_slice %arg13[%run_scoped3A_288, %dma_wait3A_347, %dma_wait3A_348] : memref<2x128x128xf32, #tpu.memory_space<vmem>> -> memref<1x80x128xf32, #tpu.memory_space<vmem>>
      %dma_wait3A_350 = tpu.memref_squeeze %dma_wait3A_349 : memref<1x80x128xf32, #tpu.memory_space<vmem>> -> memref<80x128xf32, #tpu.memory_space<vmem>>
      %dma_wait3A_351 = arith.constant 0 : i32
      %dma_wait3A_352 = tpu.memref_slice %arg2[%add3A_287, %dma_wait3A_351] : memref<90000x128xf32, #tpu.memory_space<hbm>> -> memref<80x128xf32, #tpu.memory_space<hbm>>
      tpu.wait_dma2 semaphore(%run_scoped3A_328 : memref<!tpu.dma_semaphore, #tpu.memory_space<semaphore_mem>>) src(%dma_wait3A_352 : memref<80x128xf32, #tpu.memory_space<hbm>>) dst(%dma_wait3A_350 : memref<80x128xf32, #tpu.memory_space<vmem>>)
      tpu.yield
    }) : () -> ()
    %scan3A_289 = arith.constant 0 : i32
    %scan3A_290 = arith.constant 0 : i32
    %scan3A_291 = arith.constant 80 : i32
    %scan3A_292 = arith.addi %scan3A_290, %scan3A_291 : i32
    %scan3A_293 = arith.constant 1 : i32
    scf.for %scan3A_328 = %scan3A_290 to %scan3A_292 step %scan3A_293  : i32 {
      %get3A = arith.constant 0 : i32
      %get3A_329 = arith.index_cast %get3A : i32 to index
      %get3A_330 = arith.index_cast %scan3A_328 : i32 to index
      %get3A_331 = arith.constant 0 : index
      %get3A_332 = tpu.vector_load %arg13[%get3A_329, %get3A_330, %get3A_331] {strides = array<i32>} : memref<2x128x128xf32, #tpu.memory_space<vmem>>, vector<16xf32>,
      %get3A_333 = arith.constant 1 : i32
      %get3A_334 = arith.index_cast %get3A_333 : i32 to index
      %get3A_335 = arith.index_cast %scan3A_328 : i32 to index
      %get3A_336 = arith.constant 0 : index
      %get3A_337 = tpu.vector_load %arg13[%get3A_334, %get3A_335, %get3A_336] {strides = array<i32>} : memref<2x128x128xf32, #tpu.memory_space<vmem>>, vector<16xf32>,
      %add3A_338 = arith.addf %get3A_332, %get3A_337 : vector<16xf32>
      %swap3A_339 = arith.constant 0 : i32
      %swap3A_340 = arith.index_cast %swap3A_339 : i32 to index
      %swap3A_341 = arith.index_cast %scan3A_328 : i32 to index
      %swap3A_342 = arith.constant 0 : index
      %swap3A_343 = tpu.vector_load %arg13[%swap3A_340, %swap3A_341, %swap3A_342] {strides = array<i32>} : memref<2x128x128xf32, #tpu.memory_space<vmem>>, vector<16xf32>,
      tpu.vector_store %arg13[%swap3A_340, %swap3A_341, %swap3A_342], %add3A_338 {strides = array<i32>} : memref<2x128x128xf32, #tpu.memory_space<vmem>>, vector<16xf32>,
      %get3A_344 = arith.constant 0 : i32
      %get3A_345 = arith.index_cast %get3A_344 : i32 to index
      %get3A_346 = arith.index_cast %scan3A_328 : i32 to index
      %get3A_347 = arith.constant 16 : index
      %get3A_348 = tpu.vector_load %arg13[%get3A_345, %get3A_346, %get3A_347] {strides = array<i32>} : memref<2x128x128xf32, #tpu.memory_space<vmem>>, vector<16xf32>,
      %get3A_349 = arith.constant 1 : i32
      %get3A_350 = arith.index_cast %get3A_349 : i32 to index
      %get3A_351 = arith.index_cast %scan3A_328 : i32 to index
      %get3A_352 = arith.constant 16 : index
      %get3A_353 = tpu.vector_load %arg13[%get3A_350, %get3A_351, %get3A_352] {strides = array<i32>} : memref<2x128x128xf32, #tpu.memory_space<vmem>>, vector<16xf32>,
      %add3A_354 = arith.addf %get3A_348, %get3A_353 : vector<16xf32>
      %swap3A_355 = arith.constant 0 : i32
      %swap3A_356 = arith.index_cast %swap3A_355 : i32 to index
      %swap3A_357 = arith.index_cast %scan3A_328 : i32 to index
      %swap3A_358 = arith.constant 16 : index
      %swap3A_359 = tpu.vector_load %arg13[%swap3A_356, %swap3A_357, %swap3A_358] {strides = array<i32>} : memref<2x128x128xf32, #tpu.memory_space<vmem>>, vector<16xf32>,
      tpu.vector_store %arg13[%swap3A_356, %swap3A_357, %swap3A_358], %add3A_354 {strides = array<i32>} : memref<2x128x128xf32, #tpu.memory_space<vmem>>, vector<16xf32>,
      %get3A_360 = arith.constant 0 : i32
      %get3A_361 = arith.index_cast %get3A_360 : i32 to index
      %get3A_362 = arith.index_cast %scan3A_328 : i32 to index
      %get3A_363 = arith.constant 32 : index
      %get3A_364 = tpu.vector_load %arg13[%get3A_361, %get3A_362, %get3A_363] {strides = array<i32>} : memref<2x128x128xf32, #tpu.memory_space<vmem>>, vector<16xf32>,
      %get3A_365 = arith.constant 1 : i32
      %get3A_366 = arith.index_cast %get3A_365 : i32 to index
      %get3A_367 = arith.index_cast %scan3A_328 : i32 to index
      %get3A_368 = arith.constant 32 : index
      %get3A_369 = tpu.vector_load %arg13[%get3A_366, %get3A_367, %get3A_368] {strides = array<i32>} : memref<2x128x128xf32, #tpu.memory_space<vmem>>, vector<16xf32>,
      %add3A_370 = arith.addf %get3A_364, %get3A_369 : vector<16xf32>
      %swap3A_371 = arith.constant 0 : i32
      %swap3A_372 = arith.index_cast %swap3A_371 : i32 to index
      %swap3A_373 = arith.index_cast %scan3A_328 : i32 to index
      %swap3A_374 = arith.constant 32 : index
      %swap3A_375 = tpu.vector_load %arg13[%swap3A_372, %swap3A_373, %swap3A_374] {strides = array<i32>} : memref<2x128x128xf32, #tpu.memory_space<vmem>>, vector<16xf32>,
      tpu.vector_store %arg13[%swap3A_372, %swap3A_373, %swap3A_374], %add3A_370 {strides = array<i32>} : memref<2x128x128xf32, #tpu.memory_space<vmem>>, vector<16xf32>,
      %get3A_376 = arith.constant 0 : i32
      %get3A_377 = arith.index_cast %get3A_376 : i32 to index
      %get3A_378 = arith.index_cast %scan3A_328 : i32 to index
      %get3A_379 = arith.constant 48 : index
      %get3A_380 = tpu.vector_load %arg13[%get3A_377, %get3A_378, %get3A_379] {strides = array<i32>} : memref<2x128x128xf32, #tpu.memory_space<vmem>>, vector<16xf32>,
      %get3A_381 = arith.constant 1 : i32
      %get3A_382 = arith.index_cast %get3A_381 : i32 to index
      %get3A_383 = arith.index_cast %scan3A_328 : i32 to index
      %get3A_384 = arith.constant 48 : index
      %get3A_385 = tpu.vector_load %arg13[%get3A_382, %get3A_383, %get3A_384] {strides = array<i32>} : memref<2x128x128xf32, #tpu.memory_space<vmem>>, vector<16xf32>,
      %add3A_386 = arith.addf %get3A_380, %get3A_385 : vector<16xf32>
      %swap3A_387 = arith.constant 0 : i32
      %swap3A_388 = arith.index_cast %swap3A_387 : i32 to index
      %swap3A_389 = arith.index_cast %scan3A_328 : i32 to index
      %swap3A_390 = arith.constant 48 : index
      %swap3A_391 = tpu.vector_load %arg13[%swap3A_388, %swap3A_389, %swap3A_390] {strides = array<i32>} : memref<2x128x128xf32, #tpu.memory_space<vmem>>, vector<16xf32>,
      tpu.vector_store %arg13[%swap3A_388, %swap3A_389, %swap3A_390], %add3A_386 {strides = array<i32>} : memref<2x128x128xf32, #tpu.memory_space<vmem>>, vector<16xf32>,
      %get3A_392 = arith.constant 0 : i32
      %get3A_393 = arith.index_cast %get3A_392 : i32 to index
      %get3A_394 = arith.index_cast %scan3A_328 : i32 to index
      %get3A_395 = arith.constant 64 : index
      %get3A_396 = tpu.vector_load %arg13[%get3A_393, %get3A_394, %get3A_395] {strides = array<i32>} : memref<2x128x128xf32, #tpu.memory_space<vmem>>, vector<16xf32>,
      %get3A_397 = arith.constant 1 : i32
      %get3A_398 = arith.index_cast %get3A_397 : i32 to index
      %get3A_399 = arith.index_cast %scan3A_328 : i32 to index
      %get3A_400 = arith.constant 64 : index
      %get3A_401 = tpu.vector_load %arg13[%get3A_398, %get3A_399, %get3A_400] {strides = array<i32>} : memref<2x128x128xf32, #tpu.memory_space<vmem>>, vector<16xf32>,
      %add3A_402 = arith.addf %get3A_396, %get3A_401 : vector<16xf32>
      %swap3A_403 = arith.constant 0 : i32
      %swap3A_404 = arith.index_cast %swap3A_403 : i32 to index
      %swap3A_405 = arith.index_cast %scan3A_328 : i32 to index
      %swap3A_406 = arith.constant 64 : index
      %swap3A_407 = tpu.vector_load %arg13[%swap3A_404, %swap3A_405, %swap3A_406] {strides = array<i32>} : memref<2x128x128xf32, #tpu.memory_space<vmem>>, vector<16xf32>,
      tpu.vector_store %arg13[%swap3A_404, %swap3A_405, %swap3A_406], %add3A_402 {strides = array<i32>} : memref<2x128x128xf32, #tpu.memory_space<vmem>>, vector<16xf32>,
      %get3A_408 = arith.constant 0 : i32
      %get3A_409 = arith.index_cast %get3A_408 : i32 to index
      %get3A_410 = arith.index_cast %scan3A_328 : i32 to index
      %get3A_411 = arith.constant 80 : index
      %get3A_412 = tpu.vector_load %arg13[%get3A_409, %get3A_410, %get3A_411] {strides = array<i32>} : memref<2x128x128xf32, #tpu.memory_space<vmem>>, vector<16xf32>,
      %get3A_413 = arith.constant 1 : i32
      %get3A_414 = arith.index_cast %get3A_413 : i32 to index
      %get3A_415 = arith.index_cast %scan3A_328 : i32 to index
      %get3A_416 = arith.constant 80 : index
      %get3A_417 = tpu.vector_load %arg13[%get3A_414, %get3A_415, %get3A_416] {strides = array<i32>} : memref<2x128x128xf32, #tpu.memory_space<vmem>>, vector<16xf32>,
      %add3A_418 = arith.addf %get3A_412, %get3A_417 : vector<16xf32>
      %swap3A_419 = arith.constant 0 : i32
      %swap3A_420 = arith.index_cast %swap3A_419 : i32 to index
      %swap3A_421 = arith.index_cast %scan3A_328 : i32 to index
      %swap3A_422 = arith.constant 80 : index
      %swap3A_423 = tpu.vector_load %arg13[%swap3A_420, %swap3A_421, %swap3A_422] {strides = array<i32>} : memref<2x128x128xf32, #tpu.memory_space<vmem>>, vector<16xf32>,
      tpu.vector_store %arg13[%swap3A_420, %swap3A_421, %swap3A_422], %add3A_418 {strides = array<i32>} : memref<2x128x128xf32, #tpu.memory_space<vmem>>, vector<16xf32>,
      %get3A_424 = arith.constant 0 : i32
      %get3A_425 = arith.index_cast %get3A_424 : i32 to index
      %get3A_426 = arith.index_cast %scan3A_328 : i32 to index
      %get3A_427 = arith.constant 96 : index
      %get3A_428 = tpu.vector_load %arg13[%get3A_425, %get3A_426, %get3A_427] {strides = array<i32>} : memref<2x128x128xf32, #tpu.memory_space<vmem>>, vector<16xf32>,
      %get3A_429 = arith.constant 1 : i32
      %get3A_430 = arith.index_cast %get3A_429 : i32 to index
      %get3A_431 = arith.index_cast %scan3A_328 : i32 to index
      %get3A_432 = arith.constant 96 : index
      %get3A_433 = tpu.vector_load %arg13[%get3A_430, %get3A_431, %get3A_432] {strides = array<i32>} : memref<2x128x128xf32, #tpu.memory_space<vmem>>, vector<16xf32>,
      %add3A_434 = arith.addf %get3A_428, %get3A_433 : vector<16xf32>
      %swap3A_435 = arith.constant 0 : i32
      %swap3A_436 = arith.index_cast %swap3A_435 : i32 to index
      %swap3A_437 = arith.index_cast %scan3A_328 : i32 to index
      %swap3A_438 = arith.constant 96 : index
      %swap3A_439 = tpu.vector_load %arg13[%swap3A_436, %swap3A_437, %swap3A_438] {strides = array<i32>} : memref<2x128x128xf32, #tpu.memory_space<vmem>>, vector<16xf32>,
      tpu.vector_store %arg13[%swap3A_436, %swap3A_437, %swap3A_438], %add3A_434 {strides = array<i32>} : memref<2x128x128xf32, #tpu.memory_space<vmem>>, vector<16xf32>,
      %get3A_440 = arith.constant 0 : i32
      %get3A_441 = arith.index_cast %get3A_440 : i32 to index
      %get3A_442 = arith.index_cast %scan3A_328 : i32 to index
      %get3A_443 = arith.constant 112 : index
      %get3A_444 = tpu.vector_load %arg13[%get3A_441, %get3A_442, %get3A_443] {strides = array<i32>} : memref<2x128x128xf32, #tpu.memory_space<vmem>>, vector<16xf32>,
      %get3A_445 = arith.constant 1 : i32
      %get3A_446 = arith.index_cast %get3A_445 : i32 to index
      %get3A_447 = arith.index_cast %scan3A_328 : i32 to index
      %get3A_448 = arith.constant 112 : index
      %get3A_449 = tpu.vector_load %arg13[%get3A_446, %get3A_447, %get3A_448] {strides = array<i32>} : memref<2x128x128xf32, #tpu.memory_space<vmem>>, vector<16xf32>,
      %add3A_450 = arith.addf %get3A_444, %get3A_449 : vector<16xf32>
      %swap3A_451 = arith.constant 0 : i32
      %swap3A_452 = arith.index_cast %swap3A_451 : i32 to index
      %swap3A_453 = arith.index_cast %scan3A_328 : i32 to index
      %swap3A_454 = arith.constant 112 : index
      %swap3A_455 = tpu.vector_load %arg13[%swap3A_452, %swap3A_453, %swap3A_454] {strides = array<i32>} : memref<2x128x128xf32, #tpu.memory_space<vmem>>, vector<16xf32>,
      tpu.vector_store %arg13[%swap3A_452, %swap3A_453, %swap3A_454], %add3A_450 {strides = array<i32>} : memref<2x128x128xf32, #tpu.memory_space<vmem>>, vector<16xf32>,
    }
    %scan3A_294 = arith.constant 80 : i32
    %add3A_295 = arith.constant 160 : i32
    %add3A_296 = arith.addi %add3A_247, %add3A_295 : i32
    %run_scoped3A_297 = arith.constant 0 : i32
    "tpu.region"() ({
      %run_scoped3A_328 = tpu.sem_alloc : memref<!tpu.dma_semaphore, #tpu.memory_space<semaphore_mem>>
      %dma_start3A_329 = arith.constant 0 : i32
      %dma_start3A_330 = arith.constant 0 : i32
      %dma_start3A_331 = tpu.memref_slice %arg13[%run_scoped3A_297, %dma_start3A_329, %dma_start3A_330] : memref<2x128x128xf32, #tpu.memory_space<vmem>> -> memref<1x80x128xf32, #tpu.memory_space<vmem>>
      %dma_start3A_332 = tpu.memref_squeeze %dma_start3A_331 : memref<1x80x128xf32, #tpu.memory_space<vmem>> -> memref<80x128xf32, #tpu.memory_space<vmem>>
      %dma_start3A_333 = arith.constant 0 : i32
      %dma_start3A_334 = tpu.memref_slice %arg8[%add3A_296, %dma_start3A_333] : memref<10000x128xf32, #tpu.memory_space<hbm>> -> memref<80x128xf32, #tpu.memory_space<hbm>>
      %dma_start3A_335 = arith.constant 0 : i32
      %dma_start3A_336 = tpu.memref_slice %arg8[%add3A_296, %dma_start3A_335] : memref<10000x128xf32, #tpu.memory_space<hbm>> -> memref<80x128xf32, #tpu.memory_space<hbm>>
      %dma_start3A_337 = arith.constant 0 : i32
      %dma_start3A_338 = arith.constant 0 : i32
      %dma_start3A_339 = tpu.memref_slice %arg13[%run_scoped3A_297, %dma_start3A_337, %dma_start3A_338] : memref<2x128x128xf32, #tpu.memory_space<vmem>> -> memref<1x80x128xf32, #tpu.memory_space<vmem>>
      %dma_start3A_340 = tpu.memref_squeeze %dma_start3A_339 : memref<1x80x128xf32, #tpu.memory_space<vmem>> -> memref<80x128xf32, #tpu.memory_space<vmem>>
      tpu.enqueue_dma source(%dma_start3A_340 : memref<80x128xf32, #tpu.memory_space<vmem>>) target(%dma_start3A_336 : memref<80x128xf32, #tpu.memory_space<hbm>>) target_semaphore(%run_scoped3A_328 : memref<!tpu.dma_semaphore, #tpu.memory_space<semaphore_mem>>)
      %dma_wait3A_341 = arith.constant 0 : i32
      %dma_wait3A_342 = arith.constant 0 : i32
      %dma_wait3A_343 = tpu.memref_slice %arg13[%run_scoped3A_297, %dma_wait3A_341, %dma_wait3A_342] : memref<2x128x128xf32, #tpu.memory_space<vmem>> -> memref<1x80x128xf32, #tpu.memory_space<vmem>>
      %dma_wait3A_344 = tpu.memref_squeeze %dma_wait3A_343 : memref<1x80x128xf32, #tpu.memory_space<vmem>> -> memref<80x128xf32, #tpu.memory_space<vmem>>
      %dma_wait3A_345 = arith.constant 0 : i32
      %dma_wait3A_346 = tpu.memref_slice %arg8[%add3A_296, %dma_wait3A_345] : memref<10000x128xf32, #tpu.memory_space<hbm>> -> memref<80x128xf32, #tpu.memory_space<hbm>>
      %dma_wait3A_347 = arith.constant 0 : i32
      %dma_wait3A_348 = tpu.memref_slice %arg8[%add3A_296, %dma_wait3A_347] : memref<10000x128xf32, #tpu.memory_space<hbm>> -> memref<80x128xf32, #tpu.memory_space<hbm>>
      %dma_wait3A_349 = arith.constant 0 : i32
      %dma_wait3A_350 = arith.constant 0 : i32
      %dma_wait3A_351 = tpu.memref_slice %arg13[%run_scoped3A_297, %dma_wait3A_349, %dma_wait3A_350] : memref<2x128x128xf32, #tpu.memory_space<vmem>> -> memref<1x80x128xf32, #tpu.memory_space<vmem>>
      %dma_wait3A_352 = tpu.memref_squeeze %dma_wait3A_351 : memref<1x80x128xf32, #tpu.memory_space<vmem>> -> memref<80x128xf32, #tpu.memory_space<vmem>>
      tpu.wait_dma2 semaphore(%run_scoped3A_328 : memref<!tpu.dma_semaphore, #tpu.memory_space<semaphore_mem>>) src(%dma_wait3A_352 : memref<80x128xf32, #tpu.memory_space<vmem>>) dst(%dma_wait3A_348 : memref<80x128xf32, #tpu.memory_space<hbm>>)
      tpu.yield
    }) : () -> ()
    %add3A_298 = arith.constant 240 : i32
    %add3A_299 = arith.addi %mul3A_23, %add3A_298 : i32
    %run_scoped3A_300 = arith.constant 0 : i32
    "tpu.region"() ({
      %run_scoped3A_328 = tpu.sem_alloc : memref<!tpu.dma_semaphore, #tpu.memory_space<semaphore_mem>>
      %dma_start3A_329 = arith.constant 0 : i32
      %dma_start3A_330 = arith.constant 0 : i32
      %dma_start3A_331 = tpu.memref_slice %arg13[%run_scoped3A_300, %dma_start3A_329, %dma_start3A_330] : memref<2x128x128xf32, #tpu.memory_space<vmem>> -> memref<1x80x128xf32, #tpu.memory_space<vmem>>
      %dma_start3A_332 = tpu.memref_squeeze %dma_start3A_331 : memref<1x80x128xf32, #tpu.memory_space<vmem>> -> memref<80x128xf32, #tpu.memory_space<vmem>>
      %dma_start3A_333 = arith.constant 0 : i32
      %dma_start3A_334 = tpu.memref_slice %arg16[%add3A_299, %dma_start3A_333] : memref<5008x128xf32, #tpu.memory_space<vmem_shared>> -> memref<80x128xf32, #tpu.memory_space<vmem_shared>>
      %dma_start3A_335 = arith.constant 0 : i32
      %dma_start3A_336 = arith.constant 0 : i32
      %dma_start3A_337 = tpu.memref_slice %arg13[%run_scoped3A_300, %dma_start3A_335, %dma_start3A_336] : memref<2x128x128xf32, #tpu.memory_space<vmem>> -> memref<1x80x128xf32, #tpu.memory_space<vmem>>
      %dma_start3A_338 = tpu.memref_squeeze %dma_start3A_337 : memref<1x80x128xf32, #tpu.memory_space<vmem>> -> memref<80x128xf32, #tpu.memory_space<vmem>>
      %dma_start3A_339 = arith.constant 0 : i32
      %dma_start3A_340 = tpu.memref_slice %arg16[%add3A_299, %dma_start3A_339] : memref<5008x128xf32, #tpu.memory_space<vmem_shared>> -> memref<80x128xf32, #tpu.memory_space<vmem_shared>>
      tpu.enqueue_dma source(%dma_start3A_340 : memref<80x128xf32, #tpu.memory_space<vmem_shared>>) target(%dma_start3A_338 : memref<80x128xf32, #tpu.memory_space<vmem>>) target_semaphore(%run_scoped3A_328 : memref<!tpu.dma_semaphore, #tpu.memory_space<semaphore_mem>>)
      %dma_wait3A_341 = arith.constant 0 : i32
      %dma_wait3A_342 = arith.constant 0 : i32
      %dma_wait3A_343 = tpu.memref_slice %arg13[%run_scoped3A_300, %dma_wait3A_341, %dma_wait3A_342] : memref<2x128x128xf32, #tpu.memory_space<vmem>> -> memref<1x80x128xf32, #tpu.memory_space<vmem>>
      %dma_wait3A_344 = tpu.memref_squeeze %dma_wait3A_343 : memref<1x80x128xf32, #tpu.memory_space<vmem>> -> memref<80x128xf32, #tpu.memory_space<vmem>>
      %dma_wait3A_345 = arith.constant 0 : i32
      %dma_wait3A_346 = tpu.memref_slice %arg16[%add3A_299, %dma_wait3A_345] : memref<5008x128xf32, #tpu.memory_space<vmem_shared>> -> memref<80x128xf32, #tpu.memory_space<vmem_shared>>
      %dma_wait3A_347 = arith.constant 0 : i32
      %dma_wait3A_348 = arith.constant 0 : i32
      %dma_wait3A_349 = tpu.memref_slice %arg13[%run_scoped3A_300, %dma_wait3A_347, %dma_wait3A_348] : memref<2x128x128xf32, #tpu.memory_space<vmem>> -> memref<1x80x128xf32, #tpu.memory_space<vmem>>
      %dma_wait3A_350 = tpu.memref_squeeze %dma_wait3A_349 : memref<1x80x128xf32, #tpu.memory_space<vmem>> -> memref<80x128xf32, #tpu.memory_space<vmem>>
      %dma_wait3A_351 = arith.constant 0 : i32
      %dma_wait3A_352 = tpu.memref_slice %arg16[%add3A_299, %dma_wait3A_351] : memref<5008x128xf32, #tpu.memory_space<vmem_shared>> -> memref<80x128xf32, #tpu.memory_space<vmem_shared>>
      tpu.wait_dma2 semaphore(%run_scoped3A_328 : memref<!tpu.dma_semaphore, #tpu.memory_space<semaphore_mem>>) src(%dma_wait3A_352 : memref<80x128xf32, #tpu.memory_space<vmem_shared>>) dst(%dma_wait3A_350 : memref<80x128xf32, #tpu.memory_space<vmem>>)
      tpu.yield
    }) : () -> ()
    %add3A_301 = arith.constant 80000 : i32
    %add3A_302 = arith.addi %add3A_301, %add3A_247 : i32
    %add3A_303 = arith.constant 240 : i32
    %add3A_304 = arith.addi %add3A_302, %add3A_303 : i32
    %run_scoped3A_305 = arith.constant 1 : i32
    "tpu.region"() ({
      %run_scoped3A_328 = tpu.sem_alloc : memref<!tpu.dma_semaphore, #tpu.memory_space<semaphore_mem>>
      %dma_start3A_329 = arith.constant 0 : i32
      %dma_start3A_330 = arith.constant 0 : i32
      %dma_start3A_331 = tpu.memref_slice %arg13[%run_scoped3A_305, %dma_start3A_329, %dma_start3A_330] : memref<2x128x128xf32, #tpu.memory_space<vmem>> -> memref<1x80x128xf32, #tpu.memory_space<vmem>>
      %dma_start3A_332 = tpu.memref_squeeze %dma_start3A_331 : memref<1x80x128xf32, #tpu.memory_space<vmem>> -> memref<80x128xf32, #tpu.memory_space<vmem>>
      %dma_start3A_333 = arith.constant 0 : i32
      %dma_start3A_334 = tpu.memref_slice %arg2[%add3A_304, %dma_start3A_333] : memref<90000x128xf32, #tpu.memory_space<hbm>> -> memref<80x128xf32, #tpu.memory_space<hbm>>
      %dma_start3A_335 = arith.constant 0 : i32
      %dma_start3A_336 = arith.constant 0 : i32
      %dma_start3A_337 = tpu.memref_slice %arg13[%run_scoped3A_305, %dma_start3A_335, %dma_start3A_336] : memref<2x128x128xf32, #tpu.memory_space<vmem>> -> memref<1x80x128xf32, #tpu.memory_space<vmem>>
      %dma_start3A_338 = tpu.memref_squeeze %dma_start3A_337 : memref<1x80x128xf32, #tpu.memory_space<vmem>> -> memref<80x128xf32, #tpu.memory_space<vmem>>
      %dma_start3A_339 = arith.constant 0 : i32
      %dma_start3A_340 = tpu.memref_slice %arg2[%add3A_304, %dma_start3A_339] : memref<90000x128xf32, #tpu.memory_space<hbm>> -> memref<80x128xf32, #tpu.memory_space<hbm>>
      tpu.enqueue_dma source(%dma_start3A_340 : memref<80x128xf32, #tpu.memory_space<hbm>>) target(%dma_start3A_338 : memref<80x128xf32, #tpu.memory_space<vmem>>) target_semaphore(%run_scoped3A_328 : memref<!tpu.dma_semaphore, #tpu.memory_space<semaphore_mem>>)
      %dma_wait3A_341 = arith.constant 0 : i32
      %dma_wait3A_342 = arith.constant 0 : i32
      %dma_wait3A_343 = tpu.memref_slice %arg13[%run_scoped3A_305, %dma_wait3A_341, %dma_wait3A_342] : memref<2x128x128xf32, #tpu.memory_space<vmem>> -> memref<1x80x128xf32, #tpu.memory_space<vmem>>
      %dma_wait3A_344 = tpu.memref_squeeze %dma_wait3A_343 : memref<1x80x128xf32, #tpu.memory_space<vmem>> -> memref<80x128xf32, #tpu.memory_space<vmem>>
      %dma_wait3A_345 = arith.constant 0 : i32
      %dma_wait3A_346 = tpu.memref_slice %arg2[%add3A_304, %dma_wait3A_345] : memref<90000x128xf32, #tpu.memory_space<hbm>> -> memref<80x128xf32, #tpu.memory_space<hbm>>
      %dma_wait3A_347 = arith.constant 0 : i32
      %dma_wait3A_348 = arith.constant 0 : i32
      %dma_wait3A_349 = tpu.memref_slice %arg13[%run_scoped3A_305, %dma_wait3A_347, %dma_wait3A_348] : memref<2x128x128xf32, #tpu.memory_space<vmem>> -> memref<1x80x128xf32, #tpu.memory_space<vmem>>
      %dma_wait3A_350 = tpu.memref_squeeze %dma_wait3A_349 : memref<1x80x128xf32, #tpu.memory_space<vmem>> -> memref<80x128xf32, #tpu.memory_space<vmem>>
      %dma_wait3A_351 = arith.constant 0 : i32
      %dma_wait3A_352 = tpu.memref_slice %arg2[%add3A_304, %dma_wait3A_351] : memref<90000x128xf32, #tpu.memory_space<hbm>> -> memref<80x128xf32, #tpu.memory_space<hbm>>
      tpu.wait_dma2 semaphore(%run_scoped3A_328 : memref<!tpu.dma_semaphore, #tpu.memory_space<semaphore_mem>>) src(%dma_wait3A_352 : memref<80x128xf32, #tpu.memory_space<hbm>>) dst(%dma_wait3A_350 : memref<80x128xf32, #tpu.memory_space<vmem>>)
      tpu.yield
    }) : () -> ()
    %scan3A_306 = arith.constant 0 : i32
    %scan3A_307 = arith.constant 0 : i32
    %scan3A_308 = arith.constant 80 : i32
    %scan3A_309 = arith.addi %scan3A_307, %scan3A_308 : i32
    %scan3A_310 = arith.constant 1 : i32
    scf.for %scan3A_328 = %scan3A_307 to %scan3A_309 step %scan3A_310  : i32 {
      %get3A = arith.constant 0 : i32
      %get3A_329 = arith.index_cast %get3A : i32 to index
      %get3A_330 = arith.index_cast %scan3A_328 : i32 to index
      %get3A_331 = arith.constant 0 : index
      %get3A_332 = tpu.vector_load %arg13[%get3A_329, %get3A_330, %get3A_331] {strides = array<i32>} : memref<2x128x128xf32, #tpu.memory_space<vmem>>, vector<16xf32>,
      %get3A_333 = arith.constant 1 : i32
      %get3A_334 = arith.index_cast %get3A_333 : i32 to index
      %get3A_335 = arith.index_cast %scan3A_328 : i32 to index
      %get3A_336 = arith.constant 0 : index
      %get3A_337 = tpu.vector_load %arg13[%get3A_334, %get3A_335, %get3A_336] {strides = array<i32>} : memref<2x128x128xf32, #tpu.memory_space<vmem>>, vector<16xf32>,
      %add3A_338 = arith.addf %get3A_332, %get3A_337 : vector<16xf32>
      %swap3A_339 = arith.constant 0 : i32
      %swap3A_340 = arith.index_cast %swap3A_339 : i32 to index
      %swap3A_341 = arith.index_cast %scan3A_328 : i32 to index
      %swap3A_342 = arith.constant 0 : index
      %swap3A_343 = tpu.vector_load %arg13[%swap3A_340, %swap3A_341, %swap3A_342] {strides = array<i32>} : memref<2x128x128xf32, #tpu.memory_space<vmem>>, vector<16xf32>,
      tpu.vector_store %arg13[%swap3A_340, %swap3A_341, %swap3A_342], %add3A_338 {strides = array<i32>} : memref<2x128x128xf32, #tpu.memory_space<vmem>>, vector<16xf32>,
      %get3A_344 = arith.constant 0 : i32
      %get3A_345 = arith.index_cast %get3A_344 : i32 to index
      %get3A_346 = arith.index_cast %scan3A_328 : i32 to index
      %get3A_347 = arith.constant 16 : index
      %get3A_348 = tpu.vector_load %arg13[%get3A_345, %get3A_346, %get3A_347] {strides = array<i32>} : memref<2x128x128xf32, #tpu.memory_space<vmem>>, vector<16xf32>,
      %get3A_349 = arith.constant 1 : i32
      %get3A_350 = arith.index_cast %get3A_349 : i32 to index
      %get3A_351 = arith.index_cast %scan3A_328 : i32 to index
      %get3A_352 = arith.constant 16 : index
      %get3A_353 = tpu.vector_load %arg13[%get3A_350, %get3A_351, %get3A_352] {strides = array<i32>} : memref<2x128x128xf32, #tpu.memory_space<vmem>>, vector<16xf32>,
      %add3A_354 = arith.addf %get3A_348, %get3A_353 : vector<16xf32>
      %swap3A_355 = arith.constant 0 : i32
      %swap3A_356 = arith.index_cast %swap3A_355 : i32 to index
      %swap3A_357 = arith.index_cast %scan3A_328 : i32 to index
      %swap3A_358 = arith.constant 16 : index
      %swap3A_359 = tpu.vector_load %arg13[%swap3A_356, %swap3A_357, %swap3A_358] {strides = array<i32>} : memref<2x128x128xf32, #tpu.memory_space<vmem>>, vector<16xf32>,
      tpu.vector_store %arg13[%swap3A_356, %swap3A_357, %swap3A_358], %add3A_354 {strides = array<i32>} : memref<2x128x128xf32, #tpu.memory_space<vmem>>, vector<16xf32>,
      %get3A_360 = arith.constant 0 : i32
      %get3A_361 = arith.index_cast %get3A_360 : i32 to index
      %get3A_362 = arith.index_cast %scan3A_328 : i32 to index
      %get3A_363 = arith.constant 32 : index
      %get3A_364 = tpu.vector_load %arg13[%get3A_361, %get3A_362, %get3A_363] {strides = array<i32>} : memref<2x128x128xf32, #tpu.memory_space<vmem>>, vector<16xf32>,
      %get3A_365 = arith.constant 1 : i32
      %get3A_366 = arith.index_cast %get3A_365 : i32 to index
      %get3A_367 = arith.index_cast %scan3A_328 : i32 to index
      %get3A_368 = arith.constant 32 : index
      %get3A_369 = tpu.vector_load %arg13[%get3A_366, %get3A_367, %get3A_368] {strides = array<i32>} : memref<2x128x128xf32, #tpu.memory_space<vmem>>, vector<16xf32>,
      %add3A_370 = arith.addf %get3A_364, %get3A_369 : vector<16xf32>
      %swap3A_371 = arith.constant 0 : i32
      %swap3A_372 = arith.index_cast %swap3A_371 : i32 to index
      %swap3A_373 = arith.index_cast %scan3A_328 : i32 to index
      %swap3A_374 = arith.constant 32 : index
      %swap3A_375 = tpu.vector_load %arg13[%swap3A_372, %swap3A_373, %swap3A_374] {strides = array<i32>} : memref<2x128x128xf32, #tpu.memory_space<vmem>>, vector<16xf32>,
      tpu.vector_store %arg13[%swap3A_372, %swap3A_373, %swap3A_374], %add3A_370 {strides = array<i32>} : memref<2x128x128xf32, #tpu.memory_space<vmem>>, vector<16xf32>,
      %get3A_376 = arith.constant 0 : i32
      %get3A_377 = arith.index_cast %get3A_376 : i32 to index
      %get3A_378 = arith.index_cast %scan3A_328 : i32 to index
      %get3A_379 = arith.constant 48 : index
      %get3A_380 = tpu.vector_load %arg13[%get3A_377, %get3A_378, %get3A_379] {strides = array<i32>} : memref<2x128x128xf32, #tpu.memory_space<vmem>>, vector<16xf32>,
      %get3A_381 = arith.constant 1 : i32
      %get3A_382 = arith.index_cast %get3A_381 : i32 to index
      %get3A_383 = arith.index_cast %scan3A_328 : i32 to index
      %get3A_384 = arith.constant 48 : index
      %get3A_385 = tpu.vector_load %arg13[%get3A_382, %get3A_383, %get3A_384] {strides = array<i32>} : memref<2x128x128xf32, #tpu.memory_space<vmem>>, vector<16xf32>,
      %add3A_386 = arith.addf %get3A_380, %get3A_385 : vector<16xf32>
      %swap3A_387 = arith.constant 0 : i32
      %swap3A_388 = arith.index_cast %swap3A_387 : i32 to index
      %swap3A_389 = arith.index_cast %scan3A_328 : i32 to index
      %swap3A_390 = arith.constant 48 : index
      %swap3A_391 = tpu.vector_load %arg13[%swap3A_388, %swap3A_389, %swap3A_390] {strides = array<i32>} : memref<2x128x128xf32, #tpu.memory_space<vmem>>, vector<16xf32>,
      tpu.vector_store %arg13[%swap3A_388, %swap3A_389, %swap3A_390], %add3A_386 {strides = array<i32>} : memref<2x128x128xf32, #tpu.memory_space<vmem>>, vector<16xf32>,
      %get3A_392 = arith.constant 0 : i32
      %get3A_393 = arith.index_cast %get3A_392 : i32 to index
      %get3A_394 = arith.index_cast %scan3A_328 : i32 to index
      %get3A_395 = arith.constant 64 : index
      %get3A_396 = tpu.vector_load %arg13[%get3A_393, %get3A_394, %get3A_395] {strides = array<i32>} : memref<2x128x128xf32, #tpu.memory_space<vmem>>, vector<16xf32>,
      %get3A_397 = arith.constant 1 : i32
      %get3A_398 = arith.index_cast %get3A_397 : i32 to index
      %get3A_399 = arith.index_cast %scan3A_328 : i32 to index
      %get3A_400 = arith.constant 64 : index
      %get3A_401 = tpu.vector_load %arg13[%get3A_398, %get3A_399, %get3A_400] {strides = array<i32>} : memref<2x128x128xf32, #tpu.memory_space<vmem>>, vector<16xf32>,
      %add3A_402 = arith.addf %get3A_396, %get3A_401 : vector<16xf32>
      %swap3A_403 = arith.constant 0 : i32
      %swap3A_404 = arith.index_cast %swap3A_403 : i32 to index
      %swap3A_405 = arith.index_cast %scan3A_328 : i32 to index
      %swap3A_406 = arith.constant 64 : index
      %swap3A_407 = tpu.vector_load %arg13[%swap3A_404, %swap3A_405, %swap3A_406] {strides = array<i32>} : memref<2x128x128xf32, #tpu.memory_space<vmem>>, vector<16xf32>,
      tpu.vector_store %arg13[%swap3A_404, %swap3A_405, %swap3A_406], %add3A_402 {strides = array<i32>} : memref<2x128x128xf32, #tpu.memory_space<vmem>>, vector<16xf32>,
      %get3A_408 = arith.constant 0 : i32
      %get3A_409 = arith.index_cast %get3A_408 : i32 to index
      %get3A_410 = arith.index_cast %scan3A_328 : i32 to index
      %get3A_411 = arith.constant 80 : index
      %get3A_412 = tpu.vector_load %arg13[%get3A_409, %get3A_410, %get3A_411] {strides = array<i32>} : memref<2x128x128xf32, #tpu.memory_space<vmem>>, vector<16xf32>,
      %get3A_413 = arith.constant 1 : i32
      %get3A_414 = arith.index_cast %get3A_413 : i32 to index
      %get3A_415 = arith.index_cast %scan3A_328 : i32 to index
      %get3A_416 = arith.constant 80 : index
      %get3A_417 = tpu.vector_load %arg13[%get3A_414, %get3A_415, %get3A_416] {strides = array<i32>} : memref<2x128x128xf32, #tpu.memory_space<vmem>>, vector<16xf32>,
      %add3A_418 = arith.addf %get3A_412, %get3A_417 : vector<16xf32>
      %swap3A_419 = arith.constant 0 : i32
      %swap3A_420 = arith.index_cast %swap3A_419 : i32 to index
      %swap3A_421 = arith.index_cast %scan3A_328 : i32 to index
      %swap3A_422 = arith.constant 80 : index
      %swap3A_423 = tpu.vector_load %arg13[%swap3A_420, %swap3A_421, %swap3A_422] {strides = array<i32>} : memref<2x128x128xf32, #tpu.memory_space<vmem>>, vector<16xf32>,
      tpu.vector_store %arg13[%swap3A_420, %swap3A_421, %swap3A_422], %add3A_418 {strides = array<i32>} : memref<2x128x128xf32, #tpu.memory_space<vmem>>, vector<16xf32>,
      %get3A_424 = arith.constant 0 : i32
      %get3A_425 = arith.index_cast %get3A_424 : i32 to index
      %get3A_426 = arith.index_cast %scan3A_328 : i32 to index
      %get3A_427 = arith.constant 96 : index
      %get3A_428 = tpu.vector_load %arg13[%get3A_425, %get3A_426, %get3A_427] {strides = array<i32>} : memref<2x128x128xf32, #tpu.memory_space<vmem>>, vector<16xf32>,
      %get3A_429 = arith.constant 1 : i32
      %get3A_430 = arith.index_cast %get3A_429 : i32 to index
      %get3A_431 = arith.index_cast %scan3A_328 : i32 to index
      %get3A_432 = arith.constant 96 : index
      %get3A_433 = tpu.vector_load %arg13[%get3A_430, %get3A_431, %get3A_432] {strides = array<i32>} : memref<2x128x128xf32, #tpu.memory_space<vmem>>, vector<16xf32>,
      %add3A_434 = arith.addf %get3A_428, %get3A_433 : vector<16xf32>
      %swap3A_435 = arith.constant 0 : i32
      %swap3A_436 = arith.index_cast %swap3A_435 : i32 to index
      %swap3A_437 = arith.index_cast %scan3A_328 : i32 to index
      %swap3A_438 = arith.constant 96 : index
      %swap3A_439 = tpu.vector_load %arg13[%swap3A_436, %swap3A_437, %swap3A_438] {strides = array<i32>} : memref<2x128x128xf32, #tpu.memory_space<vmem>>, vector<16xf32>,
      tpu.vector_store %arg13[%swap3A_436, %swap3A_437, %swap3A_438], %add3A_434 {strides = array<i32>} : memref<2x128x128xf32, #tpu.memory_space<vmem>>, vector<16xf32>,
      %get3A_440 = arith.constant 0 : i32
      %get3A_441 = arith.index_cast %get3A_440 : i32 to index
      %get3A_442 = arith.index_cast %scan3A_328 : i32 to index
      %get3A_443 = arith.constant 112 : index
      %get3A_444 = tpu.vector_load %arg13[%get3A_441, %get3A_442, %get3A_443] {strides = array<i32>} : memref<2x128x128xf32, #tpu.memory_space<vmem>>, vector<16xf32>,
      %get3A_445 = arith.constant 1 : i32
      %get3A_446 = arith.index_cast %get3A_445 : i32 to index
      %get3A_447 = arith.index_cast %scan3A_328 : i32 to index
      %get3A_448 = arith.constant 112 : index
      %get3A_449 = tpu.vector_load %arg13[%get3A_446, %get3A_447, %get3A_448] {strides = array<i32>} : memref<2x128x128xf32, #tpu.memory_space<vmem>>, vector<16xf32>,
      %add3A_450 = arith.addf %get3A_444, %get3A_449 : vector<16xf32>
      %swap3A_451 = arith.constant 0 : i32
      %swap3A_452 = arith.index_cast %swap3A_451 : i32 to index
      %swap3A_453 = arith.index_cast %scan3A_328 : i32 to index
      %swap3A_454 = arith.constant 112 : index
      %swap3A_455 = tpu.vector_load %arg13[%swap3A_452, %swap3A_453, %swap3A_454] {strides = array<i32>} : memref<2x128x128xf32, #tpu.memory_space<vmem>>, vector<16xf32>,
      tpu.vector_store %arg13[%swap3A_452, %swap3A_453, %swap3A_454], %add3A_450 {strides = array<i32>} : memref<2x128x128xf32, #tpu.memory_space<vmem>>, vector<16xf32>,
    }
    %scan3A_311 = arith.constant 80 : i32
    %add3A_312 = arith.constant 240 : i32
    %add3A_313 = arith.addi %add3A_247, %add3A_312 : i32
    %run_scoped3A_314 = arith.constant 0 : i32
    "tpu.region"() ({
      %run_scoped3A_328 = tpu.sem_alloc : memref<!tpu.dma_semaphore, #tpu.memory_space<semaphore_mem>>
      %dma_start3A_329 = arith.constant 0 : i32
      %dma_start3A_330 = arith.constant 0 : i32
      %dma_start3A_331 = tpu.memref_slice %arg13[%run_scoped3A_314, %dma_start3A_329, %dma_start3A_330] : memref<2x128x128xf32, #tpu.memory_space<vmem>> -> memref<1x80x128xf32, #tpu.memory_space<vmem>>
      %dma_start3A_332 = tpu.memref_squeeze %dma_start3A_331 : memref<1x80x128xf32, #tpu.memory_space<vmem>> -> memref<80x128xf32, #tpu.memory_space<vmem>>
      %dma_start3A_333 = arith.constant 0 : i32
      %dma_start3A_334 = tpu.memref_slice %arg8[%add3A_313, %dma_start3A_333] : memref<10000x128xf32, #tpu.memory_space<hbm>> -> memref<80x128xf32, #tpu.memory_space<hbm>>
      %dma_start3A_335 = arith.constant 0 : i32
      %dma_start3A_336 = tpu.memref_slice %arg8[%add3A_313, %dma_start3A_335] : memref<10000x128xf32, #tpu.memory_space<hbm>> -> memref<80x128xf32, #tpu.memory_space<hbm>>
      %dma_start3A_337 = arith.constant 0 : i32
      %dma_start3A_338 = arith.constant 0 : i32
      %dma_start3A_339 = tpu.memref_slice %arg13[%run_scoped3A_314, %dma_start3A_337, %dma_start3A_338] : memref<2x128x128xf32, #tpu.memory_space<vmem>> -> memref<1x80x128xf32, #tpu.memory_space<vmem>>
      %dma_start3A_340 = tpu.memref_squeeze %dma_start3A_339 : memref<1x80x128xf32, #tpu.memory_space<vmem>> -> memref<80x128xf32, #tpu.memory_space<vmem>>
      tpu.enqueue_dma source(%dma_start3A_340 : memref<80x128xf32, #tpu.memory_space<vmem>>) target(%dma_start3A_336 : memref<80x128xf32, #tpu.memory_space<hbm>>) target_semaphore(%run_scoped3A_328 : memref<!tpu.dma_semaphore, #tpu.memory_space<semaphore_mem>>)
      %dma_wait3A_341 = arith.constant 0 : i32
      %dma_wait3A_342 = arith.constant 0 : i32
      %dma_wait3A_343 = tpu.memref_slice %arg13[%run_scoped3A_314, %dma_wait3A_341, %dma_wait3A_342] : memref<2x128x128xf32, #tpu.memory_space<vmem>> -> memref<1x80x128xf32, #tpu.memory_space<vmem>>
      %dma_wait3A_344 = tpu.memref_squeeze %dma_wait3A_343 : memref<1x80x128xf32, #tpu.memory_space<vmem>> -> memref<80x128xf32, #tpu.memory_space<vmem>>
      %dma_wait3A_345 = arith.constant 0 : i32
      %dma_wait3A_346 = tpu.memref_slice %arg8[%add3A_313, %dma_wait3A_345] : memref<10000x128xf32, #tpu.memory_space<hbm>> -> memref<80x128xf32, #tpu.memory_space<hbm>>
      %dma_wait3A_347 = arith.constant 0 : i32
      %dma_wait3A_348 = tpu.memref_slice %arg8[%add3A_313, %dma_wait3A_347] : memref<10000x128xf32, #tpu.memory_space<hbm>> -> memref<80x128xf32, #tpu.memory_space<hbm>>
      %dma_wait3A_349 = arith.constant 0 : i32
      %dma_wait3A_350 = arith.constant 0 : i32
      %dma_wait3A_351 = tpu.memref_slice %arg13[%run_scoped3A_314, %dma_wait3A_349, %dma_wait3A_350] : memref<2x128x128xf32, #tpu.memory_space<vmem>> -> memref<1x80x128xf32, #tpu.memory_space<vmem>>
      %dma_wait3A_352 = tpu.memref_squeeze %dma_wait3A_351 : memref<1x80x128xf32, #tpu.memory_space<vmem>> -> memref<80x128xf32, #tpu.memory_space<vmem>>
      tpu.wait_dma2 semaphore(%run_scoped3A_328 : memref<!tpu.dma_semaphore, #tpu.memory_space<semaphore_mem>>) src(%dma_wait3A_352 : memref<80x128xf32, #tpu.memory_space<vmem>>) dst(%dma_wait3A_348 : memref<80x128xf32, #tpu.memory_space<hbm>>)
      tpu.yield
    }) : () -> ()
    %barrier3A_315 = arith.constant 0 : index
    tpu.barrier barrier_id(%barrier3A_315)
    %scan3A_316 = arith.constant 0 : i32
    %scan3A_317 = arith.constant 0 : i32
    %scan3A_318 = arith.constant 20 : i32
    %scan3A_319 = arith.addi %scan3A_317, %scan3A_318 : i32
    %scan3A_320 = arith.constant 1 : i32
    %scan3A_321 = scf.for %scan3A_328 = %scan3A_317 to %scan3A_319 step %scan3A_320 iter_args(%scan3A_329 = %scan3A_316) -> (i32)  : i32 {
      %mul3A_330 = arith.constant 16 : i32
      %mul3A_331 = arith.muli %scan3A_328, %mul3A_330 : i32
      %add3A_332 = arith.addi %mul3A_23, %mul3A_331 : i32
      %get3A = arith.index_cast %add3A_332 : i32 to index
      %get3A_333 = tpu.vector_load %arg11[%get3A] {strides = array<i32>} : memref<5120xi32, #tpu.memory_space<vmem>>, vector<16xi32>,
      %mul3A_334 = arith.constant 16 : i32
      %mul3A_335 = arith.muli %scan3A_328, %mul3A_334 : i32
      %add3A_336 = arith.addi %add3A_247, %mul3A_335 : i32
      %iota3A = tpu.iota {dimensions = array<i32: 0>} : vector<16xi32>
      %add3A_337 = vector.broadcast %add3A_336 : i32 to vector<16xi32>
      %add3A_338 = arith.addi %add3A_337, %iota3A : vector<16xi32>
      %ne3A_339 = arith.constant -1 : i32
      %ne3A_340 = vector.broadcast %ne3A_339 : i32 to vector<16xi32>
      %ne3A_341 = arith.cmpi ne, %get3A_333, %ne3A_340 : vector<16xi32>
      %swap3A_342 = arith.index_cast %scan3A_329 : i32 to index
      %swap3A_343 = tpu.vector_load %arg14[%swap3A_342] masked %ne3A_341 {strides = array<i32>} : memref<448xi32, #tpu.memory_space<vmem>>, vector<16xi32>, vector<16xi1>
      tpu.vector_store %arg14[%swap3A_342], %get3A_333 masked %ne3A_341 {strides = array<i32>} : memref<448xi32, #tpu.memory_space<vmem>>, vector<16xi32>, vector<16xi1>
      %swap3A_344 = arith.index_cast %scan3A_329 : i32 to index
      %swap3A_345 = tpu.vector_load %arg15[%swap3A_344] masked %ne3A_341 {strides = array<i32>} : memref<448xi32, #tpu.memory_space<vmem>>, vector<16xi32>, vector<16xi1>
      tpu.vector_store %arg15[%swap3A_344], %add3A_338 masked %ne3A_341 {strides = array<i32>} : memref<448xi32, #tpu.memory_space<vmem>>, vector<16xi32>, vector<16xi1>
      %convert_element_type3A_346 = arith.extui %ne3A_341 : vector<16xi1> to vector<16xi32>
      %reduce_sum3A = arith.constant true
      %reduce_sum3A_347 = vector.broadcast %reduce_sum3A : i1 to vector<16xi1>
      %reduce_sum3A_348 = tpu.scan <sum>, %convert_element_type3A_346 masked %reduce_sum3A_347 : vector<16xi32>, vector<16xi1> -> vector<16xi32>
      %reduce_sum3A_349 = vector.extract %reduce_sum3A_348[15] : i32 from vector<16xi32>
      %add3A_350 = arith.addi %scan3A_329, %reduce_sum3A_349 : i32
      scf.yield %add3A_350 : i32
    }
    %scan3A_322 = arith.constant 20 : i32
    %gt3A_323 = arith.constant 0 : i32
    %gt3A_324 = arith.cmpi sgt, %scan3A_321, %gt3A_323 : i32
    %convert_element_type3A_325 = arith.extui %gt3A_324 : i1 to i32
    %cond3A_326 = arith.constant 0 : i32
    %cond3A_327 = arith.cmpi ne, %convert_element_type3A_325, %cond3A_326 : i32
    scf.if %cond3A_327 {
      %sub3A_328 = arith.constant 1 : i32
      %sub3A_329 = arith.subi %scan3A_321, %sub3A_328 : i32
      %get3A = arith.index_cast %sub3A_329 : i32 to index
      %get3A_330 = tpu.vector_load %arg14[%get3A] {strides = array<i32>} : memref<448xi32, #tpu.memory_space<vmem>>, vector<16xi32>,
      %slice3A = vector.extract_strided_slice %get3A_330 {offsets = [0], sizes = [1], strides = [1]} : vector<16xi32> to vector<1xi32>
      %squeeze3A = vector.extract %slice3A[0] : i32 from vector<1xi32>
      %sub3A_331 = arith.constant 1 : i32
      %sub3A_332 = arith.subi %scan3A_321, %sub3A_331 : i32
      %get3A_333 = arith.index_cast %sub3A_332 : i32 to index
      %get3A_334 = tpu.vector_load %arg15[%get3A_333] {strides = array<i32>} : memref<448xi32, #tpu.memory_space<vmem>>, vector<16xi32>,
      %slice3A_335 = vector.extract_strided_slice %get3A_334 {offsets = [0], sizes = [1], strides = [1]} : vector<16xi32> to vector<1xi32>
      %squeeze3A_336 = vector.extract %slice3A_335[0] : i32 from vector<1xi32>
      %broadcast_in_dim3A_337 = arith.constant 0 : i32
      %broadcast_in_dim3A_338 = vector.broadcast %broadcast_in_dim3A_337 : i32 to vector<16xi32>
      %add3A_339 = vector.broadcast %squeeze3A : i32 to vector<16xi32>
      %add3A_340 = arith.addi %broadcast_in_dim3A_338, %add3A_339 : vector<16xi32>
      %add3A_341 = arith.constant 0 : i32
      %add3A_342 = arith.addi %scan3A_321, %add3A_341 : i32
      %swap3A_343 = arith.index_cast %add3A_342 : i32 to index
      %swap3A_344 = tpu.vector_load %arg14[%swap3A_343] {strides = array<i32>} : memref<448xi32, #tpu.memory_space<vmem>>, vector<16xi32>,
      tpu.vector_store %arg14[%swap3A_343], %add3A_340 {strides = array<i32>} : memref<448xi32, #tpu.memory_space<vmem>>, vector<16xi32>,
      %broadcast_in_dim3A_345 = arith.constant 0 : i32
      %broadcast_in_dim3A_346 = vector.broadcast %broadcast_in_dim3A_345 : i32 to vector<16xi32>
      %add3A_347 = vector.broadcast %squeeze3A_336 : i32 to vector<16xi32>
      %add3A_348 = arith.addi %broadcast_in_dim3A_346, %add3A_347 : vector<16xi32>
      %add3A_349 = arith.constant 0 : i32
      %add3A_350 = arith.addi %scan3A_321, %add3A_349 : i32
      %swap3A_351 = arith.index_cast %add3A_350 : i32 to index
      %swap3A_352 = tpu.vector_load %arg15[%swap3A_351] {strides = array<i32>} : memref<448xi32, #tpu.memory_space<vmem>>, vector<16xi32>,
      tpu.vector_store %arg15[%swap3A_351], %add3A_348 {strides = array<i32>} : memref<448xi32, #tpu.memory_space<vmem>>, vector<16xi32>,
      %broadcast_in_dim3A_353 = arith.constant 0 : i32
      %broadcast_in_dim3A_354 = vector.broadcast %broadcast_in_dim3A_353 : i32 to vector<16xi32>
      %add3A_355 = vector.broadcast %squeeze3A : i32 to vector<16xi32>
      %add3A_356 = arith.addi %broadcast_in_dim3A_354, %add3A_355 : vector<16xi32>
      %add3A_357 = arith.constant 16 : i32
      %add3A_358 = arith.addi %scan3A_321, %add3A_357 : i32
      %swap3A_359 = arith.index_cast %add3A_358 : i32 to index
      %swap3A_360 = tpu.vector_load %arg14[%swap3A_359] {strides = array<i32>} : memref<448xi32, #tpu.memory_space<vmem>>, vector<16xi32>,
      tpu.vector_store %arg14[%swap3A_359], %add3A_356 {strides = array<i32>} : memref<448xi32, #tpu.memory_space<vmem>>, vector<16xi32>,
      %broadcast_in_dim3A_361 = arith.constant 0 : i32
      %broadcast_in_dim3A_362 = vector.broadcast %broadcast_in_dim3A_361 : i32 to vector<16xi32>
      %add3A_363 = vector.broadcast %squeeze3A_336 : i32 to vector<16xi32>
      %add3A_364 = arith.addi %broadcast_in_dim3A_362, %add3A_363 : vector<16xi32>
      %add3A_365 = arith.constant 16 : i32
      %add3A_366 = arith.addi %scan3A_321, %add3A_365 : i32
      %swap3A_367 = arith.index_cast %add3A_366 : i32 to index
      %swap3A_368 = tpu.vector_load %arg15[%swap3A_367] {strides = array<i32>} : memref<448xi32, #tpu.memory_space<vmem>>, vector<16xi32>,
      tpu.vector_store %arg15[%swap3A_367], %add3A_364 {strides = array<i32>} : memref<448xi32, #tpu.memory_space<vmem>>, vector<16xi32>,
      %broadcast_in_dim3A_369 = arith.constant 0 : i32
      %broadcast_in_dim3A_370 = vector.broadcast %broadcast_in_dim3A_369 : i32 to vector<16xi32>
      %add3A_371 = vector.broadcast %squeeze3A : i32 to vector<16xi32>
      %add3A_372 = arith.addi %broadcast_in_dim3A_370, %add3A_371 : vector<16xi32>
      %add3A_373 = arith.constant 32 : i32
      %add3A_374 = arith.addi %scan3A_321, %add3A_373 : i32
      %swap3A_375 = arith.index_cast %add3A_374 : i32 to index
      %swap3A_376 = tpu.vector_load %arg14[%swap3A_375] {strides = array<i32>} : memref<448xi32, #tpu.memory_space<vmem>>, vector<16xi32>,
      tpu.vector_store %arg14[%swap3A_375], %add3A_372 {strides = array<i32>} : memref<448xi32, #tpu.memory_space<vmem>>, vector<16xi32>,
      %broadcast_in_dim3A_377 = arith.constant 0 : i32
      %broadcast_in_dim3A_378 = vector.broadcast %broadcast_in_dim3A_377 : i32 to vector<16xi32>
      %add3A_379 = vector.broadcast %squeeze3A_336 : i32 to vector<16xi32>
      %add3A_380 = arith.addi %broadcast_in_dim3A_378, %add3A_379 : vector<16xi32>
      %add3A_381 = arith.constant 32 : i32
      %add3A_382 = arith.addi %scan3A_321, %add3A_381 : i32
      %swap3A_383 = arith.index_cast %add3A_382 : i32 to index
      %swap3A_384 = tpu.vector_load %arg15[%swap3A_383] {strides = array<i32>} : memref<448xi32, #tpu.memory_space<vmem>>, vector<16xi32>,
      tpu.vector_store %arg15[%swap3A_383], %add3A_380 {strides = array<i32>} : memref<448xi32, #tpu.memory_space<vmem>>, vector<16xi32>,
      %broadcast_in_dim3A_385 = arith.constant 0 : i32
      %broadcast_in_dim3A_386 = vector.broadcast %broadcast_in_dim3A_385 : i32 to vector<16xi32>
      %add3A_387 = vector.broadcast %squeeze3A : i32 to vector<16xi32>
      %add3A_388 = arith.addi %broadcast_in_dim3A_386, %add3A_387 : vector<16xi32>
      %add3A_389 = arith.constant 48 : i32
      %add3A_390 = arith.addi %scan3A_321, %add3A_389 : i32
      %swap3A_391 = arith.index_cast %add3A_390 : i32 to index
      %swap3A_392 = tpu.vector_load %arg14[%swap3A_391] {strides = array<i32>} : memref<448xi32, #tpu.memory_space<vmem>>, vector<16xi32>,
      tpu.vector_store %arg14[%swap3A_391], %add3A_388 {strides = array<i32>} : memref<448xi32, #tpu.memory_space<vmem>>, vector<16xi32>,
      %broadcast_in_dim3A_393 = arith.constant 0 : i32
      %broadcast_in_dim3A_394 = vector.broadcast %broadcast_in_dim3A_393 : i32 to vector<16xi32>
      %add3A_395 = vector.broadcast %squeeze3A_336 : i32 to vector<16xi32>
      %add3A_396 = arith.addi %broadcast_in_dim3A_394, %add3A_395 : vector<16xi32>
      %add3A_397 = arith.constant 48 : i32
      %add3A_398 = arith.addi %scan3A_321, %add3A_397 : i32
      %swap3A_399 = arith.index_cast %add3A_398 : i32 to index
      %swap3A_400 = tpu.vector_load %arg15[%swap3A_399] {strides = array<i32>} : memref<448xi32, #tpu.memory_space<vmem>>, vector<16xi32>,
      tpu.vector_store %arg15[%swap3A_399], %add3A_396 {strides = array<i32>} : memref<448xi32, #tpu.memory_space<vmem>>, vector<16xi32>,
      %broadcast_in_dim3A_401 = arith.constant 0 : i32
      %broadcast_in_dim3A_402 = vector.broadcast %broadcast_in_dim3A_401 : i32 to vector<16xi32>
      %add3A_403 = vector.broadcast %squeeze3A : i32 to vector<16xi32>
      %add3A_404 = arith.addi %broadcast_in_dim3A_402, %add3A_403 : vector<16xi32>
      %add3A_405 = arith.constant 64 : i32
      %add3A_406 = arith.addi %scan3A_321, %add3A_405 : i32
      %swap3A_407 = arith.index_cast %add3A_406 : i32 to index
      %swap3A_408 = tpu.vector_load %arg14[%swap3A_407] {strides = array<i32>} : memref<448xi32, #tpu.memory_space<vmem>>, vector<16xi32>,
      tpu.vector_store %arg14[%swap3A_407], %add3A_404 {strides = array<i32>} : memref<448xi32, #tpu.memory_space<vmem>>, vector<16xi32>,
      %broadcast_in_dim3A_409 = arith.constant 0 : i32
      %broadcast_in_dim3A_410 = vector.broadcast %broadcast_in_dim3A_409 : i32 to vector<16xi32>
      %add3A_411 = vector.broadcast %squeeze3A_336 : i32 to vector<16xi32>
      %add3A_412 = arith.addi %broadcast_in_dim3A_410, %add3A_411 : vector<16xi32>
      %add3A_413 = arith.constant 64 : i32
      %add3A_414 = arith.addi %scan3A_321, %add3A_413 : i32
      %swap3A_415 = arith.index_cast %add3A_414 : i32 to index
      %swap3A_416 = tpu.vector_load %arg15[%swap3A_415] {strides = array<i32>} : memref<448xi32, #tpu.memory_space<vmem>>, vector<16xi32>,
      tpu.vector_store %arg15[%swap3A_415], %add3A_412 {strides = array<i32>} : memref<448xi32, #tpu.memory_space<vmem>>, vector<16xi32>,
      %broadcast_in_dim3A_417 = arith.constant 0 : i32
      %broadcast_in_dim3A_418 = vector.broadcast %broadcast_in_dim3A_417 : i32 to vector<16xi32>
      %add3A_419 = vector.broadcast %squeeze3A : i32 to vector<16xi32>
      %add3A_420 = arith.addi %broadcast_in_dim3A_418, %add3A_419 : vector<16xi32>
      %add3A_421 = arith.constant 80 : i32
      %add3A_422 = arith.addi %scan3A_321, %add3A_421 : i32
      %swap3A_423 = arith.index_cast %add3A_422 : i32 to index
      %swap3A_424 = tpu.vector_load %arg14[%swap3A_423] {strides = array<i32>} : memref<448xi32, #tpu.memory_space<vmem>>, vector<16xi32>,
      tpu.vector_store %arg14[%swap3A_423], %add3A_420 {strides = array<i32>} : memref<448xi32, #tpu.memory_space<vmem>>, vector<16xi32>,
      %broadcast_in_dim3A_425 = arith.constant 0 : i32
      %broadcast_in_dim3A_426 = vector.broadcast %broadcast_in_dim3A_425 : i32 to vector<16xi32>
      %add3A_427 = vector.broadcast %squeeze3A_336 : i32 to vector<16xi32>
      %add3A_428 = arith.addi %broadcast_in_dim3A_426, %add3A_427 : vector<16xi32>
      %add3A_429 = arith.constant 80 : i32
      %add3A_430 = arith.addi %scan3A_321, %add3A_429 : i32
      %swap3A_431 = arith.index_cast %add3A_430 : i32 to index
      %swap3A_432 = tpu.vector_load %arg15[%swap3A_431] {strides = array<i32>} : memref<448xi32, #tpu.memory_space<vmem>>, vector<16xi32>,
      tpu.vector_store %arg15[%swap3A_431], %add3A_428 {strides = array<i32>} : memref<448xi32, #tpu.memory_space<vmem>>, vector<16xi32>,
      %broadcast_in_dim3A_433 = arith.constant 0 : i32
      %broadcast_in_dim3A_434 = vector.broadcast %broadcast_in_dim3A_433 : i32 to vector<16xi32>
      %add3A_435 = vector.broadcast %squeeze3A : i32 to vector<16xi32>
      %add3A_436 = arith.addi %broadcast_in_dim3A_434, %add3A_435 : vector<16xi32>
      %add3A_437 = arith.constant 96 : i32
      %add3A_438 = arith.addi %scan3A_321, %add3A_437 : i32
      %swap3A_439 = arith.index_cast %add3A_438 : i32 to index
      %swap3A_440 = tpu.vector_load %arg14[%swap3A_439] {strides = array<i32>} : memref<448xi32, #tpu.memory_space<vmem>>, vector<16xi32>,
      tpu.vector_store %arg14[%swap3A_439], %add3A_436 {strides = array<i32>} : memref<448xi32, #tpu.memory_space<vmem>>, vector<16xi32>,
      %broadcast_in_dim3A_441 = arith.constant 0 : i32
      %broadcast_in_dim3A_442 = vector.broadcast %broadcast_in_dim3A_441 : i32 to vector<16xi32>
      %add3A_443 = vector.broadcast %squeeze3A_336 : i32 to vector<16xi32>
      %add3A_444 = arith.addi %broadcast_in_dim3A_442, %add3A_443 : vector<16xi32>
      %add3A_445 = arith.constant 96 : i32
      %add3A_446 = arith.addi %scan3A_321, %add3A_445 : i32
      %swap3A_447 = arith.index_cast %add3A_446 : i32 to index
      %swap3A_448 = tpu.vector_load %arg15[%swap3A_447] {strides = array<i32>} : memref<448xi32, #tpu.memory_space<vmem>>, vector<16xi32>,
      tpu.vector_store %arg15[%swap3A_447], %add3A_444 {strides = array<i32>} : memref<448xi32, #tpu.memory_space<vmem>>, vector<16xi32>,
      %broadcast_in_dim3A_449 = arith.constant 0 : i32
      %broadcast_in_dim3A_450 = vector.broadcast %broadcast_in_dim3A_449 : i32 to vector<16xi32>
      %add3A_451 = vector.broadcast %squeeze3A : i32 to vector<16xi32>
      %add3A_452 = arith.addi %broadcast_in_dim3A_450, %add3A_451 : vector<16xi32>
      %add3A_453 = arith.constant 112 : i32
      %add3A_454 = arith.addi %scan3A_321, %add3A_453 : i32
      %swap3A_455 = arith.index_cast %add3A_454 : i32 to index
      %swap3A_456 = tpu.vector_load %arg14[%swap3A_455] {strides = array<i32>} : memref<448xi32, #tpu.memory_space<vmem>>, vector<16xi32>,
      tpu.vector_store %arg14[%swap3A_455], %add3A_452 {strides = array<i32>} : memref<448xi32, #tpu.memory_space<vmem>>, vector<16xi32>,
      %broadcast_in_dim3A_457 = arith.constant 0 : i32
      %broadcast_in_dim3A_458 = vector.broadcast %broadcast_in_dim3A_457 : i32 to vector<16xi32>
      %add3A_459 = vector.broadcast %squeeze3A_336 : i32 to vector<16xi32>
      %add3A_460 = arith.addi %broadcast_in_dim3A_458, %add3A_459 : vector<16xi32>
      %add3A_461 = arith.constant 112 : i32
      %add3A_462 = arith.addi %scan3A_321, %add3A_461 : i32
      %swap3A_463 = arith.index_cast %add3A_462 : i32 to index
      %swap3A_464 = tpu.vector_load %arg15[%swap3A_463] {strides = array<i32>} : memref<448xi32, #tpu.memory_space<vmem>>, vector<16xi32>,
      tpu.vector_store %arg15[%swap3A_463], %add3A_460 {strides = array<i32>} : memref<448xi32, #tpu.memory_space<vmem>>, vector<16xi32>,
      %add3A_465 = arith.constant 128 : i32
      %add3A_466 = arith.addi %scan3A_321, %add3A_465 : i32
      %sub3A_467 = arith.constant 1 : i32
      %sub3A_468 = arith.subi %add3A_466, %sub3A_467 : i32
      %jit3A_469 = arith.constant 128 : i32
      %div3A_470 = arith.divsi %sub3A_468, %jit3A_469 : i32
      %sign3A_471 = arith.constant 0 : i32
      %sign3A_472 = arith.cmpi sgt, %sub3A_468, %sign3A_471 : i32
      %sign3A_473 = arith.extui %sign3A_472 : i1 to i32
      %sign3A_474 = arith.constant 0 : i32
      %sign3A_475 = arith.cmpi slt, %sub3A_468, %sign3A_474 : i32
      %sign3A_476 = arith.extui %sign3A_475 : i1 to i32
      %sign3A_477 = arith.subi %sign3A_473, %sign3A_476 : i32
      %sign3A_478 = arith.constant 0 : i32
      %sign3A_479 = arith.cmpi sgt, %jit3A_469, %sign3A_478 : i32
      %sign3A_480 = arith.extui %sign3A_479 : i1 to i32
      %sign3A_481 = arith.constant 0 : i32
      %sign3A_482 = arith.cmpi slt, %jit3A_469, %sign3A_481 : i32
      %sign3A_483 = arith.extui %sign3A_482 : i1 to i32
      %sign3A_484 = arith.subi %sign3A_480, %sign3A_483 : i32
      %ne3A_485 = arith.cmpi ne, %sign3A_477, %sign3A_484 : i32
      %rem3A_486 = arith.remsi %sub3A_468, %jit3A_469 : i32
      %ne3A_487 = arith.constant 0 : i32
      %ne3A_488 = arith.cmpi ne, %rem3A_486, %ne3A_487 : i32
      %and3A_489 = arith.andi %ne3A_485, %ne3A_488 : i1
      %sub3A_490 = arith.constant 1 : i32
      %sub3A_491 = arith.subi %div3A_470, %sub3A_490 : i32
      %select_n3A_492 = arith.select %and3A_489, %sub3A_491, %div3A_470 : i32
      %while3A_493 = arith.constant 0 : i32
      %while3A_494 = arith.constant 0 : i32
      %while3A_495 = arith.subi %select_n3A_492, %while3A_494 : i32
      %while3A_496 = arith.addi %while3A_494, %while3A_495 : i32
      %while3A_497 = arith.constant 1 : i32
      %while3A_498 = arith.divsi %while3A_495, %while3A_497 : i32
      %while3A_499 = arith.muli %while3A_498, %while3A_497 : i32
      %while3A_500 = arith.addi %while3A_494, %while3A_499 : i32
      %while3A_501 = arith.constant 1 : i32
      scf.for %while3A_503 = %while3A_494 to %while3A_500 step %while3A_501  : i32 {
        %mul3A_504 = arith.constant 128 : i32
        %mul3A_505 = arith.muli %while3A_503, %mul3A_504 : i32
        %dma_start3A_506 = arith.constant 0 : i32
        %dma_start3A_507 = arith.constant 0 : i32
        %dma_start3A_508 = arith.constant 0 : i32
        %dma_start3A_509 = tpu.memref_slice %arg13[%dma_start3A_506, %dma_start3A_507, %dma_start3A_508] : memref<2x128x128xf32, #tpu.memory_space<vmem>> -> memref<1x128x128xf32, #tpu.memory_space<vmem>>
        %dma_start3A_510 = tpu.memref_squeeze %dma_start3A_509 : memref<1x128x128xf32, #tpu.memory_space<vmem>> -> memref<128x128xf32, #tpu.memory_space<vmem>>
        %dma_start3A_511 = tpu.memref_slice %arg14[%mul3A_505] : memref<448xi32, #tpu.memory_space<vmem>> -> memref<128xi32, #tpu.memory_space<vmem>>
        %dma_start3A_512 = arith.constant 0 : i32
        %dma_start3A_513 = arith.constant 0 : i32
        %dma_start3A_514 = tpu.memref_slice %arg7[%dma_start3A_512, %dma_start3A_513] : memref<5000x128xf32, #tpu.memory_space<hbm>> -> memref<5000x128xf32, #tpu.memory_space<hbm>>
        tpu.enqueue_indirect_dma source(%dma_start3A_514 : memref<5000x128xf32, #tpu.memory_space<hbm>>) target(%dma_start3A_510 : memref<128x128xf32, #tpu.memory_space<vmem>>) offsets(%dma_start3A_511 : memref<128xi32, #tpu.memory_space<vmem>>) semaphore(%arg20 : memref<!tpu.dma_semaphore, #tpu.memory_space<semaphore_mem>>)
        %dma_wait3A_515 = arith.constant 0 : i32
        %dma_wait3A_516 = arith.constant 0 : i32
        %dma_wait3A_517 = arith.constant 0 : i32
        %dma_wait3A_518 = tpu.memref_slice %arg13[%dma_wait3A_515, %dma_wait3A_516, %dma_wait3A_517] : memref<2x128x128xf32, #tpu.memory_space<vmem>> -> memref<1x128x128xf32, #tpu.memory_space<vmem>>
        %dma_wait3A_519 = tpu.memref_squeeze %dma_wait3A_518 : memref<1x128x128xf32, #tpu.memory_space<vmem>> -> memref<128x128xf32, #tpu.memory_space<vmem>>
        %dma_wait3A_520 = tpu.memref_slice %arg14[%mul3A_505] : memref<448xi32, #tpu.memory_space<vmem>> -> memref<128xi32, #tpu.memory_space<vmem>>
        %dma_wait3A_521 = arith.constant 0 : i32
        %dma_wait3A_522 = arith.constant 0 : i32
        %dma_wait3A_523 = tpu.memref_slice %arg7[%dma_wait3A_521, %dma_wait3A_522] : memref<5000x128xf32, #tpu.memory_space<hbm>> -> memref<5000x128xf32, #tpu.memory_space<hbm>>
        tpu.wait_indirect_dma semaphore(%arg20 : memref<!tpu.dma_semaphore, #tpu.memory_space<semaphore_mem>>) src(%dma_wait3A_523 : memref<5000x128xf32, #tpu.memory_space<hbm>>) dst(%dma_wait3A_519 : memref<128x128xf32, #tpu.memory_space<vmem>>)
        %mul3A_524 = arith.constant 128 : i32
        %mul3A_525 = arith.muli %while3A_503, %mul3A_524 : i32
        %add3A_526 = arith.constant 0 : i32
        %add3A_527 = arith.addi %mul3A_525, %add3A_526 : i32
        %get3A_528 = arith.index_cast %add3A_527 : i32 to index
        %get3A_529 = tpu.vector_load %arg15[%get3A_528] {strides = array<i32>} : memref<448xi32, #tpu.memory_space<vmem>>, vector<16xi32>,
        %swap3A_530 = arith.constant 0 : i32
        %swap3A_531 = arith.index_cast %swap3A_530 : i32 to index
        %swap3A_532 = arith.constant 0 : index
        %swap3A_533 = tpu.vector_load %arg12[%swap3A_531, %swap3A_532] {strides = array<i32>} : memref<2x128xi32, #tpu.memory_space<vmem>>, vector<16xi32>,
        tpu.vector_store %arg12[%swap3A_531, %swap3A_532], %get3A_529 {strides = array<i32>} : memref<2x128xi32, #tpu.memory_space<vmem>>, vector<16xi32>,
        %mul3A_534 = arith.constant 128 : i32
        %mul3A_535 = arith.muli %while3A_503, %mul3A_534 : i32
        %add3A_536 = arith.constant 16 : i32
        %add3A_537 = arith.addi %mul3A_535, %add3A_536 : i32
        %get3A_538 = arith.index_cast %add3A_537 : i32 to index
        %get3A_539 = tpu.vector_load %arg15[%get3A_538] {strides = array<i32>} : memref<448xi32, #tpu.memory_space<vmem>>, vector<16xi32>,
        %swap3A_540 = arith.constant 0 : i32
        %swap3A_541 = arith.index_cast %swap3A_540 : i32 to index
        %swap3A_542 = arith.constant 16 : index
        %swap3A_543 = tpu.vector_load %arg12[%swap3A_541, %swap3A_542] {strides = array<i32>} : memref<2x128xi32, #tpu.memory_space<vmem>>, vector<16xi32>,
        tpu.vector_store %arg12[%swap3A_541, %swap3A_542], %get3A_539 {strides = array<i32>} : memref<2x128xi32, #tpu.memory_space<vmem>>, vector<16xi32>,
        %mul3A_544 = arith.constant 128 : i32
        %mul3A_545 = arith.muli %while3A_503, %mul3A_544 : i32
        %add3A_546 = arith.constant 32 : i32
        %add3A_547 = arith.addi %mul3A_545, %add3A_546 : i32
        %get3A_548 = arith.index_cast %add3A_547 : i32 to index
        %get3A_549 = tpu.vector_load %arg15[%get3A_548] {strides = array<i32>} : memref<448xi32, #tpu.memory_space<vmem>>, vector<16xi32>,
        %swap3A_550 = arith.constant 0 : i32
        %swap3A_551 = arith.index_cast %swap3A_550 : i32 to index
        %swap3A_552 = arith.constant 32 : index
        %swap3A_553 = tpu.vector_load %arg12[%swap3A_551, %swap3A_552] {strides = array<i32>} : memref<2x128xi32, #tpu.memory_space<vmem>>, vector<16xi32>,
        tpu.vector_store %arg12[%swap3A_551, %swap3A_552], %get3A_549 {strides = array<i32>} : memref<2x128xi32, #tpu.memory_space<vmem>>, vector<16xi32>,
        %mul3A_554 = arith.constant 128 : i32
        %mul3A_555 = arith.muli %while3A_503, %mul3A_554 : i32
        %add3A_556 = arith.constant 48 : i32
        %add3A_557 = arith.addi %mul3A_555, %add3A_556 : i32
        %get3A_558 = arith.index_cast %add3A_557 : i32 to index
        %get3A_559 = tpu.vector_load %arg15[%get3A_558] {strides = array<i32>} : memref<448xi32, #tpu.memory_space<vmem>>, vector<16xi32>,
        %swap3A_560 = arith.constant 0 : i32
        %swap3A_561 = arith.index_cast %swap3A_560 : i32 to index
        %swap3A_562 = arith.constant 48 : index
        %swap3A_563 = tpu.vector_load %arg12[%swap3A_561, %swap3A_562] {strides = array<i32>} : memref<2x128xi32, #tpu.memory_space<vmem>>, vector<16xi32>,
        tpu.vector_store %arg12[%swap3A_561, %swap3A_562], %get3A_559 {strides = array<i32>} : memref<2x128xi32, #tpu.memory_space<vmem>>, vector<16xi32>,
        %mul3A_564 = arith.constant 128 : i32
        %mul3A_565 = arith.muli %while3A_503, %mul3A_564 : i32
        %add3A_566 = arith.constant 64 : i32
        %add3A_567 = arith.addi %mul3A_565, %add3A_566 : i32
        %get3A_568 = arith.index_cast %add3A_567 : i32 to index
        %get3A_569 = tpu.vector_load %arg15[%get3A_568] {strides = array<i32>} : memref<448xi32, #tpu.memory_space<vmem>>, vector<16xi32>,
        %swap3A_570 = arith.constant 0 : i32
        %swap3A_571 = arith.index_cast %swap3A_570 : i32 to index
        %swap3A_572 = arith.constant 64 : index
        %swap3A_573 = tpu.vector_load %arg12[%swap3A_571, %swap3A_572] {strides = array<i32>} : memref<2x128xi32, #tpu.memory_space<vmem>>, vector<16xi32>,
        tpu.vector_store %arg12[%swap3A_571, %swap3A_572], %get3A_569 {strides = array<i32>} : memref<2x128xi32, #tpu.memory_space<vmem>>, vector<16xi32>,
        %mul3A_574 = arith.constant 128 : i32
        %mul3A_575 = arith.muli %while3A_503, %mul3A_574 : i32
        %add3A_576 = arith.constant 80 : i32
        %add3A_577 = arith.addi %mul3A_575, %add3A_576 : i32
        %get3A_578 = arith.index_cast %add3A_577 : i32 to index
        %get3A_579 = tpu.vector_load %arg15[%get3A_578] {strides = array<i32>} : memref<448xi32, #tpu.memory_space<vmem>>, vector<16xi32>,
        %swap3A_580 = arith.constant 0 : i32
        %swap3A_581 = arith.index_cast %swap3A_580 : i32 to index
        %swap3A_582 = arith.constant 80 : index
        %swap3A_583 = tpu.vector_load %arg12[%swap3A_581, %swap3A_582] {strides = array<i32>} : memref<2x128xi32, #tpu.memory_space<vmem>>, vector<16xi32>,
        tpu.vector_store %arg12[%swap3A_581, %swap3A_582], %get3A_579 {strides = array<i32>} : memref<2x128xi32, #tpu.memory_space<vmem>>, vector<16xi32>,
        %mul3A_584 = arith.constant 128 : i32
        %mul3A_585 = arith.muli %while3A_503, %mul3A_584 : i32
        %add3A_586 = arith.constant 96 : i32
        %add3A_587 = arith.addi %mul3A_585, %add3A_586 : i32
        %get3A_588 = arith.index_cast %add3A_587 : i32 to index
        %get3A_589 = tpu.vector_load %arg15[%get3A_588] {strides = array<i32>} : memref<448xi32, #tpu.memory_space<vmem>>, vector<16xi32>,
        %swap3A_590 = arith.constant 0 : i32
        %swap3A_591 = arith.index_cast %swap3A_590 : i32 to index
        %swap3A_592 = arith.constant 96 : index
        %swap3A_593 = tpu.vector_load %arg12[%swap3A_591, %swap3A_592] {strides = array<i32>} : memref<2x128xi32, #tpu.memory_space<vmem>>, vector<16xi32>,
        tpu.vector_store %arg12[%swap3A_591, %swap3A_592], %get3A_589 {strides = array<i32>} : memref<2x128xi32, #tpu.memory_space<vmem>>, vector<16xi32>,
        %mul3A_594 = arith.constant 128 : i32
        %mul3A_595 = arith.muli %while3A_503, %mul3A_594 : i32
        %add3A_596 = arith.constant 112 : i32
        %add3A_597 = arith.addi %mul3A_595, %add3A_596 : i32
        %get3A_598 = arith.index_cast %add3A_597 : i32 to index
        %get3A_599 = tpu.vector_load %arg15[%get3A_598] {strides = array<i32>} : memref<448xi32, #tpu.memory_space<vmem>>, vector<16xi32>,
        %swap3A_600 = arith.constant 0 : i32
        %swap3A_601 = arith.index_cast %swap3A_600 : i32 to index
        %swap3A_602 = arith.constant 112 : index
        %swap3A_603 = tpu.vector_load %arg12[%swap3A_601, %swap3A_602] {strides = array<i32>} : memref<2x128xi32, #tpu.memory_space<vmem>>, vector<16xi32>,
        tpu.vector_store %arg12[%swap3A_601, %swap3A_602], %get3A_599 {strides = array<i32>} : memref<2x128xi32, #tpu.memory_space<vmem>>, vector<16xi32>,
        %dma_start3A_604 = arith.constant 0 : i32
        %dma_start3A_605 = arith.constant 0 : i32
        %dma_start3A_606 = arith.constant 0 : i32
        %dma_start3A_607 = arith.constant 0 : i32
        %dma_start3A_608 = tpu.memref_slice %arg13[%dma_start3A_604, %dma_start3A_606, %dma_start3A_607] : memref<2x128x128xf32, #tpu.memory_space<vmem>> -> memref<1x128x128xf32, #tpu.memory_space<vmem>>
        %dma_start3A_609 = tpu.memref_squeeze %dma_start3A_608 : memref<1x128x128xf32, #tpu.memory_space<vmem>> -> memref<128x128xf32, #tpu.memory_space<vmem>>
        %dma_start3A_610 = arith.constant 0 : i32
        %dma_start3A_611 = tpu.memref_slice %arg12[%dma_start3A_605, %dma_start3A_610] : memref<2x128xi32, #tpu.memory_space<vmem>> -> memref<1x128xi32, #tpu.memory_space<vmem>>
        %dma_start3A_612 = tpu.memref_squeeze %dma_start3A_611 : memref<1x128xi32, #tpu.memory_space<vmem>> -> memref<128xi32, #tpu.memory_space<vmem>>
        %dma_start3A_613 = arith.constant 0 : i32
        %dma_start3A_614 = arith.constant 0 : i32
        %dma_start3A_615 = tpu.memref_slice %arg8[%dma_start3A_613, %dma_start3A_614] : memref<10000x128xf32, #tpu.memory_space<hbm>> -> memref<10000x128xf32, #tpu.memory_space<hbm>>
        tpu.enqueue_indirect_dma source(%dma_start3A_609 : memref<128x128xf32, #tpu.memory_space<vmem>>) target(%dma_start3A_615 : memref<10000x128xf32, #tpu.memory_space<hbm>>) offsets(%dma_start3A_612 : memref<128xi32, #tpu.memory_space<vmem>>) semaphore(%arg22 : memref<!tpu.dma_semaphore, #tpu.memory_space<semaphore_mem>>)
        %dma_wait3A_616 = arith.constant 0 : i32
        %dma_wait3A_617 = arith.constant 0 : i32
        %dma_wait3A_618 = arith.constant 0 : i32
        %dma_wait3A_619 = arith.constant 0 : i32
        %dma_wait3A_620 = tpu.memref_slice %arg13[%dma_wait3A_616, %dma_wait3A_618, %dma_wait3A_619] : memref<2x128x128xf32, #tpu.memory_space<vmem>> -> memref<1x128x128xf32, #tpu.memory_space<vmem>>
        %dma_wait3A_621 = tpu.memref_squeeze %dma_wait3A_620 : memref<1x128x128xf32, #tpu.memory_space<vmem>> -> memref<128x128xf32, #tpu.memory_space<vmem>>
        %dma_wait3A_622 = arith.constant 0 : i32
        %dma_wait3A_623 = tpu.memref_slice %arg12[%dma_wait3A_617, %dma_wait3A_622] : memref<2x128xi32, #tpu.memory_space<vmem>> -> memref<1x128xi32, #tpu.memory_space<vmem>>
        %dma_wait3A_624 = tpu.memref_squeeze %dma_wait3A_623 : memref<1x128xi32, #tpu.memory_space<vmem>> -> memref<128xi32, #tpu.memory_space<vmem>>
        %dma_wait3A_625 = arith.constant 0 : i32
        %dma_wait3A_626 = arith.constant 0 : i32
        %dma_wait3A_627 = tpu.memref_slice %arg8[%dma_wait3A_625, %dma_wait3A_626] : memref<10000x128xf32, #tpu.memory_space<hbm>> -> memref<10000x128xf32, #tpu.memory_space<hbm>>
        tpu.wait_indirect_dma semaphore(%arg22 : memref<!tpu.dma_semaphore, #tpu.memory_space<semaphore_mem>>) src(%dma_wait3A_621 : memref<128x128xf32, #tpu.memory_space<vmem>>) dst(%dma_wait3A_627 : memref<10000x128xf32, #tpu.memory_space<hbm>>)
      }
      %while3A_502 = arith.constant 1 : i32
      scf.for %while3A_503 = %while3A_500 to %while3A_496 step %while3A_502  : i32 {
        %mul3A_504 = arith.constant 128 : i32
        %mul3A_505 = arith.muli %while3A_503, %mul3A_504 : i32
        %dma_start3A_506 = arith.constant 0 : i32
        %dma_start3A_507 = arith.constant 0 : i32
        %dma_start3A_508 = arith.constant 0 : i32
        %dma_start3A_509 = tpu.memref_slice %arg13[%dma_start3A_506, %dma_start3A_507, %dma_start3A_508] : memref<2x128x128xf32, #tpu.memory_space<vmem>> -> memref<1x128x128xf32, #tpu.memory_space<vmem>>
        %dma_start3A_510 = tpu.memref_squeeze %dma_start3A_509 : memref<1x128x128xf32, #tpu.memory_space<vmem>> -> memref<128x128xf32, #tpu.memory_space<vmem>>
        %dma_start3A_511 = tpu.memref_slice %arg14[%mul3A_505] : memref<448xi32, #tpu.memory_space<vmem>> -> memref<128xi32, #tpu.memory_space<vmem>>
        %dma_start3A_512 = arith.constant 0 : i32
        %dma_start3A_513 = arith.constant 0 : i32
        %dma_start3A_514 = tpu.memref_slice %arg7[%dma_start3A_512, %dma_start3A_513] : memref<5000x128xf32, #tpu.memory_space<hbm>> -> memref<5000x128xf32, #tpu.memory_space<hbm>>
        tpu.enqueue_indirect_dma source(%dma_start3A_514 : memref<5000x128xf32, #tpu.memory_space<hbm>>) target(%dma_start3A_510 : memref<128x128xf32, #tpu.memory_space<vmem>>) offsets(%dma_start3A_511 : memref<128xi32, #tpu.memory_space<vmem>>) semaphore(%arg20 : memref<!tpu.dma_semaphore, #tpu.memory_space<semaphore_mem>>)
        %dma_wait3A_515 = arith.constant 0 : i32
        %dma_wait3A_516 = arith.constant 0 : i32
        %dma_wait3A_517 = arith.constant 0 : i32
        %dma_wait3A_518 = tpu.memref_slice %arg13[%dma_wait3A_515, %dma_wait3A_516, %dma_wait3A_517] : memref<2x128x128xf32, #tpu.memory_space<vmem>> -> memref<1x128x128xf32, #tpu.memory_space<vmem>>
        %dma_wait3A_519 = tpu.memref_squeeze %dma_wait3A_518 : memref<1x128x128xf32, #tpu.memory_space<vmem>> -> memref<128x128xf32, #tpu.memory_space<vmem>>
        %dma_wait3A_520 = tpu.memref_slice %arg14[%mul3A_505] : memref<448xi32, #tpu.memory_space<vmem>> -> memref<128xi32, #tpu.memory_space<vmem>>
        %dma_wait3A_521 = arith.constant 0 : i32
        %dma_wait3A_522 = arith.constant 0 : i32
        %dma_wait3A_523 = tpu.memref_slice %arg7[%dma_wait3A_521, %dma_wait3A_522] : memref<5000x128xf32, #tpu.memory_space<hbm>> -> memref<5000x128xf32, #tpu.memory_space<hbm>>
        tpu.wait_indirect_dma semaphore(%arg20 : memref<!tpu.dma_semaphore, #tpu.memory_space<semaphore_mem>>) src(%dma_wait3A_523 : memref<5000x128xf32, #tpu.memory_space<hbm>>) dst(%dma_wait3A_519 : memref<128x128xf32, #tpu.memory_space<vmem>>)
        %mul3A_524 = arith.constant 128 : i32
        %mul3A_525 = arith.muli %while3A_503, %mul3A_524 : i32
        %add3A_526 = arith.constant 0 : i32
        %add3A_527 = arith.addi %mul3A_525, %add3A_526 : i32
        %get3A_528 = arith.index_cast %add3A_527 : i32 to index
        %get3A_529 = tpu.vector_load %arg15[%get3A_528] {strides = array<i32>} : memref<448xi32, #tpu.memory_space<vmem>>, vector<16xi32>,
        %swap3A_530 = arith.constant 0 : i32
        %swap3A_531 = arith.index_cast %swap3A_530 : i32 to index
        %swap3A_532 = arith.constant 0 : index
        %swap3A_533 = tpu.vector_load %arg12[%swap3A_531, %swap3A_532] {strides = array<i32>} : memref<2x128xi32, #tpu.memory_space<vmem>>, vector<16xi32>,
        tpu.vector_store %arg12[%swap3A_531, %swap3A_532], %get3A_529 {strides = array<i32>} : memref<2x128xi32, #tpu.memory_space<vmem>>, vector<16xi32>,
        %mul3A_534 = arith.constant 128 : i32
        %mul3A_535 = arith.muli %while3A_503, %mul3A_534 : i32
        %add3A_536 = arith.constant 16 : i32
        %add3A_537 = arith.addi %mul3A_535, %add3A_536 : i32
        %get3A_538 = arith.index_cast %add3A_537 : i32 to index
        %get3A_539 = tpu.vector_load %arg15[%get3A_538] {strides = array<i32>} : memref<448xi32, #tpu.memory_space<vmem>>, vector<16xi32>,
        %swap3A_540 = arith.constant 0 : i32
        %swap3A_541 = arith.index_cast %swap3A_540 : i32 to index
        %swap3A_542 = arith.constant 16 : index
        %swap3A_543 = tpu.vector_load %arg12[%swap3A_541, %swap3A_542] {strides = array<i32>} : memref<2x128xi32, #tpu.memory_space<vmem>>, vector<16xi32>,
        tpu.vector_store %arg12[%swap3A_541, %swap3A_542], %get3A_539 {strides = array<i32>} : memref<2x128xi32, #tpu.memory_space<vmem>>, vector<16xi32>,
        %mul3A_544 = arith.constant 128 : i32
        %mul3A_545 = arith.muli %while3A_503, %mul3A_544 : i32
        %add3A_546 = arith.constant 32 : i32
        %add3A_547 = arith.addi %mul3A_545, %add3A_546 : i32
        %get3A_548 = arith.index_cast %add3A_547 : i32 to index
        %get3A_549 = tpu.vector_load %arg15[%get3A_548] {strides = array<i32>} : memref<448xi32, #tpu.memory_space<vmem>>, vector<16xi32>,
        %swap3A_550 = arith.constant 0 : i32
        %swap3A_551 = arith.index_cast %swap3A_550 : i32 to index
        %swap3A_552 = arith.constant 32 : index
        %swap3A_553 = tpu.vector_load %arg12[%swap3A_551, %swap3A_552] {strides = array<i32>} : memref<2x128xi32, #tpu.memory_space<vmem>>, vector<16xi32>,
        tpu.vector_store %arg12[%swap3A_551, %swap3A_552], %get3A_549 {strides = array<i32>} : memref<2x128xi32, #tpu.memory_space<vmem>>, vector<16xi32>,
        %mul3A_554 = arith.constant 128 : i32
        %mul3A_555 = arith.muli %while3A_503, %mul3A_554 : i32
        %add3A_556 = arith.constant 48 : i32
        %add3A_557 = arith.addi %mul3A_555, %add3A_556 : i32
        %get3A_558 = arith.index_cast %add3A_557 : i32 to index
        %get3A_559 = tpu.vector_load %arg15[%get3A_558] {strides = array<i32>} : memref<448xi32, #tpu.memory_space<vmem>>, vector<16xi32>,
        %swap3A_560 = arith.constant 0 : i32
        %swap3A_561 = arith.index_cast %swap3A_560 : i32 to index
        %swap3A_562 = arith.constant 48 : index
        %swap3A_563 = tpu.vector_load %arg12[%swap3A_561, %swap3A_562] {strides = array<i32>} : memref<2x128xi32, #tpu.memory_space<vmem>>, vector<16xi32>,
        tpu.vector_store %arg12[%swap3A_561, %swap3A_562], %get3A_559 {strides = array<i32>} : memref<2x128xi32, #tpu.memory_space<vmem>>, vector<16xi32>,
        %mul3A_564 = arith.constant 128 : i32
        %mul3A_565 = arith.muli %while3A_503, %mul3A_564 : i32
        %add3A_566 = arith.constant 64 : i32
        %add3A_567 = arith.addi %mul3A_565, %add3A_566 : i32
        %get3A_568 = arith.index_cast %add3A_567 : i32 to index
        %get3A_569 = tpu.vector_load %arg15[%get3A_568] {strides = array<i32>} : memref<448xi32, #tpu.memory_space<vmem>>, vector<16xi32>,
        %swap3A_570 = arith.constant 0 : i32
        %swap3A_571 = arith.index_cast %swap3A_570 : i32 to index
        %swap3A_572 = arith.constant 64 : index
        %swap3A_573 = tpu.vector_load %arg12[%swap3A_571, %swap3A_572] {strides = array<i32>} : memref<2x128xi32, #tpu.memory_space<vmem>>, vector<16xi32>,
        tpu.vector_store %arg12[%swap3A_571, %swap3A_572], %get3A_569 {strides = array<i32>} : memref<2x128xi32, #tpu.memory_space<vmem>>, vector<16xi32>,
        %mul3A_574 = arith.constant 128 : i32
        %mul3A_575 = arith.muli %while3A_503, %mul3A_574 : i32
        %add3A_576 = arith.constant 80 : i32
        %add3A_577 = arith.addi %mul3A_575, %add3A_576 : i32
        %get3A_578 = arith.index_cast %add3A_577 : i32 to index
        %get3A_579 = tpu.vector_load %arg15[%get3A_578] {strides = array<i32>} : memref<448xi32, #tpu.memory_space<vmem>>, vector<16xi32>,
        %swap3A_580 = arith.constant 0 : i32
        %swap3A_581 = arith.index_cast %swap3A_580 : i32 to index
        %swap3A_582 = arith.constant 80 : index
        %swap3A_583 = tpu.vector_load %arg12[%swap3A_581, %swap3A_582] {strides = array<i32>} : memref<2x128xi32, #tpu.memory_space<vmem>>, vector<16xi32>,
        tpu.vector_store %arg12[%swap3A_581, %swap3A_582], %get3A_579 {strides = array<i32>} : memref<2x128xi32, #tpu.memory_space<vmem>>, vector<16xi32>,
        %mul3A_584 = arith.constant 128 : i32
        %mul3A_585 = arith.muli %while3A_503, %mul3A_584 : i32
        %add3A_586 = arith.constant 96 : i32
        %add3A_587 = arith.addi %mul3A_585, %add3A_586 : i32
        %get3A_588 = arith.index_cast %add3A_587 : i32 to index
        %get3A_589 = tpu.vector_load %arg15[%get3A_588] {strides = array<i32>} : memref<448xi32, #tpu.memory_space<vmem>>, vector<16xi32>,
        %swap3A_590 = arith.constant 0 : i32
        %swap3A_591 = arith.index_cast %swap3A_590 : i32 to index
        %swap3A_592 = arith.constant 96 : index
        %swap3A_593 = tpu.vector_load %arg12[%swap3A_591, %swap3A_592] {strides = array<i32>} : memref<2x128xi32, #tpu.memory_space<vmem>>, vector<16xi32>,
        tpu.vector_store %arg12[%swap3A_591, %swap3A_592], %get3A_589 {strides = array<i32>} : memref<2x128xi32, #tpu.memory_space<vmem>>, vector<16xi32>,
        %mul3A_594 = arith.constant 128 : i32
        %mul3A_595 = arith.muli %while3A_503, %mul3A_594 : i32
        %add3A_596 = arith.constant 112 : i32
        %add3A_597 = arith.addi %mul3A_595, %add3A_596 : i32
        %get3A_598 = arith.index_cast %add3A_597 : i32 to index
        %get3A_599 = tpu.vector_load %arg15[%get3A_598] {strides = array<i32>} : memref<448xi32, #tpu.memory_space<vmem>>, vector<16xi32>,
        %swap3A_600 = arith.constant 0 : i32
        %swap3A_601 = arith.index_cast %swap3A_600 : i32 to index
        %swap3A_602 = arith.constant 112 : index
        %swap3A_603 = tpu.vector_load %arg12[%swap3A_601, %swap3A_602] {strides = array<i32>} : memref<2x128xi32, #tpu.memory_space<vmem>>, vector<16xi32>,
        tpu.vector_store %arg12[%swap3A_601, %swap3A_602], %get3A_599 {strides = array<i32>} : memref<2x128xi32, #tpu.memory_space<vmem>>, vector<16xi32>,
        %dma_start3A_604 = arith.constant 0 : i32
        %dma_start3A_605 = arith.constant 0 : i32
        %dma_start3A_606 = arith.constant 0 : i32
        %dma_start3A_607 = arith.constant 0 : i32
        %dma_start3A_608 = tpu.memref_slice %arg13[%dma_start3A_604, %dma_start3A_606, %dma_start3A_607] : memref<2x128x128xf32, #tpu.memory_space<vmem>> -> memref<1x128x128xf32, #tpu.memory_space<vmem>>
        %dma_start3A_609 = tpu.memref_squeeze %dma_start3A_608 : memref<1x128x128xf32, #tpu.memory_space<vmem>> -> memref<128x128xf32, #tpu.memory_space<vmem>>
        %dma_start3A_610 = arith.constant 0 : i32
        %dma_start3A_611 = tpu.memref_slice %arg12[%dma_start3A_605, %dma_start3A_610] : memref<2x128xi32, #tpu.memory_space<vmem>> -> memref<1x128xi32, #tpu.memory_space<vmem>>
        %dma_start3A_612 = tpu.memref_squeeze %dma_start3A_611 : memref<1x128xi32, #tpu.memory_space<vmem>> -> memref<128xi32, #tpu.memory_space<vmem>>
        %dma_start3A_613 = arith.constant 0 : i32
        %dma_start3A_614 = arith.constant 0 : i32
        %dma_start3A_615 = tpu.memref_slice %arg8[%dma_start3A_613, %dma_start3A_614] : memref<10000x128xf32, #tpu.memory_space<hbm>> -> memref<10000x128xf32, #tpu.memory_space<hbm>>
        tpu.enqueue_indirect_dma source(%dma_start3A_609 : memref<128x128xf32, #tpu.memory_space<vmem>>) target(%dma_start3A_615 : memref<10000x128xf32, #tpu.memory_space<hbm>>) offsets(%dma_start3A_612 : memref<128xi32, #tpu.memory_space<vmem>>) semaphore(%arg22 : memref<!tpu.dma_semaphore, #tpu.memory_space<semaphore_mem>>)
        %dma_wait3A_616 = arith.constant 0 : i32
        %dma_wait3A_617 = arith.constant 0 : i32
        %dma_wait3A_618 = arith.constant 0 : i32
        %dma_wait3A_619 = arith.constant 0 : i32
        %dma_wait3A_620 = tpu.memref_slice %arg13[%dma_wait3A_616, %dma_wait3A_618, %dma_wait3A_619] : memref<2x128x128xf32, #tpu.memory_space<vmem>> -> memref<1x128x128xf32, #tpu.memory_space<vmem>>
        %dma_wait3A_621 = tpu.memref_squeeze %dma_wait3A_620 : memref<1x128x128xf32, #tpu.memory_space<vmem>> -> memref<128x128xf32, #tpu.memory_space<vmem>>
        %dma_wait3A_622 = arith.constant 0 : i32
        %dma_wait3A_623 = tpu.memref_slice %arg12[%dma_wait3A_617, %dma_wait3A_622] : memref<2x128xi32, #tpu.memory_space<vmem>> -> memref<1x128xi32, #tpu.memory_space<vmem>>
        %dma_wait3A_624 = tpu.memref_squeeze %dma_wait3A_623 : memref<1x128xi32, #tpu.memory_space<vmem>> -> memref<128xi32, #tpu.memory_space<vmem>>
        %dma_wait3A_625 = arith.constant 0 : i32
        %dma_wait3A_626 = arith.constant 0 : i32
        %dma_wait3A_627 = tpu.memref_slice %arg8[%dma_wait3A_625, %dma_wait3A_626] : memref<10000x128xf32, #tpu.memory_space<hbm>> -> memref<10000x128xf32, #tpu.memory_space<hbm>>
        tpu.wait_indirect_dma semaphore(%arg22 : memref<!tpu.dma_semaphore, #tpu.memory_space<semaphore_mem>>) src(%dma_wait3A_621 : memref<128x128xf32, #tpu.memory_space<vmem>>) dst(%dma_wait3A_627 : memref<10000x128xf32, #tpu.memory_space<hbm>>)
      }
    } else {
    }
    return
  }
}

module attributes {stable_mosaic.version = 14 : i64} {
  func.func @_mm_body(%arg0: i32, %arg1: memref<2000x128xf32, #tpu.memory_space<vmem>>, %arg2: memref<128x1152xf32, #tpu.memory_space<vmem>>, %arg3: memref<9x1x128xf32, #tpu.memory_space<vmem>>, %arg4: memref<9x2000x128xf32, #tpu.memory_space<vmem>>) attributes {dimension_semantics = [#tpu.dimension_semantics<arbitrary>], iteration_bounds = array<i64: 5>, scalar_prefetch = 0 : i64, scratch_operands = 0 : i64, tpu.core_type = #tpu.core_type<tc>, window_params = [{transform_indices = @transform_0, window_bounds = array<i64: 2000, 128>}, {pipeline_mode = #tpu.pipeline_mode<synchronous>, transform_indices = @transform_1, window_bounds = array<i64: 128, 1152>}, {pipeline_mode = #tpu.pipeline_mode<synchronous>, transform_indices = @transform_2, window_bounds = array<i64: 9, 1, 128>}, {transform_indices = @transform_3, window_bounds = array<i64: 9, 2000, 128>}]} {
    %get3A = arith.constant 0 : index
    %get3A_0 = arith.constant 0 : index
    %get3A_1 = vector.load %arg1[%get3A, %get3A_0] : memref<2000x128xf32, #tpu.memory_space<vmem>>, vector<2000x128xf32>
    %get3A_2 = arith.constant 0 : index
    %get3A_3 = arith.constant 0 : index
    %get3A_4 = vector.load %arg2[%get3A_2, %get3A_3] : memref<128x1152xf32, #tpu.memory_space<vmem>>, vector<128x1152xf32>
    %dot_general3A = arith.constant dense<0.000000e+00> : vector<2000x1152xf32>
    %dot_general3A_5 = tpu.matmul %get3A_1, %get3A_4, %dot_general3A {dimension_numbers = #tpu.dot_dimension_numbers<[1], [0], [0], [1], [0, 0, 1, 1], [], []>, transpose_lhs_hint = false} : vector<2000x128xf32>, vector<128x1152xf32>, vector<2000x1152xf32> -> vector<2000x1152xf32>
    %slice3A = vector.extract_strided_slice %dot_general3A_5 {offsets = [0, 0], sizes = [2000, 128], strides = [1, 1]} : vector<2000x1152xf32> to vector<2000x128xf32>
    %get3A_6 = arith.constant 0 : index
    %get3A_7 = arith.constant 0 : index
    %get3A_8 = arith.constant 0 : index
    %get3A_9 = vector.load %arg3[%get3A_6, %get3A_7, %get3A_8] : memref<9x1x128xf32, #tpu.memory_space<vmem>>, vector<1x1x128xf32>
    %get3A_10 = vector.shape_cast %get3A_9 : vector<1x1x128xf32> to vector<128xf32>
    %broadcast_in_dim3A = vector.shape_cast %get3A_10 : vector<128xf32> to vector<1x128xf32>
    %add3A = vector.broadcast %broadcast_in_dim3A : vector<1x128xf32> to vector<2000x128xf32>
    %add3A_11 = arith.addf %slice3A, %add3A : vector<2000x128xf32>
    %swap3A = arith.constant 0 : index
    %swap3A_12 = arith.constant 0 : index
    %swap3A_13 = arith.constant 0 : index
    %swap3A_14 = vector.load %arg4[%swap3A, %swap3A_12, %swap3A_13] : memref<9x2000x128xf32, #tpu.memory_space<vmem>>, vector<1x2000x128xf32>
    %swap3A_15 = vector.shape_cast %swap3A_14 : vector<1x2000x128xf32> to vector<2000x128xf32>
    %swap3A_16 = vector.shape_cast %add3A_11 : vector<2000x128xf32> to vector<1x2000x128xf32>
    tpu.vector_store %arg4[%swap3A, %swap3A_12, %swap3A_13], %swap3A_16 {strides = array<i32>} : memref<9x2000x128xf32, #tpu.memory_space<vmem>>, vector<1x2000x128xf32>,
    %slice3A_17 = vector.extract_strided_slice %dot_general3A_5 {offsets = [0, 128], sizes = [2000, 128], strides = [1, 1]} : vector<2000x1152xf32> to vector<2000x128xf32>
    %get3A_18 = arith.constant 1 : index
    %get3A_19 = arith.constant 0 : index
    %get3A_20 = arith.constant 0 : index
    %get3A_21 = vector.load %arg3[%get3A_18, %get3A_19, %get3A_20] : memref<9x1x128xf32, #tpu.memory_space<vmem>>, vector<1x1x128xf32>
    %get3A_22 = vector.shape_cast %get3A_21 : vector<1x1x128xf32> to vector<128xf32>
    %broadcast_in_dim3A_23 = vector.shape_cast %get3A_22 : vector<128xf32> to vector<1x128xf32>
    %add3A_24 = vector.broadcast %broadcast_in_dim3A_23 : vector<1x128xf32> to vector<2000x128xf32>
    %add3A_25 = arith.addf %slice3A_17, %add3A_24 : vector<2000x128xf32>
    %swap3A_26 = arith.constant 1 : index
    %swap3A_27 = arith.constant 0 : index
    %swap3A_28 = arith.constant 0 : index
    %swap3A_29 = vector.load %arg4[%swap3A_26, %swap3A_27, %swap3A_28] : memref<9x2000x128xf32, #tpu.memory_space<vmem>>, vector<1x2000x128xf32>
    %swap3A_30 = vector.shape_cast %swap3A_29 : vector<1x2000x128xf32> to vector<2000x128xf32>
    %swap3A_31 = vector.shape_cast %add3A_25 : vector<2000x128xf32> to vector<1x2000x128xf32>
    tpu.vector_store %arg4[%swap3A_26, %swap3A_27, %swap3A_28], %swap3A_31 {strides = array<i32>} : memref<9x2000x128xf32, #tpu.memory_space<vmem>>, vector<1x2000x128xf32>,
    %slice3A_32 = vector.extract_strided_slice %dot_general3A_5 {offsets = [0, 256], sizes = [2000, 128], strides = [1, 1]} : vector<2000x1152xf32> to vector<2000x128xf32>
    %get3A_33 = arith.constant 2 : index
    %get3A_34 = arith.constant 0 : index
    %get3A_35 = arith.constant 0 : index
    %get3A_36 = vector.load %arg3[%get3A_33, %get3A_34, %get3A_35] : memref<9x1x128xf32, #tpu.memory_space<vmem>>, vector<1x1x128xf32>
    %get3A_37 = vector.shape_cast %get3A_36 : vector<1x1x128xf32> to vector<128xf32>
    %broadcast_in_dim3A_38 = vector.shape_cast %get3A_37 : vector<128xf32> to vector<1x128xf32>
    %add3A_39 = vector.broadcast %broadcast_in_dim3A_38 : vector<1x128xf32> to vector<2000x128xf32>
    %add3A_40 = arith.addf %slice3A_32, %add3A_39 : vector<2000x128xf32>
    %swap3A_41 = arith.constant 2 : index
    %swap3A_42 = arith.constant 0 : index
    %swap3A_43 = arith.constant 0 : index
    %swap3A_44 = vector.load %arg4[%swap3A_41, %swap3A_42, %swap3A_43] : memref<9x2000x128xf32, #tpu.memory_space<vmem>>, vector<1x2000x128xf32>
    %swap3A_45 = vector.shape_cast %swap3A_44 : vector<1x2000x128xf32> to vector<2000x128xf32>
    %swap3A_46 = vector.shape_cast %add3A_40 : vector<2000x128xf32> to vector<1x2000x128xf32>
    tpu.vector_store %arg4[%swap3A_41, %swap3A_42, %swap3A_43], %swap3A_46 {strides = array<i32>} : memref<9x2000x128xf32, #tpu.memory_space<vmem>>, vector<1x2000x128xf32>,
    %slice3A_47 = vector.extract_strided_slice %dot_general3A_5 {offsets = [0, 384], sizes = [2000, 128], strides = [1, 1]} : vector<2000x1152xf32> to vector<2000x128xf32>
    %get3A_48 = arith.constant 3 : index
    %get3A_49 = arith.constant 0 : index
    %get3A_50 = arith.constant 0 : index
    %get3A_51 = vector.load %arg3[%get3A_48, %get3A_49, %get3A_50] : memref<9x1x128xf32, #tpu.memory_space<vmem>>, vector<1x1x128xf32>
    %get3A_52 = vector.shape_cast %get3A_51 : vector<1x1x128xf32> to vector<128xf32>
    %broadcast_in_dim3A_53 = vector.shape_cast %get3A_52 : vector<128xf32> to vector<1x128xf32>
    %add3A_54 = vector.broadcast %broadcast_in_dim3A_53 : vector<1x128xf32> to vector<2000x128xf32>
    %add3A_55 = arith.addf %slice3A_47, %add3A_54 : vector<2000x128xf32>
    %swap3A_56 = arith.constant 3 : index
    %swap3A_57 = arith.constant 0 : index
    %swap3A_58 = arith.constant 0 : index
    %swap3A_59 = vector.load %arg4[%swap3A_56, %swap3A_57, %swap3A_58] : memref<9x2000x128xf32, #tpu.memory_space<vmem>>, vector<1x2000x128xf32>
    %swap3A_60 = vector.shape_cast %swap3A_59 : vector<1x2000x128xf32> to vector<2000x128xf32>
    %swap3A_61 = vector.shape_cast %add3A_55 : vector<2000x128xf32> to vector<1x2000x128xf32>
    tpu.vector_store %arg4[%swap3A_56, %swap3A_57, %swap3A_58], %swap3A_61 {strides = array<i32>} : memref<9x2000x128xf32, #tpu.memory_space<vmem>>, vector<1x2000x128xf32>,
    %slice3A_62 = vector.extract_strided_slice %dot_general3A_5 {offsets = [0, 512], sizes = [2000, 128], strides = [1, 1]} : vector<2000x1152xf32> to vector<2000x128xf32>
    %get3A_63 = arith.constant 4 : index
    %get3A_64 = arith.constant 0 : index
    %get3A_65 = arith.constant 0 : index
    %get3A_66 = vector.load %arg3[%get3A_63, %get3A_64, %get3A_65] : memref<9x1x128xf32, #tpu.memory_space<vmem>>, vector<1x1x128xf32>
    %get3A_67 = vector.shape_cast %get3A_66 : vector<1x1x128xf32> to vector<128xf32>
    %broadcast_in_dim3A_68 = vector.shape_cast %get3A_67 : vector<128xf32> to vector<1x128xf32>
    %add3A_69 = vector.broadcast %broadcast_in_dim3A_68 : vector<1x128xf32> to vector<2000x128xf32>
    %add3A_70 = arith.addf %slice3A_62, %add3A_69 : vector<2000x128xf32>
    %swap3A_71 = arith.constant 4 : index
    %swap3A_72 = arith.constant 0 : index
    %swap3A_73 = arith.constant 0 : index
    %swap3A_74 = vector.load %arg4[%swap3A_71, %swap3A_72, %swap3A_73] : memref<9x2000x128xf32, #tpu.memory_space<vmem>>, vector<1x2000x128xf32>
    %swap3A_75 = vector.shape_cast %swap3A_74 : vector<1x2000x128xf32> to vector<2000x128xf32>
    %swap3A_76 = vector.shape_cast %add3A_70 : vector<2000x128xf32> to vector<1x2000x128xf32>
    tpu.vector_store %arg4[%swap3A_71, %swap3A_72, %swap3A_73], %swap3A_76 {strides = array<i32>} : memref<9x2000x128xf32, #tpu.memory_space<vmem>>, vector<1x2000x128xf32>,
    %slice3A_77 = vector.extract_strided_slice %dot_general3A_5 {offsets = [0, 640], sizes = [2000, 128], strides = [1, 1]} : vector<2000x1152xf32> to vector<2000x128xf32>
    %get3A_78 = arith.constant 5 : index
    %get3A_79 = arith.constant 0 : index
    %get3A_80 = arith.constant 0 : index
    %get3A_81 = vector.load %arg3[%get3A_78, %get3A_79, %get3A_80] : memref<9x1x128xf32, #tpu.memory_space<vmem>>, vector<1x1x128xf32>
    %get3A_82 = vector.shape_cast %get3A_81 : vector<1x1x128xf32> to vector<128xf32>
    %broadcast_in_dim3A_83 = vector.shape_cast %get3A_82 : vector<128xf32> to vector<1x128xf32>
    %add3A_84 = vector.broadcast %broadcast_in_dim3A_83 : vector<1x128xf32> to vector<2000x128xf32>
    %add3A_85 = arith.addf %slice3A_77, %add3A_84 : vector<2000x128xf32>
    %swap3A_86 = arith.constant 5 : index
    %swap3A_87 = arith.constant 0 : index
    %swap3A_88 = arith.constant 0 : index
    %swap3A_89 = vector.load %arg4[%swap3A_86, %swap3A_87, %swap3A_88] : memref<9x2000x128xf32, #tpu.memory_space<vmem>>, vector<1x2000x128xf32>
    %swap3A_90 = vector.shape_cast %swap3A_89 : vector<1x2000x128xf32> to vector<2000x128xf32>
    %swap3A_91 = vector.shape_cast %add3A_85 : vector<2000x128xf32> to vector<1x2000x128xf32>
    tpu.vector_store %arg4[%swap3A_86, %swap3A_87, %swap3A_88], %swap3A_91 {strides = array<i32>} : memref<9x2000x128xf32, #tpu.memory_space<vmem>>, vector<1x2000x128xf32>,
    %slice3A_92 = vector.extract_strided_slice %dot_general3A_5 {offsets = [0, 768], sizes = [2000, 128], strides = [1, 1]} : vector<2000x1152xf32> to vector<2000x128xf32>
    %get3A_93 = arith.constant 6 : index
    %get3A_94 = arith.constant 0 : index
    %get3A_95 = arith.constant 0 : index
    %get3A_96 = vector.load %arg3[%get3A_93, %get3A_94, %get3A_95] : memref<9x1x128xf32, #tpu.memory_space<vmem>>, vector<1x1x128xf32>
    %get3A_97 = vector.shape_cast %get3A_96 : vector<1x1x128xf32> to vector<128xf32>
    %broadcast_in_dim3A_98 = vector.shape_cast %get3A_97 : vector<128xf32> to vector<1x128xf32>
    %add3A_99 = vector.broadcast %broadcast_in_dim3A_98 : vector<1x128xf32> to vector<2000x128xf32>
    %add3A_100 = arith.addf %slice3A_92, %add3A_99 : vector<2000x128xf32>
    %swap3A_101 = arith.constant 6 : index
    %swap3A_102 = arith.constant 0 : index
    %swap3A_103 = arith.constant 0 : index
    %swap3A_104 = vector.load %arg4[%swap3A_101, %swap3A_102, %swap3A_103] : memref<9x2000x128xf32, #tpu.memory_space<vmem>>, vector<1x2000x128xf32>
    %swap3A_105 = vector.shape_cast %swap3A_104 : vector<1x2000x128xf32> to vector<2000x128xf32>
    %swap3A_106 = vector.shape_cast %add3A_100 : vector<2000x128xf32> to vector<1x2000x128xf32>
    tpu.vector_store %arg4[%swap3A_101, %swap3A_102, %swap3A_103], %swap3A_106 {strides = array<i32>} : memref<9x2000x128xf32, #tpu.memory_space<vmem>>, vector<1x2000x128xf32>,
    %slice3A_107 = vector.extract_strided_slice %dot_general3A_5 {offsets = [0, 896], sizes = [2000, 128], strides = [1, 1]} : vector<2000x1152xf32> to vector<2000x128xf32>
    %get3A_108 = arith.constant 7 : index
    %get3A_109 = arith.constant 0 : index
    %get3A_110 = arith.constant 0 : index
    %get3A_111 = vector.load %arg3[%get3A_108, %get3A_109, %get3A_110] : memref<9x1x128xf32, #tpu.memory_space<vmem>>, vector<1x1x128xf32>
    %get3A_112 = vector.shape_cast %get3A_111 : vector<1x1x128xf32> to vector<128xf32>
    %broadcast_in_dim3A_113 = vector.shape_cast %get3A_112 : vector<128xf32> to vector<1x128xf32>
    %add3A_114 = vector.broadcast %broadcast_in_dim3A_113 : vector<1x128xf32> to vector<2000x128xf32>
    %add3A_115 = arith.addf %slice3A_107, %add3A_114 : vector<2000x128xf32>
    %swap3A_116 = arith.constant 7 : index
    %swap3A_117 = arith.constant 0 : index
    %swap3A_118 = arith.constant 0 : index
    %swap3A_119 = vector.load %arg4[%swap3A_116, %swap3A_117, %swap3A_118] : memref<9x2000x128xf32, #tpu.memory_space<vmem>>, vector<1x2000x128xf32>
    %swap3A_120 = vector.shape_cast %swap3A_119 : vector<1x2000x128xf32> to vector<2000x128xf32>
    %swap3A_121 = vector.shape_cast %add3A_115 : vector<2000x128xf32> to vector<1x2000x128xf32>
    tpu.vector_store %arg4[%swap3A_116, %swap3A_117, %swap3A_118], %swap3A_121 {strides = array<i32>} : memref<9x2000x128xf32, #tpu.memory_space<vmem>>, vector<1x2000x128xf32>,
    %slice3A_122 = vector.extract_strided_slice %dot_general3A_5 {offsets = [0, 1024], sizes = [2000, 128], strides = [1, 1]} : vector<2000x1152xf32> to vector<2000x128xf32>
    %get3A_123 = arith.constant 8 : index
    %get3A_124 = arith.constant 0 : index
    %get3A_125 = arith.constant 0 : index
    %get3A_126 = vector.load %arg3[%get3A_123, %get3A_124, %get3A_125] : memref<9x1x128xf32, #tpu.memory_space<vmem>>, vector<1x1x128xf32>
    %get3A_127 = vector.shape_cast %get3A_126 : vector<1x1x128xf32> to vector<128xf32>
    %broadcast_in_dim3A_128 = vector.shape_cast %get3A_127 : vector<128xf32> to vector<1x128xf32>
    %add3A_129 = vector.broadcast %broadcast_in_dim3A_128 : vector<1x128xf32> to vector<2000x128xf32>
    %add3A_130 = arith.addf %slice3A_122, %add3A_129 : vector<2000x128xf32>
    %swap3A_131 = arith.constant 8 : index
    %swap3A_132 = arith.constant 0 : index
    %swap3A_133 = arith.constant 0 : index
    %swap3A_134 = vector.load %arg4[%swap3A_131, %swap3A_132, %swap3A_133] : memref<9x2000x128xf32, #tpu.memory_space<vmem>>, vector<1x2000x128xf32>
    %swap3A_135 = vector.shape_cast %swap3A_134 : vector<1x2000x128xf32> to vector<2000x128xf32>
    %swap3A_136 = vector.shape_cast %add3A_130 : vector<2000x128xf32> to vector<1x2000x128xf32>
    tpu.vector_store %arg4[%swap3A_131, %swap3A_132, %swap3A_133], %swap3A_136 {strides = array<i32>} : memref<9x2000x128xf32, #tpu.memory_space<vmem>>, vector<1x2000x128xf32>,
    return
  }
  func.func @transform_0(%arg0: i32) -> (i32, i32) {
    %c0_i32 = arith.constant 0 : i32
    %c0_i32_0 = arith.constant 0 : i32
    return %arg0, %c0_i32 : i32, i32
  }
  func.func @transform_1(%arg0: i32) -> (i32, i32) {
    %c0_i32 = arith.constant 0 : i32
    %c0_i32_0 = arith.constant 0 : i32
    %c0_i32_1 = arith.constant 0 : i32
    return %c0_i32, %c0_i32_0 : i32, i32
  }
  func.func @transform_2(%arg0: i32) -> (i32, i32, i32) {
    %c0_i32 = arith.constant 0 : i32
    %c0_i32_0 = arith.constant 0 : i32
    %c0_i32_1 = arith.constant 0 : i32
    %c0_i32_2 = arith.constant 0 : i32
    return %c0_i32, %c0_i32_0, %c0_i32_1 : i32, i32, i32
  }
  func.func @transform_3(%arg0: i32) -> (i32, i32, i32) {
    %c0_i32 = arith.constant 0 : i32
    %c0_i32_0 = arith.constant 0 : i32
    %c0_i32_1 = arith.constant 0 : i32
    return %c0_i32, %arg0, %c0_i32_0 : i32, i32, i32
  }
}

</mosaic_0001>

<sc_bundles>
// kernel: kernel.4.cloned.1.call-start
scs
__scs_entry_jumppad:
0x0: {  	(pc) =	sbr.rel $0x88, $3  }
0x1: {  	(tag) =	ssettag $0x0;
	lr =	simm.s32 $0x1  }
0x2: {  	[smem:$0x3F98] =	sst lr;
	_ =	strace $0xD0000000  }
0x3: {  	_ = 	snop  }
0x4: {  	_ = 	snop  }
0x5: {  	_ = 	snop  }
0x6: {  	_ = 	snop  }
0x7: {  	_ = 	snop  }
__scs_overlays_trampoline_lowered:
0x8: {  	[smem:$0x3FA7] =	sst s0  }
0x9: {  	[smem:$0x3FA8] =	sst s1  }
0xa: {  	[smem:$0x3FA9] =	sst s2  }
0xb: {  	[smem:$0x3FAA] =	sst s3  }
0xc: {  	[smem:$0x3FAB] =	sst s4  }
0xd: {  	[smem:$0x3FAC] =	sst s5  }
0xe: {  	[smem:$0x3FAD] =	sst s6  }
0xf: {  	[smem:$0x3FAE] =	sst s7  }
0x10: {  	[smem:$0x3FAF] =	sst s8  }
0x11: {  	[smem:$0x3FB0] =	sst s9;
	s0 =	simm.s32 @!p0 $0x0  }
0x12: {  	s1 =	sld [smem:$0x3F96];
	s0 =	simm.s32 @p0 $0x1  }
0x13: {  	[smem:$0x3FB1] =	sst s0;
	s0 =	simm.s32 @!p1 $0x0  }
0x14: {  	s2 =	sld [smem:$0x3F95];
	s0 =	simm.s32 @p1 $0x1  }
0x15: {  	[smem:$0x3FB2] =	sst s0;
	s0 =	simm.s32 @!p2 $0x0  }
0x16: {  	s3 =	sld [smem:$0x3FDB];
	s0 =	simm.s32 @p2 $0x1  }
0x17: {  	s4 =	simm.s32 $0x1BF5;
	[smem:$0x3FB4] =	sst s0  }
0x18: {  	s0 =	sld [smem:$0x3F97];
	_ =	swait.ge [sflag:s4], $0x0  }
0x19: {  	s7 =	sld [smem:$0x3F98]  }
0x1a: {  	s8 =	sadd.s32 $0xFFFFE003, lr  }
0x1b: {  	s9 =	sadd.s32 $0xFFFFFEF7, lr;
	s5 =	simm.s32 $0xFFFFFFFF;
	p2 =	slt.u32 s8, $0xFFFFF086  }
0x1c: {  	p1 =	slt.u32 s9, $0xF7A;
	s5 =	simm.s32 @!p2 $0x0  }
0x1d: {  	s5 =	simm.s32 @p1 $0x1;
	p0 =	seq.s32 s7, s2  }
0x1e: {  	s7 =	smul.u32 @!p0 $0xF7A, s2;
	p2 =	seq.s32 @!p0 s5, $0x0  }
0x1f: {  	s9 =	smul.u32 $0xF7A, s1;
	s8 =	simm.s32 @!p0 $0x1BF5;
	p2 =	por !p2, p0  }
0x20: {  	[sflag:s8] =	ssyncset.s32 @!p0 $0xFFFFF086;
	s6 =	sadd.s32 @!p0 s3, s7;
	s7 =	simm.s32 @!p0 $0x108  }
0x21: {  	s3 =	sadd.s32 s3, s9;
	s6 =	sadd.s32 @!p0 $0x88, s6;
	s7 =	simm.s32 @p2 $0x1082  }
0x22: {  	[simem:s7], [sflag:s8] =	dma.local @!p0 [hbm:s6], $0xF7A  }
0x23: {  	s9 =	sor.u32 $0xD0000000, s2;
	s6 =	simm.s32 $0x108;
	_ =	swait.ge @!p0 [sflag:s8], $0x0  }
0x24: {  	s3 =	sadd.s32 $0x88, s3;
	s6 =	simm.s32 @!p1 $0x1082;
	[sflag:s4] =	ssyncset.s32 $0xFFFFF086  }
0x25: {  	[simem:s6], [sflag:s4] =	dma.local [hbm:s3], $0xF7A  }
0x26: {  	[smem:$0x3F98] =	sst s1;
	(tag) =	ssettag s2;
	_ =	strace s9  }
0x27: {  	s1 =	sld [smem:$0x3FA8]  }
0x28: {  	s2 =	sld [smem:$0x3FA9]  }
0x29: {  	s4 =	sld [smem:$0x3FAB]  }
0x2a: {  	p0 =	seq.s32 s5, $0x0;
	s5 =	sld [smem:$0x3FAC]  }
0x2b: {  	s6 =	sld [smem:$0x3FAD]  }
0x2c: {  	s7 =	sld [smem:$0x3FAE]  }
0x2d: {  	s3 =	simm.s32 $0x108;
	s8 =	sld [smem:$0x3FAF]  }
0x2e: {  	s3 =	simm.s32 @!p0 $0x1082;
	s9 =	sld [smem:$0x3FB0]  }
0x2f: {  	lr =	sadd.s32 s0, s3;
	s0 =	sld [smem:$0x3FA7]  }
0x30: {  	s3 =	sld [smem:$0x3FAA]  }
0x31: {  	[smem:$0x3FB3] =	sst s10  }
0x32: {  	s10 =	sld [smem:$0x3FB1];
	_ =	sdelay $0x3  }
0x33: {  	p0 =	seq.s32 s10, $0x1;
	s10 =	sld [smem:$0x3FB3];
	_ =	sdelay $0x3  }
0x34: {  	[smem:$0x3FB3] =	sst s10  }
0x35: {  	s10 =	sld [smem:$0x3FB2];
	_ =	sdelay $0x3  }
0x36: {  	p1 =	seq.s32 s10, $0x1;
	s10 =	sld [smem:$0x3FB3];
	_ =	sdelay $0x3  }
0x37: {  	[smem:$0x3FB3] =	sst s10  }
0x38: {  	s10 =	sld [smem:$0x3FB4]  }
0x39: {  	_ = 	snop;
	(pc) =	sbr.ind lr, $3  }
0x3a: {  	_ = 	snop  }
0x3b: {  	_ = 	snop  }
0x3c: {  	p2 =	seq.s32 s10, $0x1;
	s10 =	sld [smem:$0x3FB3]  }
0x3d: {  	_ =	shalt  }
0x3e: {  	_ =	shalt  }
0x3f: {  	_ =	shalt  }
0x40: {  	_ =	shalt  }
0x41: {  	_ =	shalt  }
0x42: {  	_ =	shalt  }
0x43: {  	_ =	shalt  }
0x44: {  	_ =	shalt  }
0x45: {  	_ =	shalt  }
0x46: {  	_ =	shalt  }
0x47: {  	_ =	shalt  }
0x48: {  	_ =	shalt  }
0x49: {  	_ =	shalt  }
0x4a: {  	_ =	shalt  }
0x4b: {  	_ =	shalt  }
0x4c: {  	_ =	shalt  }
0x4d: {  	_ =	shalt  }
0x4e: {  	_ =	shalt  }
0x4f: {  	_ =	shalt  }
0x50: {  	_ =	shalt  }
0x51: {  	_ =	shalt  }
0x52: {  	_ =	shalt  }
0x53: {  	_ =	shalt  }
0x54: {  	_ =	shalt  }
0x55: {  	_ =	shalt  }
0x56: {  	_ =	shalt  }
0x57: {  	_ =	shalt  }
0x58: {  	_ =	shalt  }
0x59: {  	_ =	shalt  }
0x5a: {  	_ =	shalt  }
0x5b: {  	_ =	shalt  }
0x5c: {  	_ =	shalt  }
0x5d: {  	_ =	shalt  }
0x5e: {  	_ =	shalt  }
0x5f: {  	_ =	shalt  }
0x60: {  	_ =	shalt  }
0x61: {  	_ =	shalt  }
0x62: {  	_ =	shalt  }
0x63: {  	_ =	shalt  }
0x64: {  	_ =	shalt  }
0x65: {  	_ =	shalt  }
0x66: {  	_ =	shalt  }
0x67: {  	_ =	shalt  }
0x68: {  	_ =	shalt  }
0x69: {  	_ =	shalt  }
0x6a: {  	_ =	shalt  }
0x6b: {  	_ =	shalt  }
0x6c: {  	_ =	shalt  }
0x6d: {  	_ =	shalt  }
0x6e: {  	_ =	shalt  }
0x6f: {  	_ =	shalt  }
0x70: {  	_ =	shalt  }
0x71: {  	_ =	shalt  }
0x72: {  	_ =	shalt  }
0x73: {  	_ =	shalt  }
0x74: {  	_ =	shalt  }
0x75: {  	_ =	shalt  }
0x76: {  	_ =	shalt  }
0x77: {  	_ =	shalt  }
0x78: {  	_ =	shalt  }
0x79: {  	_ =	shalt  }
0x7a: {  	_ =	shalt  }
0x7b: {  	_ =	shalt  }
0x7c: {  	_ =	shalt  }
0x7d: {  	_ =	shalt  }
0x7e: {  	_ =	shalt  }
0x7f: {  	_ =	shalt  }
0x80: {  	_ =	shalt  }
0x81: {  	_ =	shalt  }
0x82: {  	_ =	shalt  }
0x83: {  	_ =	shalt  }
0x84: {  	_ =	shalt  }
0x85: {  	_ =	shalt  }
0x86: {  	_ =	shalt  }
0x87: {  	_ =	shalt  }
.Lfunc_end0:
.L_simem_size_0:
called_computation_lowered:
.L_overlay_start_0:
0x88: {  	s2 =	sld [smem:$0x3FD9]  }
0x89: {  	s3 =	sld [smem:$0x3FFE];
	_ =	sdelay $0x1  }
0x8a: {  	s1 =	srdreg.scid  }
0x8b: {  	s0 =	sand.u32 $0x1, s1  }
0x8c: {  	s14 =	sshll.u32 s0, $0xA;
	s2 =	sadd.s32 s3, s2  }
0x8d: {  	s2 =	sadd.s32 s2, s14  }
0x8e: {  	[smem:$0x3FBF] =	sst s2  }
0x8f: {  	_ = 	snop  }
0x90: {  	s2 =	sld [smem:$0x3FD0];
	_ =	sdelay $0x2  }
0x91: {  	s4 =	simm.s32 $0xA;
	s5 =	simm.s32 $0x10;
	s15 =	sld [smem:$0x3FC5]  }
0x92: {  	[smem:s5], [sflag:s4] =	dma.local [hbm:s2], $0x1  }
0x93: {  	_ =	swait.eq [sflag:s4], $0x1  }
0x94: {  	[sflag:s4] =	ssyncset.done $0x0  }
0x95: {  	s16 =	sld [smem:$0x10];
	[sflag:s4] =	ssyncadd.s32 $0xFFFFFFFF  }
0x96: {  	s17 =	sld [smem:$0x11];
	(tm) =	ssettm $0x1  }
0x97: {  	s18 =	sld [smem:$0x3FFB];
	_ =	sdelay $0x3  }
0x98: {  	_ =	strace s18  }
0x99: {  	s5 =	sld [smem:$0x3FFC];
	_ =	sdelay $0x3  }
0x9a: {  	_ =	strace s5  }
0x9b: {  	s5 =	sld [smem:$0x3FFD];
	_ =	sdelay $0x3  }
0x9c: {  	_ =	strace s5  }
0x9d: {  	_ =	strace $0x8FFFFFFF  }
0x9e: {  	s19 =	sld [smem:$0x3FDB];
	_ =	sdelay $0x1  }
0x9f: {  	s6 =	simm.s32 $_scs_section_size  }
0xa0: {  	s7 =	simm.s32 $_size__tile_overlayer_lowered;
	s8 =	simm.s32 $_tile_overlayer_lowered  }
0xa1: {  	s22 =	simm.s32 $0x1BFF;
	s21 =	sshll.u32 s8, $0x1;
	s5 =	sadd.s32 s6, s19  }
0xa2: {  	s9 =	simm.s32 $0x0;
	s20 =	sshll.u32 s7, $0x1;
	s7 =	sadd.s32 s21, s5  }
0xa3: {  	[timem:s9], [sflag:s22] =	dma.local [hbm:s7], s20  }
0xa4: {  	_ =	swait.ge [sflag:s22], s20  }
0xa5: {  	s6 =	ssub.s32 $0x0, s20;
	[sflag:s22] =	ssyncset.done $0x0  }
0xa6: {  	[sflag:s22] =	ssyncadd.s32 s6;
	_ =	sdelay $0x1  }
0xa7: {  	s23 =	simm.s32 $0x1B8B  }
0xa8: {  	_ =	swait.ge [sflag:s23], $0x1  }
0xa9: {  	[sflag:s23] =	ssyncset.done $0x0  }
0xaa: {  	s25 =	simm.s32 $0x1B8E;
	s24 =	sld [smem:$0x3FFE];
	[sflag:s23] =	ssyncadd.s32 $0xFFFFFFFF  }
0xab: {  	s26 =	simm.s32 $execute0_lowered;
	[smem:$0x3FD2] =	sst s25  }
0xac: {  	s7 =	sshll.u32 s26, $0x1;
	_ =	strace $0x80000046;
	[dreg:$0x1] =	wrdreg $0xFFFFFFFF  }
0xad: {  	s28 =	simm.s32 $_size_execute0_lowered;
	s5 =	sadd.s32 s5, s7;
	[dreg:$0x0] =	wrdreg $0x0  }
0xae: {  	s7 =	sshll.u32 s28, $0x1;
	[dreg:$0x2] =	wrdreg s5  }
0xaf: {  	[dreg:$0x3] =	wrdreg s7  }
0xb0: {  	[dreg:$0x4] =	wrdreg $0xC0  }
0xb1: {  	_ =	task [dreg:s9], $0x5FFFF  }
0xb2: {  	[dreg:$0x1] =	wrdreg $0xFFFFFFFF  }
0xb3: {  	[dreg:$0x0] =	wrdreg $0x60  }
0xb4: {  	[dreg:$0x2] =	wrdreg s24  }
0xb5: {  	[dreg:$0x3] =	wrdreg s17  }
0xb6: {  	[dreg:$0x4] =	wrdreg s15  }
0xb7: {  	[dreg:$0x5] =	wrdreg s16  }
0xb8: {  	[dreg:$0x6] =	wrdreg $0x138000  }
0xb9: {  	[dreg:$0x7] =	wrdreg $0x9  }
0xba: {  	_ =	task.clear_ibuf [dreg:s9], $0x8FFFF;
	_ =	strace $0x90000046  }
0xbb: {  	s29 =	simm.s32 $0x9;
	_ =	strace $0x80000048  }
0xbc: {  	_ =	swait.ge [sflag:s29], $0x1  }
0xbd: {  	[sflag:s29] =	ssyncadd.s32 $0xFFFFFFFF  }
0xbe: {  	_ =	strace $0x90000048  }
0xbf: {  	_ =	sfence  }
0xc0: {  	s30 =	sld [smem:$0x0];
	_ =	sdelay $0x2  }
0xc1: {  	s31 =	sshll.u32 s1, $0xD;
	s1 =	sshrl.u32 s1, $0x2  }
0xc2: {  	s3 =	sand.u32 $0x4000, s31;
	s1 =	sadd.s32 s1, s30  }
0xc3: {  	s0 =	sor.u32 s3, s0;
	s1 =	sshll.u32 s1, $0x11  }
0xc4: {  	s0 =	sor.u32 s1, s0  }
0xc5: {  	s0 =	sadd.s32 $0x8F2B, s0  }
0xc6: {  	[sflag:s0] =	ssyncadd.remote.s32 $0x1  }
0xc7: {  	_ =	sfence.sel $0xFFFF  }
0xc8: {  	[dreg:$0x0] =	wrdreg $0xFFFFFFFF;
	(pc) =	sbr.abs _section_cstart, $3  }
0xc9: {  	[dreg:$0x1] =	wrdreg $0xFFFFFFFF  }
0xca: {  	_ =	task.clear_ibuf [dreg:s9], $0x2FFFF;
	_ =	strace $0x9FFFFFFF  }
0xcb: {  	(tm) =	ssettm $0x7FFFFFFF  }
tec
execute0_lowered:
.L_overlay_start_1:
0x0: {  	(tag) =	ssettag $0x1  }
0x1: {  	s0 =	rddreg [dreg:$0x0]  }
0x2: {  	s1 =	rddreg [dreg:$0x1]  }
0x3: {  	s2 =	rddreg [dreg:$0x2]  }
0x4: {  	s3 =	rddreg [dreg:$0x3]  }
0x5: {  	s4 =	rddreg [dreg:$0x4];
	s12 =	stileid.u32;
	s5 =	simm.s32 $0x0  }
0x6: {  	s7 =	srdreg.scid;
	s30 =	simm.s32 $0x9F00;
	s31 =	simm.s32 $0x8  }
0x7: {  	s6 =	sshrl.u32 s12, $0x3;
	s8 =	sshll.u32 s12, $0x7;
	s13 =	smul.u32 $0x138, s12  }
0x8: {  	s7 =	sand.u32 $0x1, s7;
	[smem:$0x7FF] =	sst s5;
	s22 =	smul.u32 $0x27000, s12  }
0x9: {  	s25 =	sadd.s32 $0x16AA00, s0;
	s23 =	sshll.u32 s12, $0x6;
	s6 =	smul.u32 $0x27800, s6  }
0xa: {  	s8 =	sand.u32 $0x380, s8;
	s9 =	smul.u32 $0x1388, s7;
	s7 =	ssub.s32 $0x2, s7  }
0xb: {  	_ =	strace $0x80000047;
	s21 =	sshrl.u32 s7, $0x1;
	s8 =	sor.u32 s8, s6  }
0xc: {  	s6 =	sadd.s32 $0xB000, s0;
	s10 =	sshrl.u32 s9, $0x3;
	s8 =	sshrl.u32 s8, $0x3  }
0xd: {  	s10 =	sadd.s32 s10, s0;
	s11 =	sadd.s32 s8, s0;
	s0 =	ssub.s32 s7, s21  }
0xe: {  	s19 =	sadd.s32 s1, s8;
	s1 =	sshrl.u32 s22, $0x2;
	s0 =	smax.u32 s0, $0x1  }
0xf: {  	s17 =	sadd.s32 $0x9F00, s13;
	s12 =	sadd.s32 s1, s4;
	[dreg:$0x10] =	wrdreg s0  }
0x10: {  	s20 =	sadd.s32 $0x1200, s11;
	s15 =	sadd.s32 $0x5000, s12;
	[dreg:$0x6] =	wrdreg s12  }
0x11: {  	s11 =	sadd.s32 s13, s9;
	s18 =	sadd.s32 $0x7800, s12;
	[dreg:$0xd] =	wrdreg s15  }
0x12: {  	s24 =	sshll.u32 s11, $0x4;
	s29 =	sadd.s32 $0x2800, s12;
	[dreg:$0x11] =	wrdreg s18  }
0x13: {  	s21 =	sadd.s32 $0xC00, s10;
	s8 =	sadd.s32 s3, s24;
	[dreg:$0xa] =	wrdreg s29  }
0x14: {  	s26 =	sadd.s32 s6, s24;
	s10 =	sadd.s32 $0x500, s8;
	[dreg:$0x8] =	wrdreg s8  }
0x15: {  	s22 =	sor.u32 $0x1C08, s23;
	s14 =	sadd.s32 $0x139200, s26;
	[dreg:$0xb] =	wrdreg s10  }
0x16: {  	s23 =	sadd.s32 $0x138800, s26;
	s16 =	sadd.s32 $0xA00, s8;
	[dreg:$0xc] =	wrdreg s14  }
.Ltmp0:
0x17: {  	v1 =	vmov s17;
	s1 =	sadd.s32 $0x139700, s26;
	[dreg:$0xe] =	wrdreg s16;
	(pc) =	sbr.rel .LBB2_1-.Ltmp0, $4  }
0x18: {  	s24 =	sadd.s32 $0x138D00, s26;
	s26 =	sadd.s32 $0xF00, s8;
	[dreg:$0xf] =	wrdreg s1  }
0x19: {  	s28 =	simm.s32 $0x6;
	s7 =	simm.s32 $0xB400;
	[dreg:$0x12] =	wrdreg s26  }
0x1a: {  	v0 =	vmov s9;
	s9 =	simm.s32 $0x4;
	s13 =	simm.s32 $0x0;
	[dreg:$0x7] =	wrdreg s23  }
0x1b: {  	v2 =	vimm.s32 $0x0;
	v3 =	vimm.s32 $0x1388;
	v4 =	vlaneseq.u32;
	s26 =	simm.s32 $0x80;
	s10 =	simm.s32 $0xB300;
	[dreg:$0x9] =	wrdreg s24  }
.LBB2_24:
0x1c: {  	[sflag:s28] =	ssyncadd.s32 $0xFFFFC000  }
.LBB2_25:
0x1d: {  	s13 =	sadd.s32 $0x1, s13;
	s0 =	rddreg [dreg:$0x10]  }
0x1e: {  	p0 =	sne.s32 s13, s0  }
.Ltmp1:
0x1f: {  	_ = 	snop;
	(pc) =	sbr.rel @!p0 .LBB2_26-.Ltmp1, $1  }
0x20: {  	_ =	sdelay $0x3  }
.LBB2_1:
0x21: {  	s0 =	simm.s32 $0x400  }
0x22: {  	[tilespmem:s5], [sflag:$0x1] =	stream.strided.gather [hbm4b:s19+s26], $0x4F00, s0, s26, $0x38;
	[tilespmem:$0x1D480] =	vst v63  }
0x23: {  	s1 =	simm.s32 $0x4F80  }
0x24: {  	[tilespmem:s1], [sflag:$0x2] =	stream.strided.gather [hbm4b:s20+s26], $0x4F00, s0, s26, $0x38;
	[tilespmem:$0x1D480] =	vst v63  }
0x25: {  	s14 =	sshrl.u32 s12, $0x3  }
0x26: {  	[tilespmem:s30], [sflag:$0x3] =	stream.linear.gather [hbm4b:s21+s5], $0x1400, $0x38;
	[tilespmem:$0x1D480] =	vst v63  }
0x27: {  	[spmem:s14], [sflag:s22] =	dma.local [hbm:s25], $0x1400  }
0x28: {  	_ =	swait.ge [sflag:s31], $0x1400  }
0x29: {  	[sflag:s31] =	ssyncset.done $0x0  }
0x2a: {  	s15 =	simm.s32 $0x1;
	[sflag:s31] =	ssyncadd.s32 $0xFFFFEC00  }
0x2b: {  	_ =	swait.ge [sflag:s15], $0x4F00  }
0x2c: {  	[sflag:s15] =	ssyncset.done $0x0  }
0x2d: {  	s16 =	simm.s32 $0x2;
	[sflag:s15] =	ssyncadd.s32 $0xFFFFB100  }
0x2e: {  	_ =	swait.ge [sflag:s16], $0x4F00  }
0x2f: {  	[sflag:s16] =	ssyncset.done $0x0  }
0x30: {  	s17 =	simm.s32 $0x3;
	[sflag:s16] =	ssyncadd.s32 $0xFFFFB100  }
0x31: {  	_ =	swait.ge [sflag:s17], $0x1400  }
0x32: {  	[sflag:s17] =	ssyncset.done $0x0  }
0x33: {  	s18 =	simm.s32 $0x0;
	[sflag:s17] =	ssyncadd.s32 $0xFFFFEC00  }
0x34: {  	v5 =	vld [tilespmem:s18+$0x4F80];
	_ =	sdelay $0x4  }
0x35: {  	v5 =	vsub.s32 v5, v0  }
0x36: {  	vm0 =	vlt.u32 v5, $0x1388  }
0x37: {  	v6 =	vnsel vm0, $0x0, v5;
	_ =	sdelay $0x4  }
0x38: {  	v6 =	vld.idx.msk [tilespmem:v6+s30+$0x0], $0xffff;
	_ =	sdelay $0x4  }
0x39: {  	v7 =	vld [tilespmem:s18+$0x0];
	vm1 =	veq.s32 v6, $0xFFFFFFFF  }
0x3a: {  	vm0 =	vmand vm0, vm1  }
0x3b: {  	v6 =	vsel vm0, $0x1, v2  }
0x3c: {  	(xrf0) =	vadd.scan.msk.s32 $0xffff, v6  }
0x3d: {  	[tilespmem:s5+$0x4F80] =	vst.msk vm0, v5  }
0x3e: {  	s14 =	simm.s32 $0x0;
	s16 =	simm.s32 $0x10;
	s17 =	simm.s32 $0x80;
	[tilespmem:s5+$0x0] =	vst.msk vm0, v7  }
.LBB2_2:
0x3f: {  	p0 =	sne.s32 s17, $0x13BC0;
	v5 =	vld [tilespmem:s16+$0x4F80];
	_ =	sdelay $0x2  }
0x40: {  	v6, _, _ =	vpop (xrf0)  }
0x41: {  	(v2sf) =	vpush v6, $0xF  }
0x42: {  	v5 =	vsub.s32 v5, v0  }
0x43: {  	vm0 =	vlt.u32 v5, $0x1388  }
0x44: {  	v6 =	vnsel vm0, $0x0, v5;
	_ =	sdelay $0x4  }
0x45: {  	v6 =	vld.idx.msk [tilespmem:v6+s30+$0x0], $0xffff;
	_ =	sdelay $0x4  }
0x46: {  	v7 =	vld [tilespmem:s16+$0x0]  }
0x47: {  	vm1 =	veq.s32 v6, $0xFFFFFFFF  }
.Ltmp2:
0x48: {  	vm0 =	vmand vm0, vm1;
	s16 =	spop (v2sf);
	(pc) =	sbr.rel @p0 .LBB2_2-.Ltmp2, $4  }
0x49: {  	v6 =	vsel vm0, $0x1, v2;
	s14 =	sadd.s32 s14, s16  }
0x4a: {  	[tilespmem:s14+$0x4F80] =	vst.msk vm0, v5;
	(xrf0) =	vadd.scan.msk.s32 $0xffff, v6  }
0x4b: {  	[tilespmem:s14+$0x0] =	vst.msk vm0, v7  }
0x4c: {  	s16 =	sshra.s32 s17, $0x2;
	s17 =	sadd.s32 $0x40, s17  }
0x4d: {  	v5 =	vld [tilespmem:s16+$0x4F80];
	_ =	sdelay $0x4  }
0x4e: {  	v5 =	vsub.s32 v5, v0  }
0x4f: {  	vm0 =	vlt.u32 v5, $0x1388  }
0x50: {  	v6 =	vnsel vm0, $0x0, v5;
	_ =	sdelay $0x4  }
0x51: {  	v6 =	vld.idx.msk [tilespmem:v6+s30+$0x0], $0xffff;
	_ =	sdelay $0x4  }
0x52: {  	vm1 =	veq.s32 v6, $0xFFFFFFFF  }
0x53: {  	vm0 =	vmand vm0, vm1  }
0x54: {  	v6 =	vsel vm0, $0x1, v2  }
0x55: {  	(xrf0) =	vadd.scan.msk.s32 $0xffff, v6;
	_ =	sdelay $0x3  }
0x56: {  	v6, _, _ =	vpop (xrf0)  }
0x57: {  	(v2sf) =	vpush v6, $0xF  }
0x58: {  	v6, _, _ =	vpop (xrf0)  }
0x59: {  	(v2sf) =	vpush v6, $0xF;
	_ =	sdelay $0xa  }
0x5a: {  	v6 =	vld [tilespmem:s16+$0x0];
	_ =	sdelay $0x1  }
0x5b: {  	s17 =	spop (v2sf)  }
0x5c: {  	s14 =	sadd.s32 s14, s17  }
0x5d: {  	[tilespmem:s14+$0x4F80] =	vst.msk vm0, v5;
	s18 =	spop (v2sf)  }
0x5e: {  	[tilespmem:s14+$0x0] =	vst.msk vm0, v6;
	s14 =	sadd.s32 s14, s18  }
0x5f: {  	[tilespmem:s14+$0x0] =	vst v2  }
0x60: {  	[tilespmem:s14+$0x4F80] =	vst v3  }
0x61: {  	[tilespmem:s14+$0x10] =	vst v2  }
0x62: {  	[tilespmem:s14+$0x4F90] =	vst v3  }
0x63: {  	[tilespmem:s14+$0x20] =	vst v2  }
0x64: {  	[tilespmem:s14+$0x4FA0] =	vst v3  }
0x65: {  	[tilespmem:s14+$0x30] =	vst v2  }
0x66: {  	[tilespmem:s14+$0x4FB0] =	vst v3  }
0x67: {  	[tilespmem:s14+$0x40] =	vst v2  }
0x68: {  	[tilespmem:s14+$0x4FC0] =	vst v3;
	s16 =	sadd.s32 $0x7F, s14  }
0x69: {  	[tilespmem:s14+$0x50] =	vst v2;
	s17 =	sand.u32 $0x7F, s16  }
0x6a: {  	[tilespmem:s14+$0x4FD0] =	vst v3;
	s18 =	sshra.s32 s16, $0x1F;
	p0 =	slt.s32 s16, $0x1;
	p1 =	sne.s32 s17, $0x0  }
0x6b: {  	[tilespmem:s14+$0x60] =	vst v2;
	s0 =	sshrl.u32 s18, $0x19;
	p0 =	por !p0, !p1  }
0x6c: {  	[tilespmem:s14+$0x4FE0] =	vst v3;
	s17 =	simm.s32 $0x1;
	s16 =	sadd.s32 s0, s16;
	p0 =	por !p0, !p0  }
0x6d: {  	[tilespmem:s14+$0x70] =	vst v2;
	s16 =	sshra.s32 s16, $0x7;
	s17 =	simm.s32 @!p0 $0x0  }
0x6e: {  	[tilespmem:s14+$0x4FF0] =	vst v3;
	s14 =	ssub.s32 s16, s17  }
0x6f: {  	p0 =	slt.s32 s14, $0x1  }
0x70: {  	[bflag:$0x0] =	sbarrier.arrive $0xFFFF;
	s1 =	sadd.s32 $0x1, s14;
	s16 =	simm.s32 @!p0 $0x80  }
0x71: {  	s17 =	simm.s32 @!p0 $0x0;
	s18 =	simm.s32 @!p0 $0xB400;
	p1 =	seq.s32 @!p0 s14, $0x1  }
0x72: {  	[tilespmem:s18], [sflag:$0x4] =	stream.indirect.gather @!p0 [hbm4b:s6+s16], $0x80, s17, s16, $0xb8;
	[tilespmem:$0x1D480] =	vst v63  }
0x73: {  	p5 =	slt.s32 s14, $0x0;
	s15 =	sand.u32 $0x1, s1;
	p0 =	por p1, p0  }
0x74: {  	p6 =	seq.s32 s15, $0x1;
	s16 =	simm.s32 @!p0 $0x80;
	s17 =	simm.s32 @!p0 $0xF400  }
0x75: {  	[tilespmem:s17], [sflag:$0x5] =	stream.indirect.gather @!p0 [hbm4b:s6+s16], $0x80, s16, s16, $0xb8;
	[tilespmem:$0x1D480] =	vst v63  }
0x76: {  	s18 =	sshrl.u32 s1, $0x1F;
	p0 =	por !p5, !p6  }
0x77: {  	s16 =	sadd.s32 s18, s1;
	s18 =	simm.s32 $0x1;
	p0 =	por !p0, !p0  }
0x78: {  	s17 =	sshra.s32 s16, $0x1;
	s18 =	simm.s32 @!p0 $0x0  }
0x79: {  	s16 =	ssub.s32 s17, s18  }
0x7a: {  	p1 =	slt.s32 s16, $0x2  }
.Ltmp3:
0x7b: {  	_ = 	snop;
	(pc) =	sbr.rel @p1 .LBB2_11-.Ltmp3, $1  }
0x7c: {  	_ =	sdelay $0x3  }
0x7d: {  	s18 =	simm.s32 $0xFFFFFFFF  }
0x7e: {  	s18 =	simm.s32 @!p0 $0x0  }
0x7f: {  	s17 =	sadd.s32 s18, s17  }
0x80: {  	s17 =	sadd.s32 $0xFFFFFFFF, s17  }
0x81: {  	s29 =	smov.u32 s19;
	s19 =	sadd.s32 $0xFFFFFFFF, s17  }
0x82: {  	p1 =	sne.s32 s19, $0x0  }
.Ltmp4:
0x83: {  	_ = 	snop;
	(pc) =	sbr.rel @!p1 .LBB2_5-.Ltmp4, $4  }
0x84: {  	_ = 	snop  }
0x85: {  	s12 =	smov.u32 s11;
	s11 =	smov.u32 s22;
	s8 =	smov.u32 s21  }
0x86: {  	s5 =	smov.u32 s20;
	s21 =	simm.s32 $0x100;
	p2 =	sle.s32 s14, $0x0  }
0x87: {  	p0 =	por $0x0, $0x0;
	s18 =	simm.s32 $0x3;
	s17 =	simm.s32 $0x5000  }
0x88: {  	s18 =	simm.s32 @!p2 $0x4  }
0x89: {  	_ =	swait.ge @!p2 [sflag:s18], $0x4000  }
0x8a: {  	[sflag:s18] =	ssyncset.done @!p2 $0x0  }
0x8b: {  	[sflag:s18] =	ssyncadd.s32 @!p2 $0xFFFFC000  }
0x8c: {  	v5 =	vld @!p2 [tilespmem:s17+$0xFFFFFF80];
	_ =	sdelay $0x4  }
0x8d: {  	[tilespmem:$0xB300] =	vst @!p2 v5  }
0x8e: {  	v5 =	vld @!p2 [tilespmem:s17+$0xFFFFFF90];
	_ =	sdelay $0x4  }
0x8f: {  	[tilespmem:$0xB310] =	vst @!p2 v5  }
0x90: {  	v5 =	vld @!p2 [tilespmem:s17+$0xFFFFFFA0];
	_ =	sdelay $0x4  }
0x91: {  	[tilespmem:$0xB320] =	vst @!p2 v5  }
0x92: {  	v5 =	vld @!p2 [tilespmem:s17+$0xFFFFFFB0];
	_ =	sdelay $0x4  }
0x93: {  	[tilespmem:$0xB330] =	vst @!p2 v5  }
0x94: {  	v5 =	vld @!p2 [tilespmem:s17+$0xFFFFFFC0];
	_ =	sdelay $0x4  }
0x95: {  	[tilespmem:$0xB340] =	vst @!p2 v5  }
0x96: {  	v5 =	vld @!p2 [tilespmem:s17+$0xFFFFFFD0];
	_ =	sdelay $0x4  }
0x97: {  	[tilespmem:$0xB350] =	vst @!p2 v5  }
0x98: {  	v5 =	vld @!p2 [tilespmem:s17+$0xFFFFFFE0];
	_ =	sdelay $0x4  }
0x99: {  	[tilespmem:$0xB360] =	vst @!p2 v5  }
0x9a: {  	v5 =	vld @!p2 [tilespmem:s17+$0xFFFFFFF0];
	_ =	sdelay $0x3  }
0x9b: {  	p0 =	sle.s32 s14, $0x1;
	s20 =	simm.s32 @!p2 $0x80  }
0x9c: {  	s22 =	simm.s32 @!p2 $0xB300;
	s23 =	simm.s32 @!p0 $0x5;
	s18 =	simm.s32 @!p2 $0xB400;
	[tilespmem:$0xB370] =	vst @!p2 v5  }
0x9d: {  	[spmem:s4] =	stream.indirect.scatter.add.f32 @!p2 [tilespmem:s18], [sflag:$0x6], $0x80, s22, s20, $0xb8;
	[tilespmem:$0x1D480] =	vst v63  }
0x9e: {  	_ =	swait.ge @!p0 [sflag:s23], $0x4000  }
0x9f: {  	[sflag:s23] =	ssyncset.done @!p0 $0x0  }
0xa0: {  	[sflag:s23] =	ssyncadd.s32 @!p0 $0xFFFFC000  }
0xa1: {  	v5 =	vld @!p0 [tilespmem:s17+$0x0];
	_ =	sdelay $0x4  }
0xa2: {  	[tilespmem:$0xB380] =	vst @!p0 v5  }
0xa3: {  	v5 =	vld @!p0 [tilespmem:s17+$0x10];
	_ =	sdelay $0x4  }
0xa4: {  	[tilespmem:$0xB390] =	vst @!p0 v5  }
0xa5: {  	v5 =	vld @!p0 [tilespmem:s17+$0x20];
	_ =	sdelay $0x4  }
0xa6: {  	[tilespmem:$0xB3A0] =	vst @!p0 v5  }
0xa7: {  	v5 =	vld @!p0 [tilespmem:s17+$0x30];
	_ =	sdelay $0x4  }
0xa8: {  	[tilespmem:$0xB3B0] =	vst @!p0 v5  }
0xa9: {  	v5 =	vld @!p0 [tilespmem:s17+$0x40];
	_ =	sdelay $0x4  }
0xaa: {  	[tilespmem:$0xB3C0] =	vst @!p0 v5  }
0xab: {  	v5 =	vld @!p0 [tilespmem:s17+$0x50];
	_ =	sdelay $0x4  }
0xac: {  	[tilespmem:$0xB3D0] =	vst @!p0 v5  }
0xad: {  	v5 =	vld @!p0 [tilespmem:s17+$0x60];
	_ =	sdelay $0x4  }
0xae: {  	[tilespmem:$0xB3E0] =	vst @!p0 v5  }
0xaf: {  	v5 =	vld @!p0 [tilespmem:s17+$0x70];
	_ =	sdelay $0x2  }
0xb0: {  	s1 =	smov.u32 s25;
	s19 =	sadd.s32 $0xFFFFFFFF, s19;
	p3 =	sle.s32 s14, $0x3  }
0xb1: {  	p1 =	sne.s32 s19, $0x0;
	p2 =	sle.s32 s14, $0x2;
	s18 =	simm.s32 @!p0 $0xB380  }
0xb2: {  	s20 =	simm.s32 @!p0 $0xF400;
	s22 =	simm.s32 @!p2 $0x6;
	s17 =	simm.s32 @!p0 $0x80;
	[tilespmem:$0xB3F0] =	vst @!p0 v5  }
0xb3: {  	[spmem:s4] =	stream.indirect.scatter.add.f32 @!p0 [tilespmem:s20], [sflag:$0x7], $0x80, s18, s17, $0xb8;
	[tilespmem:$0x1D480] =	vst v63  }
0xb4: {  	s24 =	simm.s32 @!p2 $0x80;
	s23 =	simm.s32 @!p2 $0xB400;
	_ =	swait.ge @!p2 [sflag:s22], $0x4000  }
.Ltmp5:
0xb5: {  	s17 =	simm.s32 $0x5100;
	[sflag:s22] =	ssyncset.done @!p2 $0x0;
	(pc) =	sbr.rel @!p1 .LBB2_7-.Ltmp5, $4  }
0xb6: {  	s20 =	simm.s32 $0x200;
	s18 =	simm.s32 $0x5;
	[sflag:s22] =	ssyncadd.s32 @!p2 $0xFFFFC000  }
0xb7: {  	[tilespmem:s23], [sflag:$0x4] =	stream.indirect.gather @!p2 [hbm4b:s6+s24], $0x80, s21, s24, $0xb8;
	[tilespmem:$0x1D480] =	vst v63  }
0xb8: {  	p0 =	por $0x1, $0x1;
	s22 =	simm.s32 @!p3 $0x80;
	s23 =	simm.s32 @!p3 $0x7  }
0xb9: {  	p2 =	sle.s32 s14, $0x2;
	s24 =	simm.s32 @!p3 $0x180;
	_ =	swait.ge @!p3 [sflag:s23], $0x4000  }
.LBB2_8:
0xba: {  	s25 =	simm.s32 @!p2 $0x4;
	[sflag:s23] =	ssyncset.done @!p3 $0x0;
	s15 =	simm.s32 @!p3 $0xF400  }
0xbb: {  	s19 =	sadd.s32 $0xFFFFFFFF, s19;
	s21 =	smov.u32 s20;
	[sflag:s23] =	ssyncadd.s32 @!p3 $0xFFFFC000  }
0xbc: {  	[tilespmem:s15], [sflag:$0x5] =	stream.indirect.gather @!p3 [hbm4b:s6+s22], $0x80, s24, s22, $0xb8;
	[tilespmem:$0x1D480] =	vst v63  }
0xbd: {  	p1 =	sne.s32 s19, $0x0;
	s22 =	smov.u32 s18;
	_ =	swait.ge @!p2 [sflag:s25], $0x4000  }
0xbe: {  	[sflag:s25] =	ssyncset.done @!p2 $0x0  }
0xbf: {  	[sflag:s25] =	ssyncadd.s32 @!p2 $0xFFFFC000  }
0xc0: {  	v5 =	vld @!p2 [tilespmem:s17+$0xFFFFFF80];
	_ =	sdelay $0x4  }
0xc1: {  	[tilespmem:$0xB300] =	vst @!p2 v5  }
0xc2: {  	v5 =	vld @!p2 [tilespmem:s17+$0xFFFFFF90];
	_ =	sdelay $0x4  }
0xc3: {  	[tilespmem:$0xB310] =	vst @!p2 v5  }
0xc4: {  	v5 =	vld @!p2 [tilespmem:s17+$0xFFFFFFA0];
	_ =	sdelay $0x4  }
0xc5: {  	[tilespmem:$0xB320] =	vst @!p2 v5  }
0xc6: {  	v5 =	vld @!p2 [tilespmem:s17+$0xFFFFFFB0];
	_ =	sdelay $0x4  }
0xc7: {  	[tilespmem:$0xB330] =	vst @!p2 v5  }
0xc8: {  	v5 =	vld @!p2 [tilespmem:s17+$0xFFFFFFC0];
	_ =	sdelay $0x4  }
0xc9: {  	[tilespmem:$0xB340] =	vst @!p2 v5  }
0xca: {  	v5 =	vld @!p2 [tilespmem:s17+$0xFFFFFFD0];
	_ =	sdelay $0x4  }
0xcb: {  	[tilespmem:$0xB350] =	vst @!p2 v5  }
0xcc: {  	v5 =	vld @!p2 [tilespmem:s17+$0xFFFFFFE0];
	_ =	sdelay $0x4  }
0xcd: {  	[tilespmem:$0xB360] =	vst @!p2 v5  }
0xce: {  	v5 =	vld @!p2 [tilespmem:s17+$0xFFFFFFF0];
	_ =	sdelay $0x2  }
0xcf: {  	s23 =	sadd.s32 $0xFFFFFFFE, s18;
	s15 =	simm.s32 @!p2 $0xB400  }
0xd0: {  	s24 =	simm.s32 @!p2 $0x80;
	p3 =	sge.s32 s23, s14;
	s25 =	simm.s32 @!p2 $0xB300  }
0xd1: {  	s23 =	simm.s32 @!p3 $0x5;
	[tilespmem:$0xB370] =	vst @!p2 v5  }
0xd2: {  	[spmem:s4] =	stream.indirect.scatter.add.f32 @!p2 [tilespmem:s15], [sflag:$0x6], $0x80, s25, s24, $0xb8;
	[tilespmem:$0x1D480] =	vst v63  }
0xd3: {  	_ =	swait.ge @!p3 [sflag:s23], $0x4000  }
0xd4: {  	[sflag:s23] =	ssyncset.done @!p3 $0x0  }
0xd5: {  	[sflag:s23] =	ssyncadd.s32 @!p3 $0xFFFFC000  }
0xd6: {  	v5 =	vld @!p3 [tilespmem:s17+$0x0];
	_ =	sdelay $0x4  }
0xd7: {  	[tilespmem:$0xB380] =	vst @!p3 v5  }
0xd8: {  	v5 =	vld @!p3 [tilespmem:s17+$0x10];
	_ =	sdelay $0x4  }
0xd9: {  	[tilespmem:$0xB390] =	vst @!p3 v5  }
0xda: {  	v5 =	vld @!p3 [tilespmem:s17+$0x20];
	_ =	sdelay $0x4  }
0xdb: {  	[tilespmem:$0xB3A0] =	vst @!p3 v5  }
0xdc: {  	v5 =	vld @!p3 [tilespmem:s17+$0x30];
	_ =	sdelay $0x4  }
0xdd: {  	[tilespmem:$0xB3B0] =	vst @!p3 v5  }
0xde: {  	v5 =	vld @!p3 [tilespmem:s17+$0x40];
	_ =	sdelay $0x4  }
0xdf: {  	[tilespmem:$0xB3C0] =	vst @!p3 v5  }
0xe0: {  	v5 =	vld @!p3 [tilespmem:s17+$0x50];
	_ =	sdelay $0x4  }
0xe1: {  	[tilespmem:$0xB3D0] =	vst @!p3 v5  }
0xe2: {  	v5 =	vld @!p3 [tilespmem:s17+$0x60];
	_ =	sdelay $0x4  }
0xe3: {  	[tilespmem:$0xB3E0] =	vst @!p3 v5  }
0xe4: {  	v5 =	vld @!p3 [tilespmem:s17+$0x70];
	_ =	sdelay $0x1  }
0xe5: {  	s17 =	sadd.s32 $0x100, s17  }
0xe6: {  	s20 =	sadd.s32 $0x100, s20;
	s18 =	sadd.s32 $0x2, s18;
	s15 =	sadd.s32 $0xFFFFFFFF, s22  }
0xe7: {  	s24 =	simm.s32 @!p3 $0xB380;
	p2 =	sge.s32 s15, s14;
	s23 =	simm.s32 @!p3 $0x80  }
0xe8: {  	s15 =	simm.s32 @!p3 $0xF400;
	s25 =	simm.s32 @!p2 $0x6;
	s0 =	simm.s32 @!p2 $0xB400;
	[tilespmem:$0xB3F0] =	vst @!p3 v5  }
0xe9: {  	[spmem:s4] =	stream.indirect.scatter.add.f32 @!p3 [tilespmem:s15], [sflag:$0x7], $0x80, s24, s23, $0xb8;
	[tilespmem:$0x1D480] =	vst v63  }
.Ltmp6:
0xea: {  	p3 =	sge.s32 s22, s14;
	_ =	swait.ge @!p2 [sflag:s25], $0x4000;
	(pc) =	sbr.rel @p1 .LBB2_8-.Ltmp6, $4  }
0xeb: {  	s15 =	simm.s32 @!p2 $0x80;
	s22 =	simm.s32 @!p3 $0x80;
	[sflag:s25] =	ssyncset.done @!p2 $0x0  }
0xec: {  	s24 =	sadd.s32 $0xFFFFFFFD, s18;
	s23 =	simm.s32 @!p3 $0x7;
	[sflag:s25] =	ssyncadd.s32 @!p2 $0xFFFFC000  }
0xed: {  	[tilespmem:s0], [sflag:$0x4] =	stream.indirect.gather @!p2 [hbm4b:s6+s15], $0x80, s21, s15, $0xb8;
	[tilespmem:$0x1D480] =	vst v63  }
0xee: {  	p2 =	sge.s32 s24, s14;
	s24 =	sadd.s32 @!p3 $0x80, s21;
	_ =	swait.ge @!p3 [sflag:s23], $0x4000  }
0xef: {  	s21 =	smov.u32 s20;
	s25 =	smov.u32 s1  }
.LBB2_10:
0xf0: {  	p0 =	por p3, !p0  }
0xf1: {  	[sflag:s23] =	ssyncset.done @!p0 $0x0  }
0xf2: {  	s0 =	simm.s32 @!p2 $0x4;
	s15 =	simm.s32 @!p0 $0xF400;
	[sflag:s23] =	ssyncadd.s32 @!p0 $0xFFFFC000  }
0xf3: {  	[tilespmem:s15], [sflag:$0x5] =	stream.indirect.gather @!p0 [hbm4b:s6+s22], $0x80, s24, s22, $0xb8;
	[tilespmem:$0x1D480] =	vst v63  }
0xf4: {  	_ =	swait.ge @!p2 [sflag:s0], $0x4000  }
0xf5: {  	[sflag:s0] =	ssyncset.done @!p2 $0x0  }
0xf6: {  	[sflag:s0] =	ssyncadd.s32 @!p2 $0xFFFFC000  }
0xf7: {  	v5 =	vld @!p2 [tilespmem:s17+$0xFFFFFF80];
	_ =	sdelay $0x4  }
0xf8: {  	[tilespmem:$0xB300] =	vst @!p2 v5  }
0xf9: {  	v5 =	vld @!p2 [tilespmem:s17+$0xFFFFFF90];
	_ =	sdelay $0x4  }
0xfa: {  	[tilespmem:$0xB310] =	vst @!p2 v5  }
0xfb: {  	v5 =	vld @!p2 [tilespmem:s17+$0xFFFFFFA0];
	_ =	sdelay $0x4  }
0xfc: {  	[tilespmem:$0xB320] =	vst @!p2 v5  }
0xfd: {  	v5 =	vld @!p2 [tilespmem:s17+$0xFFFFFFB0];
	_ =	sdelay $0x4  }
0xfe: {  	[tilespmem:$0xB330] =	vst @!p2 v5  }
0xff: {  	v5 =	vld @!p2 [tilespmem:s17+$0xFFFFFFC0];
	_ =	sdelay $0x4  }
0x100: {  	[tilespmem:$0xB340] =	vst @!p2 v5  }
0x101: {  	v5 =	vld @!p2 [tilespmem:s17+$0xFFFFFFD0];
	_ =	sdelay $0x4  }
0x102: {  	[tilespmem:$0xB350] =	vst @!p2 v5  }
0x103: {  	v5 =	vld @!p2 [tilespmem:s17+$0xFFFFFFE0];
	_ =	sdelay $0x4  }
0x104: {  	[tilespmem:$0xB360] =	vst @!p2 v5  }
0x105: {  	v5 =	vld @!p2 [tilespmem:s17+$0xFFFFFFF0];
	_ =	sdelay $0x2  }
0x106: {  	s23 =	sadd.s32 $0xFFFFFFFE, s18  }
0x107: {  	s19 =	simm.s32 @!p2 $0xB300;
	p0 =	sge.s32 s23, s14  }
0x108: {  	s15 =	simm.s32 @!p2 $0xB400;
	s20 =	simm.s32 @!p0 $0x5;
	s0 =	simm.s32 @!p2 $0x80;
	[tilespmem:$0xB370] =	vst @!p2 v5  }
0x109: {  	[spmem:s4] =	stream.indirect.scatter.add.f32 @!p2 [tilespmem:s15], [sflag:$0x6], $0x80, s19, s0, $0xb8;
	[tilespmem:$0x1D480] =	vst v63  }
0x10a: {  	_ =	swait.ge @!p0 [sflag:s20], $0x4000  }
0x10b: {  	[sflag:s20] =	ssyncset.done @!p0 $0x0  }
0x10c: {  	[sflag:s20] =	ssyncadd.s32 @!p0 $0xFFFFC000  }
0x10d: {  	v5 =	vld @!p0 [tilespmem:s17+$0x0];
	_ =	sdelay $0x4  }
0x10e: {  	[tilespmem:$0xB380] =	vst @!p0 v5  }
0x10f: {  	v5 =	vld @!p0 [tilespmem:s17+$0x10];
	_ =	sdelay $0x4  }
0x110: {  	[tilespmem:$0xB390] =	vst @!p0 v5  }
0x111: {  	v5 =	vld @!p0 [tilespmem:s17+$0x20];
	_ =	sdelay $0x4  }
0x112: {  	[tilespmem:$0xB3A0] =	vst @!p0 v5  }
0x113: {  	v5 =	vld @!p0 [tilespmem:s17+$0x30];
	_ =	sdelay $0x4  }
0x114: {  	[tilespmem:$0xB3B0] =	vst @!p0 v5  }
0x115: {  	v5 =	vld @!p0 [tilespmem:s17+$0x40];
	_ =	sdelay $0x4  }
0x116: {  	[tilespmem:$0xB3C0] =	vst @!p0 v5  }
0x117: {  	v5 =	vld @!p0 [tilespmem:s17+$0x50];
	_ =	sdelay $0x4  }
0x118: {  	[tilespmem:$0xB3D0] =	vst @!p0 v5  }
0x119: {  	v5 =	vld @!p0 [tilespmem:s17+$0x60];
	_ =	sdelay $0x4  }
0x11a: {  	[tilespmem:$0xB3E0] =	vst @!p0 v5  }
0x11b: {  	v5 =	vld @!p0 [tilespmem:s17+$0x70];
	_ =	sdelay $0x2  }
0x11c: {  	s24 =	sadd.s32 $0xFFFFFFFF, s18  }
0x11d: {  	p1 =	sge.s32 s24, s14;
	s15 =	simm.s32 @!p0 $0x80  }
0x11e: {  	s0 =	simm.s32 @!p0 $0xB380;
	s19 =	simm.s32 @!p1 $0x6;
	s17 =	simm.s32 @!p0 $0xF400;
	[tilespmem:$0xB3F0] =	vst @!p0 v5  }
0x11f: {  	[spmem:s4] =	stream.indirect.scatter.add.f32 @!p0 [tilespmem:s17], [sflag:$0x7], $0x80, s0, s15, $0xb8;
	[tilespmem:$0x1D480] =	vst v63  }
0x120: {  	_ =	swait.ge @!p1 [sflag:s19], $0x4000  }
0x121: {  	s0 =	simm.s32 @!p1 $0xB400;
	p0 =	sge.s32 s18, s14;
	[sflag:s19] =	ssyncset.done @!p1 $0x0  }
0x122: {  	s15 =	simm.s32 @!p1 $0x80;
	s17 =	simm.s32 @!p0 $0x7;
	[sflag:s19] =	ssyncadd.s32 @!p1 $0xFFFFC000  }
0x123: {  	[tilespmem:s0], [sflag:$0x4] =	stream.indirect.gather @!p1 [hbm4b:s6+s15], $0x80, s21, s15, $0xb8;
	[tilespmem:$0x1D480] =	vst v63  }
0x124: {  	s22 =	smov.u32 s11;
	_ =	swait.ge @!p0 [sflag:s17], $0x4000  }
0x125: {  	s11 =	smov.u32 s12;
	s20 =	smov.u32 s5;
	s12 =	rddreg [dreg:$0x6]  }
0x126: {  	s5 =	simm.s32 $0x0;
	s18 =	simm.s32 @!p0 $0xF400;
	s23 =	rddreg [dreg:$0x7]  }
0x127: {  	s15 =	sadd.s32 @!p0 $0x80, s21;
	s21 =	smov.u32 s8;
	s8 =	rddreg [dreg:$0x8]  }
0x128: {  	s19 =	smov.u32 s29;
	[sflag:s17] =	ssyncset.done @!p0 $0x0;
	s24 =	rddreg [dreg:$0x9]  }
0x129: {  	s0 =	simm.s32 @!p0 $0x80;
	s29 =	rddreg [dreg:$0xa];
	[sflag:s17] =	ssyncadd.s32 @!p0 $0xFFFFC000  }
0x12a: {  	[tilespmem:s18], [sflag:$0x5] =	stream.indirect.gather @!p0 [hbm4b:s6+s0], $0x80, s15, s0, $0xb8;
	[tilespmem:$0x1D480] =	vst v63  }
.LBB2_11:
0x12b: {  	s0 =	sadd.s32 $0xFFFFFFFF, s16  }
0x12c: {  	s15 =	sshll.u32 s0, $0x1  }
0x12d: {  	p1 =	sgt.s32 s16, $0x0;
	p0 =	slt.s32 s15, s14  }
0x12e: {  	p0 =	por !p1, !p0  }
0x12f: {  	p0 =	por !p0, !p0  }
0x130: {  	s16 =	simm.s32 @p0 $0x4  }
0x131: {  	_ =	swait.ge @p0 [sflag:s16], $0x4000  }
0x132: {  	s0 =	sshll.u32 @p0 s0, $0xA;
	[sflag:s16] =	ssyncset.done @p0 $0x0  }
0x133: {  	s0 =	sshra.s32 @p0 s0, $0x2;
	[sflag:s16] =	ssyncadd.s32 @p0 $0xFFFFC000  }
0x134: {  	v5 =	vld @p0 [tilespmem:s0+$0x4F80];
	_ =	sdelay $0x4  }
0x135: {  	[tilespmem:$0xB300] =	vst @p0 v5  }
0x136: {  	v5 =	vld @p0 [tilespmem:s0+$0x4F90];
	_ =	sdelay $0x4  }
0x137: {  	[tilespmem:$0xB310] =	vst @p0 v5  }
0x138: {  	v5 =	vld @p0 [tilespmem:s0+$0x4FA0];
	_ =	sdelay $0x4  }
0x139: {  	[tilespmem:$0xB320] =	vst @p0 v5  }
0x13a: {  	v5 =	vld @p0 [tilespmem:s0+$0x4FB0];
	_ =	sdelay $0x4  }
0x13b: {  	[tilespmem:$0xB330] =	vst @p0 v5  }
0x13c: {  	v5 =	vld @p0 [tilespmem:s0+$0x4FC0];
	_ =	sdelay $0x4  }
0x13d: {  	[tilespmem:$0xB340] =	vst @p0 v5  }
0x13e: {  	v5 =	vld @p0 [tilespmem:s0+$0x4FD0];
	_ =	sdelay $0x4  }
0x13f: {  	[tilespmem:$0xB350] =	vst @p0 v5  }
0x140: {  	v5 =	vld @p0 [tilespmem:s0+$0x4FE0];
	_ =	sdelay $0x4  }
0x141: {  	[tilespmem:$0xB360] =	vst @p0 v5  }
0x142: {  	v5 =	vld @p0 [tilespmem:s0+$0x4FF0];
	_ =	sdelay $0x4  }
0x143: {  	s17 =	simm.s32 @p0 $0xB400;
	s16 =	simm.s32 @p0 $0xB300;
	s0 =	simm.s32 @p0 $0x80;
	[tilespmem:$0xB370] =	vst @p0 v5  }
0x144: {  	[spmem:s4] =	stream.indirect.scatter.add.f32 @p0 [tilespmem:s17], [sflag:$0x6], $0x80, s16, s0, $0xb8;
	[tilespmem:$0x1D480] =	vst v63  }
0x145: {  	s0 =	sor.u32 $0x1, s15  }
0x146: {  	p2 =	slt.s32 s0, s14  }
0x147: {  	p1 =	por !p1, !p2  }
0x148: {  	p1 =	por !p1, !p1  }
0x149: {  	s14 =	simm.s32 @p1 $0x5  }
0x14a: {  	_ =	swait.ge @p1 [sflag:s14], $0x4000  }
0x14b: {  	s0 =	sshll.u32 @p1 s0, $0x9;
	[sflag:s14] =	ssyncset.done @p1 $0x0  }
0x14c: {  	s0 =	sshra.s32 @p1 s0, $0x2;
	[sflag:s14] =	ssyncadd.s32 @p1 $0xFFFFC000  }
0x14d: {  	v5 =	vld @p1 [tilespmem:s0+$0x4F80];
	_ =	sdelay $0x4  }
0x14e: {  	[tilespmem:$0xB380] =	vst @p1 v5  }
0x14f: {  	v5 =	vld @p1 [tilespmem:s0+$0x4F90];
	_ =	sdelay $0x4  }
0x150: {  	[tilespmem:$0xB390] =	vst @p1 v5  }
0x151: {  	v5 =	vld @p1 [tilespmem:s0+$0x4FA0];
	_ =	sdelay $0x4  }
0x152: {  	[tilespmem:$0xB3A0] =	vst @p1 v5  }
0x153: {  	v5 =	vld @p1 [tilespmem:s0+$0x4FB0];
	_ =	sdelay $0x4  }
0x154: {  	[tilespmem:$0xB3B0] =	vst @p1 v5  }
0x155: {  	v5 =	vld @p1 [tilespmem:s0+$0x4FC0];
	_ =	sdelay $0x4  }
0x156: {  	[tilespmem:$0xB3C0] =	vst @p1 v5  }
0x157: {  	v5 =	vld @p1 [tilespmem:s0+$0x4FD0];
	_ =	sdelay $0x4  }
0x158: {  	[tilespmem:$0xB3D0] =	vst @p1 v5  }
0x159: {  	v5 =	vld @p1 [tilespmem:s0+$0x4FE0];
	_ =	sdelay $0x4  }
0x15a: {  	[tilespmem:$0xB3E0] =	vst @p1 v5  }
0x15b: {  	v5 =	vld @p1 [tilespmem:s0+$0x4FF0];
	_ =	sdelay $0x4  }
0x15c: {  	s15 =	simm.s32 @p1 $0xF400;
	s14 =	simm.s32 @p1 $0xB380;
	s0 =	simm.s32 @p1 $0x80;
	[tilespmem:$0xB3F0] =	vst @p1 v5  }
0x15d: {  	[spmem:s4] =	stream.indirect.scatter.add.f32 @p1 [tilespmem:s15], [sflag:$0x7], $0x80, s14, s0, $0xb8;
	[tilespmem:$0x1D480] =	vst v63  }
0x15e: {  	s0 =	simm.s32 @p0 $0x6  }
0x15f: {  	_ =	swait.ge @p0 [sflag:s0], $0x4000  }
0x160: {  	[sflag:s0] =	ssyncset.done @p0 $0x0  }
0x161: {  	[sflag:s0] =	ssyncadd.s32 @p0 $0xFFFFC000;
	s0 =	simm.s32 @p1 $0x7  }
0x162: {  	_ =	swait.ge @p1 [sflag:s0], $0x4000  }
0x163: {  	[sflag:s0] =	ssyncset.done @p1 $0x0  }
0x164: {  	[sflag:s0] =	ssyncadd.s32 @p1 $0xFFFFC000  }
0x165: {  	[bflag:$0x0] =	sbarrier.arrive $0xFFFF  }
0x166: {  	[tilespmem:s7], [sflag:$0x8] =	stream.linear.gather [spmem:s12], $0x2800, $0x38;
	[tilespmem:$0x1D480] =	vst v63  }
0x167: {  	_ =	swait.ge [sflag:s31], $0x2800  }
0x168: {  	[sflag:s31] =	ssyncset.done $0x0  }
0x169: {  	s18 =	simm.s32 $0x0;
	s15 =	simm.s32 $0xF400;
	[sflag:s31] =	ssyncadd.s32 $0xFFFFD800  }
0x16a: {  	[tilespmem:s15], [sflag:$0x8] =	stream.linear.gather [hbm4b:s23+s18], $0x2800, $0x38;
	[tilespmem:$0x1D480] =	vst v63  }
0x16b: {  	_ =	swait.ge [sflag:s31], $0x2800  }
0x16c: {  	[sflag:s31] =	ssyncset.done $0x0  }
0x16d: {  	s14 =	simm.s32 $0x0;
	[sflag:s31] =	ssyncadd.s32 $0xFFFFD800  }
0x16e: {  	v12 =	vld [tilespmem:s14+$0xF400]  }
0x16f: {  	v16 =	vld [tilespmem:s14+$0xF410]  }
0x170: {  	v10 =	vld [tilespmem:s14+$0xF420]  }
0x171: {  	v9 =	vld [tilespmem:s14+$0xF430]  }
0x172: {  	v8 =	vld [tilespmem:s14+$0xF440]  }
0x173: {  	v7 =	vld [tilespmem:s14+$0xF450]  }
0x174: {  	v6 =	vld [tilespmem:s14+$0xF460]  }
0x175: {  	v5 =	vld [tilespmem:s14+$0xF470]  }
0x176: {  	v17 =	vld [tilespmem:s14+$0xB400]  }
0x177: {  	v18 =	vld [tilespmem:s14+$0xB410]  }
0x178: {  	v15 =	vld [tilespmem:s14+$0xB420]  }
0x179: {  	v14 =	vld [tilespmem:s14+$0xB430]  }
0x17a: {  	v13 =	vld [tilespmem:s14+$0xB440]  }
0x17b: {  	v11 =	vld [tilespmem:s14+$0xB450];
	v17 =	vadd.f32 v12, v17  }
0x17c: {  	s16 =	simm.s32 $0x200;
	v16 =	vadd.f32 v16, v18;
	v12 =	vld [tilespmem:s14+$0xB460]  }
.LBB2_12:
0x17d: {  	s0 =	sshra.s32 s16, $0x2;
	p0 =	sne.s32 s16, $0x9E00;
	[tilespmem:s14+$0xB400] =	vst v17;
	v10 =	vadd.f32 v10, v15;
	v15 =	vld [tilespmem:s14+$0xB470]  }
0x17e: {  	v17 =	vld [tilespmem:s0+$0xF400];
	[tilespmem:s14+$0xB410] =	vst v16;
	v9 =	vadd.f32 v9, v14  }
0x17f: {  	v16 =	vld [tilespmem:s0+$0xF410];
	[tilespmem:s14+$0xB420] =	vst v10;
	v8 =	vadd.f32 v8, v13  }
0x180: {  	v10 =	vld [tilespmem:s0+$0xF420];
	[tilespmem:s14+$0xB430] =	vst v9;
	v7 =	vadd.f32 v7, v11  }
0x181: {  	v9 =	vld [tilespmem:s0+$0xF430];
	[tilespmem:s14+$0xB440] =	vst v8;
	v6 =	vadd.f32 v6, v12  }
0x182: {  	v8 =	vld [tilespmem:s0+$0xF440];
	[tilespmem:s14+$0xB450] =	vst v7;
	v5 =	vadd.f32 v5, v15  }
0x183: {  	v7 =	vld [tilespmem:s0+$0xF450];
	[tilespmem:s14+$0xB460] =	vst v6  }
0x184: {  	v6 =	vld [tilespmem:s0+$0xF460];
	[tilespmem:s14+$0xB470] =	vst v5;
	s14 =	smov.u32 s0  }
0x185: {  	v5 =	vld [tilespmem:s14+$0xF470]  }
0x186: {  	v11 =	vld [tilespmem:s14+$0xB400]  }
0x187: {  	v12 =	vld [tilespmem:s14+$0xB410]  }
.Ltmp7:
0x188: {  	v15 =	vld [tilespmem:s14+$0xB420];
	(pc) =	sbr.rel @p0 .LBB2_12-.Ltmp7, $4  }
0x189: {  	v14 =	vld [tilespmem:s14+$0xB430]  }
0x18a: {  	v13 =	vld [tilespmem:s14+$0xB440]  }
0x18b: {  	v17 =	vadd.f32 v17, v11;
	v11 =	vld [tilespmem:s14+$0xB450]  }
0x18c: {  	s16 =	sadd.s32 $0x200, s16;
	v16 =	vadd.f32 v16, v12;
	v12 =	vld [tilespmem:s14+$0xB460]  }
0x18d: {  	[tilespmem:s14+$0xB400] =	vst v17;
	v10 =	vadd.f32 v10, v15;
	v15 =	vld [tilespmem:s14+$0xB470]  }
0x18e: {  	[tilespmem:s14+$0xB410] =	vst v16;
	v9 =	vadd.f32 v9, v14  }
0x18f: {  	[tilespmem:s14+$0xB420] =	vst v10;
	v8 =	vadd.f32 v8, v13  }
0x190: {  	[tilespmem:s14+$0xB430] =	vst v9;
	v7 =	vadd.f32 v7, v11  }
0x191: {  	[tilespmem:s14+$0xB440] =	vst v8;
	v6 =	vadd.f32 v6, v12  }
0x192: {  	[tilespmem:s14+$0xB450] =	vst v7;
	v5 =	vadd.f32 v5, v15  }
0x193: {  	[tilespmem:s14+$0xB460] =	vst v6  }
0x194: {  	s0 =	simm.s32 $0x0;
	[tilespmem:s14+$0xB470] =	vst v5  }
0x195: {  	[hbm4b:s8+s0] =	stream.linear.scatter [tilespmem:s7], [sflag:$0x8], $0x2800, $0x38;
	[tilespmem:$0x1D480] =	vst v63  }
0x196: {  	_ =	swait.ge [sflag:s31], $0x2800  }
0x197: {  	[sflag:s31] =	ssyncset.done $0x0  }
0x198: {  	[sflag:s31] =	ssyncadd.s32 $0xFFFFD800  }
0x199: {  	[tilespmem:s7], [sflag:$0x8] =	stream.linear.gather [spmem:s29], $0x2800, $0x38;
	[tilespmem:$0x1D480] =	vst v63  }
0x19a: {  	_ =	swait.ge [sflag:s31], $0x2800  }
0x19b: {  	[sflag:s31] =	ssyncset.done $0x0  }
0x19c: {  	[sflag:s31] =	ssyncadd.s32 $0xFFFFD800  }
0x19d: {  	[tilespmem:s15], [sflag:$0x8] =	stream.linear.gather [hbm4b:s24+s0], $0x2800, $0x38;
	[tilespmem:$0x1D480] =	vst v63  }
0x19e: {  	_ =	swait.ge [sflag:s31], $0x2800  }
0x19f: {  	[sflag:s31] =	ssyncset.done $0x0  }
0x1a0: {  	s14 =	simm.s32 $0x0;
	[sflag:s31] =	ssyncadd.s32 $0xFFFFD800  }
0x1a1: {  	v12 =	vld [tilespmem:s14+$0xF400]  }
0x1a2: {  	v16 =	vld [tilespmem:s14+$0xF410]  }
0x1a3: {  	v10 =	vld [tilespmem:s14+$0xF420]  }
0x1a4: {  	v9 =	vld [tilespmem:s14+$0xF430]  }
0x1a5: {  	v8 =	vld [tilespmem:s14+$0xF440]  }
0x1a6: {  	v7 =	vld [tilespmem:s14+$0xF450]  }
0x1a7: {  	v6 =	vld [tilespmem:s14+$0xF460]  }
0x1a8: {  	v5 =	vld [tilespmem:s14+$0xF470]  }
0x1a9: {  	v17 =	vld [tilespmem:s14+$0xB400]  }
0x1aa: {  	v18 =	vld [tilespmem:s14+$0xB410]  }
0x1ab: {  	v15 =	vld [tilespmem:s14+$0xB420]  }
0x1ac: {  	v14 =	vld [tilespmem:s14+$0xB430]  }
0x1ad: {  	v13 =	vld [tilespmem:s14+$0xB440]  }
0x1ae: {  	v11 =	vld [tilespmem:s14+$0xB450];
	v17 =	vadd.f32 v12, v17  }
0x1af: {  	s16 =	simm.s32 $0x200;
	v16 =	vadd.f32 v16, v18;
	v12 =	vld [tilespmem:s14+$0xB460]  }
.LBB2_14:
0x1b0: {  	s0 =	sshra.s32 s16, $0x2;
	p0 =	sne.s32 s16, $0x9E00;
	[tilespmem:s14+$0xB400] =	vst v17;
	v10 =	vadd.f32 v10, v15;
	v15 =	vld [tilespmem:s14+$0xB470]  }
0x1b1: {  	v17 =	vld [tilespmem:s0+$0xF400];
	[tilespmem:s14+$0xB410] =	vst v16;
	v9 =	vadd.f32 v9, v14  }
0x1b2: {  	v16 =	vld [tilespmem:s0+$0xF410];
	[tilespmem:s14+$0xB420] =	vst v10;
	v8 =	vadd.f32 v8, v13  }
0x1b3: {  	v10 =	vld [tilespmem:s0+$0xF420];
	[tilespmem:s14+$0xB430] =	vst v9;
	v7 =	vadd.f32 v7, v11  }
0x1b4: {  	v9 =	vld [tilespmem:s0+$0xF430];
	[tilespmem:s14+$0xB440] =	vst v8;
	v6 =	vadd.f32 v6, v12  }
0x1b5: {  	v8 =	vld [tilespmem:s0+$0xF440];
	[tilespmem:s14+$0xB450] =	vst v7;
	v5 =	vadd.f32 v5, v15  }
0x1b6: {  	v7 =	vld [tilespmem:s0+$0xF450];
	[tilespmem:s14+$0xB460] =	vst v6  }
0x1b7: {  	v6 =	vld [tilespmem:s0+$0xF460];
	[tilespmem:s14+$0xB470] =	vst v5;
	s14 =	smov.u32 s0  }
0x1b8: {  	v5 =	vld [tilespmem:s14+$0xF470]  }
0x1b9: {  	v11 =	vld [tilespmem:s14+$0xB400]  }
0x1ba: {  	v12 =	vld [tilespmem:s14+$0xB410]  }
.Ltmp8:
0x1bb: {  	v15 =	vld [tilespmem:s14+$0xB420];
	(pc) =	sbr.rel @p0 .LBB2_14-.Ltmp8, $4  }
0x1bc: {  	v14 =	vld [tilespmem:s14+$0xB430]  }
0x1bd: {  	v13 =	vld [tilespmem:s14+$0xB440]  }
0x1be: {  	v17 =	vadd.f32 v17, v11;
	v11 =	vld [tilespmem:s14+$0xB450]  }
0x1bf: {  	s16 =	sadd.s32 $0x200, s16;
	v16 =	vadd.f32 v16, v12;
	v12 =	vld [tilespmem:s14+$0xB460]  }
0x1c0: {  	[tilespmem:s14+$0xB400] =	vst v17;
	v10 =	vadd.f32 v10, v15;
	v15 =	vld [tilespmem:s14+$0xB470]  }
0x1c1: {  	[tilespmem:s14+$0xB410] =	vst v16;
	v9 =	vadd.f32 v9, v14  }
0x1c2: {  	[tilespmem:s14+$0xB420] =	vst v10;
	v8 =	vadd.f32 v8, v13  }
0x1c3: {  	[tilespmem:s14+$0xB430] =	vst v9;
	v7 =	vadd.f32 v7, v11  }
0x1c4: {  	[tilespmem:s14+$0xB440] =	vst v8;
	v6 =	vadd.f32 v6, v12  }
0x1c5: {  	[tilespmem:s14+$0xB450] =	vst v7;
	v5 =	vadd.f32 v5, v15  }
0x1c6: {  	[tilespmem:s14+$0xB460] =	vst v6  }
0x1c7: {  	s0 =	simm.s32 $0x0;
	s1 =	rddreg [dreg:$0xb];
	[tilespmem:s14+$0xB470] =	vst v5  }
0x1c8: {  	[hbm4b:s1+s0] =	stream.linear.scatter [tilespmem:s7], [sflag:$0x8], $0x2800, $0x38;
	[tilespmem:$0x1D480] =	vst v63  }
0x1c9: {  	_ =	swait.ge [sflag:s31], $0x2800  }
0x1ca: {  	[sflag:s31] =	ssyncset.done $0x0  }
0x1cb: {  	s17 =	rddreg [dreg:$0xd];
	[sflag:s31] =	ssyncadd.s32 $0xFFFFD800  }
0x1cc: {  	[tilespmem:s7], [sflag:$0x8] =	stream.linear.gather [spmem:s17], $0x2800, $0x38;
	[tilespmem:$0x1D480] =	vst v63  }
0x1cd: {  	_ =	swait.ge [sflag:s31], $0x2800  }
0x1ce: {  	[sflag:s31] =	ssyncset.done $0x0  }
0x1cf: {  	s18 =	rddreg [dreg:$0xc];
	[sflag:s31] =	ssyncadd.s32 $0xFFFFD800  }
0x1d0: {  	[tilespmem:s15], [sflag:$0x8] =	stream.linear.gather [hbm4b:s18+s0], $0x2800, $0x38;
	[tilespmem:$0x1D480] =	vst v63  }
0x1d1: {  	_ =	swait.ge [sflag:s31], $0x2800  }
0x1d2: {  	[sflag:s31] =	ssyncset.done $0x0  }
0x1d3: {  	s14 =	simm.s32 $0x0;
	[sflag:s31] =	ssyncadd.s32 $0xFFFFD800  }
0x1d4: {  	v12 =	vld [tilespmem:s14+$0xF400]  }
0x1d5: {  	v16 =	vld [tilespmem:s14+$0xF410]  }
0x1d6: {  	v10 =	vld [tilespmem:s14+$0xF420]  }
0x1d7: {  	v9 =	vld [tilespmem:s14+$0xF430]  }
0x1d8: {  	v8 =	vld [tilespmem:s14+$0xF440]  }
0x1d9: {  	v7 =	vld [tilespmem:s14+$0xF450]  }
0x1da: {  	v6 =	vld [tilespmem:s14+$0xF460]  }
0x1db: {  	v5 =	vld [tilespmem:s14+$0xF470]  }
0x1dc: {  	v17 =	vld [tilespmem:s14+$0xB400]  }
0x1dd: {  	v18 =	vld [tilespmem:s14+$0xB410]  }
0x1de: {  	v15 =	vld [tilespmem:s14+$0xB420]  }
0x1df: {  	v14 =	vld [tilespmem:s14+$0xB430]  }
0x1e0: {  	v13 =	vld [tilespmem:s14+$0xB440]  }
0x1e1: {  	v11 =	vld [tilespmem:s14+$0xB450];
	v17 =	vadd.f32 v12, v17  }
0x1e2: {  	s16 =	simm.s32 $0x200;
	v16 =	vadd.f32 v16, v18;
	v12 =	vld [tilespmem:s14+$0xB460]  }
.LBB2_16:
0x1e3: {  	s0 =	sshra.s32 s16, $0x2;
	p0 =	sne.s32 s16, $0x9E00;
	[tilespmem:s14+$0xB400] =	vst v17;
	v10 =	vadd.f32 v10, v15;
	v15 =	vld [tilespmem:s14+$0xB470]  }
0x1e4: {  	v17 =	vld [tilespmem:s0+$0xF400];
	[tilespmem:s14+$0xB410] =	vst v16;
	v9 =	vadd.f32 v9, v14  }
0x1e5: {  	v16 =	vld [tilespmem:s0+$0xF410];
	[tilespmem:s14+$0xB420] =	vst v10;
	v8 =	vadd.f32 v8, v13  }
0x1e6: {  	v10 =	vld [tilespmem:s0+$0xF420];
	[tilespmem:s14+$0xB430] =	vst v9;
	v7 =	vadd.f32 v7, v11  }
0x1e7: {  	v9 =	vld [tilespmem:s0+$0xF430];
	[tilespmem:s14+$0xB440] =	vst v8;
	v6 =	vadd.f32 v6, v12  }
0x1e8: {  	v8 =	vld [tilespmem:s0+$0xF440];
	[tilespmem:s14+$0xB450] =	vst v7;
	v5 =	vadd.f32 v5, v15  }
0x1e9: {  	v7 =	vld [tilespmem:s0+$0xF450];
	[tilespmem:s14+$0xB460] =	vst v6  }
0x1ea: {  	v6 =	vld [tilespmem:s0+$0xF460];
	[tilespmem:s14+$0xB470] =	vst v5;
	s14 =	smov.u32 s0  }
0x1eb: {  	v5 =	vld [tilespmem:s14+$0xF470]  }
0x1ec: {  	v11 =	vld [tilespmem:s14+$0xB400]  }
0x1ed: {  	v12 =	vld [tilespmem:s14+$0xB410]  }
.Ltmp9:
0x1ee: {  	v15 =	vld [tilespmem:s14+$0xB420];
	(pc) =	sbr.rel @p0 .LBB2_16-.Ltmp9, $4  }
0x1ef: {  	v14 =	vld [tilespmem:s14+$0xB430]  }
0x1f0: {  	v13 =	vld [tilespmem:s14+$0xB440]  }
0x1f1: {  	v17 =	vadd.f32 v17, v11;
	v11 =	vld [tilespmem:s14+$0xB450]  }
0x1f2: {  	s16 =	sadd.s32 $0x200, s16;
	v16 =	vadd.f32 v16, v12;
	v12 =	vld [tilespmem:s14+$0xB460]  }
0x1f3: {  	[tilespmem:s14+$0xB400] =	vst v17;
	v10 =	vadd.f32 v10, v15;
	v15 =	vld [tilespmem:s14+$0xB470]  }
0x1f4: {  	[tilespmem:s14+$0xB410] =	vst v16;
	v9 =	vadd.f32 v9, v14  }
0x1f5: {  	[tilespmem:s14+$0xB420] =	vst v10;
	v8 =	vadd.f32 v8, v13  }
0x1f6: {  	[tilespmem:s14+$0xB430] =	vst v9;
	v7 =	vadd.f32 v7, v11  }
0x1f7: {  	[tilespmem:s14+$0xB440] =	vst v8;
	v6 =	vadd.f32 v6, v12  }
0x1f8: {  	[tilespmem:s14+$0xB450] =	vst v7;
	v5 =	vadd.f32 v5, v15  }
0x1f9: {  	[tilespmem:s14+$0xB460] =	vst v6  }
0x1fa: {  	s0 =	simm.s32 $0x0;
	s1 =	rddreg [dreg:$0xe];
	[tilespmem:s14+$0xB470] =	vst v5  }
0x1fb: {  	[hbm4b:s1+s0] =	stream.linear.scatter [tilespmem:s7], [sflag:$0x8], $0x2800, $0x38;
	[tilespmem:$0x1D480] =	vst v63  }
0x1fc: {  	_ =	swait.ge [sflag:s31], $0x2800  }
0x1fd: {  	[sflag:s31] =	ssyncset.done $0x0  }
0x1fe: {  	s17 =	rddreg [dreg:$0x11];
	[sflag:s31] =	ssyncadd.s32 $0xFFFFD800  }
0x1ff: {  	[tilespmem:s7], [sflag:$0x8] =	stream.linear.gather [spmem:s17], $0x2800, $0x38;
	[tilespmem:$0x1D480] =	vst v63  }
0x200: {  	_ =	swait.ge [sflag:s31], $0x2800  }
0x201: {  	[sflag:s31] =	ssyncset.done $0x0  }
0x202: {  	s18 =	rddreg [dreg:$0xf];
	[sflag:s31] =	ssyncadd.s32 $0xFFFFD800  }
0x203: {  	[tilespmem:s15], [sflag:$0x8] =	stream.linear.gather [hbm4b:s18+s0], $0x2800, $0x38;
	[tilespmem:$0x1D480] =	vst v63  }
0x204: {  	_ =	swait.ge [sflag:s31], $0x2800  }
0x205: {  	[sflag:s31] =	ssyncset.done $0x0  }
0x206: {  	s14 =	simm.s32 $0x0;
	[sflag:s31] =	ssyncadd.s32 $0xFFFFD800  }
0x207: {  	v12 =	vld [tilespmem:s14+$0xF400]  }
0x208: {  	v16 =	vld [tilespmem:s14+$0xF410]  }
0x209: {  	v10 =	vld [tilespmem:s14+$0xF420]  }
0x20a: {  	v9 =	vld [tilespmem:s14+$0xF430]  }
0x20b: {  	v8 =	vld [tilespmem:s14+$0xF440]  }
0x20c: {  	v7 =	vld [tilespmem:s14+$0xF450]  }
0x20d: {  	v6 =	vld [tilespmem:s14+$0xF460]  }
0x20e: {  	v5 =	vld [tilespmem:s14+$0xF470]  }
0x20f: {  	v17 =	vld [tilespmem:s14+$0xB400]  }
0x210: {  	v18 =	vld [tilespmem:s14+$0xB410]  }
0x211: {  	v15 =	vld [tilespmem:s14+$0xB420]  }
0x212: {  	v14 =	vld [tilespmem:s14+$0xB430]  }
0x213: {  	v13 =	vld [tilespmem:s14+$0xB440]  }
0x214: {  	v11 =	vld [tilespmem:s14+$0xB450];
	v17 =	vadd.f32 v12, v17  }
0x215: {  	s16 =	simm.s32 $0x200;
	v16 =	vadd.f32 v16, v18;
	v12 =	vld [tilespmem:s14+$0xB460]  }
.LBB2_18:
0x216: {  	s0 =	sshra.s32 s16, $0x2;
	p0 =	sne.s32 s16, $0x9E00;
	[tilespmem:s14+$0xB400] =	vst v17;
	v10 =	vadd.f32 v10, v15;
	v15 =	vld [tilespmem:s14+$0xB470]  }
0x217: {  	v17 =	vld [tilespmem:s0+$0xF400];
	[tilespmem:s14+$0xB410] =	vst v16;
	v9 =	vadd.f32 v9, v14  }
0x218: {  	v16 =	vld [tilespmem:s0+$0xF410];
	[tilespmem:s14+$0xB420] =	vst v10;
	v8 =	vadd.f32 v8, v13  }
0x219: {  	v10 =	vld [tilespmem:s0+$0xF420];
	[tilespmem:s14+$0xB430] =	vst v9;
	v7 =	vadd.f32 v7, v11  }
0x21a: {  	v9 =	vld [tilespmem:s0+$0xF430];
	[tilespmem:s14+$0xB440] =	vst v8;
	v6 =	vadd.f32 v6, v12  }
0x21b: {  	v8 =	vld [tilespmem:s0+$0xF440];
	[tilespmem:s14+$0xB450] =	vst v7;
	v5 =	vadd.f32 v5, v15  }
0x21c: {  	v7 =	vld [tilespmem:s0+$0xF450];
	[tilespmem:s14+$0xB460] =	vst v6  }
0x21d: {  	v6 =	vld [tilespmem:s0+$0xF460];
	[tilespmem:s14+$0xB470] =	vst v5;
	s14 =	smov.u32 s0  }
0x21e: {  	v5 =	vld [tilespmem:s14+$0xF470]  }
0x21f: {  	v11 =	vld [tilespmem:s14+$0xB400]  }
0x220: {  	v12 =	vld [tilespmem:s14+$0xB410]  }
.Ltmp10:
0x221: {  	v15 =	vld [tilespmem:s14+$0xB420];
	(pc) =	sbr.rel @p0 .LBB2_18-.Ltmp10, $4  }
0x222: {  	v14 =	vld [tilespmem:s14+$0xB430]  }
0x223: {  	v13 =	vld [tilespmem:s14+$0xB440]  }
0x224: {  	v17 =	vadd.f32 v17, v11;
	v11 =	vld [tilespmem:s14+$0xB450]  }
0x225: {  	s16 =	sadd.s32 $0x200, s16;
	v16 =	vadd.f32 v16, v12;
	v12 =	vld [tilespmem:s14+$0xB460]  }
0x226: {  	[tilespmem:s14+$0xB400] =	vst v17;
	v10 =	vadd.f32 v10, v15;
	v63 =	vld [tilespmem:s14+$0xB470]  }
0x227: {  	[tilespmem:s14+$0xB410] =	vst v16;
	v9 =	vadd.f32 v9, v14  }
0x228: {  	[tilespmem:s14+$0xB420] =	vst v10;
	v8 =	vadd.f32 v8, v13  }
0x229: {  	[tilespmem:s14+$0xB430] =	vst v9;
	v7 =	vadd.f32 v7, v11  }
0x22a: {  	[tilespmem:s14+$0xB440] =	vst v8;
	v6 =	vadd.f32 v6, v12  }
0x22b: {  	[tilespmem:s14+$0xB450] =	vst v7;
	v5 =	vadd.f32 v5, v63  }
0x22c: {  	[tilespmem:s14+$0xB460] =	vst v6  }
0x22d: {  	s0 =	rddreg [dreg:$0x12];
	[tilespmem:s14+$0xB470] =	vst v5;
	s14 =	simm.s32 $0x0  }
0x22e: {  	[hbm4b:s0+s14] =	stream.linear.scatter [tilespmem:s7], [sflag:$0x8], $0x2800, $0x38;
	[tilespmem:$0x1D480] =	vst v63  }
0x22f: {  	_ =	swait.ge [sflag:s31], $0x2800  }
0x230: {  	[sflag:s31] =	ssyncset.done $0x0  }
0x231: {  	[sflag:s31] =	ssyncadd.s32 $0xFFFFD800  }
0x232: {  	s18 =	simm.s32 $0x0;
	[bflag:$0x0] =	sbarrier.arrive $0xFFFF  }
0x233: {  	v5 =	vld.idx.msk [tilespmem:v1+s18+$0x0 ss:$0x1], $0xffff;
	_ =	sdelay $0x4  }
0x234: {  	vm0 =	vne.s32 v5, $0xFFFFFFFF  }
0x235: {  	v6 =	vsel vm0, $0x1, v2  }
0x236: {  	(xrf0) =	vadd.scan.msk.s32 $0xffff, v6;
	_ =	sdelay $0x5  }
0x237: {  	v6, _, _ =	vpop (xrf0)  }
0x238: {  	v7 =	vadd.s32 s11, v4;
	[tilespmem:s14+$0x13400] =	vst.msk vm0, v5;
	(v2sf) =	vpush v6, $0xF  }
0x239: {  	s17 =	simm.s32 $0x80;
	s16 =	smov.u32 s11;
	s18 =	simm.s32 $0x10;
	[tilespmem:s14+$0x13600] =	vst.msk vm0, v7  }
.LBB2_20:
0x23a: {  	p0 =	sne.s32 s17, $0x4C0;
	v5 =	vld.idx.msk [tilespmem:v1+s18+$0x0 ss:$0x1], $0xffff;
	_ =	sdelay $0x5  }
0x23b: {  	vm0 =	vne.s32 v5, $0xFFFFFFFF  }
0x23c: {  	v6 =	vsel vm0, $0x1, v2  }
0x23d: {  	(xrf0) =	vadd.scan.msk.s32 $0xffff, v6;
	_ =	sdelay $0x3  }
.Ltmp11:
0x23e: {  	(pc) =	sbr.rel @p0 .LBB2_20-.Ltmp11, $4  }
0x23f: {  	s0 =	spop (v2sf)  }
0x240: {  	s16 =	sadd.s32 $0x10, s16;
	v6, _, _ =	vpop (xrf0);
	s14 =	sadd.s32 s14, s0  }
0x241: {  	v7 =	vadd.s32 s16, v4;
	[tilespmem:s14+$0x13400] =	vst.msk vm0, v5;
	(v2sf) =	vpush v6, $0xF  }
0x242: {  	s18 =	sshra.s32 s17, $0x2;
	s17 =	sadd.s32 $0x40, s17;
	[tilespmem:s14+$0x13600] =	vst.msk vm0, v7  }
0x243: {  	_ =	sdelay $0x3  }
0x244: {  	v5 =	vld.idx.msk [tilespmem:v1+s18+$0x0 ss:$0x1], $0xffff;
	_ =	sdelay $0x4  }
0x245: {  	vm0 =	vne.s32 v5, $0xFFFFFFFF  }
0x246: {  	v6 =	vsel vm0, $0x1, v2  }
0x247: {  	(xrf0) =	vadd.scan.msk.s32 $0xffff, v6;
	_ =	sdelay $0x5  }
0x248: {  	v6, _, _ =	vpop (xrf0)  }
0x249: {  	(v2sf) =	vpush v6, $0xF;
	_ =	sdelay $0xd  }
0x24a: {  	s0 =	spop (v2sf)  }
0x24b: {  	s18 =	sadd.s32 $0x10, s16;
	s0 =	sadd.s32 s14, s0;
	s15 =	spop (v2sf)  }
0x24c: {  	v6 =	vadd.s32 s18, v4;
	[tilespmem:s0+$0x13400] =	vst.msk vm0, v5;
	s14 =	sadd.s32 s0, s15  }
0x24d: {  	[tilespmem:s0+$0x13600] =	vst.msk vm0, v6;
	p0 =	slt.s32 s14, $0x1  }
0x24e: {  	v5 =	vld.msk @!p0 [tilespmem:s14+$0x133FF ss:$0x0], $0xffff;
	_ =	sdelay $0x4  }
0x24f: {  	[tilespmem:s14+$0x13400] =	vst @!p0 v5  }
0x250: {  	s0 =	sadd.s32 @!p0 $0x7F, s14;
	v6 =	vld.msk @!p0 [tilespmem:s14+$0x135FF ss:$0x0], $0xffff;
	[tilespmem:s14+$0x13410] =	vst @!p0 v5  }
0x251: {  	s15 =	sand.u32 @!p0 $0x7F, s0;
	[tilespmem:s14+$0x13420] =	vst @!p0 v5  }
0x252: {  	p1 =	slt.s32 @!p0 s0, $0x0;
	p2 =	sne.s32 @!p0 s15, $0x0;
	[tilespmem:s14+$0x13430] =	vst @!p0 v5  }
0x253: {  	s15 =	sshra.s32 @!p0 s0, $0x1F;
	p1 =	por @!p0 !p1, !p2;
	[tilespmem:s14+$0x13440] =	vst @!p0 v5  }
0x254: {  	s15 =	sshrl.u32 @!p0 s15, $0x19;
	p1 =	por @!p0 !p1, !p1;
	[tilespmem:s14+$0x13450] =	vst @!p0 v5  }
0x255: {  	s0 =	sadd.s32 @!p0 s15, s0;
	s15 =	simm.s32 @!p0 $0x1;
	p1 =	por !p1, p0;
	[tilespmem:s14+$0x13460] =	vst @!p0 v5  }
0x256: {  	s0 =	sshra.s32 @!p0 s0, $0x7;
	s15 =	simm.s32 @p1 $0x0;
	[tilespmem:s14+$0x13470] =	vst @!p0 v5  }
0x257: {  	s17 =	ssub.s32 @!p0 s0, s15;
	[tilespmem:s14+$0x13600] =	vst @!p0 v6  }
0x258: {  	p1 =	slt.s32 @!p0 s17, $0x1;
	[tilespmem:s14+$0x13610] =	vst @!p0 v6  }
0x259: {  	p1 =	por p0, p1;
	[tilespmem:s14+$0x13620] =	vst @!p0 v6  }
.Ltmp12:
0x25a: {  	[tilespmem:s14+$0x13630] =	vst @!p0 v6;
	(pc) =	sbr.rel @p1 .LBB2_25-.Ltmp12, $4  }
0x25b: {  	[tilespmem:s14+$0x13640] =	vst @!p0 v6  }
0x25c: {  	[tilespmem:s14+$0x13650] =	vst @!p0 v6  }
0x25d: {  	[tilespmem:s14+$0x13660] =	vst @!p0 v6  }
0x25e: {  	[tilespmem:s14+$0x13670] =	vst @!p0 v6  }
0x25f: {  	s14 =	simm.s32 @!p0 $0x13400  }
0x260: {  	[tilespmem:s7], [sflag:$0x4] =	stream.indirect.gather [hbm4b:s2+s26], $0x80, s14, s26, $0xb8;
	[tilespmem:$0x1D480] =	vst v63  }
0x261: {  	_ =	swait.ge [sflag:s9], $0x4000  }
0x262: {  	[sflag:s9] =	ssyncset.done $0x0  }
0x263: {  	s16 =	simm.s32 @!p0 $0x13640;
	[sflag:s9] =	ssyncadd.s32 $0xFFFFC000  }
0x264: {  	v5 =	vld [tilespmem:s16+$0xFFFFFFC0];
	_ =	sdelay $0x4  }
0x265: {  	[tilespmem:$0xB300] =	vst v5  }
0x266: {  	v5 =	vld [tilespmem:s16+$0xFFFFFFD0];
	_ =	sdelay $0x4  }
0x267: {  	[tilespmem:$0xB310] =	vst v5  }
0x268: {  	v5 =	vld [tilespmem:s16+$0xFFFFFFE0];
	_ =	sdelay $0x4  }
0x269: {  	[tilespmem:$0xB320] =	vst v5  }
0x26a: {  	v5 =	vld [tilespmem:s16+$0xFFFFFFF0];
	_ =	sdelay $0x4  }
0x26b: {  	[tilespmem:$0xB330] =	vst v5  }
0x26c: {  	v5 =	vld [tilespmem:s16+$0x0];
	_ =	sdelay $0x4  }
0x26d: {  	[tilespmem:$0xB340] =	vst v5  }
0x26e: {  	v5 =	vld [tilespmem:s16+$0x10];
	_ =	sdelay $0x4  }
0x26f: {  	[tilespmem:$0xB350] =	vst v5  }
0x270: {  	v5 =	vld [tilespmem:s16+$0x20];
	_ =	sdelay $0x4  }
0x271: {  	[tilespmem:$0xB360] =	vst v5  }
0x272: {  	v5 =	vld [tilespmem:s16+$0x30];
	_ =	sdelay $0x2  }
0x273: {  	p0 =	sne.s32 s17, $0x1  }
.Ltmp13:
0x274: {  	_ = 	snop;
	(pc) =	sbr.rel @!p0 .LBB2_24-.Ltmp13, $4  }
0x275: {  	[tilespmem:$0xB370] =	vst v5  }
0x276: {  	[hbm4b:s3+s26] =	stream.indirect.scatter [tilespmem:s7], [sflag:$0x6], $0x80, s10, s26, $0xb8;
	[tilespmem:$0x1D480] =	vst v63  }
0x277: {  	_ =	swait.ge [sflag:s28], $0x4000  }
0x278: {  	s17 =	sadd.s32 $0xFFFFFFFF, s17;
	[sflag:s28] =	ssyncset.done $0x0  }
.LBB2_23:
0x279: {  	[sflag:s28] =	ssyncadd.s32 $0xFFFFC000;
	s14 =	sadd.s32 $0x80, s14;
	s16 =	sadd.s32 $0x80, s16  }
0x27a: {  	[tilespmem:s7], [sflag:$0x4] =	stream.indirect.gather [hbm4b:s2+s26], $0x80, s14, s26, $0xb8;
	[tilespmem:$0x1D480] =	vst v63  }
0x27b: {  	p0 =	sne.s32 s17, $0x1;
	s17 =	sadd.s32 $0xFFFFFFFF, s17;
	_ =	swait.ge [sflag:s9], $0x4000  }
0x27c: {  	[sflag:s9] =	ssyncset.done $0x0  }
0x27d: {  	[sflag:s9] =	ssyncadd.s32 $0xFFFFC000  }
0x27e: {  	v5 =	vld [tilespmem:s16+$0xFFFFFFC0];
	_ =	sdelay $0x4  }
0x27f: {  	[tilespmem:$0xB300] =	vst v5  }
0x280: {  	v5 =	vld [tilespmem:s16+$0xFFFFFFD0];
	_ =	sdelay $0x4  }
0x281: {  	[tilespmem:$0xB310] =	vst v5  }
0x282: {  	v5 =	vld [tilespmem:s16+$0xFFFFFFE0];
	_ =	sdelay $0x4  }
0x283: {  	[tilespmem:$0xB320] =	vst v5  }
0x284: {  	v5 =	vld [tilespmem:s16+$0xFFFFFFF0];
	_ =	sdelay $0x4  }
0x285: {  	[tilespmem:$0xB330] =	vst v5  }
0x286: {  	v5 =	vld [tilespmem:s16+$0x0];
	_ =	sdelay $0x4  }
0x287: {  	[tilespmem:$0xB340] =	vst v5  }
0x288: {  	v5 =	vld [tilespmem:s16+$0x10];
	_ =	sdelay $0x4  }
0x289: {  	[tilespmem:$0xB350] =	vst v5  }
0x28a: {  	v5 =	vld [tilespmem:s16+$0x20];
	_ =	sdelay $0x4  }
0x28b: {  	[tilespmem:$0xB360] =	vst v5  }
0x28c: {  	v5 =	vld [tilespmem:s16+$0x30];
	_ =	sdelay $0x3  }
.Ltmp14:
0x28d: {  	(pc) =	sbr.rel @p0 .LBB2_23-.Ltmp14, $4  }
0x28e: {  	[tilespmem:$0xB370] =	vst v5  }
0x28f: {  	[hbm4b:s3+s26] =	stream.indirect.scatter [tilespmem:s7], [sflag:$0x6], $0x80, s10, s26, $0xb8;
	[tilespmem:$0x1D480] =	vst v63  }
0x290: {  	_ =	swait.ge [sflag:s28], $0x4000  }
0x291: {  	[sflag:s28] =	ssyncset.done $0x0  }
.Ltmp15:
0x292: {  	_ = 	snop;
	(pc) =	sbr.rel .LBB2_24-.Ltmp15, $1  }
0x293: {  	_ =	sdelay $0x3  }
.LBB2_5:
.Ltmp16:
0x294: {  	(pc) =	sbr.rel .LBB2_10-.Ltmp16, $2  }
0x295: {  	_ =	sdelay $0x2  }
0x296: {  	_ = 	snop  }
.LBB2_7:
.Ltmp17:
0x297: {  	(pc) =	sbr.rel .LBB2_10-.Ltmp17, $2  }
0x298: {  	_ =	sdelay $0x2  }
0x299: {  	s21 =	simm.s32 $0x200;
	s25 =	smov.u32 s1  }
.LBB2_26:
0x29a: {  	_ =	sfence.sel $0x180000  }
0x29b: {  	[bflag:$0x0] =	sbarrier.arrive $0xFFFF  }
0x29c: {  	_ =	strace $0x90000047  }
0x29d: {  	s0 =	stileid.u32;
	[bflag:$0x2] =	sbarrier.arrive $0xFFFF  }
0x29e: {  	p0 =	sne.s32 s0, $0x0;
	s0 =	rddreg [dreg:$0x5]  }
0x29f: {  	s0 =	sadd.s32 @!p0 $0x100000, s0  }
0x2a0: {  	[sflag:s0] =	ssyncadd.tile.s32 @!p0 $0x1;
	_ =	shalt  }
.Lfunc_end2:
_tile_overlayer_lowered:
.L_overlay_start_2:
0x2a1: {  	(tag) =	ssettag $0x2  }
0x2a2: {  	s0 =	rddreg [dreg:$0x0];
	s2 =	stileid.u32  }
0x2a3: {  	s1 =	rddreg [dreg:$0x1];
	p0 =	sne.s32 s2, $0x0  }
0x2a4: {  	s3 =	rddreg [dreg:$0x2];
	[bflag:$0x3] =	sbarrier.arrive $0xFFFF;
	s2 =	simm.s32 @!p0 $0x1C08  }
0x2a5: {  	[timem:s3], [sflag:s2] =	dma.local @!p0 [hbm:s0], s1  }
0x2a6: {  	s0 =	simm.s32 @!p0 $0x8  }
0x2a7: {  	_ =	swait.ge @!p0 [sflag:s0], s1  }
0x2a8: {  	s1 =	ssub.s32 @!p0 $0x0, s1;
	[sflag:s0] =	ssyncset.done @!p0 $0x0  }
0x2a9: {  	[sflag:s0] =	ssyncadd.s32 @!p0 s1  }
0x2aa: {  	[bflag:$0x3] =	sbarrier.arrive $0xFFFF  }
0x2ab: {  	_ =	shalt  }

</sc_bundles>
